<compile_context>
chip_gen: v7x
topology: tpu7x:2x2x1
jax: 0.10.2.dev20260603
libtpu: 0.0.44.dev20260713+nightly
codegen_flags: <defaults>
</compile_context>

<pallas_src>
import functools

import jax
import jax.numpy as jnp
import numpy as np
from jax import lax
from jax.experimental import pallas as pl
from jax.experimental.pallas import tpu as pltpu
from jax.experimental.pallas import tpu_sc as plsc

_NC = 2
_NS = 16
_L = 16
_NW = _NC * _NS
_B = 16384
_D = 32
_BPW = _B // _NW
_CHUNK = 128
_NCHUNK = _BPW // _CHUNK
_HALF = _BPW // 2


def _softplus(x):
    m = jnp.maximum(x, 0.0)
    e = jnp.exp(-jnp.abs(x))
    w = e / (2.0 + e)
    p = w * w
    series = 2.0 * w * (1.0 + p * (1.0 / 3.0 + p * (1.0 / 5.0
                        + p * (1.0 / 7.0 + p * (1.0 / 9.0)))))
    return m + series


def _vsqrt(d2):
    d2 = jnp.maximum(d2, 1e-30)
    i = lax.bitcast_convert_type(d2, jnp.int32)
    i = jnp.int32(0x5F3759DF) - lax.shift_right_logical(i, 1)
    r = lax.bitcast_convert_type(i, jnp.float32)
    r = r * (1.5 - 0.5 * d2 * r * r)
    r = r * (1.5 - 0.5 * d2 * r * r)
    return d2 * r


def _pick32(row_ref, p, su):
    cands = [row_ref[p, pl.ds(q * _L, _L)] for q in range(8)]
    lo = jnp.where(su == 0, cands[0],
                   jnp.where(su == 1, cands[2],
                             jnp.where(su == 2, cands[4], cands[6])))
    hi = jnp.where(su == 0, cands[1],
                   jnp.where(su == 1, cands[3],
                             jnp.where(su == 2, cands[5], cands[7])))
    return lo, hi


def _sc_body(tab4_hbm, uidx_hbm, vidx_hbm, usub_hbm, vsub_hbm, lab_hbm,
             sinv_hbm, par_hbm, out_hbm,
             uidx_v, vidx_v, usub_v, vsub_v, lab_v, urows_v, vrows_v,
             sinv_v, par_v, out_v, sem):
    wid = lax.axis_index("s") * _NC + lax.axis_index("c")
    base = wid * _BPW

    pltpu.sync_copy(uidx_hbm.at[wid], uidx_v)
    pltpu.sync_copy(vidx_hbm.at[wid], vidx_v)
    pltpu.sync_copy(usub_hbm.at[pl.ds(base, _BPW)], usub_v)
    pltpu.sync_copy(vsub_hbm.at[pl.ds(base, _BPW)], vsub_v)
    pltpu.sync_copy(lab_hbm.at[pl.ds(base, _BPW)], lab_v)
    pltpu.sync_copy(sinv_hbm, sinv_v)
    pltpu.sync_copy(par_hbm, par_v)

    gam = par_v[pl.ds(0, _L)]
    c2 = par_v[pl.ds(_L, _L)]
    kq = 0.5 / (1000000.0 - 1.0)
    lane = lax.iota(jnp.int32, _L)

    for h in range(2):
        copies = []
        for j in range(2):
            jj = 2 * h + j
            copies.append(pltpu.async_copy(
                tab4_hbm.at[uidx_v.at[jj]],
                urows_v.at[pl.ds(j * _CHUNK, _CHUNK)], sem))
            copies.append(pltpu.async_copy(
                tab4_hbm.at[vidx_v.at[jj]],
                vrows_v.at[pl.ds(j * _CHUNK, _CHUNK)], sem))
        for c in copies:
            c.wait()

        def group_body(g, _, h=h):
            s_lo = sinv_v[pl.ds(0, _L)]
            s_hi = sinv_v[pl.ds(_L, _L)]
            off = h * _HALF + g * _L
            usub = usub_v[pl.ds(off, _L)]
            vsub = vsub_v[pl.ds(off, _L)]
            d2 = jnp.zeros((_L,), jnp.float32)
            q = jnp.zeros((_L,), jnp.float32)
            for k in range(_L):
                p = g * _L + k
                u_lo, u_hi = _pick32(urows_v, p, usub[k])
                v_lo, v_hi = _pick32(vrows_v, p, vsub[k])
                t_lo = u_lo - v_lo
                t_hi = u_hi - v_hi
                hs = jnp.sum(t_lo * t_lo + t_hi * t_hi)
                ws = jnp.sum((u_lo * u_lo + v_lo * v_lo) * s_lo
                             + (u_hi * u_hi + v_hi * v_hi) * s_hi)
                sel = lane == k
                d2 = jnp.where(sel, hs, d2)
                q = jnp.where(sel, ws, q)
            lab = lab_v[pl.ds(off, _L)]
            dist = _vsqrt(d2)
            x = jnp.where(lab == 1, dist - gam, gam - dist)
            out_v[pl.ds(off, _L)] = _softplus(x) + c2 + kq * q
            return _

        lax.fori_loop(0, _HALF // _L, group_body, 0)

    pltpu.sync_copy(out_v, out_hbm.at[pl.ds(base, _BPW)])


@jax.jit
def _launch(tab4, uidx, vidx, usub, vsub, labels, sinv, params):
    mesh = plsc.VectorSubcoreMesh(core_axis_name="c", subcore_axis_name="s")
    kern = functools.partial(
        pl.kernel,
        out_type=jax.ShapeDtypeStruct((_B,), jnp.float32),
        mesh=mesh,
        compiler_params=pltpu.CompilerParams(needs_layout_passes=False),
        scratch_types=[
            pltpu.VMEM((_NCHUNK, _CHUNK), jnp.int32),
            pltpu.VMEM((_NCHUNK, _CHUNK), jnp.int32),
            pltpu.VMEM((_BPW,), jnp.int32),
            pltpu.VMEM((_BPW,), jnp.int32),
            pltpu.VMEM((_BPW,), jnp.int32),
            pltpu.VMEM((_HALF, _CHUNK), jnp.float32),
            pltpu.VMEM((_HALF, _CHUNK), jnp.float32),
            pltpu.VMEM((_D,), jnp.float32),
            pltpu.VMEM((2 * _L,), jnp.float32),
            pltpu.VMEM((_BPW,), jnp.float32),
            pltpu.SemaphoreType.DMA,
        ],
    )(_sc_body)
    return kern(tab4, uidx, vidx, usub, vsub, labels, sinv, params)


def kernel(pairs, labels, table, gamma, sigma):
    n_nodes, n_dim = table.shape
    tab4 = table.reshape(n_nodes // 4, 4 * n_dim)
    uidx = (pairs[:, 0] >> 2).reshape(_NW, _NCHUNK, _CHUNK)
    vidx = (pairs[:, 1] >> 2).reshape(_NW, _NCHUNK, _CHUNK)
    usub = pairs[:, 0] & 3
    vsub = pairs[:, 1] & 3
    sinv = (1.0 / sigma).astype(jnp.float32)
    const = (n_dim / 2.0) * np.float32(np.log(2.0 * np.pi)) \
        + 0.5 * jnp.sum(jnp.log(sigma))
    c2 = 2.0 * const / (n_nodes - 1)
    params = jnp.concatenate([
        jnp.full((_L,), gamma, dtype=jnp.float32),
        jnp.full((_L,), c2, dtype=jnp.float32),
    ])
    return _launch(tab4, uidx, vidx, usub, vsub, labels.astype(jnp.int32),
                   sinv, params)

# --- scband reference (transcript-rebuilt; emitter-appended) ---
"""Pipeline reference for scband-euclidean-47210280518335 (READ-ONLY COPY).

The authoritative reference and input builder live on the scoring server;
editing this copy changes nothing except your own understanding.
"""

import jax, jax.numpy as jnp
import numpy as np

N_NODES = 1000000
N_DIM = 32
BATCH = 16384
INIT_RANGE = 0.01


def setup_inputs(seed: int = 0) -> dict:
    key = jax.random.key(seed)
    k1, k2, k3 = jax.random.split(key, 3)
    pairs = jax.random.randint(k1, (BATCH, 2), 0, N_NODES, dtype=jnp.int32)
    labels = jax.random.randint(k2, (BATCH,), 0, 2, dtype=jnp.int32)
    table = jax.random.uniform(k3, (N_NODES, N_DIM), dtype=jnp.float32,
                               minval=-INIT_RANGE, maxval=INIT_RANGE)
    gamma = jnp.asarray(1.0, dtype=jnp.float32)
    sigma = jnp.ones((N_DIM,), dtype=jnp.float32)
    return {"pairs": pairs, "labels": labels, "table": table,
            "gamma": gamma, "sigma": sigma}


def reference(pairs, labels, table, gamma, sigma):
    # embedding gathers (SparseCore-mappable)
    us = jnp.take(table, pairs[:, 0], axis=0)
    vs = jnp.take(table, pairs[:, 1], axis=0)
    # Euclidean distance (dist_k with k == 0)
    dist = jnp.sqrt(jnp.sum((us - vs) ** 2, axis=1))
    labels_f = labels.astype(jnp.float32)
    loss = jnp.where(labels_f == 1.0,
                     jnp.logaddexp(0.0, dist - gamma),
                     jnp.logaddexp(0.0, -dist + gamma))
    # latent Gaussian likelihood term (calc_latent=True)
    const = (N_DIM / 2.0) * jnp.log(jnp.asarray(2.0 * np.pi, dtype=jnp.float32)) \
            + 0.5 * jnp.sum(jnp.log(sigma))
    sigma_inv = 1.0 / sigma
    lik_us = const + 0.5 * jnp.sum(us * us * sigma_inv[None, :], axis=1)
    lik_vs = const + 0.5 * jnp.sum(vs * vs * sigma_inv[None, :], axis=1)
    loss = loss + (lik_us + lik_vs) / (N_NODES - 1)
    return loss

if __name__ == "__main__":
    import jax
    _d = setup_inputs()
    print(jax.jit(kernel)(*tuple(_d.values())))

</pallas_src>

<mosaic_0001>
#map = affine_map<(d0, d1) -> (0, 0)>
#map1 = affine_map<(d0, d1) -> (0, 0, 0)>
#map2 = affine_map<(d0, d1) -> (0)>
module attributes {stable_mosaic.version = 14 : i64} {
  func.func @_sc_body(%arg0: i32, %arg1: i32, %arg2: memref<250000x128xf32, #tpu.memory_space<hbm>>, %arg3: memref<32x4x128xi32, #tpu.memory_space<hbm>>, %arg4: memref<32x4x128xi32, #tpu.memory_space<hbm>>, %arg5: memref<16384xi32, #tpu.memory_space<hbm>>, %arg6: memref<16384xi32, #tpu.memory_space<hbm>>, %arg7: memref<16384xi32, #tpu.memory_space<hbm>>, %arg8: memref<32xf32, #tpu.memory_space<hbm>>, %arg9: memref<32xf32, #tpu.memory_space<hbm>>, %arg10: memref<16384xf32, #tpu.memory_space<hbm>>, %arg11: memref<4x128xi32, #tpu.memory_space<vmem>>, %arg12: memref<4x128xi32, #tpu.memory_space<vmem>>, %arg13: memref<512xi32, #tpu.memory_space<vmem>>, %arg14: memref<512xi32, #tpu.memory_space<vmem>>, %arg15: memref<512xi32, #tpu.memory_space<vmem>>, %arg16: memref<256x128xf32, #tpu.memory_space<vmem>>, %arg17: memref<256x128xf32, #tpu.memory_space<vmem>>, %arg18: memref<32xf32, #tpu.memory_space<vmem>>, %arg19: memref<32xf32, #tpu.memory_space<vmem>>, %arg20: memref<512xf32, #tpu.memory_space<vmem>>, %arg21: memref<!tpu.dma_semaphore, #tpu.memory_space<semaphore_mem>>) attributes {dimension_semantics = [#tpu.dimension_semantics<core_parallel>, #tpu.dimension_semantics<subcore_parallel>], iteration_bounds = array<i64: 2, 16>, scalar_prefetch = 0 : i64, scratch_operands = 11 : i64, tpu.core_type = #tpu.core_type<sc_vector_subcore>, window_params = [{transform_indices = #map}, {transform_indices = #map1}, {transform_indices = #map1}, {transform_indices = #map2}, {transform_indices = #map2}, {transform_indices = #map2}, {transform_indices = #map2}, {transform_indices = #map2}, {transform_indices = #map2}]} {
    %mul3A = arith.constant 2 : i32
    %mul3A_0 = arith.muli %arg1, %mul3A : i32
    %add3A = arith.addi %mul3A_0, %arg0 : i32
    %mul3A_1 = arith.constant 512 : i32
    %mul3A_2 = arith.muli %add3A, %mul3A_1 : i32
    "tpu.region"() ({
      %run_scoped3A = tpu.sem_alloc : memref<!tpu.dma_semaphore, #tpu.memory_space<semaphore_mem>>
      %dma_start3A_175 = arith.constant 0 : i32
      %dma_start3A_176 = arith.constant 0 : i32
      %dma_start3A_177 = tpu.memref_slice %arg3[%add3A, %dma_start3A_175, %dma_start3A_176] : memref<32x4x128xi32, #tpu.memory_space<hbm>> -> memref<1x4x128xi32, #tpu.memory_space<hbm>>
      %dma_start3A_178 = tpu.memref_squeeze %dma_start3A_177 : memref<1x4x128xi32, #tpu.memory_space<hbm>> -> memref<4x128xi32, #tpu.memory_space<hbm>>
      %dma_start3A_179 = arith.constant 0 : i32
      %dma_start3A_180 = arith.constant 0 : i32
      %dma_start3A_181 = tpu.memref_slice %arg3[%add3A, %dma_start3A_179, %dma_start3A_180] : memref<32x4x128xi32, #tpu.memory_space<hbm>> -> memref<1x4x128xi32, #tpu.memory_space<hbm>>
      %dma_start3A_182 = tpu.memref_squeeze %dma_start3A_181 : memref<1x4x128xi32, #tpu.memory_space<hbm>> -> memref<4x128xi32, #tpu.memory_space<hbm>>
      tpu.enqueue_dma source(%dma_start3A_182 : memref<4x128xi32, #tpu.memory_space<hbm>>) target(%arg11 : memref<4x128xi32, #tpu.memory_space<vmem>>) target_semaphore(%run_scoped3A : memref<!tpu.dma_semaphore, #tpu.memory_space<semaphore_mem>>)
      %dma_wait3A_183 = arith.constant 0 : i32
      %dma_wait3A_184 = arith.constant 0 : i32
      %dma_wait3A_185 = tpu.memref_slice %arg3[%add3A, %dma_wait3A_183, %dma_wait3A_184] : memref<32x4x128xi32, #tpu.memory_space<hbm>> -> memref<1x4x128xi32, #tpu.memory_space<hbm>>
      %dma_wait3A_186 = tpu.memref_squeeze %dma_wait3A_185 : memref<1x4x128xi32, #tpu.memory_space<hbm>> -> memref<4x128xi32, #tpu.memory_space<hbm>>
      %dma_wait3A_187 = arith.constant 0 : i32
      %dma_wait3A_188 = arith.constant 0 : i32
      %dma_wait3A_189 = tpu.memref_slice %arg3[%add3A, %dma_wait3A_187, %dma_wait3A_188] : memref<32x4x128xi32, #tpu.memory_space<hbm>> -> memref<1x4x128xi32, #tpu.memory_space<hbm>>
      %dma_wait3A_190 = tpu.memref_squeeze %dma_wait3A_189 : memref<1x4x128xi32, #tpu.memory_space<hbm>> -> memref<4x128xi32, #tpu.memory_space<hbm>>
      tpu.wait_dma2 semaphore(%run_scoped3A : memref<!tpu.dma_semaphore, #tpu.memory_space<semaphore_mem>>) src(%dma_wait3A_190 : memref<4x128xi32, #tpu.memory_space<hbm>>) dst(%arg11 : memref<4x128xi32, #tpu.memory_space<vmem>>)
      tpu.yield
    }) : () -> ()
    "tpu.region"() ({
      %run_scoped3A = tpu.sem_alloc : memref<!tpu.dma_semaphore, #tpu.memory_space<semaphore_mem>>
      %dma_start3A_175 = arith.constant 0 : i32
      %dma_start3A_176 = arith.constant 0 : i32
      %dma_start3A_177 = tpu.memref_slice %arg4[%add3A, %dma_start3A_175, %dma_start3A_176] : memref<32x4x128xi32, #tpu.memory_space<hbm>> -> memref<1x4x128xi32, #tpu.memory_space<hbm>>
      %dma_start3A_178 = tpu.memref_squeeze %dma_start3A_177 : memref<1x4x128xi32, #tpu.memory_space<hbm>> -> memref<4x128xi32, #tpu.memory_space<hbm>>
      %dma_start3A_179 = arith.constant 0 : i32
      %dma_start3A_180 = arith.constant 0 : i32
      %dma_start3A_181 = tpu.memref_slice %arg4[%add3A, %dma_start3A_179, %dma_start3A_180] : memref<32x4x128xi32, #tpu.memory_space<hbm>> -> memref<1x4x128xi32, #tpu.memory_space<hbm>>
      %dma_start3A_182 = tpu.memref_squeeze %dma_start3A_181 : memref<1x4x128xi32, #tpu.memory_space<hbm>> -> memref<4x128xi32, #tpu.memory_space<hbm>>
      tpu.enqueue_dma source(%dma_start3A_182 : memref<4x128xi32, #tpu.memory_space<hbm>>) target(%arg12 : memref<4x128xi32, #tpu.memory_space<vmem>>) target_semaphore(%run_scoped3A : memref<!tpu.dma_semaphore, #tpu.memory_space<semaphore_mem>>)
      %dma_wait3A_183 = arith.constant 0 : i32
      %dma_wait3A_184 = arith.constant 0 : i32
      %dma_wait3A_185 = tpu.memref_slice %arg4[%add3A, %dma_wait3A_183, %dma_wait3A_184] : memref<32x4x128xi32, #tpu.memory_space<hbm>> -> memref<1x4x128xi32, #tpu.memory_space<hbm>>
      %dma_wait3A_186 = tpu.memref_squeeze %dma_wait3A_185 : memref<1x4x128xi32, #tpu.memory_space<hbm>> -> memref<4x128xi32, #tpu.memory_space<hbm>>
      %dma_wait3A_187 = arith.constant 0 : i32
      %dma_wait3A_188 = arith.constant 0 : i32
      %dma_wait3A_189 = tpu.memref_slice %arg4[%add3A, %dma_wait3A_187, %dma_wait3A_188] : memref<32x4x128xi32, #tpu.memory_space<hbm>> -> memref<1x4x128xi32, #tpu.memory_space<hbm>>
      %dma_wait3A_190 = tpu.memref_squeeze %dma_wait3A_189 : memref<1x4x128xi32, #tpu.memory_space<hbm>> -> memref<4x128xi32, #tpu.memory_space<hbm>>
      tpu.wait_dma2 semaphore(%run_scoped3A : memref<!tpu.dma_semaphore, #tpu.memory_space<semaphore_mem>>) src(%dma_wait3A_190 : memref<4x128xi32, #tpu.memory_space<hbm>>) dst(%arg12 : memref<4x128xi32, #tpu.memory_space<vmem>>)
      tpu.yield
    }) : () -> ()
    "tpu.region"() ({
      %run_scoped3A = tpu.sem_alloc : memref<!tpu.dma_semaphore, #tpu.memory_space<semaphore_mem>>
      %dma_start3A_175 = tpu.memref_slice %arg5[%mul3A_2] : memref<16384xi32, #tpu.memory_space<hbm>> -> memref<512xi32, #tpu.memory_space<hbm>>
      %dma_start3A_176 = tpu.memref_slice %arg5[%mul3A_2] : memref<16384xi32, #tpu.memory_space<hbm>> -> memref<512xi32, #tpu.memory_space<hbm>>
      tpu.enqueue_dma source(%dma_start3A_176 : memref<512xi32, #tpu.memory_space<hbm>>) target(%arg13 : memref<512xi32, #tpu.memory_space<vmem>>) target_semaphore(%run_scoped3A : memref<!tpu.dma_semaphore, #tpu.memory_space<semaphore_mem>>)
      %dma_wait3A_177 = tpu.memref_slice %arg5[%mul3A_2] : memref<16384xi32, #tpu.memory_space<hbm>> -> memref<512xi32, #tpu.memory_space<hbm>>
      %dma_wait3A_178 = tpu.memref_slice %arg5[%mul3A_2] : memref<16384xi32, #tpu.memory_space<hbm>> -> memref<512xi32, #tpu.memory_space<hbm>>
      tpu.wait_dma2 semaphore(%run_scoped3A : memref<!tpu.dma_semaphore, #tpu.memory_space<semaphore_mem>>) src(%dma_wait3A_178 : memref<512xi32, #tpu.memory_space<hbm>>) dst(%arg13 : memref<512xi32, #tpu.memory_space<vmem>>)
      tpu.yield
    }) : () -> ()
    "tpu.region"() ({
      %run_scoped3A = tpu.sem_alloc : memref<!tpu.dma_semaphore, #tpu.memory_space<semaphore_mem>>
      %dma_start3A_175 = tpu.memref_slice %arg6[%mul3A_2] : memref<16384xi32, #tpu.memory_space<hbm>> -> memref<512xi32, #tpu.memory_space<hbm>>
      %dma_start3A_176 = tpu.memref_slice %arg6[%mul3A_2] : memref<16384xi32, #tpu.memory_space<hbm>> -> memref<512xi32, #tpu.memory_space<hbm>>
      tpu.enqueue_dma source(%dma_start3A_176 : memref<512xi32, #tpu.memory_space<hbm>>) target(%arg14 : memref<512xi32, #tpu.memory_space<vmem>>) target_semaphore(%run_scoped3A : memref<!tpu.dma_semaphore, #tpu.memory_space<semaphore_mem>>)
      %dma_wait3A_177 = tpu.memref_slice %arg6[%mul3A_2] : memref<16384xi32, #tpu.memory_space<hbm>> -> memref<512xi32, #tpu.memory_space<hbm>>
      %dma_wait3A_178 = tpu.memref_slice %arg6[%mul3A_2] : memref<16384xi32, #tpu.memory_space<hbm>> -> memref<512xi32, #tpu.memory_space<hbm>>
      tpu.wait_dma2 semaphore(%run_scoped3A : memref<!tpu.dma_semaphore, #tpu.memory_space<semaphore_mem>>) src(%dma_wait3A_178 : memref<512xi32, #tpu.memory_space<hbm>>) dst(%arg14 : memref<512xi32, #tpu.memory_space<vmem>>)
      tpu.yield
    }) : () -> ()
    "tpu.region"() ({
      %run_scoped3A = tpu.sem_alloc : memref<!tpu.dma_semaphore, #tpu.memory_space<semaphore_mem>>
      %dma_start3A_175 = tpu.memref_slice %arg7[%mul3A_2] : memref<16384xi32, #tpu.memory_space<hbm>> -> memref<512xi32, #tpu.memory_space<hbm>>
      %dma_start3A_176 = tpu.memref_slice %arg7[%mul3A_2] : memref<16384xi32, #tpu.memory_space<hbm>> -> memref<512xi32, #tpu.memory_space<hbm>>
      tpu.enqueue_dma source(%dma_start3A_176 : memref<512xi32, #tpu.memory_space<hbm>>) target(%arg15 : memref<512xi32, #tpu.memory_space<vmem>>) target_semaphore(%run_scoped3A : memref<!tpu.dma_semaphore, #tpu.memory_space<semaphore_mem>>)
      %dma_wait3A_177 = tpu.memref_slice %arg7[%mul3A_2] : memref<16384xi32, #tpu.memory_space<hbm>> -> memref<512xi32, #tpu.memory_space<hbm>>
      %dma_wait3A_178 = tpu.memref_slice %arg7[%mul3A_2] : memref<16384xi32, #tpu.memory_space<hbm>> -> memref<512xi32, #tpu.memory_space<hbm>>
      tpu.wait_dma2 semaphore(%run_scoped3A : memref<!tpu.dma_semaphore, #tpu.memory_space<semaphore_mem>>) src(%dma_wait3A_178 : memref<512xi32, #tpu.memory_space<hbm>>) dst(%arg15 : memref<512xi32, #tpu.memory_space<vmem>>)
      tpu.yield
    }) : () -> ()
    "tpu.region"() ({
      %run_scoped3A = tpu.sem_alloc : memref<!tpu.dma_semaphore, #tpu.memory_space<semaphore_mem>>
      tpu.enqueue_dma source(%arg8 : memref<32xf32, #tpu.memory_space<hbm>>) target(%arg18 : memref<32xf32, #tpu.memory_space<vmem>>) target_semaphore(%run_scoped3A : memref<!tpu.dma_semaphore, #tpu.memory_space<semaphore_mem>>)
      tpu.wait_dma2 semaphore(%run_scoped3A : memref<!tpu.dma_semaphore, #tpu.memory_space<semaphore_mem>>) src(%arg8 : memref<32xf32, #tpu.memory_space<hbm>>) dst(%arg18 : memref<32xf32, #tpu.memory_space<vmem>>)
      tpu.yield
    }) : () -> ()
    "tpu.region"() ({
      %run_scoped3A = tpu.sem_alloc : memref<!tpu.dma_semaphore, #tpu.memory_space<semaphore_mem>>
      tpu.enqueue_dma source(%arg9 : memref<32xf32, #tpu.memory_space<hbm>>) target(%arg19 : memref<32xf32, #tpu.memory_space<vmem>>) target_semaphore(%run_scoped3A : memref<!tpu.dma_semaphore, #tpu.memory_space<semaphore_mem>>)
      tpu.wait_dma2 semaphore(%run_scoped3A : memref<!tpu.dma_semaphore, #tpu.memory_space<semaphore_mem>>) src(%arg9 : memref<32xf32, #tpu.memory_space<hbm>>) dst(%arg19 : memref<32xf32, #tpu.memory_space<vmem>>)
      tpu.yield
    }) : () -> ()
    %get3A = arith.constant 0 : index
    %get3A_3 = tpu.vector_load %arg19[%get3A] {strides = array<i32>} : memref<32xf32, #tpu.memory_space<vmem>>, vector<16xf32>,
    %get3A_4 = arith.constant 16 : index
    %get3A_5 = tpu.vector_load %arg19[%get3A_4] {strides = array<i32>} : memref<32xf32, #tpu.memory_space<vmem>>, vector<16xf32>,
    %iota3A = tpu.iota {dimensions = array<i32: 0>} : vector<16xi32>
    %dma_start3A = arith.constant 0 : i32
    %dma_start3A_6 = arith.constant 0 : i32
    %dma_start3A_7 = arith.constant 0 : i32
    %dma_start3A_8 = tpu.memref_slice %arg16[%dma_start3A_6, %dma_start3A_7] : memref<256x128xf32, #tpu.memory_space<vmem>> -> memref<128x128xf32, #tpu.memory_space<vmem>>
    %dma_start3A_9 = arith.constant 0 : i32
    %dma_start3A_10 = tpu.memref_slice %arg11[%dma_start3A, %dma_start3A_9] : memref<4x128xi32, #tpu.memory_space<vmem>> -> memref<1x128xi32, #tpu.memory_space<vmem>>
    %dma_start3A_11 = tpu.memref_squeeze %dma_start3A_10 : memref<1x128xi32, #tpu.memory_space<vmem>> -> memref<128xi32, #tpu.memory_space<vmem>>
    %dma_start3A_12 = arith.constant 0 : i32
    %dma_start3A_13 = arith.constant 0 : i32
    %dma_start3A_14 = tpu.memref_slice %arg2[%dma_start3A_12, %dma_start3A_13] : memref<250000x128xf32, #tpu.memory_space<hbm>> -> memref<250000x128xf32, #tpu.memory_space<hbm>>
    tpu.enqueue_indirect_dma source(%dma_start3A_14 : memref<250000x128xf32, #tpu.memory_space<hbm>>) target(%dma_start3A_8 : memref<128x128xf32, #tpu.memory_space<vmem>>) offsets(%dma_start3A_11 : memref<128xi32, #tpu.memory_space<vmem>>) semaphore(%arg21 : memref<!tpu.dma_semaphore, #tpu.memory_space<semaphore_mem>>)
    %dma_start3A_15 = arith.constant 0 : i32
    %dma_start3A_16 = arith.constant 0 : i32
    %dma_start3A_17 = arith.constant 0 : i32
    %dma_start3A_18 = tpu.memref_slice %arg17[%dma_start3A_16, %dma_start3A_17] : memref<256x128xf32, #tpu.memory_space<vmem>> -> memref<128x128xf32, #tpu.memory_space<vmem>>
    %dma_start3A_19 = arith.constant 0 : i32
    %dma_start3A_20 = tpu.memref_slice %arg12[%dma_start3A_15, %dma_start3A_19] : memref<4x128xi32, #tpu.memory_space<vmem>> -> memref<1x128xi32, #tpu.memory_space<vmem>>
    %dma_start3A_21 = tpu.memref_squeeze %dma_start3A_20 : memref<1x128xi32, #tpu.memory_space<vmem>> -> memref<128xi32, #tpu.memory_space<vmem>>
    %dma_start3A_22 = arith.constant 0 : i32
    %dma_start3A_23 = arith.constant 0 : i32
    %dma_start3A_24 = tpu.memref_slice %arg2[%dma_start3A_22, %dma_start3A_23] : memref<250000x128xf32, #tpu.memory_space<hbm>> -> memref<250000x128xf32, #tpu.memory_space<hbm>>
    tpu.enqueue_indirect_dma source(%dma_start3A_24 : memref<250000x128xf32, #tpu.memory_space<hbm>>) target(%dma_start3A_18 : memref<128x128xf32, #tpu.memory_space<vmem>>) offsets(%dma_start3A_21 : memref<128xi32, #tpu.memory_space<vmem>>) semaphore(%arg21 : memref<!tpu.dma_semaphore, #tpu.memory_space<semaphore_mem>>)
    %dma_start3A_25 = arith.constant 1 : i32
    %dma_start3A_26 = arith.constant 128 : i32
    %dma_start3A_27 = arith.constant 0 : i32
    %dma_start3A_28 = tpu.memref_slice %arg16[%dma_start3A_26, %dma_start3A_27] : memref<256x128xf32, #tpu.memory_space<vmem>> -> memref<128x128xf32, #tpu.memory_space<vmem>>
    %dma_start3A_29 = arith.constant 0 : i32
    %dma_start3A_30 = tpu.memref_slice %arg11[%dma_start3A_25, %dma_start3A_29] : memref<4x128xi32, #tpu.memory_space<vmem>> -> memref<1x128xi32, #tpu.memory_space<vmem>>
    %dma_start3A_31 = tpu.memref_squeeze %dma_start3A_30 : memref<1x128xi32, #tpu.memory_space<vmem>> -> memref<128xi32, #tpu.memory_space<vmem>>
    %dma_start3A_32 = arith.constant 0 : i32
    %dma_start3A_33 = arith.constant 0 : i32
    %dma_start3A_34 = tpu.memref_slice %arg2[%dma_start3A_32, %dma_start3A_33] : memref<250000x128xf32, #tpu.memory_space<hbm>> -> memref<250000x128xf32, #tpu.memory_space<hbm>>
    tpu.enqueue_indirect_dma source(%dma_start3A_34 : memref<250000x128xf32, #tpu.memory_space<hbm>>) target(%dma_start3A_28 : memref<128x128xf32, #tpu.memory_space<vmem>>) offsets(%dma_start3A_31 : memref<128xi32, #tpu.memory_space<vmem>>) semaphore(%arg21 : memref<!tpu.dma_semaphore, #tpu.memory_space<semaphore_mem>>)
    %dma_start3A_35 = arith.constant 1 : i32
    %dma_start3A_36 = arith.constant 128 : i32
    %dma_start3A_37 = arith.constant 0 : i32
    %dma_start3A_38 = tpu.memref_slice %arg17[%dma_start3A_36, %dma_start3A_37] : memref<256x128xf32, #tpu.memory_space<vmem>> -> memref<128x128xf32, #tpu.memory_space<vmem>>
    %dma_start3A_39 = arith.constant 0 : i32
    %dma_start3A_40 = tpu.memref_slice %arg12[%dma_start3A_35, %dma_start3A_39] : memref<4x128xi32, #tpu.memory_space<vmem>> -> memref<1x128xi32, #tpu.memory_space<vmem>>
    %dma_start3A_41 = tpu.memref_squeeze %dma_start3A_40 : memref<1x128xi32, #tpu.memory_space<vmem>> -> memref<128xi32, #tpu.memory_space<vmem>>
    %dma_start3A_42 = arith.constant 0 : i32
    %dma_start3A_43 = arith.constant 0 : i32
    %dma_start3A_44 = tpu.memref_slice %arg2[%dma_start3A_42, %dma_start3A_43] : memref<250000x128xf32, #tpu.memory_space<hbm>> -> memref<250000x128xf32, #tpu.memory_space<hbm>>
    tpu.enqueue_indirect_dma source(%dma_start3A_44 : memref<250000x128xf32, #tpu.memory_space<hbm>>) target(%dma_start3A_38 : memref<128x128xf32, #tpu.memory_space<vmem>>) offsets(%dma_start3A_41 : memref<128xi32, #tpu.memory_space<vmem>>) semaphore(%arg21 : memref<!tpu.dma_semaphore, #tpu.memory_space<semaphore_mem>>)
    %dma_wait3A = arith.constant 0 : i32
    %dma_wait3A_45 = arith.constant 0 : i32
    %dma_wait3A_46 = arith.constant 0 : i32
    %dma_wait3A_47 = tpu.memref_slice %arg16[%dma_wait3A_45, %dma_wait3A_46] : memref<256x128xf32, #tpu.memory_space<vmem>> -> memref<128x128xf32, #tpu.memory_space<vmem>>
    %dma_wait3A_48 = arith.constant 0 : i32
    %dma_wait3A_49 = tpu.memref_slice %arg11[%dma_wait3A, %dma_wait3A_48] : memref<4x128xi32, #tpu.memory_space<vmem>> -> memref<1x128xi32, #tpu.memory_space<vmem>>
    %dma_wait3A_50 = tpu.memref_squeeze %dma_wait3A_49 : memref<1x128xi32, #tpu.memory_space<vmem>> -> memref<128xi32, #tpu.memory_space<vmem>>
    %dma_wait3A_51 = arith.constant 0 : i32
    %dma_wait3A_52 = arith.constant 0 : i32
    %dma_wait3A_53 = tpu.memref_slice %arg2[%dma_wait3A_51, %dma_wait3A_52] : memref<250000x128xf32, #tpu.memory_space<hbm>> -> memref<250000x128xf32, #tpu.memory_space<hbm>>
    tpu.wait_indirect_dma semaphore(%arg21 : memref<!tpu.dma_semaphore, #tpu.memory_space<semaphore_mem>>) src(%dma_wait3A_53 : memref<250000x128xf32, #tpu.memory_space<hbm>>) dst(%dma_wait3A_47 : memref<128x128xf32, #tpu.memory_space<vmem>>)
    %dma_wait3A_54 = arith.constant 0 : i32
    %dma_wait3A_55 = arith.constant 0 : i32
    %dma_wait3A_56 = arith.constant 0 : i32
    %dma_wait3A_57 = tpu.memref_slice %arg17[%dma_wait3A_55, %dma_wait3A_56] : memref<256x128xf32, #tpu.memory_space<vmem>> -> memref<128x128xf32, #tpu.memory_space<vmem>>
    %dma_wait3A_58 = arith.constant 0 : i32
    %dma_wait3A_59 = tpu.memref_slice %arg12[%dma_wait3A_54, %dma_wait3A_58] : memref<4x128xi32, #tpu.memory_space<vmem>> -> memref<1x128xi32, #tpu.memory_space<vmem>>
    %dma_wait3A_60 = tpu.memref_squeeze %dma_wait3A_59 : memref<1x128xi32, #tpu.memory_space<vmem>> -> memref<128xi32, #tpu.memory_space<vmem>>
    %dma_wait3A_61 = arith.constant 0 : i32
    %dma_wait3A_62 = arith.constant 0 : i32
    %dma_wait3A_63 = tpu.memref_slice %arg2[%dma_wait3A_61, %dma_wait3A_62] : memref<250000x128xf32, #tpu.memory_space<hbm>> -> memref<250000x128xf32, #tpu.memory_space<hbm>>
    tpu.wait_indirect_dma semaphore(%arg21 : memref<!tpu.dma_semaphore, #tpu.memory_space<semaphore_mem>>) src(%dma_wait3A_63 : memref<250000x128xf32, #tpu.memory_space<hbm>>) dst(%dma_wait3A_57 : memref<128x128xf32, #tpu.memory_space<vmem>>)
    %dma_wait3A_64 = arith.constant 1 : i32
    %dma_wait3A_65 = arith.constant 128 : i32
    %dma_wait3A_66 = arith.constant 0 : i32
    %dma_wait3A_67 = tpu.memref_slice %arg16[%dma_wait3A_65, %dma_wait3A_66] : memref<256x128xf32, #tpu.memory_space<vmem>> -> memref<128x128xf32, #tpu.memory_space<vmem>>
    %dma_wait3A_68 = arith.constant 0 : i32
    %dma_wait3A_69 = tpu.memref_slice %arg11[%dma_wait3A_64, %dma_wait3A_68] : memref<4x128xi32, #tpu.memory_space<vmem>> -> memref<1x128xi32, #tpu.memory_space<vmem>>
    %dma_wait3A_70 = tpu.memref_squeeze %dma_wait3A_69 : memref<1x128xi32, #tpu.memory_space<vmem>> -> memref<128xi32, #tpu.memory_space<vmem>>
    %dma_wait3A_71 = arith.constant 0 : i32
    %dma_wait3A_72 = arith.constant 0 : i32
    %dma_wait3A_73 = tpu.memref_slice %arg2[%dma_wait3A_71, %dma_wait3A_72] : memref<250000x128xf32, #tpu.memory_space<hbm>> -> memref<250000x128xf32, #tpu.memory_space<hbm>>
    tpu.wait_indirect_dma semaphore(%arg21 : memref<!tpu.dma_semaphore, #tpu.memory_space<semaphore_mem>>) src(%dma_wait3A_73 : memref<250000x128xf32, #tpu.memory_space<hbm>>) dst(%dma_wait3A_67 : memref<128x128xf32, #tpu.memory_space<vmem>>)
    %dma_wait3A_74 = arith.constant 1 : i32
    %dma_wait3A_75 = arith.constant 128 : i32
    %dma_wait3A_76 = arith.constant 0 : i32
    %dma_wait3A_77 = tpu.memref_slice %arg17[%dma_wait3A_75, %dma_wait3A_76] : memref<256x128xf32, #tpu.memory_space<vmem>> -> memref<128x128xf32, #tpu.memory_space<vmem>>
    %dma_wait3A_78 = arith.constant 0 : i32
    %dma_wait3A_79 = tpu.memref_slice %arg12[%dma_wait3A_74, %dma_wait3A_78] : memref<4x128xi32, #tpu.memory_space<vmem>> -> memref<1x128xi32, #tpu.memory_space<vmem>>
    %dma_wait3A_80 = tpu.memref_squeeze %dma_wait3A_79 : memref<1x128xi32, #tpu.memory_space<vmem>> -> memref<128xi32, #tpu.memory_space<vmem>>
    %dma_wait3A_81 = arith.constant 0 : i32
    %dma_wait3A_82 = arith.constant 0 : i32
    %dma_wait3A_83 = tpu.memref_slice %arg2[%dma_wait3A_81, %dma_wait3A_82] : memref<250000x128xf32, #tpu.memory_space<hbm>> -> memref<250000x128xf32, #tpu.memory_space<hbm>>
    tpu.wait_indirect_dma semaphore(%arg21 : memref<!tpu.dma_semaphore, #tpu.memory_space<semaphore_mem>>) src(%dma_wait3A_83 : memref<250000x128xf32, #tpu.memory_space<hbm>>) dst(%dma_wait3A_77 : memref<128x128xf32, #tpu.memory_space<vmem>>)
    %scan3A = arith.constant 0 : i32
    %scan3A_84 = arith.constant 0 : i32
    %scan3A_85 = arith.constant 16 : i32
    %scan3A_86 = arith.addi %scan3A_84, %scan3A_85 : i32
    %scan3A_87 = arith.constant 1 : i32
    scf.for %scan3A_175 = %scan3A_84 to %scan3A_86 step %scan3A_87  : i32 {
      %get3A_176 = arith.constant 0 : index
      %get3A_177 = tpu.vector_load %arg18[%get3A_176] {strides = array<i32>} : memref<32xf32, #tpu.memory_space<vmem>>, vector<16xf32>,
      %get3A_178 = arith.constant 16 : index
      %get3A_179 = tpu.vector_load %arg18[%get3A_178] {strides = array<i32>} : memref<32xf32, #tpu.memory_space<vmem>>, vector<16xf32>,
      %mul3A_180 = arith.constant 16 : i32
      %mul3A_181 = arith.muli %scan3A_175, %mul3A_180 : i32
      %add3A_182 = arith.constant 0 : i32
      %add3A_183 = arith.addi %add3A_182, %mul3A_181 : i32
      %get3A_184 = arith.index_cast %add3A_183 : i32 to index
      %get3A_185 = tpu.vector_load %arg13[%get3A_184] {strides = array<i32>} : memref<512xi32, #tpu.memory_space<vmem>>, vector<16xi32>,
      %get3A_186 = arith.index_cast %add3A_183 : i32 to index
      %get3A_187 = tpu.vector_load %arg14[%get3A_186] {strides = array<i32>} : memref<512xi32, #tpu.memory_space<vmem>>, vector<16xi32>,
      %broadcast_in_dim3A = arith.constant 0.000000e+00 : f32
      %broadcast_in_dim3A_188 = vector.broadcast %broadcast_in_dim3A : f32 to vector<16xf32>
      %broadcast_in_dim3A_189 = arith.constant 0.000000e+00 : f32
      %broadcast_in_dim3A_190 = vector.broadcast %broadcast_in_dim3A_189 : f32 to vector<16xf32>
      %mul3A_191 = arith.constant 16 : i32
      %mul3A_192 = arith.muli %scan3A_175, %mul3A_191 : i32
      %add3A_193 = arith.constant 0 : i32
      %add3A_194 = arith.addi %mul3A_192, %add3A_193 : i32
      %slice3A = vector.extract_strided_slice %get3A_185 {offsets = [0], sizes = [1], strides = [1]} : vector<16xi32> to vector<1xi32>
      %squeeze3A = vector.extract %slice3A[0] : i32 from vector<1xi32>
      %get3A_195 = arith.index_cast %add3A_194 : i32 to index
      %get3A_196 = arith.constant 0 : index
      %get3A_197 = tpu.vector_load %arg16[%get3A_195, %get3A_196] {strides = array<i32>} : memref<256x128xf32, #tpu.memory_space<vmem>>, vector<16xf32>,
      %get3A_198 = arith.index_cast %add3A_194 : i32 to index
      %get3A_199 = arith.constant 16 : index
      %get3A_200 = tpu.vector_load %arg16[%get3A_198, %get3A_199] {strides = array<i32>} : memref<256x128xf32, #tpu.memory_space<vmem>>, vector<16xf32>,
      %get3A_201 = arith.index_cast %add3A_194 : i32 to index
      %get3A_202 = arith.constant 32 : index
      %get3A_203 = tpu.vector_load %arg16[%get3A_201, %get3A_202] {strides = array<i32>} : memref<256x128xf32, #tpu.memory_space<vmem>>, vector<16xf32>,
      %get3A_204 = arith.index_cast %add3A_194 : i32 to index
      %get3A_205 = arith.constant 48 : index
      %get3A_206 = tpu.vector_load %arg16[%get3A_204, %get3A_205] {strides = array<i32>} : memref<256x128xf32, #tpu.memory_space<vmem>>, vector<16xf32>,
      %get3A_207 = arith.index_cast %add3A_194 : i32 to index
      %get3A_208 = arith.constant 64 : index
      %get3A_209 = tpu.vector_load %arg16[%get3A_207, %get3A_208] {strides = array<i32>} : memref<256x128xf32, #tpu.memory_space<vmem>>, vector<16xf32>,
      %get3A_210 = arith.index_cast %add3A_194 : i32 to index
      %get3A_211 = arith.constant 80 : index
      %get3A_212 = tpu.vector_load %arg16[%get3A_210, %get3A_211] {strides = array<i32>} : memref<256x128xf32, #tpu.memory_space<vmem>>, vector<16xf32>,
      %get3A_213 = arith.index_cast %add3A_194 : i32 to index
      %get3A_214 = arith.constant 96 : index
      %get3A_215 = tpu.vector_load %arg16[%get3A_213, %get3A_214] {strides = array<i32>} : memref<256x128xf32, #tpu.memory_space<vmem>>, vector<16xf32>,
      %get3A_216 = arith.index_cast %add3A_194 : i32 to index
      %get3A_217 = arith.constant 112 : index
      %get3A_218 = tpu.vector_load %arg16[%get3A_216, %get3A_217] {strides = array<i32>} : memref<256x128xf32, #tpu.memory_space<vmem>>, vector<16xf32>,
      %eq3A = arith.constant 0 : i32
      %eq3A_219 = arith.cmpi eq, %squeeze3A, %eq3A : i32
      %eq3A_220 = arith.constant 1 : i32
      %eq3A_221 = arith.cmpi eq, %squeeze3A, %eq3A_220 : i32
      %eq3A_222 = arith.constant 2 : i32
      %eq3A_223 = arith.cmpi eq, %squeeze3A, %eq3A_222 : i32
      %select_n3A = arith.select %eq3A_223, %get3A_209, %get3A_215 : vector<16xf32>
      %select_n3A_224 = arith.select %eq3A_221, %get3A_203, %select_n3A : vector<16xf32>
      %select_n3A_225 = arith.select %eq3A_219, %get3A_197, %select_n3A_224 : vector<16xf32>
      %eq3A_226 = arith.constant 0 : i32
      %eq3A_227 = arith.cmpi eq, %squeeze3A, %eq3A_226 : i32
      %eq3A_228 = arith.constant 1 : i32
      %eq3A_229 = arith.cmpi eq, %squeeze3A, %eq3A_228 : i32
      %eq3A_230 = arith.constant 2 : i32
      %eq3A_231 = arith.cmpi eq, %squeeze3A, %eq3A_230 : i32
      %select_n3A_232 = arith.select %eq3A_231, %get3A_212, %get3A_218 : vector<16xf32>
      %select_n3A_233 = arith.select %eq3A_229, %get3A_206, %select_n3A_232 : vector<16xf32>
      %select_n3A_234 = arith.select %eq3A_227, %get3A_200, %select_n3A_233 : vector<16xf32>
      %slice3A_235 = vector.extract_strided_slice %get3A_187 {offsets = [0], sizes = [1], strides = [1]} : vector<16xi32> to vector<1xi32>
      %squeeze3A_236 = vector.extract %slice3A_235[0] : i32 from vector<1xi32>
      %get3A_237 = arith.index_cast %add3A_194 : i32 to index
      %get3A_238 = arith.constant 0 : index
      %get3A_239 = tpu.vector_load %arg17[%get3A_237, %get3A_238] {strides = array<i32>} : memref<256x128xf32, #tpu.memory_space<vmem>>, vector<16xf32>,
      %get3A_240 = arith.index_cast %add3A_194 : i32 to index
      %get3A_241 = arith.constant 16 : index
      %get3A_242 = tpu.vector_load %arg17[%get3A_240, %get3A_241] {strides = array<i32>} : memref<256x128xf32, #tpu.memory_space<vmem>>, vector<16xf32>,
      %get3A_243 = arith.index_cast %add3A_194 : i32 to index
      %get3A_244 = arith.constant 32 : index
      %get3A_245 = tpu.vector_load %arg17[%get3A_243, %get3A_244] {strides = array<i32>} : memref<256x128xf32, #tpu.memory_space<vmem>>, vector<16xf32>,
      %get3A_246 = arith.index_cast %add3A_194 : i32 to index
      %get3A_247 = arith.constant 48 : index
      %get3A_248 = tpu.vector_load %arg17[%get3A_246, %get3A_247] {strides = array<i32>} : memref<256x128xf32, #tpu.memory_space<vmem>>, vector<16xf32>,
      %get3A_249 = arith.index_cast %add3A_194 : i32 to index
      %get3A_250 = arith.constant 64 : index
      %get3A_251 = tpu.vector_load %arg17[%get3A_249, %get3A_250] {strides = array<i32>} : memref<256x128xf32, #tpu.memory_space<vmem>>, vector<16xf32>,
      %get3A_252 = arith.index_cast %add3A_194 : i32 to index
      %get3A_253 = arith.constant 80 : index
      %get3A_254 = tpu.vector_load %arg17[%get3A_252, %get3A_253] {strides = array<i32>} : memref<256x128xf32, #tpu.memory_space<vmem>>, vector<16xf32>,
      %get3A_255 = arith.index_cast %add3A_194 : i32 to index
      %get3A_256 = arith.constant 96 : index
      %get3A_257 = tpu.vector_load %arg17[%get3A_255, %get3A_256] {strides = array<i32>} : memref<256x128xf32, #tpu.memory_space<vmem>>, vector<16xf32>,
      %get3A_258 = arith.index_cast %add3A_194 : i32 to index
      %get3A_259 = arith.constant 112 : index
      %get3A_260 = tpu.vector_load %arg17[%get3A_258, %get3A_259] {strides = array<i32>} : memref<256x128xf32, #tpu.memory_space<vmem>>, vector<16xf32>,
      %eq3A_261 = arith.constant 0 : i32
      %eq3A_262 = arith.cmpi eq, %squeeze3A_236, %eq3A_261 : i32
      %eq3A_263 = arith.constant 1 : i32
      %eq3A_264 = arith.cmpi eq, %squeeze3A_236, %eq3A_263 : i32
      %eq3A_265 = arith.constant 2 : i32
      %eq3A_266 = arith.cmpi eq, %squeeze3A_236, %eq3A_265 : i32
      %select_n3A_267 = arith.select %eq3A_266, %get3A_251, %get3A_257 : vector<16xf32>
      %select_n3A_268 = arith.select %eq3A_264, %get3A_245, %select_n3A_267 : vector<16xf32>
      %select_n3A_269 = arith.select %eq3A_262, %get3A_239, %select_n3A_268 : vector<16xf32>
      %eq3A_270 = arith.constant 0 : i32
      %eq3A_271 = arith.cmpi eq, %squeeze3A_236, %eq3A_270 : i32
      %eq3A_272 = arith.constant 1 : i32
      %eq3A_273 = arith.cmpi eq, %squeeze3A_236, %eq3A_272 : i32
      %eq3A_274 = arith.constant 2 : i32
      %eq3A_275 = arith.cmpi eq, %squeeze3A_236, %eq3A_274 : i32
      %select_n3A_276 = arith.select %eq3A_275, %get3A_254, %get3A_260 : vector<16xf32>
      %select_n3A_277 = arith.select %eq3A_273, %get3A_248, %select_n3A_276 : vector<16xf32>
      %select_n3A_278 = arith.select %eq3A_271, %get3A_242, %select_n3A_277 : vector<16xf32>
      %sub3A = arith.subf %select_n3A_225, %select_n3A_269 : vector<16xf32>
      %sub3A_279 = arith.subf %select_n3A_234, %select_n3A_278 : vector<16xf32>
      %mul3A_280 = arith.mulf %sub3A, %sub3A : vector<16xf32>
      %mul3A_281 = arith.mulf %sub3A_279, %sub3A_279 : vector<16xf32>
      %add3A_282 = arith.addf %mul3A_280, %mul3A_281 : vector<16xf32>
      %reduce_sum3A = arith.constant true
      %reduce_sum3A_283 = vector.broadcast %reduce_sum3A : i1 to vector<16xi1>
      %reduce_sum3A_284 = tpu.scan <sum>, %add3A_282 masked %reduce_sum3A_283 : vector<16xf32>, vector<16xi1> -> vector<16xf32>
      %reduce_sum3A_285 = vector.extract %reduce_sum3A_284[15] : f32 from vector<16xf32>
      %mul3A_286 = arith.mulf %select_n3A_225, %select_n3A_225 : vector<16xf32>
      %mul3A_287 = arith.mulf %select_n3A_269, %select_n3A_269 : vector<16xf32>
      %add3A_288 = arith.addf %mul3A_286, %mul3A_287 : vector<16xf32>
      %mul3A_289 = arith.mulf %add3A_288, %get3A_177 : vector<16xf32>
      %mul3A_290 = arith.mulf %select_n3A_234, %select_n3A_234 : vector<16xf32>
      %mul3A_291 = arith.mulf %select_n3A_278, %select_n3A_278 : vector<16xf32>
      %add3A_292 = arith.addf %mul3A_290, %mul3A_291 : vector<16xf32>
      %mul3A_293 = arith.mulf %add3A_292, %get3A_179 : vector<16xf32>
      %add3A_294 = arith.addf %mul3A_289, %mul3A_293 : vector<16xf32>
      %reduce_sum3A_295 = arith.constant true
      %reduce_sum3A_296 = vector.broadcast %reduce_sum3A_295 : i1 to vector<16xi1>
      %reduce_sum3A_297 = tpu.scan <sum>, %add3A_294 masked %reduce_sum3A_296 : vector<16xf32>, vector<16xi1> -> vector<16xf32>
      %reduce_sum3A_298 = vector.extract %reduce_sum3A_297[15] : f32 from vector<16xf32>
      %eq3A_299 = arith.constant 0 : i32
      %eq3A_300 = vector.broadcast %eq3A_299 : i32 to vector<16xi32>
      %eq3A_301 = arith.cmpi eq, %iota3A, %eq3A_300 : vector<16xi32>
      %broadcast_in_dim3A_302 = vector.broadcast %reduce_sum3A_285 : f32 to vector<16xf32>
      %select_n3A_303 = arith.select %eq3A_301, %broadcast_in_dim3A_302, %broadcast_in_dim3A_188 : vector<16xi1>, vector<16xf32>
      %broadcast_in_dim3A_304 = vector.broadcast %reduce_sum3A_298 : f32 to vector<16xf32>
      %select_n3A_305 = arith.select %eq3A_301, %broadcast_in_dim3A_304, %broadcast_in_dim3A_190 : vector<16xi1>, vector<16xf32>
      %mul3A_306 = arith.constant 16 : i32
      %mul3A_307 = arith.muli %scan3A_175, %mul3A_306 : i32
      %add3A_308 = arith.constant 1 : i32
      %add3A_309 = arith.addi %mul3A_307, %add3A_308 : i32
      %slice3A_310 = vector.extract_strided_slice %get3A_185 {offsets = [1], sizes = [1], strides = [1]} : vector<16xi32> to vector<1xi32>
      %squeeze3A_311 = vector.extract %slice3A_310[0] : i32 from vector<1xi32>
      %get3A_312 = arith.index_cast %add3A_309 : i32 to index
      %get3A_313 = arith.constant 0 : index
      %get3A_314 = tpu.vector_load %arg16[%get3A_312, %get3A_313] {strides = array<i32>} : memref<256x128xf32, #tpu.memory_space<vmem>>, vector<16xf32>,
      %get3A_315 = arith.index_cast %add3A_309 : i32 to index
      %get3A_316 = arith.constant 16 : index
      %get3A_317 = tpu.vector_load %arg16[%get3A_315, %get3A_316] {strides = array<i32>} : memref<256x128xf32, #tpu.memory_space<vmem>>, vector<16xf32>,
      %get3A_318 = arith.index_cast %add3A_309 : i32 to index
      %get3A_319 = arith.constant 32 : index
      %get3A_320 = tpu.vector_load %arg16[%get3A_318, %get3A_319] {strides = array<i32>} : memref<256x128xf32, #tpu.memory_space<vmem>>, vector<16xf32>,
      %get3A_321 = arith.index_cast %add3A_309 : i32 to index
      %get3A_322 = arith.constant 48 : index
      %get3A_323 = tpu.vector_load %arg16[%get3A_321, %get3A_322] {strides = array<i32>} : memref<256x128xf32, #tpu.memory_space<vmem>>, vector<16xf32>,
      %get3A_324 = arith.index_cast %add3A_309 : i32 to index
      %get3A_325 = arith.constant 64 : index
      %get3A_326 = tpu.vector_load %arg16[%get3A_324, %get3A_325] {strides = array<i32>} : memref<256x128xf32, #tpu.memory_space<vmem>>, vector<16xf32>,
      %get3A_327 = arith.index_cast %add3A_309 : i32 to index
      %get3A_328 = arith.constant 80 : index
      %get3A_329 = tpu.vector_load %arg16[%get3A_327, %get3A_328] {strides = array<i32>} : memref<256x128xf32, #tpu.memory_space<vmem>>, vector<16xf32>,
      %get3A_330 = arith.index_cast %add3A_309 : i32 to index
      %get3A_331 = arith.constant 96 : index
      %get3A_332 = tpu.vector_load %arg16[%get3A_330, %get3A_331] {strides = array<i32>} : memref<256x128xf32, #tpu.memory_space<vmem>>, vector<16xf32>,
      %get3A_333 = arith.index_cast %add3A_309 : i32 to index
      %get3A_334 = arith.constant 112 : index
      %get3A_335 = tpu.vector_load %arg16[%get3A_333, %get3A_334] {strides = array<i32>} : memref<256x128xf32, #tpu.memory_space<vmem>>, vector<16xf32>,
      %eq3A_336 = arith.constant 0 : i32
      %eq3A_337 = arith.cmpi eq, %squeeze3A_311, %eq3A_336 : i32
      %eq3A_338 = arith.constant 1 : i32
      %eq3A_339 = arith.cmpi eq, %squeeze3A_311, %eq3A_338 : i32
      %eq3A_340 = arith.constant 2 : i32
      %eq3A_341 = arith.cmpi eq, %squeeze3A_311, %eq3A_340 : i32
      %select_n3A_342 = arith.select %eq3A_341, %get3A_326, %get3A_332 : vector<16xf32>
      %select_n3A_343 = arith.select %eq3A_339, %get3A_320, %select_n3A_342 : vector<16xf32>
      %select_n3A_344 = arith.select %eq3A_337, %get3A_314, %select_n3A_343 : vector<16xf32>
      %eq3A_345 = arith.constant 0 : i32
      %eq3A_346 = arith.cmpi eq, %squeeze3A_311, %eq3A_345 : i32
      %eq3A_347 = arith.constant 1 : i32
      %eq3A_348 = arith.cmpi eq, %squeeze3A_311, %eq3A_347 : i32
      %eq3A_349 = arith.constant 2 : i32
      %eq3A_350 = arith.cmpi eq, %squeeze3A_311, %eq3A_349 : i32
      %select_n3A_351 = arith.select %eq3A_350, %get3A_329, %get3A_335 : vector<16xf32>
      %select_n3A_352 = arith.select %eq3A_348, %get3A_323, %select_n3A_351 : vector<16xf32>
      %select_n3A_353 = arith.select %eq3A_346, %get3A_317, %select_n3A_352 : vector<16xf32>
      %slice3A_354 = vector.extract_strided_slice %get3A_187 {offsets = [1], sizes = [1], strides = [1]} : vector<16xi32> to vector<1xi32>
      %squeeze3A_355 = vector.extract %slice3A_354[0] : i32 from vector<1xi32>
      %get3A_356 = arith.index_cast %add3A_309 : i32 to index
      %get3A_357 = arith.constant 0 : index
      %get3A_358 = tpu.vector_load %arg17[%get3A_356, %get3A_357] {strides = array<i32>} : memref<256x128xf32, #tpu.memory_space<vmem>>, vector<16xf32>,
      %get3A_359 = arith.index_cast %add3A_309 : i32 to index
      %get3A_360 = arith.constant 16 : index
      %get3A_361 = tpu.vector_load %arg17[%get3A_359, %get3A_360] {strides = array<i32>} : memref<256x128xf32, #tpu.memory_space<vmem>>, vector<16xf32>,
      %get3A_362 = arith.index_cast %add3A_309 : i32 to index
      %get3A_363 = arith.constant 32 : index
      %get3A_364 = tpu.vector_load %arg17[%get3A_362, %get3A_363] {strides = array<i32>} : memref<256x128xf32, #tpu.memory_space<vmem>>, vector<16xf32>,
      %get3A_365 = arith.index_cast %add3A_309 : i32 to index
      %get3A_366 = arith.constant 48 : index
      %get3A_367 = tpu.vector_load %arg17[%get3A_365, %get3A_366] {strides = array<i32>} : memref<256x128xf32, #tpu.memory_space<vmem>>, vector<16xf32>,
      %get3A_368 = arith.index_cast %add3A_309 : i32 to index
      %get3A_369 = arith.constant 64 : index
      %get3A_370 = tpu.vector_load %arg17[%get3A_368, %get3A_369] {strides = array<i32>} : memref<256x128xf32, #tpu.memory_space<vmem>>, vector<16xf32>,
      %get3A_371 = arith.index_cast %add3A_309 : i32 to index
      %get3A_372 = arith.constant 80 : index
      %get3A_373 = tpu.vector_load %arg17[%get3A_371, %get3A_372] {strides = array<i32>} : memref<256x128xf32, #tpu.memory_space<vmem>>, vector<16xf32>,
      %get3A_374 = arith.index_cast %add3A_309 : i32 to index
      %get3A_375 = arith.constant 96 : index
      %get3A_376 = tpu.vector_load %arg17[%get3A_374, %get3A_375] {strides = array<i32>} : memref<256x128xf32, #tpu.memory_space<vmem>>, vector<16xf32>,
      %get3A_377 = arith.index_cast %add3A_309 : i32 to index
      %get3A_378 = arith.constant 112 : index
      %get3A_379 = tpu.vector_load %arg17[%get3A_377, %get3A_378] {strides = array<i32>} : memref<256x128xf32, #tpu.memory_space<vmem>>, vector<16xf32>,
      %eq3A_380 = arith.constant 0 : i32
      %eq3A_381 = arith.cmpi eq, %squeeze3A_355, %eq3A_380 : i32
      %eq3A_382 = arith.constant 1 : i32
      %eq3A_383 = arith.cmpi eq, %squeeze3A_355, %eq3A_382 : i32
      %eq3A_384 = arith.constant 2 : i32
      %eq3A_385 = arith.cmpi eq, %squeeze3A_355, %eq3A_384 : i32
      %select_n3A_386 = arith.select %eq3A_385, %get3A_370, %get3A_376 : vector<16xf32>
      %select_n3A_387 = arith.select %eq3A_383, %get3A_364, %select_n3A_386 : vector<16xf32>
      %select_n3A_388 = arith.select %eq3A_381, %get3A_358, %select_n3A_387 : vector<16xf32>
      %eq3A_389 = arith.constant 0 : i32
      %eq3A_390 = arith.cmpi eq, %squeeze3A_355, %eq3A_389 : i32
      %eq3A_391 = arith.constant 1 : i32
      %eq3A_392 = arith.cmpi eq, %squeeze3A_355, %eq3A_391 : i32
      %eq3A_393 = arith.constant 2 : i32
      %eq3A_394 = arith.cmpi eq, %squeeze3A_355, %eq3A_393 : i32
      %select_n3A_395 = arith.select %eq3A_394, %get3A_373, %get3A_379 : vector<16xf32>
      %select_n3A_396 = arith.select %eq3A_392, %get3A_367, %select_n3A_395 : vector<16xf32>
      %select_n3A_397 = arith.select %eq3A_390, %get3A_361, %select_n3A_396 : vector<16xf32>
      %sub3A_398 = arith.subf %select_n3A_344, %select_n3A_388 : vector<16xf32>
      %sub3A_399 = arith.subf %select_n3A_353, %select_n3A_397 : vector<16xf32>
      %mul3A_400 = arith.mulf %sub3A_398, %sub3A_398 : vector<16xf32>
      %mul3A_401 = arith.mulf %sub3A_399, %sub3A_399 : vector<16xf32>
      %add3A_402 = arith.addf %mul3A_400, %mul3A_401 : vector<16xf32>
      %reduce_sum3A_403 = arith.constant true
      %reduce_sum3A_404 = vector.broadcast %reduce_sum3A_403 : i1 to vector<16xi1>
      %reduce_sum3A_405 = tpu.scan <sum>, %add3A_402 masked %reduce_sum3A_404 : vector<16xf32>, vector<16xi1> -> vector<16xf32>
      %reduce_sum3A_406 = vector.extract %reduce_sum3A_405[15] : f32 from vector<16xf32>
      %mul3A_407 = arith.mulf %select_n3A_344, %select_n3A_344 : vector<16xf32>
      %mul3A_408 = arith.mulf %select_n3A_388, %select_n3A_388 : vector<16xf32>
      %add3A_409 = arith.addf %mul3A_407, %mul3A_408 : vector<16xf32>
      %mul3A_410 = arith.mulf %add3A_409, %get3A_177 : vector<16xf32>
      %mul3A_411 = arith.mulf %select_n3A_353, %select_n3A_353 : vector<16xf32>
      %mul3A_412 = arith.mulf %select_n3A_397, %select_n3A_397 : vector<16xf32>
      %add3A_413 = arith.addf %mul3A_411, %mul3A_412 : vector<16xf32>
      %mul3A_414 = arith.mulf %add3A_413, %get3A_179 : vector<16xf32>
      %add3A_415 = arith.addf %mul3A_410, %mul3A_414 : vector<16xf32>
      %reduce_sum3A_416 = arith.constant true
      %reduce_sum3A_417 = vector.broadcast %reduce_sum3A_416 : i1 to vector<16xi1>
      %reduce_sum3A_418 = tpu.scan <sum>, %add3A_415 masked %reduce_sum3A_417 : vector<16xf32>, vector<16xi1> -> vector<16xf32>
      %reduce_sum3A_419 = vector.extract %reduce_sum3A_418[15] : f32 from vector<16xf32>
      %eq3A_420 = arith.constant 1 : i32
      %eq3A_421 = vector.broadcast %eq3A_420 : i32 to vector<16xi32>
      %eq3A_422 = arith.cmpi eq, %iota3A, %eq3A_421 : vector<16xi32>
      %broadcast_in_dim3A_423 = vector.broadcast %reduce_sum3A_406 : f32 to vector<16xf32>
      %select_n3A_424 = arith.select %eq3A_422, %broadcast_in_dim3A_423, %select_n3A_303 : vector<16xi1>, vector<16xf32>
      %broadcast_in_dim3A_425 = vector.broadcast %reduce_sum3A_419 : f32 to vector<16xf32>
      %select_n3A_426 = arith.select %eq3A_422, %broadcast_in_dim3A_425, %select_n3A_305 : vector<16xi1>, vector<16xf32>
      %mul3A_427 = arith.constant 16 : i32
      %mul3A_428 = arith.muli %scan3A_175, %mul3A_427 : i32
      %add3A_429 = arith.constant 2 : i32
      %add3A_430 = arith.addi %mul3A_428, %add3A_429 : i32
      %slice3A_431 = vector.extract_strided_slice %get3A_185 {offsets = [2], sizes = [1], strides = [1]} : vector<16xi32> to vector<1xi32>
      %squeeze3A_432 = vector.extract %slice3A_431[0] : i32 from vector<1xi32>
      %get3A_433 = arith.index_cast %add3A_430 : i32 to index
      %get3A_434 = arith.constant 0 : index
      %get3A_435 = tpu.vector_load %arg16[%get3A_433, %get3A_434] {strides = array<i32>} : memref<256x128xf32, #tpu.memory_space<vmem>>, vector<16xf32>,
      %get3A_436 = arith.index_cast %add3A_430 : i32 to index
      %get3A_437 = arith.constant 16 : index
      %get3A_438 = tpu.vector_load %arg16[%get3A_436, %get3A_437] {strides = array<i32>} : memref<256x128xf32, #tpu.memory_space<vmem>>, vector<16xf32>,
      %get3A_439 = arith.index_cast %add3A_430 : i32 to index
      %get3A_440 = arith.constant 32 : index
      %get3A_441 = tpu.vector_load %arg16[%get3A_439, %get3A_440] {strides = array<i32>} : memref<256x128xf32, #tpu.memory_space<vmem>>, vector<16xf32>,
      %get3A_442 = arith.index_cast %add3A_430 : i32 to index
      %get3A_443 = arith.constant 48 : index
      %get3A_444 = tpu.vector_load %arg16[%get3A_442, %get3A_443] {strides = array<i32>} : memref<256x128xf32, #tpu.memory_space<vmem>>, vector<16xf32>,
      %get3A_445 = arith.index_cast %add3A_430 : i32 to index
      %get3A_446 = arith.constant 64 : index
      %get3A_447 = tpu.vector_load %arg16[%get3A_445, %get3A_446] {strides = array<i32>} : memref<256x128xf32, #tpu.memory_space<vmem>>, vector<16xf32>,
      %get3A_448 = arith.index_cast %add3A_430 : i32 to index
      %get3A_449 = arith.constant 80 : index
      %get3A_450 = tpu.vector_load %arg16[%get3A_448, %get3A_449] {strides = array<i32>} : memref<256x128xf32, #tpu.memory_space<vmem>>, vector<16xf32>,
      %get3A_451 = arith.index_cast %add3A_430 : i32 to index
      %get3A_452 = arith.constant 96 : index
      %get3A_453 = tpu.vector_load %arg16[%get3A_451, %get3A_452] {strides = array<i32>} : memref<256x128xf32, #tpu.memory_space<vmem>>, vector<16xf32>,
      %get3A_454 = arith.index_cast %add3A_430 : i32 to index
      %get3A_455 = arith.constant 112 : index
      %get3A_456 = tpu.vector_load %arg16[%get3A_454, %get3A_455] {strides = array<i32>} : memref<256x128xf32, #tpu.memory_space<vmem>>, vector<16xf32>,
      %eq3A_457 = arith.constant 0 : i32
      %eq3A_458 = arith.cmpi eq, %squeeze3A_432, %eq3A_457 : i32
      %eq3A_459 = arith.constant 1 : i32
      %eq3A_460 = arith.cmpi eq, %squeeze3A_432, %eq3A_459 : i32
      %eq3A_461 = arith.constant 2 : i32
      %eq3A_462 = arith.cmpi eq, %squeeze3A_432, %eq3A_461 : i32
      %select_n3A_463 = arith.select %eq3A_462, %get3A_447, %get3A_453 : vector<16xf32>
      %select_n3A_464 = arith.select %eq3A_460, %get3A_441, %select_n3A_463 : vector<16xf32>
      %select_n3A_465 = arith.select %eq3A_458, %get3A_435, %select_n3A_464 : vector<16xf32>
      %eq3A_466 = arith.constant 0 : i32
      %eq3A_467 = arith.cmpi eq, %squeeze3A_432, %eq3A_466 : i32
      %eq3A_468 = arith.constant 1 : i32
      %eq3A_469 = arith.cmpi eq, %squeeze3A_432, %eq3A_468 : i32
      %eq3A_470 = arith.constant 2 : i32
      %eq3A_471 = arith.cmpi eq, %squeeze3A_432, %eq3A_470 : i32
      %select_n3A_472 = arith.select %eq3A_471, %get3A_450, %get3A_456 : vector<16xf32>
      %select_n3A_473 = arith.select %eq3A_469, %get3A_444, %select_n3A_472 : vector<16xf32>
      %select_n3A_474 = arith.select %eq3A_467, %get3A_438, %select_n3A_473 : vector<16xf32>
      %slice3A_475 = vector.extract_strided_slice %get3A_187 {offsets = [2], sizes = [1], strides = [1]} : vector<16xi32> to vector<1xi32>
      %squeeze3A_476 = vector.extract %slice3A_475[0] : i32 from vector<1xi32>
      %get3A_477 = arith.index_cast %add3A_430 : i32 to index
      %get3A_478 = arith.constant 0 : index
      %get3A_479 = tpu.vector_load %arg17[%get3A_477, %get3A_478] {strides = array<i32>} : memref<256x128xf32, #tpu.memory_space<vmem>>, vector<16xf32>,
      %get3A_480 = arith.index_cast %add3A_430 : i32 to index
      %get3A_481 = arith.constant 16 : index
      %get3A_482 = tpu.vector_load %arg17[%get3A_480, %get3A_481] {strides = array<i32>} : memref<256x128xf32, #tpu.memory_space<vmem>>, vector<16xf32>,
      %get3A_483 = arith.index_cast %add3A_430 : i32 to index
      %get3A_484 = arith.constant 32 : index
      %get3A_485 = tpu.vector_load %arg17[%get3A_483, %get3A_484] {strides = array<i32>} : memref<256x128xf32, #tpu.memory_space<vmem>>, vector<16xf32>,
      %get3A_486 = arith.index_cast %add3A_430 : i32 to index
      %get3A_487 = arith.constant 48 : index
      %get3A_488 = tpu.vector_load %arg17[%get3A_486, %get3A_487] {strides = array<i32>} : memref<256x128xf32, #tpu.memory_space<vmem>>, vector<16xf32>,
      %get3A_489 = arith.index_cast %add3A_430 : i32 to index
      %get3A_490 = arith.constant 64 : index
      %get3A_491 = tpu.vector_load %arg17[%get3A_489, %get3A_490] {strides = array<i32>} : memref<256x128xf32, #tpu.memory_space<vmem>>, vector<16xf32>,
      %get3A_492 = arith.index_cast %add3A_430 : i32 to index
      %get3A_493 = arith.constant 80 : index
      %get3A_494 = tpu.vector_load %arg17[%get3A_492, %get3A_493] {strides = array<i32>} : memref<256x128xf32, #tpu.memory_space<vmem>>, vector<16xf32>,
      %get3A_495 = arith.index_cast %add3A_430 : i32 to index
      %get3A_496 = arith.constant 96 : index
      %get3A_497 = tpu.vector_load %arg17[%get3A_495, %get3A_496] {strides = array<i32>} : memref<256x128xf32, #tpu.memory_space<vmem>>, vector<16xf32>,
      %get3A_498 = arith.index_cast %add3A_430 : i32 to index
      %get3A_499 = arith.constant 112 : index
      %get3A_500 = tpu.vector_load %arg17[%get3A_498, %get3A_499] {strides = array<i32>} : memref<256x128xf32, #tpu.memory_space<vmem>>, vector<16xf32>,
      %eq3A_501 = arith.constant 0 : i32
      %eq3A_502 = arith.cmpi eq, %squeeze3A_476, %eq3A_501 : i32
      %eq3A_503 = arith.constant 1 : i32
      %eq3A_504 = arith.cmpi eq, %squeeze3A_476, %eq3A_503 : i32
      %eq3A_505 = arith.constant 2 : i32
      %eq3A_506 = arith.cmpi eq, %squeeze3A_476, %eq3A_505 : i32
      %select_n3A_507 = arith.select %eq3A_506, %get3A_491, %get3A_497 : vector<16xf32>
      %select_n3A_508 = arith.select %eq3A_504, %get3A_485, %select_n3A_507 : vector<16xf32>
      %select_n3A_509 = arith.select %eq3A_502, %get3A_479, %select_n3A_508 : vector<16xf32>
      %eq3A_510 = arith.constant 0 : i32
      %eq3A_511 = arith.cmpi eq, %squeeze3A_476, %eq3A_510 : i32
      %eq3A_512 = arith.constant 1 : i32
      %eq3A_513 = arith.cmpi eq, %squeeze3A_476, %eq3A_512 : i32
      %eq3A_514 = arith.constant 2 : i32
      %eq3A_515 = arith.cmpi eq, %squeeze3A_476, %eq3A_514 : i32
      %select_n3A_516 = arith.select %eq3A_515, %get3A_494, %get3A_500 : vector<16xf32>
      %select_n3A_517 = arith.select %eq3A_513, %get3A_488, %select_n3A_516 : vector<16xf32>
      %select_n3A_518 = arith.select %eq3A_511, %get3A_482, %select_n3A_517 : vector<16xf32>
      %sub3A_519 = arith.subf %select_n3A_465, %select_n3A_509 : vector<16xf32>
      %sub3A_520 = arith.subf %select_n3A_474, %select_n3A_518 : vector<16xf32>
      %mul3A_521 = arith.mulf %sub3A_519, %sub3A_519 : vector<16xf32>
      %mul3A_522 = arith.mulf %sub3A_520, %sub3A_520 : vector<16xf32>
      %add3A_523 = arith.addf %mul3A_521, %mul3A_522 : vector<16xf32>
      %reduce_sum3A_524 = arith.constant true
      %reduce_sum3A_525 = vector.broadcast %reduce_sum3A_524 : i1 to vector<16xi1>
      %reduce_sum3A_526 = tpu.scan <sum>, %add3A_523 masked %reduce_sum3A_525 : vector<16xf32>, vector<16xi1> -> vector<16xf32>
      %reduce_sum3A_527 = vector.extract %reduce_sum3A_526[15] : f32 from vector<16xf32>
      %mul3A_528 = arith.mulf %select_n3A_465, %select_n3A_465 : vector<16xf32>
      %mul3A_529 = arith.mulf %select_n3A_509, %select_n3A_509 : vector<16xf32>
      %add3A_530 = arith.addf %mul3A_528, %mul3A_529 : vector<16xf32>
      %mul3A_531 = arith.mulf %add3A_530, %get3A_177 : vector<16xf32>
      %mul3A_532 = arith.mulf %select_n3A_474, %select_n3A_474 : vector<16xf32>
      %mul3A_533 = arith.mulf %select_n3A_518, %select_n3A_518 : vector<16xf32>
      %add3A_534 = arith.addf %mul3A_532, %mul3A_533 : vector<16xf32>
      %mul3A_535 = arith.mulf %add3A_534, %get3A_179 : vector<16xf32>
      %add3A_536 = arith.addf %mul3A_531, %mul3A_535 : vector<16xf32>
      %reduce_sum3A_537 = arith.constant true
      %reduce_sum3A_538 = vector.broadcast %reduce_sum3A_537 : i1 to vector<16xi1>
      %reduce_sum3A_539 = tpu.scan <sum>, %add3A_536 masked %reduce_sum3A_538 : vector<16xf32>, vector<16xi1> -> vector<16xf32>
      %reduce_sum3A_540 = vector.extract %reduce_sum3A_539[15] : f32 from vector<16xf32>
      %eq3A_541 = arith.constant 2 : i32
      %eq3A_542 = vector.broadcast %eq3A_541 : i32 to vector<16xi32>
      %eq3A_543 = arith.cmpi eq, %iota3A, %eq3A_542 : vector<16xi32>
      %broadcast_in_dim3A_544 = vector.broadcast %reduce_sum3A_527 : f32 to vector<16xf32>
      %select_n3A_545 = arith.select %eq3A_543, %broadcast_in_dim3A_544, %select_n3A_424 : vector<16xi1>, vector<16xf32>
      %broadcast_in_dim3A_546 = vector.broadcast %reduce_sum3A_540 : f32 to vector<16xf32>
      %select_n3A_547 = arith.select %eq3A_543, %broadcast_in_dim3A_546, %select_n3A_426 : vector<16xi1>, vector<16xf32>
      %mul3A_548 = arith.constant 16 : i32
      %mul3A_549 = arith.muli %scan3A_175, %mul3A_548 : i32
      %add3A_550 = arith.constant 3 : i32
      %add3A_551 = arith.addi %mul3A_549, %add3A_550 : i32
      %slice3A_552 = vector.extract_strided_slice %get3A_185 {offsets = [3], sizes = [1], strides = [1]} : vector<16xi32> to vector<1xi32>
      %squeeze3A_553 = vector.extract %slice3A_552[0] : i32 from vector<1xi32>
      %get3A_554 = arith.index_cast %add3A_551 : i32 to index
      %get3A_555 = arith.constant 0 : index
      %get3A_556 = tpu.vector_load %arg16[%get3A_554, %get3A_555] {strides = array<i32>} : memref<256x128xf32, #tpu.memory_space<vmem>>, vector<16xf32>,
      %get3A_557 = arith.index_cast %add3A_551 : i32 to index
      %get3A_558 = arith.constant 16 : index
      %get3A_559 = tpu.vector_load %arg16[%get3A_557, %get3A_558] {strides = array<i32>} : memref<256x128xf32, #tpu.memory_space<vmem>>, vector<16xf32>,
      %get3A_560 = arith.index_cast %add3A_551 : i32 to index
      %get3A_561 = arith.constant 32 : index
      %get3A_562 = tpu.vector_load %arg16[%get3A_560, %get3A_561] {strides = array<i32>} : memref<256x128xf32, #tpu.memory_space<vmem>>, vector<16xf32>,
      %get3A_563 = arith.index_cast %add3A_551 : i32 to index
      %get3A_564 = arith.constant 48 : index
      %get3A_565 = tpu.vector_load %arg16[%get3A_563, %get3A_564] {strides = array<i32>} : memref<256x128xf32, #tpu.memory_space<vmem>>, vector<16xf32>,
      %get3A_566 = arith.index_cast %add3A_551 : i32 to index
      %get3A_567 = arith.constant 64 : index
      %get3A_568 = tpu.vector_load %arg16[%get3A_566, %get3A_567] {strides = array<i32>} : memref<256x128xf32, #tpu.memory_space<vmem>>, vector<16xf32>,
      %get3A_569 = arith.index_cast %add3A_551 : i32 to index
      %get3A_570 = arith.constant 80 : index
      %get3A_571 = tpu.vector_load %arg16[%get3A_569, %get3A_570] {strides = array<i32>} : memref<256x128xf32, #tpu.memory_space<vmem>>, vector<16xf32>,
      %get3A_572 = arith.index_cast %add3A_551 : i32 to index
      %get3A_573 = arith.constant 96 : index
      %get3A_574 = tpu.vector_load %arg16[%get3A_572, %get3A_573] {strides = array<i32>} : memref<256x128xf32, #tpu.memory_space<vmem>>, vector<16xf32>,
      %get3A_575 = arith.index_cast %add3A_551 : i32 to index
      %get3A_576 = arith.constant 112 : index
      %get3A_577 = tpu.vector_load %arg16[%get3A_575, %get3A_576] {strides = array<i32>} : memref<256x128xf32, #tpu.memory_space<vmem>>, vector<16xf32>,
      %eq3A_578 = arith.constant 0 : i32
      %eq3A_579 = arith.cmpi eq, %squeeze3A_553, %eq3A_578 : i32
      %eq3A_580 = arith.constant 1 : i32
      %eq3A_581 = arith.cmpi eq, %squeeze3A_553, %eq3A_580 : i32
      %eq3A_582 = arith.constant 2 : i32
      %eq3A_583 = arith.cmpi eq, %squeeze3A_553, %eq3A_582 : i32
      %select_n3A_584 = arith.select %eq3A_583, %get3A_568, %get3A_574 : vector<16xf32>
      %select_n3A_585 = arith.select %eq3A_581, %get3A_562, %select_n3A_584 : vector<16xf32>
      %select_n3A_586 = arith.select %eq3A_579, %get3A_556, %select_n3A_585 : vector<16xf32>
      %eq3A_587 = arith.constant 0 : i32
      %eq3A_588 = arith.cmpi eq, %squeeze3A_553, %eq3A_587 : i32
      %eq3A_589 = arith.constant 1 : i32
      %eq3A_590 = arith.cmpi eq, %squeeze3A_553, %eq3A_589 : i32
      %eq3A_591 = arith.constant 2 : i32
      %eq3A_592 = arith.cmpi eq, %squeeze3A_553, %eq3A_591 : i32
      %select_n3A_593 = arith.select %eq3A_592, %get3A_571, %get3A_577 : vector<16xf32>
      %select_n3A_594 = arith.select %eq3A_590, %get3A_565, %select_n3A_593 : vector<16xf32>
      %select_n3A_595 = arith.select %eq3A_588, %get3A_559, %select_n3A_594 : vector<16xf32>
      %slice3A_596 = vector.extract_strided_slice %get3A_187 {offsets = [3], sizes = [1], strides = [1]} : vector<16xi32> to vector<1xi32>
      %squeeze3A_597 = vector.extract %slice3A_596[0] : i32 from vector<1xi32>
      %get3A_598 = arith.index_cast %add3A_551 : i32 to index
      %get3A_599 = arith.constant 0 : index
      %get3A_600 = tpu.vector_load %arg17[%get3A_598, %get3A_599] {strides = array<i32>} : memref<256x128xf32, #tpu.memory_space<vmem>>, vector<16xf32>,
      %get3A_601 = arith.index_cast %add3A_551 : i32 to index
      %get3A_602 = arith.constant 16 : index
      %get3A_603 = tpu.vector_load %arg17[%get3A_601, %get3A_602] {strides = array<i32>} : memref<256x128xf32, #tpu.memory_space<vmem>>, vector<16xf32>,
      %get3A_604 = arith.index_cast %add3A_551 : i32 to index
      %get3A_605 = arith.constant 32 : index
      %get3A_606 = tpu.vector_load %arg17[%get3A_604, %get3A_605] {strides = array<i32>} : memref<256x128xf32, #tpu.memory_space<vmem>>, vector<16xf32>,
      %get3A_607 = arith.index_cast %add3A_551 : i32 to index
      %get3A_608 = arith.constant 48 : index
      %get3A_609 = tpu.vector_load %arg17[%get3A_607, %get3A_608] {strides = array<i32>} : memref<256x128xf32, #tpu.memory_space<vmem>>, vector<16xf32>,
      %get3A_610 = arith.index_cast %add3A_551 : i32 to index
      %get3A_611 = arith.constant 64 : index
      %get3A_612 = tpu.vector_load %arg17[%get3A_610, %get3A_611] {strides = array<i32>} : memref<256x128xf32, #tpu.memory_space<vmem>>, vector<16xf32>,
      %get3A_613 = arith.index_cast %add3A_551 : i32 to index
      %get3A_614 = arith.constant 80 : index
      %get3A_615 = tpu.vector_load %arg17[%get3A_613, %get3A_614] {strides = array<i32>} : memref<256x128xf32, #tpu.memory_space<vmem>>, vector<16xf32>,
      %get3A_616 = arith.index_cast %add3A_551 : i32 to index
      %get3A_617 = arith.constant 96 : index
      %get3A_618 = tpu.vector_load %arg17[%get3A_616, %get3A_617] {strides = array<i32>} : memref<256x128xf32, #tpu.memory_space<vmem>>, vector<16xf32>,
      %get3A_619 = arith.index_cast %add3A_551 : i32 to index
      %get3A_620 = arith.constant 112 : index
      %get3A_621 = tpu.vector_load %arg17[%get3A_619, %get3A_620] {strides = array<i32>} : memref<256x128xf32, #tpu.memory_space<vmem>>, vector<16xf32>,
      %eq3A_622 = arith.constant 0 : i32
      %eq3A_623 = arith.cmpi eq, %squeeze3A_597, %eq3A_622 : i32
      %eq3A_624 = arith.constant 1 : i32
      %eq3A_625 = arith.cmpi eq, %squeeze3A_597, %eq3A_624 : i32
      %eq3A_626 = arith.constant 2 : i32
      %eq3A_627 = arith.cmpi eq, %squeeze3A_597, %eq3A_626 : i32
      %select_n3A_628 = arith.select %eq3A_627, %get3A_612, %get3A_618 : vector<16xf32>
      %select_n3A_629 = arith.select %eq3A_625, %get3A_606, %select_n3A_628 : vector<16xf32>
      %select_n3A_630 = arith.select %eq3A_623, %get3A_600, %select_n3A_629 : vector<16xf32>
      %eq3A_631 = arith.constant 0 : i32
      %eq3A_632 = arith.cmpi eq, %squeeze3A_597, %eq3A_631 : i32
      %eq3A_633 = arith.constant 1 : i32
      %eq3A_634 = arith.cmpi eq, %squeeze3A_597, %eq3A_633 : i32
      %eq3A_635 = arith.constant 2 : i32
      %eq3A_636 = arith.cmpi eq, %squeeze3A_597, %eq3A_635 : i32
      %select_n3A_637 = arith.select %eq3A_636, %get3A_615, %get3A_621 : vector<16xf32>
      %select_n3A_638 = arith.select %eq3A_634, %get3A_609, %select_n3A_637 : vector<16xf32>
      %select_n3A_639 = arith.select %eq3A_632, %get3A_603, %select_n3A_638 : vector<16xf32>
      %sub3A_640 = arith.subf %select_n3A_586, %select_n3A_630 : vector<16xf32>
      %sub3A_641 = arith.subf %select_n3A_595, %select_n3A_639 : vector<16xf32>
      %mul3A_642 = arith.mulf %sub3A_640, %sub3A_640 : vector<16xf32>
      %mul3A_643 = arith.mulf %sub3A_641, %sub3A_641 : vector<16xf32>
      %add3A_644 = arith.addf %mul3A_642, %mul3A_643 : vector<16xf32>
      %reduce_sum3A_645 = arith.constant true
      %reduce_sum3A_646 = vector.broadcast %reduce_sum3A_645 : i1 to vector<16xi1>
      %reduce_sum3A_647 = tpu.scan <sum>, %add3A_644 masked %reduce_sum3A_646 : vector<16xf32>, vector<16xi1> -> vector<16xf32>
      %reduce_sum3A_648 = vector.extract %reduce_sum3A_647[15] : f32 from vector<16xf32>
      %mul3A_649 = arith.mulf %select_n3A_586, %select_n3A_586 : vector<16xf32>
      %mul3A_650 = arith.mulf %select_n3A_630, %select_n3A_630 : vector<16xf32>
      %add3A_651 = arith.addf %mul3A_649, %mul3A_650 : vector<16xf32>
      %mul3A_652 = arith.mulf %add3A_651, %get3A_177 : vector<16xf32>
      %mul3A_653 = arith.mulf %select_n3A_595, %select_n3A_595 : vector<16xf32>
      %mul3A_654 = arith.mulf %select_n3A_639, %select_n3A_639 : vector<16xf32>
      %add3A_655 = arith.addf %mul3A_653, %mul3A_654 : vector<16xf32>
      %mul3A_656 = arith.mulf %add3A_655, %get3A_179 : vector<16xf32>
      %add3A_657 = arith.addf %mul3A_652, %mul3A_656 : vector<16xf32>
      %reduce_sum3A_658 = arith.constant true
      %reduce_sum3A_659 = vector.broadcast %reduce_sum3A_658 : i1 to vector<16xi1>
      %reduce_sum3A_660 = tpu.scan <sum>, %add3A_657 masked %reduce_sum3A_659 : vector<16xf32>, vector<16xi1> -> vector<16xf32>
      %reduce_sum3A_661 = vector.extract %reduce_sum3A_660[15] : f32 from vector<16xf32>
      %eq3A_662 = arith.constant 3 : i32
      %eq3A_663 = vector.broadcast %eq3A_662 : i32 to vector<16xi32>
      %eq3A_664 = arith.cmpi eq, %iota3A, %eq3A_663 : vector<16xi32>
      %broadcast_in_dim3A_665 = vector.broadcast %reduce_sum3A_648 : f32 to vector<16xf32>
      %select_n3A_666 = arith.select %eq3A_664, %broadcast_in_dim3A_665, %select_n3A_545 : vector<16xi1>, vector<16xf32>
      %broadcast_in_dim3A_667 = vector.broadcast %reduce_sum3A_661 : f32 to vector<16xf32>
      %select_n3A_668 = arith.select %eq3A_664, %broadcast_in_dim3A_667, %select_n3A_547 : vector<16xi1>, vector<16xf32>
      %mul3A_669 = arith.constant 16 : i32
      %mul3A_670 = arith.muli %scan3A_175, %mul3A_669 : i32
      %add3A_671 = arith.constant 4 : i32
      %add3A_672 = arith.addi %mul3A_670, %add3A_671 : i32
      %slice3A_673 = vector.extract_strided_slice %get3A_185 {offsets = [4], sizes = [1], strides = [1]} : vector<16xi32> to vector<1xi32>
      %squeeze3A_674 = vector.extract %slice3A_673[0] : i32 from vector<1xi32>
      %get3A_675 = arith.index_cast %add3A_672 : i32 to index
      %get3A_676 = arith.constant 0 : index
      %get3A_677 = tpu.vector_load %arg16[%get3A_675, %get3A_676] {strides = array<i32>} : memref<256x128xf32, #tpu.memory_space<vmem>>, vector<16xf32>,
      %get3A_678 = arith.index_cast %add3A_672 : i32 to index
      %get3A_679 = arith.constant 16 : index
      %get3A_680 = tpu.vector_load %arg16[%get3A_678, %get3A_679] {strides = array<i32>} : memref<256x128xf32, #tpu.memory_space<vmem>>, vector<16xf32>,
      %get3A_681 = arith.index_cast %add3A_672 : i32 to index
      %get3A_682 = arith.constant 32 : index
      %get3A_683 = tpu.vector_load %arg16[%get3A_681, %get3A_682] {strides = array<i32>} : memref<256x128xf32, #tpu.memory_space<vmem>>, vector<16xf32>,
      %get3A_684 = arith.index_cast %add3A_672 : i32 to index
      %get3A_685 = arith.constant 48 : index
      %get3A_686 = tpu.vector_load %arg16[%get3A_684, %get3A_685] {strides = array<i32>} : memref<256x128xf32, #tpu.memory_space<vmem>>, vector<16xf32>,
      %get3A_687 = arith.index_cast %add3A_672 : i32 to index
      %get3A_688 = arith.constant 64 : index
      %get3A_689 = tpu.vector_load %arg16[%get3A_687, %get3A_688] {strides = array<i32>} : memref<256x128xf32, #tpu.memory_space<vmem>>, vector<16xf32>,
      %get3A_690 = arith.index_cast %add3A_672 : i32 to index
      %get3A_691 = arith.constant 80 : index
      %get3A_692 = tpu.vector_load %arg16[%get3A_690, %get3A_691] {strides = array<i32>} : memref<256x128xf32, #tpu.memory_space<vmem>>, vector<16xf32>,
      %get3A_693 = arith.index_cast %add3A_672 : i32 to index
      %get3A_694 = arith.constant 96 : index
      %get3A_695 = tpu.vector_load %arg16[%get3A_693, %get3A_694] {strides = array<i32>} : memref<256x128xf32, #tpu.memory_space<vmem>>, vector<16xf32>,
      %get3A_696 = arith.index_cast %add3A_672 : i32 to index
      %get3A_697 = arith.constant 112 : index
      %get3A_698 = tpu.vector_load %arg16[%get3A_696, %get3A_697] {strides = array<i32>} : memref<256x128xf32, #tpu.memory_space<vmem>>, vector<16xf32>,
      %eq3A_699 = arith.constant 0 : i32
      %eq3A_700 = arith.cmpi eq, %squeeze3A_674, %eq3A_699 : i32
      %eq3A_701 = arith.constant 1 : i32
      %eq3A_702 = arith.cmpi eq, %squeeze3A_674, %eq3A_701 : i32
      %eq3A_703 = arith.constant 2 : i32
      %eq3A_704 = arith.cmpi eq, %squeeze3A_674, %eq3A_703 : i32
      %select_n3A_705 = arith.select %eq3A_704, %get3A_689, %get3A_695 : vector<16xf32>
      %select_n3A_706 = arith.select %eq3A_702, %get3A_683, %select_n3A_705 : vector<16xf32>
      %select_n3A_707 = arith.select %eq3A_700, %get3A_677, %select_n3A_706 : vector<16xf32>
      %eq3A_708 = arith.constant 0 : i32
      %eq3A_709 = arith.cmpi eq, %squeeze3A_674, %eq3A_708 : i32
      %eq3A_710 = arith.constant 1 : i32
      %eq3A_711 = arith.cmpi eq, %squeeze3A_674, %eq3A_710 : i32
      %eq3A_712 = arith.constant 2 : i32
      %eq3A_713 = arith.cmpi eq, %squeeze3A_674, %eq3A_712 : i32
      %select_n3A_714 = arith.select %eq3A_713, %get3A_692, %get3A_698 : vector<16xf32>
      %select_n3A_715 = arith.select %eq3A_711, %get3A_686, %select_n3A_714 : vector<16xf32>
      %select_n3A_716 = arith.select %eq3A_709, %get3A_680, %select_n3A_715 : vector<16xf32>
      %slice3A_717 = vector.extract_strided_slice %get3A_187 {offsets = [4], sizes = [1], strides = [1]} : vector<16xi32> to vector<1xi32>
      %squeeze3A_718 = vector.extract %slice3A_717[0] : i32 from vector<1xi32>
      %get3A_719 = arith.index_cast %add3A_672 : i32 to index
      %get3A_720 = arith.constant 0 : index
      %get3A_721 = tpu.vector_load %arg17[%get3A_719, %get3A_720] {strides = array<i32>} : memref<256x128xf32, #tpu.memory_space<vmem>>, vector<16xf32>,
      %get3A_722 = arith.index_cast %add3A_672 : i32 to index
      %get3A_723 = arith.constant 16 : index
      %get3A_724 = tpu.vector_load %arg17[%get3A_722, %get3A_723] {strides = array<i32>} : memref<256x128xf32, #tpu.memory_space<vmem>>, vector<16xf32>,
      %get3A_725 = arith.index_cast %add3A_672 : i32 to index
      %get3A_726 = arith.constant 32 : index
      %get3A_727 = tpu.vector_load %arg17[%get3A_725, %get3A_726] {strides = array<i32>} : memref<256x128xf32, #tpu.memory_space<vmem>>, vector<16xf32>,
      %get3A_728 = arith.index_cast %add3A_672 : i32 to index
      %get3A_729 = arith.constant 48 : index
      %get3A_730 = tpu.vector_load %arg17[%get3A_728, %get3A_729] {strides = array<i32>} : memref<256x128xf32, #tpu.memory_space<vmem>>, vector<16xf32>,
      %get3A_731 = arith.index_cast %add3A_672 : i32 to index
      %get3A_732 = arith.constant 64 : index
      %get3A_733 = tpu.vector_load %arg17[%get3A_731, %get3A_732] {strides = array<i32>} : memref<256x128xf32, #tpu.memory_space<vmem>>, vector<16xf32>,
      %get3A_734 = arith.index_cast %add3A_672 : i32 to index
      %get3A_735 = arith.constant 80 : index
      %get3A_736 = tpu.vector_load %arg17[%get3A_734, %get3A_735] {strides = array<i32>} : memref<256x128xf32, #tpu.memory_space<vmem>>, vector<16xf32>,
      %get3A_737 = arith.index_cast %add3A_672 : i32 to index
      %get3A_738 = arith.constant 96 : index
      %get3A_739 = tpu.vector_load %arg17[%get3A_737, %get3A_738] {strides = array<i32>} : memref<256x128xf32, #tpu.memory_space<vmem>>, vector<16xf32>,
      %get3A_740 = arith.index_cast %add3A_672 : i32 to index
      %get3A_741 = arith.constant 112 : index
      %get3A_742 = tpu.vector_load %arg17[%get3A_740, %get3A_741] {strides = array<i32>} : memref<256x128xf32, #tpu.memory_space<vmem>>, vector<16xf32>,
      %eq3A_743 = arith.constant 0 : i32
      %eq3A_744 = arith.cmpi eq, %squeeze3A_718, %eq3A_743 : i32
      %eq3A_745 = arith.constant 1 : i32
      %eq3A_746 = arith.cmpi eq, %squeeze3A_718, %eq3A_745 : i32
      %eq3A_747 = arith.constant 2 : i32
      %eq3A_748 = arith.cmpi eq, %squeeze3A_718, %eq3A_747 : i32
      %select_n3A_749 = arith.select %eq3A_748, %get3A_733, %get3A_739 : vector<16xf32>
      %select_n3A_750 = arith.select %eq3A_746, %get3A_727, %select_n3A_749 : vector<16xf32>
      %select_n3A_751 = arith.select %eq3A_744, %get3A_721, %select_n3A_750 : vector<16xf32>
      %eq3A_752 = arith.constant 0 : i32
      %eq3A_753 = arith.cmpi eq, %squeeze3A_718, %eq3A_752 : i32
      %eq3A_754 = arith.constant 1 : i32
      %eq3A_755 = arith.cmpi eq, %squeeze3A_718, %eq3A_754 : i32
      %eq3A_756 = arith.constant 2 : i32
      %eq3A_757 = arith.cmpi eq, %squeeze3A_718, %eq3A_756 : i32
      %select_n3A_758 = arith.select %eq3A_757, %get3A_736, %get3A_742 : vector<16xf32>
      %select_n3A_759 = arith.select %eq3A_755, %get3A_730, %select_n3A_758 : vector<16xf32>
      %select_n3A_760 = arith.select %eq3A_753, %get3A_724, %select_n3A_759 : vector<16xf32>
      %sub3A_761 = arith.subf %select_n3A_707, %select_n3A_751 : vector<16xf32>
      %sub3A_762 = arith.subf %select_n3A_716, %select_n3A_760 : vector<16xf32>
      %mul3A_763 = arith.mulf %sub3A_761, %sub3A_761 : vector<16xf32>
      %mul3A_764 = arith.mulf %sub3A_762, %sub3A_762 : vector<16xf32>
      %add3A_765 = arith.addf %mul3A_763, %mul3A_764 : vector<16xf32>
      %reduce_sum3A_766 = arith.constant true
      %reduce_sum3A_767 = vector.broadcast %reduce_sum3A_766 : i1 to vector<16xi1>
      %reduce_sum3A_768 = tpu.scan <sum>, %add3A_765 masked %reduce_sum3A_767 : vector<16xf32>, vector<16xi1> -> vector<16xf32>
      %reduce_sum3A_769 = vector.extract %reduce_sum3A_768[15] : f32 from vector<16xf32>
      %mul3A_770 = arith.mulf %select_n3A_707, %select_n3A_707 : vector<16xf32>
      %mul3A_771 = arith.mulf %select_n3A_751, %select_n3A_751 : vector<16xf32>
      %add3A_772 = arith.addf %mul3A_770, %mul3A_771 : vector<16xf32>
      %mul3A_773 = arith.mulf %add3A_772, %get3A_177 : vector<16xf32>
      %mul3A_774 = arith.mulf %select_n3A_716, %select_n3A_716 : vector<16xf32>
      %mul3A_775 = arith.mulf %select_n3A_760, %select_n3A_760 : vector<16xf32>
      %add3A_776 = arith.addf %mul3A_774, %mul3A_775 : vector<16xf32>
      %mul3A_777 = arith.mulf %add3A_776, %get3A_179 : vector<16xf32>
      %add3A_778 = arith.addf %mul3A_773, %mul3A_777 : vector<16xf32>
      %reduce_sum3A_779 = arith.constant true
      %reduce_sum3A_780 = vector.broadcast %reduce_sum3A_779 : i1 to vector<16xi1>
      %reduce_sum3A_781 = tpu.scan <sum>, %add3A_778 masked %reduce_sum3A_780 : vector<16xf32>, vector<16xi1> -> vector<16xf32>
      %reduce_sum3A_782 = vector.extract %reduce_sum3A_781[15] : f32 from vector<16xf32>
      %eq3A_783 = arith.constant 4 : i32
      %eq3A_784 = vector.broadcast %eq3A_783 : i32 to vector<16xi32>
      %eq3A_785 = arith.cmpi eq, %iota3A, %eq3A_784 : vector<16xi32>
      %broadcast_in_dim3A_786 = vector.broadcast %reduce_sum3A_769 : f32 to vector<16xf32>
      %select_n3A_787 = arith.select %eq3A_785, %broadcast_in_dim3A_786, %select_n3A_666 : vector<16xi1>, vector<16xf32>
      %broadcast_in_dim3A_788 = vector.broadcast %reduce_sum3A_782 : f32 to vector<16xf32>
      %select_n3A_789 = arith.select %eq3A_785, %broadcast_in_dim3A_788, %select_n3A_668 : vector<16xi1>, vector<16xf32>
      %mul3A_790 = arith.constant 16 : i32
      %mul3A_791 = arith.muli %scan3A_175, %mul3A_790 : i32
      %add3A_792 = arith.constant 5 : i32
      %add3A_793 = arith.addi %mul3A_791, %add3A_792 : i32
      %slice3A_794 = vector.extract_strided_slice %get3A_185 {offsets = [5], sizes = [1], strides = [1]} : vector<16xi32> to vector<1xi32>
      %squeeze3A_795 = vector.extract %slice3A_794[0] : i32 from vector<1xi32>
      %get3A_796 = arith.index_cast %add3A_793 : i32 to index
      %get3A_797 = arith.constant 0 : index
      %get3A_798 = tpu.vector_load %arg16[%get3A_796, %get3A_797] {strides = array<i32>} : memref<256x128xf32, #tpu.memory_space<vmem>>, vector<16xf32>,
      %get3A_799 = arith.index_cast %add3A_793 : i32 to index
      %get3A_800 = arith.constant 16 : index
      %get3A_801 = tpu.vector_load %arg16[%get3A_799, %get3A_800] {strides = array<i32>} : memref<256x128xf32, #tpu.memory_space<vmem>>, vector<16xf32>,
      %get3A_802 = arith.index_cast %add3A_793 : i32 to index
      %get3A_803 = arith.constant 32 : index
      %get3A_804 = tpu.vector_load %arg16[%get3A_802, %get3A_803] {strides = array<i32>} : memref<256x128xf32, #tpu.memory_space<vmem>>, vector<16xf32>,
      %get3A_805 = arith.index_cast %add3A_793 : i32 to index
      %get3A_806 = arith.constant 48 : index
      %get3A_807 = tpu.vector_load %arg16[%get3A_805, %get3A_806] {strides = array<i32>} : memref<256x128xf32, #tpu.memory_space<vmem>>, vector<16xf32>,
      %get3A_808 = arith.index_cast %add3A_793 : i32 to index
      %get3A_809 = arith.constant 64 : index
      %get3A_810 = tpu.vector_load %arg16[%get3A_808, %get3A_809] {strides = array<i32>} : memref<256x128xf32, #tpu.memory_space<vmem>>, vector<16xf32>,
      %get3A_811 = arith.index_cast %add3A_793 : i32 to index
      %get3A_812 = arith.constant 80 : index
      %get3A_813 = tpu.vector_load %arg16[%get3A_811, %get3A_812] {strides = array<i32>} : memref<256x128xf32, #tpu.memory_space<vmem>>, vector<16xf32>,
      %get3A_814 = arith.index_cast %add3A_793 : i32 to index
      %get3A_815 = arith.constant 96 : index
      %get3A_816 = tpu.vector_load %arg16[%get3A_814, %get3A_815] {strides = array<i32>} : memref<256x128xf32, #tpu.memory_space<vmem>>, vector<16xf32>,
      %get3A_817 = arith.index_cast %add3A_793 : i32 to index
      %get3A_818 = arith.constant 112 : index
      %get3A_819 = tpu.vector_load %arg16[%get3A_817, %get3A_818] {strides = array<i32>} : memref<256x128xf32, #tpu.memory_space<vmem>>, vector<16xf32>,
      %eq3A_820 = arith.constant 0 : i32
      %eq3A_821 = arith.cmpi eq, %squeeze3A_795, %eq3A_820 : i32
      %eq3A_822 = arith.constant 1 : i32
      %eq3A_823 = arith.cmpi eq, %squeeze3A_795, %eq3A_822 : i32
      %eq3A_824 = arith.constant 2 : i32
      %eq3A_825 = arith.cmpi eq, %squeeze3A_795, %eq3A_824 : i32
      %select_n3A_826 = arith.select %eq3A_825, %get3A_810, %get3A_816 : vector<16xf32>
      %select_n3A_827 = arith.select %eq3A_823, %get3A_804, %select_n3A_826 : vector<16xf32>
      %select_n3A_828 = arith.select %eq3A_821, %get3A_798, %select_n3A_827 : vector<16xf32>
      %eq3A_829 = arith.constant 0 : i32
      %eq3A_830 = arith.cmpi eq, %squeeze3A_795, %eq3A_829 : i32
      %eq3A_831 = arith.constant 1 : i32
      %eq3A_832 = arith.cmpi eq, %squeeze3A_795, %eq3A_831 : i32
      %eq3A_833 = arith.constant 2 : i32
      %eq3A_834 = arith.cmpi eq, %squeeze3A_795, %eq3A_833 : i32
      %select_n3A_835 = arith.select %eq3A_834, %get3A_813, %get3A_819 : vector<16xf32>
      %select_n3A_836 = arith.select %eq3A_832, %get3A_807, %select_n3A_835 : vector<16xf32>
      %select_n3A_837 = arith.select %eq3A_830, %get3A_801, %select_n3A_836 : vector<16xf32>
      %slice3A_838 = vector.extract_strided_slice %get3A_187 {offsets = [5], sizes = [1], strides = [1]} : vector<16xi32> to vector<1xi32>
      %squeeze3A_839 = vector.extract %slice3A_838[0] : i32 from vector<1xi32>
      %get3A_840 = arith.index_cast %add3A_793 : i32 to index
      %get3A_841 = arith.constant 0 : index
      %get3A_842 = tpu.vector_load %arg17[%get3A_840, %get3A_841] {strides = array<i32>} : memref<256x128xf32, #tpu.memory_space<vmem>>, vector<16xf32>,
      %get3A_843 = arith.index_cast %add3A_793 : i32 to index
      %get3A_844 = arith.constant 16 : index
      %get3A_845 = tpu.vector_load %arg17[%get3A_843, %get3A_844] {strides = array<i32>} : memref<256x128xf32, #tpu.memory_space<vmem>>, vector<16xf32>,
      %get3A_846 = arith.index_cast %add3A_793 : i32 to index
      %get3A_847 = arith.constant 32 : index
      %get3A_848 = tpu.vector_load %arg17[%get3A_846, %get3A_847] {strides = array<i32>} : memref<256x128xf32, #tpu.memory_space<vmem>>, vector<16xf32>,
      %get3A_849 = arith.index_cast %add3A_793 : i32 to index
      %get3A_850 = arith.constant 48 : index
      %get3A_851 = tpu.vector_load %arg17[%get3A_849, %get3A_850] {strides = array<i32>} : memref<256x128xf32, #tpu.memory_space<vmem>>, vector<16xf32>,
      %get3A_852 = arith.index_cast %add3A_793 : i32 to index
      %get3A_853 = arith.constant 64 : index
      %get3A_854 = tpu.vector_load %arg17[%get3A_852, %get3A_853] {strides = array<i32>} : memref<256x128xf32, #tpu.memory_space<vmem>>, vector<16xf32>,
      %get3A_855 = arith.index_cast %add3A_793 : i32 to index
      %get3A_856 = arith.constant 80 : index
      %get3A_857 = tpu.vector_load %arg17[%get3A_855, %get3A_856] {strides = array<i32>} : memref<256x128xf32, #tpu.memory_space<vmem>>, vector<16xf32>,
      %get3A_858 = arith.index_cast %add3A_793 : i32 to index
      %get3A_859 = arith.constant 96 : index
      %get3A_860 = tpu.vector_load %arg17[%get3A_858, %get3A_859] {strides = array<i32>} : memref<256x128xf32, #tpu.memory_space<vmem>>, vector<16xf32>,
      %get3A_861 = arith.index_cast %add3A_793 : i32 to index
      %get3A_862 = arith.constant 112 : index
      %get3A_863 = tpu.vector_load %arg17[%get3A_861, %get3A_862] {strides = array<i32>} : memref<256x128xf32, #tpu.memory_space<vmem>>, vector<16xf32>,
      %eq3A_864 = arith.constant 0 : i32
      %eq3A_865 = arith.cmpi eq, %squeeze3A_839, %eq3A_864 : i32
      %eq3A_866 = arith.constant 1 : i32
      %eq3A_867 = arith.cmpi eq, %squeeze3A_839, %eq3A_866 : i32
      %eq3A_868 = arith.constant 2 : i32
      %eq3A_869 = arith.cmpi eq, %squeeze3A_839, %eq3A_868 : i32
      %select_n3A_870 = arith.select %eq3A_869, %get3A_854, %get3A_860 : vector<16xf32>
      %select_n3A_871 = arith.select %eq3A_867, %get3A_848, %select_n3A_870 : vector<16xf32>
      %select_n3A_872 = arith.select %eq3A_865, %get3A_842, %select_n3A_871 : vector<16xf32>
      %eq3A_873 = arith.constant 0 : i32
      %eq3A_874 = arith.cmpi eq, %squeeze3A_839, %eq3A_873 : i32
      %eq3A_875 = arith.constant 1 : i32
      %eq3A_876 = arith.cmpi eq, %squeeze3A_839, %eq3A_875 : i32
      %eq3A_877 = arith.constant 2 : i32
      %eq3A_878 = arith.cmpi eq, %squeeze3A_839, %eq3A_877 : i32
      %select_n3A_879 = arith.select %eq3A_878, %get3A_857, %get3A_863 : vector<16xf32>
      %select_n3A_880 = arith.select %eq3A_876, %get3A_851, %select_n3A_879 : vector<16xf32>
      %select_n3A_881 = arith.select %eq3A_874, %get3A_845, %select_n3A_880 : vector<16xf32>
      %sub3A_882 = arith.subf %select_n3A_828, %select_n3A_872 : vector<16xf32>
      %sub3A_883 = arith.subf %select_n3A_837, %select_n3A_881 : vector<16xf32>
      %mul3A_884 = arith.mulf %sub3A_882, %sub3A_882 : vector<16xf32>
      %mul3A_885 = arith.mulf %sub3A_883, %sub3A_883 : vector<16xf32>
      %add3A_886 = arith.addf %mul3A_884, %mul3A_885 : vector<16xf32>
      %reduce_sum3A_887 = arith.constant true
      %reduce_sum3A_888 = vector.broadcast %reduce_sum3A_887 : i1 to vector<16xi1>
      %reduce_sum3A_889 = tpu.scan <sum>, %add3A_886 masked %reduce_sum3A_888 : vector<16xf32>, vector<16xi1> -> vector<16xf32>
      %reduce_sum3A_890 = vector.extract %reduce_sum3A_889[15] : f32 from vector<16xf32>
      %mul3A_891 = arith.mulf %select_n3A_828, %select_n3A_828 : vector<16xf32>
      %mul3A_892 = arith.mulf %select_n3A_872, %select_n3A_872 : vector<16xf32>
      %add3A_893 = arith.addf %mul3A_891, %mul3A_892 : vector<16xf32>
      %mul3A_894 = arith.mulf %add3A_893, %get3A_177 : vector<16xf32>
      %mul3A_895 = arith.mulf %select_n3A_837, %select_n3A_837 : vector<16xf32>
      %mul3A_896 = arith.mulf %select_n3A_881, %select_n3A_881 : vector<16xf32>
      %add3A_897 = arith.addf %mul3A_895, %mul3A_896 : vector<16xf32>
      %mul3A_898 = arith.mulf %add3A_897, %get3A_179 : vector<16xf32>
      %add3A_899 = arith.addf %mul3A_894, %mul3A_898 : vector<16xf32>
      %reduce_sum3A_900 = arith.constant true
      %reduce_sum3A_901 = vector.broadcast %reduce_sum3A_900 : i1 to vector<16xi1>
      %reduce_sum3A_902 = tpu.scan <sum>, %add3A_899 masked %reduce_sum3A_901 : vector<16xf32>, vector<16xi1> -> vector<16xf32>
      %reduce_sum3A_903 = vector.extract %reduce_sum3A_902[15] : f32 from vector<16xf32>
      %eq3A_904 = arith.constant 5 : i32
      %eq3A_905 = vector.broadcast %eq3A_904 : i32 to vector<16xi32>
      %eq3A_906 = arith.cmpi eq, %iota3A, %eq3A_905 : vector<16xi32>
      %broadcast_in_dim3A_907 = vector.broadcast %reduce_sum3A_890 : f32 to vector<16xf32>
      %select_n3A_908 = arith.select %eq3A_906, %broadcast_in_dim3A_907, %select_n3A_787 : vector<16xi1>, vector<16xf32>
      %broadcast_in_dim3A_909 = vector.broadcast %reduce_sum3A_903 : f32 to vector<16xf32>
      %select_n3A_910 = arith.select %eq3A_906, %broadcast_in_dim3A_909, %select_n3A_789 : vector<16xi1>, vector<16xf32>
      %mul3A_911 = arith.constant 16 : i32
      %mul3A_912 = arith.muli %scan3A_175, %mul3A_911 : i32
      %add3A_913 = arith.constant 6 : i32
      %add3A_914 = arith.addi %mul3A_912, %add3A_913 : i32
      %slice3A_915 = vector.extract_strided_slice %get3A_185 {offsets = [6], sizes = [1], strides = [1]} : vector<16xi32> to vector<1xi32>
      %squeeze3A_916 = vector.extract %slice3A_915[0] : i32 from vector<1xi32>
      %get3A_917 = arith.index_cast %add3A_914 : i32 to index
      %get3A_918 = arith.constant 0 : index
      %get3A_919 = tpu.vector_load %arg16[%get3A_917, %get3A_918] {strides = array<i32>} : memref<256x128xf32, #tpu.memory_space<vmem>>, vector<16xf32>,
      %get3A_920 = arith.index_cast %add3A_914 : i32 to index
      %get3A_921 = arith.constant 16 : index
      %get3A_922 = tpu.vector_load %arg16[%get3A_920, %get3A_921] {strides = array<i32>} : memref<256x128xf32, #tpu.memory_space<vmem>>, vector<16xf32>,
      %get3A_923 = arith.index_cast %add3A_914 : i32 to index
      %get3A_924 = arith.constant 32 : index
      %get3A_925 = tpu.vector_load %arg16[%get3A_923, %get3A_924] {strides = array<i32>} : memref<256x128xf32, #tpu.memory_space<vmem>>, vector<16xf32>,
      %get3A_926 = arith.index_cast %add3A_914 : i32 to index
      %get3A_927 = arith.constant 48 : index
      %get3A_928 = tpu.vector_load %arg16[%get3A_926, %get3A_927] {strides = array<i32>} : memref<256x128xf32, #tpu.memory_space<vmem>>, vector<16xf32>,
      %get3A_929 = arith.index_cast %add3A_914 : i32 to index
      %get3A_930 = arith.constant 64 : index
      %get3A_931 = tpu.vector_load %arg16[%get3A_929, %get3A_930] {strides = array<i32>} : memref<256x128xf32, #tpu.memory_space<vmem>>, vector<16xf32>,
      %get3A_932 = arith.index_cast %add3A_914 : i32 to index
      %get3A_933 = arith.constant 80 : index
      %get3A_934 = tpu.vector_load %arg16[%get3A_932, %get3A_933] {strides = array<i32>} : memref<256x128xf32, #tpu.memory_space<vmem>>, vector<16xf32>,
      %get3A_935 = arith.index_cast %add3A_914 : i32 to index
      %get3A_936 = arith.constant 96 : index
      %get3A_937 = tpu.vector_load %arg16[%get3A_935, %get3A_936] {strides = array<i32>} : memref<256x128xf32, #tpu.memory_space<vmem>>, vector<16xf32>,
      %get3A_938 = arith.index_cast %add3A_914 : i32 to index
      %get3A_939 = arith.constant 112 : index
      %get3A_940 = tpu.vector_load %arg16[%get3A_938, %get3A_939] {strides = array<i32>} : memref<256x128xf32, #tpu.memory_space<vmem>>, vector<16xf32>,
      %eq3A_941 = arith.constant 0 : i32
      %eq3A_942 = arith.cmpi eq, %squeeze3A_916, %eq3A_941 : i32
      %eq3A_943 = arith.constant 1 : i32
      %eq3A_944 = arith.cmpi eq, %squeeze3A_916, %eq3A_943 : i32
      %eq3A_945 = arith.constant 2 : i32
      %eq3A_946 = arith.cmpi eq, %squeeze3A_916, %eq3A_945 : i32
      %select_n3A_947 = arith.select %eq3A_946, %get3A_931, %get3A_937 : vector<16xf32>
      %select_n3A_948 = arith.select %eq3A_944, %get3A_925, %select_n3A_947 : vector<16xf32>
      %select_n3A_949 = arith.select %eq3A_942, %get3A_919, %select_n3A_948 : vector<16xf32>
      %eq3A_950 = arith.constant 0 : i32
      %eq3A_951 = arith.cmpi eq, %squeeze3A_916, %eq3A_950 : i32
      %eq3A_952 = arith.constant 1 : i32
      %eq3A_953 = arith.cmpi eq, %squeeze3A_916, %eq3A_952 : i32
      %eq3A_954 = arith.constant 2 : i32
      %eq3A_955 = arith.cmpi eq, %squeeze3A_916, %eq3A_954 : i32
      %select_n3A_956 = arith.select %eq3A_955, %get3A_934, %get3A_940 : vector<16xf32>
      %select_n3A_957 = arith.select %eq3A_953, %get3A_928, %select_n3A_956 : vector<16xf32>
      %select_n3A_958 = arith.select %eq3A_951, %get3A_922, %select_n3A_957 : vector<16xf32>
      %slice3A_959 = vector.extract_strided_slice %get3A_187 {offsets = [6], sizes = [1], strides = [1]} : vector<16xi32> to vector<1xi32>
      %squeeze3A_960 = vector.extract %slice3A_959[0] : i32 from vector<1xi32>
      %get3A_961 = arith.index_cast %add3A_914 : i32 to index
      %get3A_962 = arith.constant 0 : index
      %get3A_963 = tpu.vector_load %arg17[%get3A_961, %get3A_962] {strides = array<i32>} : memref<256x128xf32, #tpu.memory_space<vmem>>, vector<16xf32>,
      %get3A_964 = arith.index_cast %add3A_914 : i32 to index
      %get3A_965 = arith.constant 16 : index
      %get3A_966 = tpu.vector_load %arg17[%get3A_964, %get3A_965] {strides = array<i32>} : memref<256x128xf32, #tpu.memory_space<vmem>>, vector<16xf32>,
      %get3A_967 = arith.index_cast %add3A_914 : i32 to index
      %get3A_968 = arith.constant 32 : index
      %get3A_969 = tpu.vector_load %arg17[%get3A_967, %get3A_968] {strides = array<i32>} : memref<256x128xf32, #tpu.memory_space<vmem>>, vector<16xf32>,
      %get3A_970 = arith.index_cast %add3A_914 : i32 to index
      %get3A_971 = arith.constant 48 : index
      %get3A_972 = tpu.vector_load %arg17[%get3A_970, %get3A_971] {strides = array<i32>} : memref<256x128xf32, #tpu.memory_space<vmem>>, vector<16xf32>,
      %get3A_973 = arith.index_cast %add3A_914 : i32 to index
      %get3A_974 = arith.constant 64 : index
      %get3A_975 = tpu.vector_load %arg17[%get3A_973, %get3A_974] {strides = array<i32>} : memref<256x128xf32, #tpu.memory_space<vmem>>, vector<16xf32>,
      %get3A_976 = arith.index_cast %add3A_914 : i32 to index
      %get3A_977 = arith.constant 80 : index
      %get3A_978 = tpu.vector_load %arg17[%get3A_976, %get3A_977] {strides = array<i32>} : memref<256x128xf32, #tpu.memory_space<vmem>>, vector<16xf32>,
      %get3A_979 = arith.index_cast %add3A_914 : i32 to index
      %get3A_980 = arith.constant 96 : index
      %get3A_981 = tpu.vector_load %arg17[%get3A_979, %get3A_980] {strides = array<i32>} : memref<256x128xf32, #tpu.memory_space<vmem>>, vector<16xf32>,
      %get3A_982 = arith.index_cast %add3A_914 : i32 to index
      %get3A_983 = arith.constant 112 : index
      %get3A_984 = tpu.vector_load %arg17[%get3A_982, %get3A_983] {strides = array<i32>} : memref<256x128xf32, #tpu.memory_space<vmem>>, vector<16xf32>,
      %eq3A_985 = arith.constant 0 : i32
      %eq3A_986 = arith.cmpi eq, %squeeze3A_960, %eq3A_985 : i32
      %eq3A_987 = arith.constant 1 : i32
      %eq3A_988 = arith.cmpi eq, %squeeze3A_960, %eq3A_987 : i32
      %eq3A_989 = arith.constant 2 : i32
      %eq3A_990 = arith.cmpi eq, %squeeze3A_960, %eq3A_989 : i32
      %select_n3A_991 = arith.select %eq3A_990, %get3A_975, %get3A_981 : vector<16xf32>
      %select_n3A_992 = arith.select %eq3A_988, %get3A_969, %select_n3A_991 : vector<16xf32>
      %select_n3A_993 = arith.select %eq3A_986, %get3A_963, %select_n3A_992 : vector<16xf32>
      %eq3A_994 = arith.constant 0 : i32
      %eq3A_995 = arith.cmpi eq, %squeeze3A_960, %eq3A_994 : i32
      %eq3A_996 = arith.constant 1 : i32
      %eq3A_997 = arith.cmpi eq, %squeeze3A_960, %eq3A_996 : i32
      %eq3A_998 = arith.constant 2 : i32
      %eq3A_999 = arith.cmpi eq, %squeeze3A_960, %eq3A_998 : i32
      %select_n3A_1000 = arith.select %eq3A_999, %get3A_978, %get3A_984 : vector<16xf32>
      %select_n3A_1001 = arith.select %eq3A_997, %get3A_972, %select_n3A_1000 : vector<16xf32>
      %select_n3A_1002 = arith.select %eq3A_995, %get3A_966, %select_n3A_1001 : vector<16xf32>
      %sub3A_1003 = arith.subf %select_n3A_949, %select_n3A_993 : vector<16xf32>
      %sub3A_1004 = arith.subf %select_n3A_958, %select_n3A_1002 : vector<16xf32>
      %mul3A_1005 = arith.mulf %sub3A_1003, %sub3A_1003 : vector<16xf32>
      %mul3A_1006 = arith.mulf %sub3A_1004, %sub3A_1004 : vector<16xf32>
      %add3A_1007 = arith.addf %mul3A_1005, %mul3A_1006 : vector<16xf32>
      %reduce_sum3A_1008 = arith.constant true
      %reduce_sum3A_1009 = vector.broadcast %reduce_sum3A_1008 : i1 to vector<16xi1>
      %reduce_sum3A_1010 = tpu.scan <sum>, %add3A_1007 masked %reduce_sum3A_1009 : vector<16xf32>, vector<16xi1> -> vector<16xf32>
      %reduce_sum3A_1011 = vector.extract %reduce_sum3A_1010[15] : f32 from vector<16xf32>
      %mul3A_1012 = arith.mulf %select_n3A_949, %select_n3A_949 : vector<16xf32>
      %mul3A_1013 = arith.mulf %select_n3A_993, %select_n3A_993 : vector<16xf32>
      %add3A_1014 = arith.addf %mul3A_1012, %mul3A_1013 : vector<16xf32>
      %mul3A_1015 = arith.mulf %add3A_1014, %get3A_177 : vector<16xf32>
      %mul3A_1016 = arith.mulf %select_n3A_958, %select_n3A_958 : vector<16xf32>
      %mul3A_1017 = arith.mulf %select_n3A_1002, %select_n3A_1002 : vector<16xf32>
      %add3A_1018 = arith.addf %mul3A_1016, %mul3A_1017 : vector<16xf32>
      %mul3A_1019 = arith.mulf %add3A_1018, %get3A_179 : vector<16xf32>
      %add3A_1020 = arith.addf %mul3A_1015, %mul3A_1019 : vector<16xf32>
      %reduce_sum3A_1021 = arith.constant true
      %reduce_sum3A_1022 = vector.broadcast %reduce_sum3A_1021 : i1 to vector<16xi1>
      %reduce_sum3A_1023 = tpu.scan <sum>, %add3A_1020 masked %reduce_sum3A_1022 : vector<16xf32>, vector<16xi1> -> vector<16xf32>
      %reduce_sum3A_1024 = vector.extract %reduce_sum3A_1023[15] : f32 from vector<16xf32>
      %eq3A_1025 = arith.constant 6 : i32
      %eq3A_1026 = vector.broadcast %eq3A_1025 : i32 to vector<16xi32>
      %eq3A_1027 = arith.cmpi eq, %iota3A, %eq3A_1026 : vector<16xi32>
      %broadcast_in_dim3A_1028 = vector.broadcast %reduce_sum3A_1011 : f32 to vector<16xf32>
      %select_n3A_1029 = arith.select %eq3A_1027, %broadcast_in_dim3A_1028, %select_n3A_908 : vector<16xi1>, vector<16xf32>
      %broadcast_in_dim3A_1030 = vector.broadcast %reduce_sum3A_1024 : f32 to vector<16xf32>
      %select_n3A_1031 = arith.select %eq3A_1027, %broadcast_in_dim3A_1030, %select_n3A_910 : vector<16xi1>, vector<16xf32>
      %mul3A_1032 = arith.constant 16 : i32
      %mul3A_1033 = arith.muli %scan3A_175, %mul3A_1032 : i32
      %add3A_1034 = arith.constant 7 : i32
      %add3A_1035 = arith.addi %mul3A_1033, %add3A_1034 : i32
      %slice3A_1036 = vector.extract_strided_slice %get3A_185 {offsets = [7], sizes = [1], strides = [1]} : vector<16xi32> to vector<1xi32>
      %squeeze3A_1037 = vector.extract %slice3A_1036[0] : i32 from vector<1xi32>
      %get3A_1038 = arith.index_cast %add3A_1035 : i32 to index
      %get3A_1039 = arith.constant 0 : index
      %get3A_1040 = tpu.vector_load %arg16[%get3A_1038, %get3A_1039] {strides = array<i32>} : memref<256x128xf32, #tpu.memory_space<vmem>>, vector<16xf32>,
      %get3A_1041 = arith.index_cast %add3A_1035 : i32 to index
      %get3A_1042 = arith.constant 16 : index
      %get3A_1043 = tpu.vector_load %arg16[%get3A_1041, %get3A_1042] {strides = array<i32>} : memref<256x128xf32, #tpu.memory_space<vmem>>, vector<16xf32>,
      %get3A_1044 = arith.index_cast %add3A_1035 : i32 to index
      %get3A_1045 = arith.constant 32 : index
      %get3A_1046 = tpu.vector_load %arg16[%get3A_1044, %get3A_1045] {strides = array<i32>} : memref<256x128xf32, #tpu.memory_space<vmem>>, vector<16xf32>,
      %get3A_1047 = arith.index_cast %add3A_1035 : i32 to index
      %get3A_1048 = arith.constant 48 : index
      %get3A_1049 = tpu.vector_load %arg16[%get3A_1047, %get3A_1048] {strides = array<i32>} : memref<256x128xf32, #tpu.memory_space<vmem>>, vector<16xf32>,
      %get3A_1050 = arith.index_cast %add3A_1035 : i32 to index
      %get3A_1051 = arith.constant 64 : index
      %get3A_1052 = tpu.vector_load %arg16[%get3A_1050, %get3A_1051] {strides = array<i32>} : memref<256x128xf32, #tpu.memory_space<vmem>>, vector<16xf32>,
      %get3A_1053 = arith.index_cast %add3A_1035 : i32 to index
      %get3A_1054 = arith.constant 80 : index
      %get3A_1055 = tpu.vector_load %arg16[%get3A_1053, %get3A_1054] {strides = array<i32>} : memref<256x128xf32, #tpu.memory_space<vmem>>, vector<16xf32>,
      %get3A_1056 = arith.index_cast %add3A_1035 : i32 to index
      %get3A_1057 = arith.constant 96 : index
      %get3A_1058 = tpu.vector_load %arg16[%get3A_1056, %get3A_1057] {strides = array<i32>} : memref<256x128xf32, #tpu.memory_space<vmem>>, vector<16xf32>,
      %get3A_1059 = arith.index_cast %add3A_1035 : i32 to index
      %get3A_1060 = arith.constant 112 : index
      %get3A_1061 = tpu.vector_load %arg16[%get3A_1059, %get3A_1060] {strides = array<i32>} : memref<256x128xf32, #tpu.memory_space<vmem>>, vector<16xf32>,
      %eq3A_1062 = arith.constant 0 : i32
      %eq3A_1063 = arith.cmpi eq, %squeeze3A_1037, %eq3A_1062 : i32
      %eq3A_1064 = arith.constant 1 : i32
      %eq3A_1065 = arith.cmpi eq, %squeeze3A_1037, %eq3A_1064 : i32
      %eq3A_1066 = arith.constant 2 : i32
      %eq3A_1067 = arith.cmpi eq, %squeeze3A_1037, %eq3A_1066 : i32
      %select_n3A_1068 = arith.select %eq3A_1067, %get3A_1052, %get3A_1058 : vector<16xf32>
      %select_n3A_1069 = arith.select %eq3A_1065, %get3A_1046, %select_n3A_1068 : vector<16xf32>
      %select_n3A_1070 = arith.select %eq3A_1063, %get3A_1040, %select_n3A_1069 : vector<16xf32>
      %eq3A_1071 = arith.constant 0 : i32
      %eq3A_1072 = arith.cmpi eq, %squeeze3A_1037, %eq3A_1071 : i32
      %eq3A_1073 = arith.constant 1 : i32
      %eq3A_1074 = arith.cmpi eq, %squeeze3A_1037, %eq3A_1073 : i32
      %eq3A_1075 = arith.constant 2 : i32
      %eq3A_1076 = arith.cmpi eq, %squeeze3A_1037, %eq3A_1075 : i32
      %select_n3A_1077 = arith.select %eq3A_1076, %get3A_1055, %get3A_1061 : vector<16xf32>
      %select_n3A_1078 = arith.select %eq3A_1074, %get3A_1049, %select_n3A_1077 : vector<16xf32>
      %select_n3A_1079 = arith.select %eq3A_1072, %get3A_1043, %select_n3A_1078 : vector<16xf32>
      %slice3A_1080 = vector.extract_strided_slice %get3A_187 {offsets = [7], sizes = [1], strides = [1]} : vector<16xi32> to vector<1xi32>
      %squeeze3A_1081 = vector.extract %slice3A_1080[0] : i32 from vector<1xi32>
      %get3A_1082 = arith.index_cast %add3A_1035 : i32 to index
      %get3A_1083 = arith.constant 0 : index
      %get3A_1084 = tpu.vector_load %arg17[%get3A_1082, %get3A_1083] {strides = array<i32>} : memref<256x128xf32, #tpu.memory_space<vmem>>, vector<16xf32>,
      %get3A_1085 = arith.index_cast %add3A_1035 : i32 to index
      %get3A_1086 = arith.constant 16 : index
      %get3A_1087 = tpu.vector_load %arg17[%get3A_1085, %get3A_1086] {strides = array<i32>} : memref<256x128xf32, #tpu.memory_space<vmem>>, vector<16xf32>,
      %get3A_1088 = arith.index_cast %add3A_1035 : i32 to index
      %get3A_1089 = arith.constant 32 : index
      %get3A_1090 = tpu.vector_load %arg17[%get3A_1088, %get3A_1089] {strides = array<i32>} : memref<256x128xf32, #tpu.memory_space<vmem>>, vector<16xf32>,
      %get3A_1091 = arith.index_cast %add3A_1035 : i32 to index
      %get3A_1092 = arith.constant 48 : index
      %get3A_1093 = tpu.vector_load %arg17[%get3A_1091, %get3A_1092] {strides = array<i32>} : memref<256x128xf32, #tpu.memory_space<vmem>>, vector<16xf32>,
      %get3A_1094 = arith.index_cast %add3A_1035 : i32 to index
      %get3A_1095 = arith.constant 64 : index
      %get3A_1096 = tpu.vector_load %arg17[%get3A_1094, %get3A_1095] {strides = array<i32>} : memref<256x128xf32, #tpu.memory_space<vmem>>, vector<16xf32>,
      %get3A_1097 = arith.index_cast %add3A_1035 : i32 to index
      %get3A_1098 = arith.constant 80 : index
      %get3A_1099 = tpu.vector_load %arg17[%get3A_1097, %get3A_1098] {strides = array<i32>} : memref<256x128xf32, #tpu.memory_space<vmem>>, vector<16xf32>,
      %get3A_1100 = arith.index_cast %add3A_1035 : i32 to index
      %get3A_1101 = arith.constant 96 : index
      %get3A_1102 = tpu.vector_load %arg17[%get3A_1100, %get3A_1101] {strides = array<i32>} : memref<256x128xf32, #tpu.memory_space<vmem>>, vector<16xf32>,
      %get3A_1103 = arith.index_cast %add3A_1035 : i32 to index
      %get3A_1104 = arith.constant 112 : index
      %get3A_1105 = tpu.vector_load %arg17[%get3A_1103, %get3A_1104] {strides = array<i32>} : memref<256x128xf32, #tpu.memory_space<vmem>>, vector<16xf32>,
      %eq3A_1106 = arith.constant 0 : i32
      %eq3A_1107 = arith.cmpi eq, %squeeze3A_1081, %eq3A_1106 : i32
      %eq3A_1108 = arith.constant 1 : i32
      %eq3A_1109 = arith.cmpi eq, %squeeze3A_1081, %eq3A_1108 : i32
      %eq3A_1110 = arith.constant 2 : i32
      %eq3A_1111 = arith.cmpi eq, %squeeze3A_1081, %eq3A_1110 : i32
      %select_n3A_1112 = arith.select %eq3A_1111, %get3A_1096, %get3A_1102 : vector<16xf32>
      %select_n3A_1113 = arith.select %eq3A_1109, %get3A_1090, %select_n3A_1112 : vector<16xf32>
      %select_n3A_1114 = arith.select %eq3A_1107, %get3A_1084, %select_n3A_1113 : vector<16xf32>
      %eq3A_1115 = arith.constant 0 : i32
      %eq3A_1116 = arith.cmpi eq, %squeeze3A_1081, %eq3A_1115 : i32
      %eq3A_1117 = arith.constant 1 : i32
      %eq3A_1118 = arith.cmpi eq, %squeeze3A_1081, %eq3A_1117 : i32
      %eq3A_1119 = arith.constant 2 : i32
      %eq3A_1120 = arith.cmpi eq, %squeeze3A_1081, %eq3A_1119 : i32
      %select_n3A_1121 = arith.select %eq3A_1120, %get3A_1099, %get3A_1105 : vector<16xf32>
      %select_n3A_1122 = arith.select %eq3A_1118, %get3A_1093, %select_n3A_1121 : vector<16xf32>
      %select_n3A_1123 = arith.select %eq3A_1116, %get3A_1087, %select_n3A_1122 : vector<16xf32>
      %sub3A_1124 = arith.subf %select_n3A_1070, %select_n3A_1114 : vector<16xf32>
      %sub3A_1125 = arith.subf %select_n3A_1079, %select_n3A_1123 : vector<16xf32>
      %mul3A_1126 = arith.mulf %sub3A_1124, %sub3A_1124 : vector<16xf32>
      %mul3A_1127 = arith.mulf %sub3A_1125, %sub3A_1125 : vector<16xf32>
      %add3A_1128 = arith.addf %mul3A_1126, %mul3A_1127 : vector<16xf32>
      %reduce_sum3A_1129 = arith.constant true
      %reduce_sum3A_1130 = vector.broadcast %reduce_sum3A_1129 : i1 to vector<16xi1>
      %reduce_sum3A_1131 = tpu.scan <sum>, %add3A_1128 masked %reduce_sum3A_1130 : vector<16xf32>, vector<16xi1> -> vector<16xf32>
      %reduce_sum3A_1132 = vector.extract %reduce_sum3A_1131[15] : f32 from vector<16xf32>
      %mul3A_1133 = arith.mulf %select_n3A_1070, %select_n3A_1070 : vector<16xf32>
      %mul3A_1134 = arith.mulf %select_n3A_1114, %select_n3A_1114 : vector<16xf32>
      %add3A_1135 = arith.addf %mul3A_1133, %mul3A_1134 : vector<16xf32>
      %mul3A_1136 = arith.mulf %add3A_1135, %get3A_177 : vector<16xf32>
      %mul3A_1137 = arith.mulf %select_n3A_1079, %select_n3A_1079 : vector<16xf32>
      %mul3A_1138 = arith.mulf %select_n3A_1123, %select_n3A_1123 : vector<16xf32>
      %add3A_1139 = arith.addf %mul3A_1137, %mul3A_1138 : vector<16xf32>
      %mul3A_1140 = arith.mulf %add3A_1139, %get3A_179 : vector<16xf32>
      %add3A_1141 = arith.addf %mul3A_1136, %mul3A_1140 : vector<16xf32>
      %reduce_sum3A_1142 = arith.constant true
      %reduce_sum3A_1143 = vector.broadcast %reduce_sum3A_1142 : i1 to vector<16xi1>
      %reduce_sum3A_1144 = tpu.scan <sum>, %add3A_1141 masked %reduce_sum3A_1143 : vector<16xf32>, vector<16xi1> -> vector<16xf32>
      %reduce_sum3A_1145 = vector.extract %reduce_sum3A_1144[15] : f32 from vector<16xf32>
      %eq3A_1146 = arith.constant 7 : i32
      %eq3A_1147 = vector.broadcast %eq3A_1146 : i32 to vector<16xi32>
      %eq3A_1148 = arith.cmpi eq, %iota3A, %eq3A_1147 : vector<16xi32>
      %broadcast_in_dim3A_1149 = vector.broadcast %reduce_sum3A_1132 : f32 to vector<16xf32>
      %select_n3A_1150 = arith.select %eq3A_1148, %broadcast_in_dim3A_1149, %select_n3A_1029 : vector<16xi1>, vector<16xf32>
      %broadcast_in_dim3A_1151 = vector.broadcast %reduce_sum3A_1145 : f32 to vector<16xf32>
      %select_n3A_1152 = arith.select %eq3A_1148, %broadcast_in_dim3A_1151, %select_n3A_1031 : vector<16xi1>, vector<16xf32>
      %mul3A_1153 = arith.constant 16 : i32
      %mul3A_1154 = arith.muli %scan3A_175, %mul3A_1153 : i32
      %add3A_1155 = arith.constant 8 : i32
      %add3A_1156 = arith.addi %mul3A_1154, %add3A_1155 : i32
      %slice3A_1157 = vector.extract_strided_slice %get3A_185 {offsets = [8], sizes = [1], strides = [1]} : vector<16xi32> to vector<1xi32>
      %squeeze3A_1158 = vector.extract %slice3A_1157[0] : i32 from vector<1xi32>
      %get3A_1159 = arith.index_cast %add3A_1156 : i32 to index
      %get3A_1160 = arith.constant 0 : index
      %get3A_1161 = tpu.vector_load %arg16[%get3A_1159, %get3A_1160] {strides = array<i32>} : memref<256x128xf32, #tpu.memory_space<vmem>>, vector<16xf32>,
      %get3A_1162 = arith.index_cast %add3A_1156 : i32 to index
      %get3A_1163 = arith.constant 16 : index
      %get3A_1164 = tpu.vector_load %arg16[%get3A_1162, %get3A_1163] {strides = array<i32>} : memref<256x128xf32, #tpu.memory_space<vmem>>, vector<16xf32>,
      %get3A_1165 = arith.index_cast %add3A_1156 : i32 to index
      %get3A_1166 = arith.constant 32 : index
      %get3A_1167 = tpu.vector_load %arg16[%get3A_1165, %get3A_1166] {strides = array<i32>} : memref<256x128xf32, #tpu.memory_space<vmem>>, vector<16xf32>,
      %get3A_1168 = arith.index_cast %add3A_1156 : i32 to index
      %get3A_1169 = arith.constant 48 : index
      %get3A_1170 = tpu.vector_load %arg16[%get3A_1168, %get3A_1169] {strides = array<i32>} : memref<256x128xf32, #tpu.memory_space<vmem>>, vector<16xf32>,
      %get3A_1171 = arith.index_cast %add3A_1156 : i32 to index
      %get3A_1172 = arith.constant 64 : index
      %get3A_1173 = tpu.vector_load %arg16[%get3A_1171, %get3A_1172] {strides = array<i32>} : memref<256x128xf32, #tpu.memory_space<vmem>>, vector<16xf32>,
      %get3A_1174 = arith.index_cast %add3A_1156 : i32 to index
      %get3A_1175 = arith.constant 80 : index
      %get3A_1176 = tpu.vector_load %arg16[%get3A_1174, %get3A_1175] {strides = array<i32>} : memref<256x128xf32, #tpu.memory_space<vmem>>, vector<16xf32>,
      %get3A_1177 = arith.index_cast %add3A_1156 : i32 to index
      %get3A_1178 = arith.constant 96 : index
      %get3A_1179 = tpu.vector_load %arg16[%get3A_1177, %get3A_1178] {strides = array<i32>} : memref<256x128xf32, #tpu.memory_space<vmem>>, vector<16xf32>,
      %get3A_1180 = arith.index_cast %add3A_1156 : i32 to index
      %get3A_1181 = arith.constant 112 : index
      %get3A_1182 = tpu.vector_load %arg16[%get3A_1180, %get3A_1181] {strides = array<i32>} : memref<256x128xf32, #tpu.memory_space<vmem>>, vector<16xf32>,
      %eq3A_1183 = arith.constant 0 : i32
      %eq3A_1184 = arith.cmpi eq, %squeeze3A_1158, %eq3A_1183 : i32
      %eq3A_1185 = arith.constant 1 : i32
      %eq3A_1186 = arith.cmpi eq, %squeeze3A_1158, %eq3A_1185 : i32
      %eq3A_1187 = arith.constant 2 : i32
      %eq3A_1188 = arith.cmpi eq, %squeeze3A_1158, %eq3A_1187 : i32
      %select_n3A_1189 = arith.select %eq3A_1188, %get3A_1173, %get3A_1179 : vector<16xf32>
      %select_n3A_1190 = arith.select %eq3A_1186, %get3A_1167, %select_n3A_1189 : vector<16xf32>
      %select_n3A_1191 = arith.select %eq3A_1184, %get3A_1161, %select_n3A_1190 : vector<16xf32>
      %eq3A_1192 = arith.constant 0 : i32
      %eq3A_1193 = arith.cmpi eq, %squeeze3A_1158, %eq3A_1192 : i32
      %eq3A_1194 = arith.constant 1 : i32
      %eq3A_1195 = arith.cmpi eq, %squeeze3A_1158, %eq3A_1194 : i32
      %eq3A_1196 = arith.constant 2 : i32
      %eq3A_1197 = arith.cmpi eq, %squeeze3A_1158, %eq3A_1196 : i32
      %select_n3A_1198 = arith.select %eq3A_1197, %get3A_1176, %get3A_1182 : vector<16xf32>
      %select_n3A_1199 = arith.select %eq3A_1195, %get3A_1170, %select_n3A_1198 : vector<16xf32>
      %select_n3A_1200 = arith.select %eq3A_1193, %get3A_1164, %select_n3A_1199 : vector<16xf32>
      %slice3A_1201 = vector.extract_strided_slice %get3A_187 {offsets = [8], sizes = [1], strides = [1]} : vector<16xi32> to vector<1xi32>
      %squeeze3A_1202 = vector.extract %slice3A_1201[0] : i32 from vector<1xi32>
      %get3A_1203 = arith.index_cast %add3A_1156 : i32 to index
      %get3A_1204 = arith.constant 0 : index
      %get3A_1205 = tpu.vector_load %arg17[%get3A_1203, %get3A_1204] {strides = array<i32>} : memref<256x128xf32, #tpu.memory_space<vmem>>, vector<16xf32>,
      %get3A_1206 = arith.index_cast %add3A_1156 : i32 to index
      %get3A_1207 = arith.constant 16 : index
      %get3A_1208 = tpu.vector_load %arg17[%get3A_1206, %get3A_1207] {strides = array<i32>} : memref<256x128xf32, #tpu.memory_space<vmem>>, vector<16xf32>,
      %get3A_1209 = arith.index_cast %add3A_1156 : i32 to index
      %get3A_1210 = arith.constant 32 : index
      %get3A_1211 = tpu.vector_load %arg17[%get3A_1209, %get3A_1210] {strides = array<i32>} : memref<256x128xf32, #tpu.memory_space<vmem>>, vector<16xf32>,
      %get3A_1212 = arith.index_cast %add3A_1156 : i32 to index
      %get3A_1213 = arith.constant 48 : index
      %get3A_1214 = tpu.vector_load %arg17[%get3A_1212, %get3A_1213] {strides = array<i32>} : memref<256x128xf32, #tpu.memory_space<vmem>>, vector<16xf32>,
      %get3A_1215 = arith.index_cast %add3A_1156 : i32 to index
      %get3A_1216 = arith.constant 64 : index
      %get3A_1217 = tpu.vector_load %arg17[%get3A_1215, %get3A_1216] {strides = array<i32>} : memref<256x128xf32, #tpu.memory_space<vmem>>, vector<16xf32>,
      %get3A_1218 = arith.index_cast %add3A_1156 : i32 to index
      %get3A_1219 = arith.constant 80 : index
      %get3A_1220 = tpu.vector_load %arg17[%get3A_1218, %get3A_1219] {strides = array<i32>} : memref<256x128xf32, #tpu.memory_space<vmem>>, vector<16xf32>,
      %get3A_1221 = arith.index_cast %add3A_1156 : i32 to index
      %get3A_1222 = arith.constant 96 : index
      %get3A_1223 = tpu.vector_load %arg17[%get3A_1221, %get3A_1222] {strides = array<i32>} : memref<256x128xf32, #tpu.memory_space<vmem>>, vector<16xf32>,
      %get3A_1224 = arith.index_cast %add3A_1156 : i32 to index
      %get3A_1225 = arith.constant 112 : index
      %get3A_1226 = tpu.vector_load %arg17[%get3A_1224, %get3A_1225] {strides = array<i32>} : memref<256x128xf32, #tpu.memory_space<vmem>>, vector<16xf32>,
      %eq3A_1227 = arith.constant 0 : i32
      %eq3A_1228 = arith.cmpi eq, %squeeze3A_1202, %eq3A_1227 : i32
      %eq3A_1229 = arith.constant 1 : i32
      %eq3A_1230 = arith.cmpi eq, %squeeze3A_1202, %eq3A_1229 : i32
      %eq3A_1231 = arith.constant 2 : i32
      %eq3A_1232 = arith.cmpi eq, %squeeze3A_1202, %eq3A_1231 : i32
      %select_n3A_1233 = arith.select %eq3A_1232, %get3A_1217, %get3A_1223 : vector<16xf32>
      %select_n3A_1234 = arith.select %eq3A_1230, %get3A_1211, %select_n3A_1233 : vector<16xf32>
      %select_n3A_1235 = arith.select %eq3A_1228, %get3A_1205, %select_n3A_1234 : vector<16xf32>
      %eq3A_1236 = arith.constant 0 : i32
      %eq3A_1237 = arith.cmpi eq, %squeeze3A_1202, %eq3A_1236 : i32
      %eq3A_1238 = arith.constant 1 : i32
      %eq3A_1239 = arith.cmpi eq, %squeeze3A_1202, %eq3A_1238 : i32
      %eq3A_1240 = arith.constant 2 : i32
      %eq3A_1241 = arith.cmpi eq, %squeeze3A_1202, %eq3A_1240 : i32
      %select_n3A_1242 = arith.select %eq3A_1241, %get3A_1220, %get3A_1226 : vector<16xf32>
      %select_n3A_1243 = arith.select %eq3A_1239, %get3A_1214, %select_n3A_1242 : vector<16xf32>
      %select_n3A_1244 = arith.select %eq3A_1237, %get3A_1208, %select_n3A_1243 : vector<16xf32>
      %sub3A_1245 = arith.subf %select_n3A_1191, %select_n3A_1235 : vector<16xf32>
      %sub3A_1246 = arith.subf %select_n3A_1200, %select_n3A_1244 : vector<16xf32>
      %mul3A_1247 = arith.mulf %sub3A_1245, %sub3A_1245 : vector<16xf32>
      %mul3A_1248 = arith.mulf %sub3A_1246, %sub3A_1246 : vector<16xf32>
      %add3A_1249 = arith.addf %mul3A_1247, %mul3A_1248 : vector<16xf32>
      %reduce_sum3A_1250 = arith.constant true
      %reduce_sum3A_1251 = vector.broadcast %reduce_sum3A_1250 : i1 to vector<16xi1>
      %reduce_sum3A_1252 = tpu.scan <sum>, %add3A_1249 masked %reduce_sum3A_1251 : vector<16xf32>, vector<16xi1> -> vector<16xf32>
      %reduce_sum3A_1253 = vector.extract %reduce_sum3A_1252[15] : f32 from vector<16xf32>
      %mul3A_1254 = arith.mulf %select_n3A_1191, %select_n3A_1191 : vector<16xf32>
      %mul3A_1255 = arith.mulf %select_n3A_1235, %select_n3A_1235 : vector<16xf32>
      %add3A_1256 = arith.addf %mul3A_1254, %mul3A_1255 : vector<16xf32>
      %mul3A_1257 = arith.mulf %add3A_1256, %get3A_177 : vector<16xf32>
      %mul3A_1258 = arith.mulf %select_n3A_1200, %select_n3A_1200 : vector<16xf32>
      %mul3A_1259 = arith.mulf %select_n3A_1244, %select_n3A_1244 : vector<16xf32>
      %add3A_1260 = arith.addf %mul3A_1258, %mul3A_1259 : vector<16xf32>
      %mul3A_1261 = arith.mulf %add3A_1260, %get3A_179 : vector<16xf32>
      %add3A_1262 = arith.addf %mul3A_1257, %mul3A_1261 : vector<16xf32>
      %reduce_sum3A_1263 = arith.constant true
      %reduce_sum3A_1264 = vector.broadcast %reduce_sum3A_1263 : i1 to vector<16xi1>
      %reduce_sum3A_1265 = tpu.scan <sum>, %add3A_1262 masked %reduce_sum3A_1264 : vector<16xf32>, vector<16xi1> -> vector<16xf32>
      %reduce_sum3A_1266 = vector.extract %reduce_sum3A_1265[15] : f32 from vector<16xf32>
      %eq3A_1267 = arith.constant 8 : i32
      %eq3A_1268 = vector.broadcast %eq3A_1267 : i32 to vector<16xi32>
      %eq3A_1269 = arith.cmpi eq, %iota3A, %eq3A_1268 : vector<16xi32>
      %broadcast_in_dim3A_1270 = vector.broadcast %reduce_sum3A_1253 : f32 to vector<16xf32>
      %select_n3A_1271 = arith.select %eq3A_1269, %broadcast_in_dim3A_1270, %select_n3A_1150 : vector<16xi1>, vector<16xf32>
      %broadcast_in_dim3A_1272 = vector.broadcast %reduce_sum3A_1266 : f32 to vector<16xf32>
      %select_n3A_1273 = arith.select %eq3A_1269, %broadcast_in_dim3A_1272, %select_n3A_1152 : vector<16xi1>, vector<16xf32>
      %mul3A_1274 = arith.constant 16 : i32
      %mul3A_1275 = arith.muli %scan3A_175, %mul3A_1274 : i32
      %add3A_1276 = arith.constant 9 : i32
      %add3A_1277 = arith.addi %mul3A_1275, %add3A_1276 : i32
      %slice3A_1278 = vector.extract_strided_slice %get3A_185 {offsets = [9], sizes = [1], strides = [1]} : vector<16xi32> to vector<1xi32>
      %squeeze3A_1279 = vector.extract %slice3A_1278[0] : i32 from vector<1xi32>
      %get3A_1280 = arith.index_cast %add3A_1277 : i32 to index
      %get3A_1281 = arith.constant 0 : index
      %get3A_1282 = tpu.vector_load %arg16[%get3A_1280, %get3A_1281] {strides = array<i32>} : memref<256x128xf32, #tpu.memory_space<vmem>>, vector<16xf32>,
      %get3A_1283 = arith.index_cast %add3A_1277 : i32 to index
      %get3A_1284 = arith.constant 16 : index
      %get3A_1285 = tpu.vector_load %arg16[%get3A_1283, %get3A_1284] {strides = array<i32>} : memref<256x128xf32, #tpu.memory_space<vmem>>, vector<16xf32>,
      %get3A_1286 = arith.index_cast %add3A_1277 : i32 to index
      %get3A_1287 = arith.constant 32 : index
      %get3A_1288 = tpu.vector_load %arg16[%get3A_1286, %get3A_1287] {strides = array<i32>} : memref<256x128xf32, #tpu.memory_space<vmem>>, vector<16xf32>,
      %get3A_1289 = arith.index_cast %add3A_1277 : i32 to index
      %get3A_1290 = arith.constant 48 : index
      %get3A_1291 = tpu.vector_load %arg16[%get3A_1289, %get3A_1290] {strides = array<i32>} : memref<256x128xf32, #tpu.memory_space<vmem>>, vector<16xf32>,
      %get3A_1292 = arith.index_cast %add3A_1277 : i32 to index
      %get3A_1293 = arith.constant 64 : index
      %get3A_1294 = tpu.vector_load %arg16[%get3A_1292, %get3A_1293] {strides = array<i32>} : memref<256x128xf32, #tpu.memory_space<vmem>>, vector<16xf32>,
      %get3A_1295 = arith.index_cast %add3A_1277 : i32 to index
      %get3A_1296 = arith.constant 80 : index
      %get3A_1297 = tpu.vector_load %arg16[%get3A_1295, %get3A_1296] {strides = array<i32>} : memref<256x128xf32, #tpu.memory_space<vmem>>, vector<16xf32>,
      %get3A_1298 = arith.index_cast %add3A_1277 : i32 to index
      %get3A_1299 = arith.constant 96 : index
      %get3A_1300 = tpu.vector_load %arg16[%get3A_1298, %get3A_1299] {strides = array<i32>} : memref<256x128xf32, #tpu.memory_space<vmem>>, vector<16xf32>,
      %get3A_1301 = arith.index_cast %add3A_1277 : i32 to index
      %get3A_1302 = arith.constant 112 : index
      %get3A_1303 = tpu.vector_load %arg16[%get3A_1301, %get3A_1302] {strides = array<i32>} : memref<256x128xf32, #tpu.memory_space<vmem>>, vector<16xf32>,
      %eq3A_1304 = arith.constant 0 : i32
      %eq3A_1305 = arith.cmpi eq, %squeeze3A_1279, %eq3A_1304 : i32
      %eq3A_1306 = arith.constant 1 : i32
      %eq3A_1307 = arith.cmpi eq, %squeeze3A_1279, %eq3A_1306 : i32
      %eq3A_1308 = arith.constant 2 : i32
      %eq3A_1309 = arith.cmpi eq, %squeeze3A_1279, %eq3A_1308 : i32
      %select_n3A_1310 = arith.select %eq3A_1309, %get3A_1294, %get3A_1300 : vector<16xf32>
      %select_n3A_1311 = arith.select %eq3A_1307, %get3A_1288, %select_n3A_1310 : vector<16xf32>
      %select_n3A_1312 = arith.select %eq3A_1305, %get3A_1282, %select_n3A_1311 : vector<16xf32>
      %eq3A_1313 = arith.constant 0 : i32
      %eq3A_1314 = arith.cmpi eq, %squeeze3A_1279, %eq3A_1313 : i32
      %eq3A_1315 = arith.constant 1 : i32
      %eq3A_1316 = arith.cmpi eq, %squeeze3A_1279, %eq3A_1315 : i32
      %eq3A_1317 = arith.constant 2 : i32
      %eq3A_1318 = arith.cmpi eq, %squeeze3A_1279, %eq3A_1317 : i32
      %select_n3A_1319 = arith.select %eq3A_1318, %get3A_1297, %get3A_1303 : vector<16xf32>
      %select_n3A_1320 = arith.select %eq3A_1316, %get3A_1291, %select_n3A_1319 : vector<16xf32>
      %select_n3A_1321 = arith.select %eq3A_1314, %get3A_1285, %select_n3A_1320 : vector<16xf32>
      %slice3A_1322 = vector.extract_strided_slice %get3A_187 {offsets = [9], sizes = [1], strides = [1]} : vector<16xi32> to vector<1xi32>
      %squeeze3A_1323 = vector.extract %slice3A_1322[0] : i32 from vector<1xi32>
      %get3A_1324 = arith.index_cast %add3A_1277 : i32 to index
      %get3A_1325 = arith.constant 0 : index
      %get3A_1326 = tpu.vector_load %arg17[%get3A_1324, %get3A_1325] {strides = array<i32>} : memref<256x128xf32, #tpu.memory_space<vmem>>, vector<16xf32>,
      %get3A_1327 = arith.index_cast %add3A_1277 : i32 to index
      %get3A_1328 = arith.constant 16 : index
      %get3A_1329 = tpu.vector_load %arg17[%get3A_1327, %get3A_1328] {strides = array<i32>} : memref<256x128xf32, #tpu.memory_space<vmem>>, vector<16xf32>,
      %get3A_1330 = arith.index_cast %add3A_1277 : i32 to index
      %get3A_1331 = arith.constant 32 : index
      %get3A_1332 = tpu.vector_load %arg17[%get3A_1330, %get3A_1331] {strides = array<i32>} : memref<256x128xf32, #tpu.memory_space<vmem>>, vector<16xf32>,
      %get3A_1333 = arith.index_cast %add3A_1277 : i32 to index
      %get3A_1334 = arith.constant 48 : index
      %get3A_1335 = tpu.vector_load %arg17[%get3A_1333, %get3A_1334] {strides = array<i32>} : memref<256x128xf32, #tpu.memory_space<vmem>>, vector<16xf32>,
      %get3A_1336 = arith.index_cast %add3A_1277 : i32 to index
      %get3A_1337 = arith.constant 64 : index
      %get3A_1338 = tpu.vector_load %arg17[%get3A_1336, %get3A_1337] {strides = array<i32>} : memref<256x128xf32, #tpu.memory_space<vmem>>, vector<16xf32>,
      %get3A_1339 = arith.index_cast %add3A_1277 : i32 to index
      %get3A_1340 = arith.constant 80 : index
      %get3A_1341 = tpu.vector_load %arg17[%get3A_1339, %get3A_1340] {strides = array<i32>} : memref<256x128xf32, #tpu.memory_space<vmem>>, vector<16xf32>,
      %get3A_1342 = arith.index_cast %add3A_1277 : i32 to index
      %get3A_1343 = arith.constant 96 : index
      %get3A_1344 = tpu.vector_load %arg17[%get3A_1342, %get3A_1343] {strides = array<i32>} : memref<256x128xf32, #tpu.memory_space<vmem>>, vector<16xf32>,
      %get3A_1345 = arith.index_cast %add3A_1277 : i32 to index
      %get3A_1346 = arith.constant 112 : index
      %get3A_1347 = tpu.vector_load %arg17[%get3A_1345, %get3A_1346] {strides = array<i32>} : memref<256x128xf32, #tpu.memory_space<vmem>>, vector<16xf32>,
      %eq3A_1348 = arith.constant 0 : i32
      %eq3A_1349 = arith.cmpi eq, %squeeze3A_1323, %eq3A_1348 : i32
      %eq3A_1350 = arith.constant 1 : i32
      %eq3A_1351 = arith.cmpi eq, %squeeze3A_1323, %eq3A_1350 : i32
      %eq3A_1352 = arith.constant 2 : i32
      %eq3A_1353 = arith.cmpi eq, %squeeze3A_1323, %eq3A_1352 : i32
      %select_n3A_1354 = arith.select %eq3A_1353, %get3A_1338, %get3A_1344 : vector<16xf32>
      %select_n3A_1355 = arith.select %eq3A_1351, %get3A_1332, %select_n3A_1354 : vector<16xf32>
      %select_n3A_1356 = arith.select %eq3A_1349, %get3A_1326, %select_n3A_1355 : vector<16xf32>
      %eq3A_1357 = arith.constant 0 : i32
      %eq3A_1358 = arith.cmpi eq, %squeeze3A_1323, %eq3A_1357 : i32
      %eq3A_1359 = arith.constant 1 : i32
      %eq3A_1360 = arith.cmpi eq, %squeeze3A_1323, %eq3A_1359 : i32
      %eq3A_1361 = arith.constant 2 : i32
      %eq3A_1362 = arith.cmpi eq, %squeeze3A_1323, %eq3A_1361 : i32
      %select_n3A_1363 = arith.select %eq3A_1362, %get3A_1341, %get3A_1347 : vector<16xf32>
      %select_n3A_1364 = arith.select %eq3A_1360, %get3A_1335, %select_n3A_1363 : vector<16xf32>
      %select_n3A_1365 = arith.select %eq3A_1358, %get3A_1329, %select_n3A_1364 : vector<16xf32>
      %sub3A_1366 = arith.subf %select_n3A_1312, %select_n3A_1356 : vector<16xf32>
      %sub3A_1367 = arith.subf %select_n3A_1321, %select_n3A_1365 : vector<16xf32>
      %mul3A_1368 = arith.mulf %sub3A_1366, %sub3A_1366 : vector<16xf32>
      %mul3A_1369 = arith.mulf %sub3A_1367, %sub3A_1367 : vector<16xf32>
      %add3A_1370 = arith.addf %mul3A_1368, %mul3A_1369 : vector<16xf32>
      %reduce_sum3A_1371 = arith.constant true
      %reduce_sum3A_1372 = vector.broadcast %reduce_sum3A_1371 : i1 to vector<16xi1>
      %reduce_sum3A_1373 = tpu.scan <sum>, %add3A_1370 masked %reduce_sum3A_1372 : vector<16xf32>, vector<16xi1> -> vector<16xf32>
      %reduce_sum3A_1374 = vector.extract %reduce_sum3A_1373[15] : f32 from vector<16xf32>
      %mul3A_1375 = arith.mulf %select_n3A_1312, %select_n3A_1312 : vector<16xf32>
      %mul3A_1376 = arith.mulf %select_n3A_1356, %select_n3A_1356 : vector<16xf32>
      %add3A_1377 = arith.addf %mul3A_1375, %mul3A_1376 : vector<16xf32>
      %mul3A_1378 = arith.mulf %add3A_1377, %get3A_177 : vector<16xf32>
      %mul3A_1379 = arith.mulf %select_n3A_1321, %select_n3A_1321 : vector<16xf32>
      %mul3A_1380 = arith.mulf %select_n3A_1365, %select_n3A_1365 : vector<16xf32>
      %add3A_1381 = arith.addf %mul3A_1379, %mul3A_1380 : vector<16xf32>
      %mul3A_1382 = arith.mulf %add3A_1381, %get3A_179 : vector<16xf32>
      %add3A_1383 = arith.addf %mul3A_1378, %mul3A_1382 : vector<16xf32>
      %reduce_sum3A_1384 = arith.constant true
      %reduce_sum3A_1385 = vector.broadcast %reduce_sum3A_1384 : i1 to vector<16xi1>
      %reduce_sum3A_1386 = tpu.scan <sum>, %add3A_1383 masked %reduce_sum3A_1385 : vector<16xf32>, vector<16xi1> -> vector<16xf32>
      %reduce_sum3A_1387 = vector.extract %reduce_sum3A_1386[15] : f32 from vector<16xf32>
      %eq3A_1388 = arith.constant 9 : i32
      %eq3A_1389 = vector.broadcast %eq3A_1388 : i32 to vector<16xi32>
      %eq3A_1390 = arith.cmpi eq, %iota3A, %eq3A_1389 : vector<16xi32>
      %broadcast_in_dim3A_1391 = vector.broadcast %reduce_sum3A_1374 : f32 to vector<16xf32>
      %select_n3A_1392 = arith.select %eq3A_1390, %broadcast_in_dim3A_1391, %select_n3A_1271 : vector<16xi1>, vector<16xf32>
      %broadcast_in_dim3A_1393 = vector.broadcast %reduce_sum3A_1387 : f32 to vector<16xf32>
      %select_n3A_1394 = arith.select %eq3A_1390, %broadcast_in_dim3A_1393, %select_n3A_1273 : vector<16xi1>, vector<16xf32>
      %mul3A_1395 = arith.constant 16 : i32
      %mul3A_1396 = arith.muli %scan3A_175, %mul3A_1395 : i32
      %add3A_1397 = arith.constant 10 : i32
      %add3A_1398 = arith.addi %mul3A_1396, %add3A_1397 : i32
      %slice3A_1399 = vector.extract_strided_slice %get3A_185 {offsets = [10], sizes = [1], strides = [1]} : vector<16xi32> to vector<1xi32>
      %squeeze3A_1400 = vector.extract %slice3A_1399[0] : i32 from vector<1xi32>
      %get3A_1401 = arith.index_cast %add3A_1398 : i32 to index
      %get3A_1402 = arith.constant 0 : index
      %get3A_1403 = tpu.vector_load %arg16[%get3A_1401, %get3A_1402] {strides = array<i32>} : memref<256x128xf32, #tpu.memory_space<vmem>>, vector<16xf32>,
      %get3A_1404 = arith.index_cast %add3A_1398 : i32 to index
      %get3A_1405 = arith.constant 16 : index
      %get3A_1406 = tpu.vector_load %arg16[%get3A_1404, %get3A_1405] {strides = array<i32>} : memref<256x128xf32, #tpu.memory_space<vmem>>, vector<16xf32>,
      %get3A_1407 = arith.index_cast %add3A_1398 : i32 to index
      %get3A_1408 = arith.constant 32 : index
      %get3A_1409 = tpu.vector_load %arg16[%get3A_1407, %get3A_1408] {strides = array<i32>} : memref<256x128xf32, #tpu.memory_space<vmem>>, vector<16xf32>,
      %get3A_1410 = arith.index_cast %add3A_1398 : i32 to index
      %get3A_1411 = arith.constant 48 : index
      %get3A_1412 = tpu.vector_load %arg16[%get3A_1410, %get3A_1411] {strides = array<i32>} : memref<256x128xf32, #tpu.memory_space<vmem>>, vector<16xf32>,
      %get3A_1413 = arith.index_cast %add3A_1398 : i32 to index
      %get3A_1414 = arith.constant 64 : index
      %get3A_1415 = tpu.vector_load %arg16[%get3A_1413, %get3A_1414] {strides = array<i32>} : memref<256x128xf32, #tpu.memory_space<vmem>>, vector<16xf32>,
      %get3A_1416 = arith.index_cast %add3A_1398 : i32 to index
      %get3A_1417 = arith.constant 80 : index
      %get3A_1418 = tpu.vector_load %arg16[%get3A_1416, %get3A_1417] {strides = array<i32>} : memref<256x128xf32, #tpu.memory_space<vmem>>, vector<16xf32>,
      %get3A_1419 = arith.index_cast %add3A_1398 : i32 to index
      %get3A_1420 = arith.constant 96 : index
      %get3A_1421 = tpu.vector_load %arg16[%get3A_1419, %get3A_1420] {strides = array<i32>} : memref<256x128xf32, #tpu.memory_space<vmem>>, vector<16xf32>,
      %get3A_1422 = arith.index_cast %add3A_1398 : i32 to index
      %get3A_1423 = arith.constant 112 : index
      %get3A_1424 = tpu.vector_load %arg16[%get3A_1422, %get3A_1423] {strides = array<i32>} : memref<256x128xf32, #tpu.memory_space<vmem>>, vector<16xf32>,
      %eq3A_1425 = arith.constant 0 : i32
      %eq3A_1426 = arith.cmpi eq, %squeeze3A_1400, %eq3A_1425 : i32
      %eq3A_1427 = arith.constant 1 : i32
      %eq3A_1428 = arith.cmpi eq, %squeeze3A_1400, %eq3A_1427 : i32
      %eq3A_1429 = arith.constant 2 : i32
      %eq3A_1430 = arith.cmpi eq, %squeeze3A_1400, %eq3A_1429 : i32
      %select_n3A_1431 = arith.select %eq3A_1430, %get3A_1415, %get3A_1421 : vector<16xf32>
      %select_n3A_1432 = arith.select %eq3A_1428, %get3A_1409, %select_n3A_1431 : vector<16xf32>
      %select_n3A_1433 = arith.select %eq3A_1426, %get3A_1403, %select_n3A_1432 : vector<16xf32>
      %eq3A_1434 = arith.constant 0 : i32
      %eq3A_1435 = arith.cmpi eq, %squeeze3A_1400, %eq3A_1434 : i32
      %eq3A_1436 = arith.constant 1 : i32
      %eq3A_1437 = arith.cmpi eq, %squeeze3A_1400, %eq3A_1436 : i32
      %eq3A_1438 = arith.constant 2 : i32
      %eq3A_1439 = arith.cmpi eq, %squeeze3A_1400, %eq3A_1438 : i32
      %select_n3A_1440 = arith.select %eq3A_1439, %get3A_1418, %get3A_1424 : vector<16xf32>
      %select_n3A_1441 = arith.select %eq3A_1437, %get3A_1412, %select_n3A_1440 : vector<16xf32>
      %select_n3A_1442 = arith.select %eq3A_1435, %get3A_1406, %select_n3A_1441 : vector<16xf32>
      %slice3A_1443 = vector.extract_strided_slice %get3A_187 {offsets = [10], sizes = [1], strides = [1]} : vector<16xi32> to vector<1xi32>
      %squeeze3A_1444 = vector.extract %slice3A_1443[0] : i32 from vector<1xi32>
      %get3A_1445 = arith.index_cast %add3A_1398 : i32 to index
      %get3A_1446 = arith.constant 0 : index
      %get3A_1447 = tpu.vector_load %arg17[%get3A_1445, %get3A_1446] {strides = array<i32>} : memref<256x128xf32, #tpu.memory_space<vmem>>, vector<16xf32>,
      %get3A_1448 = arith.index_cast %add3A_1398 : i32 to index
      %get3A_1449 = arith.constant 16 : index
      %get3A_1450 = tpu.vector_load %arg17[%get3A_1448, %get3A_1449] {strides = array<i32>} : memref<256x128xf32, #tpu.memory_space<vmem>>, vector<16xf32>,
      %get3A_1451 = arith.index_cast %add3A_1398 : i32 to index
      %get3A_1452 = arith.constant 32 : index
      %get3A_1453 = tpu.vector_load %arg17[%get3A_1451, %get3A_1452] {strides = array<i32>} : memref<256x128xf32, #tpu.memory_space<vmem>>, vector<16xf32>,
      %get3A_1454 = arith.index_cast %add3A_1398 : i32 to index
      %get3A_1455 = arith.constant 48 : index
      %get3A_1456 = tpu.vector_load %arg17[%get3A_1454, %get3A_1455] {strides = array<i32>} : memref<256x128xf32, #tpu.memory_space<vmem>>, vector<16xf32>,
      %get3A_1457 = arith.index_cast %add3A_1398 : i32 to index
      %get3A_1458 = arith.constant 64 : index
      %get3A_1459 = tpu.vector_load %arg17[%get3A_1457, %get3A_1458] {strides = array<i32>} : memref<256x128xf32, #tpu.memory_space<vmem>>, vector<16xf32>,
      %get3A_1460 = arith.index_cast %add3A_1398 : i32 to index
      %get3A_1461 = arith.constant 80 : index
      %get3A_1462 = tpu.vector_load %arg17[%get3A_1460, %get3A_1461] {strides = array<i32>} : memref<256x128xf32, #tpu.memory_space<vmem>>, vector<16xf32>,
      %get3A_1463 = arith.index_cast %add3A_1398 : i32 to index
      %get3A_1464 = arith.constant 96 : index
      %get3A_1465 = tpu.vector_load %arg17[%get3A_1463, %get3A_1464] {strides = array<i32>} : memref<256x128xf32, #tpu.memory_space<vmem>>, vector<16xf32>,
      %get3A_1466 = arith.index_cast %add3A_1398 : i32 to index
      %get3A_1467 = arith.constant 112 : index
      %get3A_1468 = tpu.vector_load %arg17[%get3A_1466, %get3A_1467] {strides = array<i32>} : memref<256x128xf32, #tpu.memory_space<vmem>>, vector<16xf32>,
      %eq3A_1469 = arith.constant 0 : i32
      %eq3A_1470 = arith.cmpi eq, %squeeze3A_1444, %eq3A_1469 : i32
      %eq3A_1471 = arith.constant 1 : i32
      %eq3A_1472 = arith.cmpi eq, %squeeze3A_1444, %eq3A_1471 : i32
      %eq3A_1473 = arith.constant 2 : i32
      %eq3A_1474 = arith.cmpi eq, %squeeze3A_1444, %eq3A_1473 : i32
      %select_n3A_1475 = arith.select %eq3A_1474, %get3A_1459, %get3A_1465 : vector<16xf32>
      %select_n3A_1476 = arith.select %eq3A_1472, %get3A_1453, %select_n3A_1475 : vector<16xf32>
      %select_n3A_1477 = arith.select %eq3A_1470, %get3A_1447, %select_n3A_1476 : vector<16xf32>
      %eq3A_1478 = arith.constant 0 : i32
      %eq3A_1479 = arith.cmpi eq, %squeeze3A_1444, %eq3A_1478 : i32
      %eq3A_1480 = arith.constant 1 : i32
      %eq3A_1481 = arith.cmpi eq, %squeeze3A_1444, %eq3A_1480 : i32
      %eq3A_1482 = arith.constant 2 : i32
      %eq3A_1483 = arith.cmpi eq, %squeeze3A_1444, %eq3A_1482 : i32
      %select_n3A_1484 = arith.select %eq3A_1483, %get3A_1462, %get3A_1468 : vector<16xf32>
      %select_n3A_1485 = arith.select %eq3A_1481, %get3A_1456, %select_n3A_1484 : vector<16xf32>
      %select_n3A_1486 = arith.select %eq3A_1479, %get3A_1450, %select_n3A_1485 : vector<16xf32>
      %sub3A_1487 = arith.subf %select_n3A_1433, %select_n3A_1477 : vector<16xf32>
      %sub3A_1488 = arith.subf %select_n3A_1442, %select_n3A_1486 : vector<16xf32>
      %mul3A_1489 = arith.mulf %sub3A_1487, %sub3A_1487 : vector<16xf32>
      %mul3A_1490 = arith.mulf %sub3A_1488, %sub3A_1488 : vector<16xf32>
      %add3A_1491 = arith.addf %mul3A_1489, %mul3A_1490 : vector<16xf32>
      %reduce_sum3A_1492 = arith.constant true
      %reduce_sum3A_1493 = vector.broadcast %reduce_sum3A_1492 : i1 to vector<16xi1>
      %reduce_sum3A_1494 = tpu.scan <sum>, %add3A_1491 masked %reduce_sum3A_1493 : vector<16xf32>, vector<16xi1> -> vector<16xf32>
      %reduce_sum3A_1495 = vector.extract %reduce_sum3A_1494[15] : f32 from vector<16xf32>
      %mul3A_1496 = arith.mulf %select_n3A_1433, %select_n3A_1433 : vector<16xf32>
      %mul3A_1497 = arith.mulf %select_n3A_1477, %select_n3A_1477 : vector<16xf32>
      %add3A_1498 = arith.addf %mul3A_1496, %mul3A_1497 : vector<16xf32>
      %mul3A_1499 = arith.mulf %add3A_1498, %get3A_177 : vector<16xf32>
      %mul3A_1500 = arith.mulf %select_n3A_1442, %select_n3A_1442 : vector<16xf32>
      %mul3A_1501 = arith.mulf %select_n3A_1486, %select_n3A_1486 : vector<16xf32>
      %add3A_1502 = arith.addf %mul3A_1500, %mul3A_1501 : vector<16xf32>
      %mul3A_1503 = arith.mulf %add3A_1502, %get3A_179 : vector<16xf32>
      %add3A_1504 = arith.addf %mul3A_1499, %mul3A_1503 : vector<16xf32>
      %reduce_sum3A_1505 = arith.constant true
      %reduce_sum3A_1506 = vector.broadcast %reduce_sum3A_1505 : i1 to vector<16xi1>
      %reduce_sum3A_1507 = tpu.scan <sum>, %add3A_1504 masked %reduce_sum3A_1506 : vector<16xf32>, vector<16xi1> -> vector<16xf32>
      %reduce_sum3A_1508 = vector.extract %reduce_sum3A_1507[15] : f32 from vector<16xf32>
      %eq3A_1509 = arith.constant 10 : i32
      %eq3A_1510 = vector.broadcast %eq3A_1509 : i32 to vector<16xi32>
      %eq3A_1511 = arith.cmpi eq, %iota3A, %eq3A_1510 : vector<16xi32>
      %broadcast_in_dim3A_1512 = vector.broadcast %reduce_sum3A_1495 : f32 to vector<16xf32>
      %select_n3A_1513 = arith.select %eq3A_1511, %broadcast_in_dim3A_1512, %select_n3A_1392 : vector<16xi1>, vector<16xf32>
      %broadcast_in_dim3A_1514 = vector.broadcast %reduce_sum3A_1508 : f32 to vector<16xf32>
      %select_n3A_1515 = arith.select %eq3A_1511, %broadcast_in_dim3A_1514, %select_n3A_1394 : vector<16xi1>, vector<16xf32>
      %mul3A_1516 = arith.constant 16 : i32
      %mul3A_1517 = arith.muli %scan3A_175, %mul3A_1516 : i32
      %add3A_1518 = arith.constant 11 : i32
      %add3A_1519 = arith.addi %mul3A_1517, %add3A_1518 : i32
      %slice3A_1520 = vector.extract_strided_slice %get3A_185 {offsets = [11], sizes = [1], strides = [1]} : vector<16xi32> to vector<1xi32>
      %squeeze3A_1521 = vector.extract %slice3A_1520[0] : i32 from vector<1xi32>
      %get3A_1522 = arith.index_cast %add3A_1519 : i32 to index
      %get3A_1523 = arith.constant 0 : index
      %get3A_1524 = tpu.vector_load %arg16[%get3A_1522, %get3A_1523] {strides = array<i32>} : memref<256x128xf32, #tpu.memory_space<vmem>>, vector<16xf32>,
      %get3A_1525 = arith.index_cast %add3A_1519 : i32 to index
      %get3A_1526 = arith.constant 16 : index
      %get3A_1527 = tpu.vector_load %arg16[%get3A_1525, %get3A_1526] {strides = array<i32>} : memref<256x128xf32, #tpu.memory_space<vmem>>, vector<16xf32>,
      %get3A_1528 = arith.index_cast %add3A_1519 : i32 to index
      %get3A_1529 = arith.constant 32 : index
      %get3A_1530 = tpu.vector_load %arg16[%get3A_1528, %get3A_1529] {strides = array<i32>} : memref<256x128xf32, #tpu.memory_space<vmem>>, vector<16xf32>,
      %get3A_1531 = arith.index_cast %add3A_1519 : i32 to index
      %get3A_1532 = arith.constant 48 : index
      %get3A_1533 = tpu.vector_load %arg16[%get3A_1531, %get3A_1532] {strides = array<i32>} : memref<256x128xf32, #tpu.memory_space<vmem>>, vector<16xf32>,
      %get3A_1534 = arith.index_cast %add3A_1519 : i32 to index
      %get3A_1535 = arith.constant 64 : index
      %get3A_1536 = tpu.vector_load %arg16[%get3A_1534, %get3A_1535] {strides = array<i32>} : memref<256x128xf32, #tpu.memory_space<vmem>>, vector<16xf32>,
      %get3A_1537 = arith.index_cast %add3A_1519 : i32 to index
      %get3A_1538 = arith.constant 80 : index
      %get3A_1539 = tpu.vector_load %arg16[%get3A_1537, %get3A_1538] {strides = array<i32>} : memref<256x128xf32, #tpu.memory_space<vmem>>, vector<16xf32>,
      %get3A_1540 = arith.index_cast %add3A_1519 : i32 to index
      %get3A_1541 = arith.constant 96 : index
      %get3A_1542 = tpu.vector_load %arg16[%get3A_1540, %get3A_1541] {strides = array<i32>} : memref<256x128xf32, #tpu.memory_space<vmem>>, vector<16xf32>,
      %get3A_1543 = arith.index_cast %add3A_1519 : i32 to index
      %get3A_1544 = arith.constant 112 : index
      %get3A_1545 = tpu.vector_load %arg16[%get3A_1543, %get3A_1544] {strides = array<i32>} : memref<256x128xf32, #tpu.memory_space<vmem>>, vector<16xf32>,
      %eq3A_1546 = arith.constant 0 : i32
      %eq3A_1547 = arith.cmpi eq, %squeeze3A_1521, %eq3A_1546 : i32
      %eq3A_1548 = arith.constant 1 : i32
      %eq3A_1549 = arith.cmpi eq, %squeeze3A_1521, %eq3A_1548 : i32
      %eq3A_1550 = arith.constant 2 : i32
      %eq3A_1551 = arith.cmpi eq, %squeeze3A_1521, %eq3A_1550 : i32
      %select_n3A_1552 = arith.select %eq3A_1551, %get3A_1536, %get3A_1542 : vector<16xf32>
      %select_n3A_1553 = arith.select %eq3A_1549, %get3A_1530, %select_n3A_1552 : vector<16xf32>
      %select_n3A_1554 = arith.select %eq3A_1547, %get3A_1524, %select_n3A_1553 : vector<16xf32>
      %eq3A_1555 = arith.constant 0 : i32
      %eq3A_1556 = arith.cmpi eq, %squeeze3A_1521, %eq3A_1555 : i32
      %eq3A_1557 = arith.constant 1 : i32
      %eq3A_1558 = arith.cmpi eq, %squeeze3A_1521, %eq3A_1557 : i32
      %eq3A_1559 = arith.constant 2 : i32
      %eq3A_1560 = arith.cmpi eq, %squeeze3A_1521, %eq3A_1559 : i32
      %select_n3A_1561 = arith.select %eq3A_1560, %get3A_1539, %get3A_1545 : vector<16xf32>
      %select_n3A_1562 = arith.select %eq3A_1558, %get3A_1533, %select_n3A_1561 : vector<16xf32>
      %select_n3A_1563 = arith.select %eq3A_1556, %get3A_1527, %select_n3A_1562 : vector<16xf32>
      %slice3A_1564 = vector.extract_strided_slice %get3A_187 {offsets = [11], sizes = [1], strides = [1]} : vector<16xi32> to vector<1xi32>
      %squeeze3A_1565 = vector.extract %slice3A_1564[0] : i32 from vector<1xi32>
      %get3A_1566 = arith.index_cast %add3A_1519 : i32 to index
      %get3A_1567 = arith.constant 0 : index
      %get3A_1568 = tpu.vector_load %arg17[%get3A_1566, %get3A_1567] {strides = array<i32>} : memref<256x128xf32, #tpu.memory_space<vmem>>, vector<16xf32>,
      %get3A_1569 = arith.index_cast %add3A_1519 : i32 to index
      %get3A_1570 = arith.constant 16 : index
      %get3A_1571 = tpu.vector_load %arg17[%get3A_1569, %get3A_1570] {strides = array<i32>} : memref<256x128xf32, #tpu.memory_space<vmem>>, vector<16xf32>,
      %get3A_1572 = arith.index_cast %add3A_1519 : i32 to index
      %get3A_1573 = arith.constant 32 : index
      %get3A_1574 = tpu.vector_load %arg17[%get3A_1572, %get3A_1573] {strides = array<i32>} : memref<256x128xf32, #tpu.memory_space<vmem>>, vector<16xf32>,
      %get3A_1575 = arith.index_cast %add3A_1519 : i32 to index
      %get3A_1576 = arith.constant 48 : index
      %get3A_1577 = tpu.vector_load %arg17[%get3A_1575, %get3A_1576] {strides = array<i32>} : memref<256x128xf32, #tpu.memory_space<vmem>>, vector<16xf32>,
      %get3A_1578 = arith.index_cast %add3A_1519 : i32 to index
      %get3A_1579 = arith.constant 64 : index
      %get3A_1580 = tpu.vector_load %arg17[%get3A_1578, %get3A_1579] {strides = array<i32>} : memref<256x128xf32, #tpu.memory_space<vmem>>, vector<16xf32>,
      %get3A_1581 = arith.index_cast %add3A_1519 : i32 to index
      %get3A_1582 = arith.constant 80 : index
      %get3A_1583 = tpu.vector_load %arg17[%get3A_1581, %get3A_1582] {strides = array<i32>} : memref<256x128xf32, #tpu.memory_space<vmem>>, vector<16xf32>,
      %get3A_1584 = arith.index_cast %add3A_1519 : i32 to index
      %get3A_1585 = arith.constant 96 : index
      %get3A_1586 = tpu.vector_load %arg17[%get3A_1584, %get3A_1585] {strides = array<i32>} : memref<256x128xf32, #tpu.memory_space<vmem>>, vector<16xf32>,
      %get3A_1587 = arith.index_cast %add3A_1519 : i32 to index
      %get3A_1588 = arith.constant 112 : index
      %get3A_1589 = tpu.vector_load %arg17[%get3A_1587, %get3A_1588] {strides = array<i32>} : memref<256x128xf32, #tpu.memory_space<vmem>>, vector<16xf32>,
      %eq3A_1590 = arith.constant 0 : i32
      %eq3A_1591 = arith.cmpi eq, %squeeze3A_1565, %eq3A_1590 : i32
      %eq3A_1592 = arith.constant 1 : i32
      %eq3A_1593 = arith.cmpi eq, %squeeze3A_1565, %eq3A_1592 : i32
      %eq3A_1594 = arith.constant 2 : i32
      %eq3A_1595 = arith.cmpi eq, %squeeze3A_1565, %eq3A_1594 : i32
      %select_n3A_1596 = arith.select %eq3A_1595, %get3A_1580, %get3A_1586 : vector<16xf32>
      %select_n3A_1597 = arith.select %eq3A_1593, %get3A_1574, %select_n3A_1596 : vector<16xf32>
      %select_n3A_1598 = arith.select %eq3A_1591, %get3A_1568, %select_n3A_1597 : vector<16xf32>
      %eq3A_1599 = arith.constant 0 : i32
      %eq3A_1600 = arith.cmpi eq, %squeeze3A_1565, %eq3A_1599 : i32
      %eq3A_1601 = arith.constant 1 : i32
      %eq3A_1602 = arith.cmpi eq, %squeeze3A_1565, %eq3A_1601 : i32
      %eq3A_1603 = arith.constant 2 : i32
      %eq3A_1604 = arith.cmpi eq, %squeeze3A_1565, %eq3A_1603 : i32
      %select_n3A_1605 = arith.select %eq3A_1604, %get3A_1583, %get3A_1589 : vector<16xf32>
      %select_n3A_1606 = arith.select %eq3A_1602, %get3A_1577, %select_n3A_1605 : vector<16xf32>
      %select_n3A_1607 = arith.select %eq3A_1600, %get3A_1571, %select_n3A_1606 : vector<16xf32>
      %sub3A_1608 = arith.subf %select_n3A_1554, %select_n3A_1598 : vector<16xf32>
      %sub3A_1609 = arith.subf %select_n3A_1563, %select_n3A_1607 : vector<16xf32>
      %mul3A_1610 = arith.mulf %sub3A_1608, %sub3A_1608 : vector<16xf32>
      %mul3A_1611 = arith.mulf %sub3A_1609, %sub3A_1609 : vector<16xf32>
      %add3A_1612 = arith.addf %mul3A_1610, %mul3A_1611 : vector<16xf32>
      %reduce_sum3A_1613 = arith.constant true
      %reduce_sum3A_1614 = vector.broadcast %reduce_sum3A_1613 : i1 to vector<16xi1>
      %reduce_sum3A_1615 = tpu.scan <sum>, %add3A_1612 masked %reduce_sum3A_1614 : vector<16xf32>, vector<16xi1> -> vector<16xf32>
      %reduce_sum3A_1616 = vector.extract %reduce_sum3A_1615[15] : f32 from vector<16xf32>
      %mul3A_1617 = arith.mulf %select_n3A_1554, %select_n3A_1554 : vector<16xf32>
      %mul3A_1618 = arith.mulf %select_n3A_1598, %select_n3A_1598 : vector<16xf32>
      %add3A_1619 = arith.addf %mul3A_1617, %mul3A_1618 : vector<16xf32>
      %mul3A_1620 = arith.mulf %add3A_1619, %get3A_177 : vector<16xf32>
      %mul3A_1621 = arith.mulf %select_n3A_1563, %select_n3A_1563 : vector<16xf32>
      %mul3A_1622 = arith.mulf %select_n3A_1607, %select_n3A_1607 : vector<16xf32>
      %add3A_1623 = arith.addf %mul3A_1621, %mul3A_1622 : vector<16xf32>
      %mul3A_1624 = arith.mulf %add3A_1623, %get3A_179 : vector<16xf32>
      %add3A_1625 = arith.addf %mul3A_1620, %mul3A_1624 : vector<16xf32>
      %reduce_sum3A_1626 = arith.constant true
      %reduce_sum3A_1627 = vector.broadcast %reduce_sum3A_1626 : i1 to vector<16xi1>
      %reduce_sum3A_1628 = tpu.scan <sum>, %add3A_1625 masked %reduce_sum3A_1627 : vector<16xf32>, vector<16xi1> -> vector<16xf32>
      %reduce_sum3A_1629 = vector.extract %reduce_sum3A_1628[15] : f32 from vector<16xf32>
      %eq3A_1630 = arith.constant 11 : i32
      %eq3A_1631 = vector.broadcast %eq3A_1630 : i32 to vector<16xi32>
      %eq3A_1632 = arith.cmpi eq, %iota3A, %eq3A_1631 : vector<16xi32>
      %broadcast_in_dim3A_1633 = vector.broadcast %reduce_sum3A_1616 : f32 to vector<16xf32>
      %select_n3A_1634 = arith.select %eq3A_1632, %broadcast_in_dim3A_1633, %select_n3A_1513 : vector<16xi1>, vector<16xf32>
      %broadcast_in_dim3A_1635 = vector.broadcast %reduce_sum3A_1629 : f32 to vector<16xf32>
      %select_n3A_1636 = arith.select %eq3A_1632, %broadcast_in_dim3A_1635, %select_n3A_1515 : vector<16xi1>, vector<16xf32>
      %mul3A_1637 = arith.constant 16 : i32
      %mul3A_1638 = arith.muli %scan3A_175, %mul3A_1637 : i32
      %add3A_1639 = arith.constant 12 : i32
      %add3A_1640 = arith.addi %mul3A_1638, %add3A_1639 : i32
      %slice3A_1641 = vector.extract_strided_slice %get3A_185 {offsets = [12], sizes = [1], strides = [1]} : vector<16xi32> to vector<1xi32>
      %squeeze3A_1642 = vector.extract %slice3A_1641[0] : i32 from vector<1xi32>
      %get3A_1643 = arith.index_cast %add3A_1640 : i32 to index
      %get3A_1644 = arith.constant 0 : index
      %get3A_1645 = tpu.vector_load %arg16[%get3A_1643, %get3A_1644] {strides = array<i32>} : memref<256x128xf32, #tpu.memory_space<vmem>>, vector<16xf32>,
      %get3A_1646 = arith.index_cast %add3A_1640 : i32 to index
      %get3A_1647 = arith.constant 16 : index
      %get3A_1648 = tpu.vector_load %arg16[%get3A_1646, %get3A_1647] {strides = array<i32>} : memref<256x128xf32, #tpu.memory_space<vmem>>, vector<16xf32>,
      %get3A_1649 = arith.index_cast %add3A_1640 : i32 to index
      %get3A_1650 = arith.constant 32 : index
      %get3A_1651 = tpu.vector_load %arg16[%get3A_1649, %get3A_1650] {strides = array<i32>} : memref<256x128xf32, #tpu.memory_space<vmem>>, vector<16xf32>,
      %get3A_1652 = arith.index_cast %add3A_1640 : i32 to index
      %get3A_1653 = arith.constant 48 : index
      %get3A_1654 = tpu.vector_load %arg16[%get3A_1652, %get3A_1653] {strides = array<i32>} : memref<256x128xf32, #tpu.memory_space<vmem>>, vector<16xf32>,
      %get3A_1655 = arith.index_cast %add3A_1640 : i32 to index
      %get3A_1656 = arith.constant 64 : index
      %get3A_1657 = tpu.vector_load %arg16[%get3A_1655, %get3A_1656] {strides = array<i32>} : memref<256x128xf32, #tpu.memory_space<vmem>>, vector<16xf32>,
      %get3A_1658 = arith.index_cast %add3A_1640 : i32 to index
      %get3A_1659 = arith.constant 80 : index
      %get3A_1660 = tpu.vector_load %arg16[%get3A_1658, %get3A_1659] {strides = array<i32>} : memref<256x128xf32, #tpu.memory_space<vmem>>, vector<16xf32>,
      %get3A_1661 = arith.index_cast %add3A_1640 : i32 to index
      %get3A_1662 = arith.constant 96 : index
      %get3A_1663 = tpu.vector_load %arg16[%get3A_1661, %get3A_1662] {strides = array<i32>} : memref<256x128xf32, #tpu.memory_space<vmem>>, vector<16xf32>,
      %get3A_1664 = arith.index_cast %add3A_1640 : i32 to index
      %get3A_1665 = arith.constant 112 : index
      %get3A_1666 = tpu.vector_load %arg16[%get3A_1664, %get3A_1665] {strides = array<i32>} : memref<256x128xf32, #tpu.memory_space<vmem>>, vector<16xf32>,
      %eq3A_1667 = arith.constant 0 : i32
      %eq3A_1668 = arith.cmpi eq, %squeeze3A_1642, %eq3A_1667 : i32
      %eq3A_1669 = arith.constant 1 : i32
      %eq3A_1670 = arith.cmpi eq, %squeeze3A_1642, %eq3A_1669 : i32
      %eq3A_1671 = arith.constant 2 : i32
      %eq3A_1672 = arith.cmpi eq, %squeeze3A_1642, %eq3A_1671 : i32
      %select_n3A_1673 = arith.select %eq3A_1672, %get3A_1657, %get3A_1663 : vector<16xf32>
      %select_n3A_1674 = arith.select %eq3A_1670, %get3A_1651, %select_n3A_1673 : vector<16xf32>
      %select_n3A_1675 = arith.select %eq3A_1668, %get3A_1645, %select_n3A_1674 : vector<16xf32>
      %eq3A_1676 = arith.constant 0 : i32
      %eq3A_1677 = arith.cmpi eq, %squeeze3A_1642, %eq3A_1676 : i32
      %eq3A_1678 = arith.constant 1 : i32
      %eq3A_1679 = arith.cmpi eq, %squeeze3A_1642, %eq3A_1678 : i32
      %eq3A_1680 = arith.constant 2 : i32
      %eq3A_1681 = arith.cmpi eq, %squeeze3A_1642, %eq3A_1680 : i32
      %select_n3A_1682 = arith.select %eq3A_1681, %get3A_1660, %get3A_1666 : vector<16xf32>
      %select_n3A_1683 = arith.select %eq3A_1679, %get3A_1654, %select_n3A_1682 : vector<16xf32>
      %select_n3A_1684 = arith.select %eq3A_1677, %get3A_1648, %select_n3A_1683 : vector<16xf32>
      %slice3A_1685 = vector.extract_strided_slice %get3A_187 {offsets = [12], sizes = [1], strides = [1]} : vector<16xi32> to vector<1xi32>
      %squeeze3A_1686 = vector.extract %slice3A_1685[0] : i32 from vector<1xi32>
      %get3A_1687 = arith.index_cast %add3A_1640 : i32 to index
      %get3A_1688 = arith.constant 0 : index
      %get3A_1689 = tpu.vector_load %arg17[%get3A_1687, %get3A_1688] {strides = array<i32>} : memref<256x128xf32, #tpu.memory_space<vmem>>, vector<16xf32>,
      %get3A_1690 = arith.index_cast %add3A_1640 : i32 to index
      %get3A_1691 = arith.constant 16 : index
      %get3A_1692 = tpu.vector_load %arg17[%get3A_1690, %get3A_1691] {strides = array<i32>} : memref<256x128xf32, #tpu.memory_space<vmem>>, vector<16xf32>,
      %get3A_1693 = arith.index_cast %add3A_1640 : i32 to index
      %get3A_1694 = arith.constant 32 : index
      %get3A_1695 = tpu.vector_load %arg17[%get3A_1693, %get3A_1694] {strides = array<i32>} : memref<256x128xf32, #tpu.memory_space<vmem>>, vector<16xf32>,
      %get3A_1696 = arith.index_cast %add3A_1640 : i32 to index
      %get3A_1697 = arith.constant 48 : index
      %get3A_1698 = tpu.vector_load %arg17[%get3A_1696, %get3A_1697] {strides = array<i32>} : memref<256x128xf32, #tpu.memory_space<vmem>>, vector<16xf32>,
      %get3A_1699 = arith.index_cast %add3A_1640 : i32 to index
      %get3A_1700 = arith.constant 64 : index
      %get3A_1701 = tpu.vector_load %arg17[%get3A_1699, %get3A_1700] {strides = array<i32>} : memref<256x128xf32, #tpu.memory_space<vmem>>, vector<16xf32>,
      %get3A_1702 = arith.index_cast %add3A_1640 : i32 to index
      %get3A_1703 = arith.constant 80 : index
      %get3A_1704 = tpu.vector_load %arg17[%get3A_1702, %get3A_1703] {strides = array<i32>} : memref<256x128xf32, #tpu.memory_space<vmem>>, vector<16xf32>,
      %get3A_1705 = arith.index_cast %add3A_1640 : i32 to index
      %get3A_1706 = arith.constant 96 : index
      %get3A_1707 = tpu.vector_load %arg17[%get3A_1705, %get3A_1706] {strides = array<i32>} : memref<256x128xf32, #tpu.memory_space<vmem>>, vector<16xf32>,
      %get3A_1708 = arith.index_cast %add3A_1640 : i32 to index
      %get3A_1709 = arith.constant 112 : index
      %get3A_1710 = tpu.vector_load %arg17[%get3A_1708, %get3A_1709] {strides = array<i32>} : memref<256x128xf32, #tpu.memory_space<vmem>>, vector<16xf32>,
      %eq3A_1711 = arith.constant 0 : i32
      %eq3A_1712 = arith.cmpi eq, %squeeze3A_1686, %eq3A_1711 : i32
      %eq3A_1713 = arith.constant 1 : i32
      %eq3A_1714 = arith.cmpi eq, %squeeze3A_1686, %eq3A_1713 : i32
      %eq3A_1715 = arith.constant 2 : i32
      %eq3A_1716 = arith.cmpi eq, %squeeze3A_1686, %eq3A_1715 : i32
      %select_n3A_1717 = arith.select %eq3A_1716, %get3A_1701, %get3A_1707 : vector<16xf32>
      %select_n3A_1718 = arith.select %eq3A_1714, %get3A_1695, %select_n3A_1717 : vector<16xf32>
      %select_n3A_1719 = arith.select %eq3A_1712, %get3A_1689, %select_n3A_1718 : vector<16xf32>
      %eq3A_1720 = arith.constant 0 : i32
      %eq3A_1721 = arith.cmpi eq, %squeeze3A_1686, %eq3A_1720 : i32
      %eq3A_1722 = arith.constant 1 : i32
      %eq3A_1723 = arith.cmpi eq, %squeeze3A_1686, %eq3A_1722 : i32
      %eq3A_1724 = arith.constant 2 : i32
      %eq3A_1725 = arith.cmpi eq, %squeeze3A_1686, %eq3A_1724 : i32
      %select_n3A_1726 = arith.select %eq3A_1725, %get3A_1704, %get3A_1710 : vector<16xf32>
      %select_n3A_1727 = arith.select %eq3A_1723, %get3A_1698, %select_n3A_1726 : vector<16xf32>
      %select_n3A_1728 = arith.select %eq3A_1721, %get3A_1692, %select_n3A_1727 : vector<16xf32>
      %sub3A_1729 = arith.subf %select_n3A_1675, %select_n3A_1719 : vector<16xf32>
      %sub3A_1730 = arith.subf %select_n3A_1684, %select_n3A_1728 : vector<16xf32>
      %mul3A_1731 = arith.mulf %sub3A_1729, %sub3A_1729 : vector<16xf32>
      %mul3A_1732 = arith.mulf %sub3A_1730, %sub3A_1730 : vector<16xf32>
      %add3A_1733 = arith.addf %mul3A_1731, %mul3A_1732 : vector<16xf32>
      %reduce_sum3A_1734 = arith.constant true
      %reduce_sum3A_1735 = vector.broadcast %reduce_sum3A_1734 : i1 to vector<16xi1>
      %reduce_sum3A_1736 = tpu.scan <sum>, %add3A_1733 masked %reduce_sum3A_1735 : vector<16xf32>, vector<16xi1> -> vector<16xf32>
      %reduce_sum3A_1737 = vector.extract %reduce_sum3A_1736[15] : f32 from vector<16xf32>
      %mul3A_1738 = arith.mulf %select_n3A_1675, %select_n3A_1675 : vector<16xf32>
      %mul3A_1739 = arith.mulf %select_n3A_1719, %select_n3A_1719 : vector<16xf32>
      %add3A_1740 = arith.addf %mul3A_1738, %mul3A_1739 : vector<16xf32>
      %mul3A_1741 = arith.mulf %add3A_1740, %get3A_177 : vector<16xf32>
      %mul3A_1742 = arith.mulf %select_n3A_1684, %select_n3A_1684 : vector<16xf32>
      %mul3A_1743 = arith.mulf %select_n3A_1728, %select_n3A_1728 : vector<16xf32>
      %add3A_1744 = arith.addf %mul3A_1742, %mul3A_1743 : vector<16xf32>
      %mul3A_1745 = arith.mulf %add3A_1744, %get3A_179 : vector<16xf32>
      %add3A_1746 = arith.addf %mul3A_1741, %mul3A_1745 : vector<16xf32>
      %reduce_sum3A_1747 = arith.constant true
      %reduce_sum3A_1748 = vector.broadcast %reduce_sum3A_1747 : i1 to vector<16xi1>
      %reduce_sum3A_1749 = tpu.scan <sum>, %add3A_1746 masked %reduce_sum3A_1748 : vector<16xf32>, vector<16xi1> -> vector<16xf32>
      %reduce_sum3A_1750 = vector.extract %reduce_sum3A_1749[15] : f32 from vector<16xf32>
      %eq3A_1751 = arith.constant 12 : i32
      %eq3A_1752 = vector.broadcast %eq3A_1751 : i32 to vector<16xi32>
      %eq3A_1753 = arith.cmpi eq, %iota3A, %eq3A_1752 : vector<16xi32>
      %broadcast_in_dim3A_1754 = vector.broadcast %reduce_sum3A_1737 : f32 to vector<16xf32>
      %select_n3A_1755 = arith.select %eq3A_1753, %broadcast_in_dim3A_1754, %select_n3A_1634 : vector<16xi1>, vector<16xf32>
      %broadcast_in_dim3A_1756 = vector.broadcast %reduce_sum3A_1750 : f32 to vector<16xf32>
      %select_n3A_1757 = arith.select %eq3A_1753, %broadcast_in_dim3A_1756, %select_n3A_1636 : vector<16xi1>, vector<16xf32>
      %mul3A_1758 = arith.constant 16 : i32
      %mul3A_1759 = arith.muli %scan3A_175, %mul3A_1758 : i32
      %add3A_1760 = arith.constant 13 : i32
      %add3A_1761 = arith.addi %mul3A_1759, %add3A_1760 : i32
      %slice3A_1762 = vector.extract_strided_slice %get3A_185 {offsets = [13], sizes = [1], strides = [1]} : vector<16xi32> to vector<1xi32>
      %squeeze3A_1763 = vector.extract %slice3A_1762[0] : i32 from vector<1xi32>
      %get3A_1764 = arith.index_cast %add3A_1761 : i32 to index
      %get3A_1765 = arith.constant 0 : index
      %get3A_1766 = tpu.vector_load %arg16[%get3A_1764, %get3A_1765] {strides = array<i32>} : memref<256x128xf32, #tpu.memory_space<vmem>>, vector<16xf32>,
      %get3A_1767 = arith.index_cast %add3A_1761 : i32 to index
      %get3A_1768 = arith.constant 16 : index
      %get3A_1769 = tpu.vector_load %arg16[%get3A_1767, %get3A_1768] {strides = array<i32>} : memref<256x128xf32, #tpu.memory_space<vmem>>, vector<16xf32>,
      %get3A_1770 = arith.index_cast %add3A_1761 : i32 to index
      %get3A_1771 = arith.constant 32 : index
      %get3A_1772 = tpu.vector_load %arg16[%get3A_1770, %get3A_1771] {strides = array<i32>} : memref<256x128xf32, #tpu.memory_space<vmem>>, vector<16xf32>,
      %get3A_1773 = arith.index_cast %add3A_1761 : i32 to index
      %get3A_1774 = arith.constant 48 : index
      %get3A_1775 = tpu.vector_load %arg16[%get3A_1773, %get3A_1774] {strides = array<i32>} : memref<256x128xf32, #tpu.memory_space<vmem>>, vector<16xf32>,
      %get3A_1776 = arith.index_cast %add3A_1761 : i32 to index
      %get3A_1777 = arith.constant 64 : index
      %get3A_1778 = tpu.vector_load %arg16[%get3A_1776, %get3A_1777] {strides = array<i32>} : memref<256x128xf32, #tpu.memory_space<vmem>>, vector<16xf32>,
      %get3A_1779 = arith.index_cast %add3A_1761 : i32 to index
      %get3A_1780 = arith.constant 80 : index
      %get3A_1781 = tpu.vector_load %arg16[%get3A_1779, %get3A_1780] {strides = array<i32>} : memref<256x128xf32, #tpu.memory_space<vmem>>, vector<16xf32>,
      %get3A_1782 = arith.index_cast %add3A_1761 : i32 to index
      %get3A_1783 = arith.constant 96 : index
      %get3A_1784 = tpu.vector_load %arg16[%get3A_1782, %get3A_1783] {strides = array<i32>} : memref<256x128xf32, #tpu.memory_space<vmem>>, vector<16xf32>,
      %get3A_1785 = arith.index_cast %add3A_1761 : i32 to index
      %get3A_1786 = arith.constant 112 : index
      %get3A_1787 = tpu.vector_load %arg16[%get3A_1785, %get3A_1786] {strides = array<i32>} : memref<256x128xf32, #tpu.memory_space<vmem>>, vector<16xf32>,
      %eq3A_1788 = arith.constant 0 : i32
      %eq3A_1789 = arith.cmpi eq, %squeeze3A_1763, %eq3A_1788 : i32
      %eq3A_1790 = arith.constant 1 : i32
      %eq3A_1791 = arith.cmpi eq, %squeeze3A_1763, %eq3A_1790 : i32
      %eq3A_1792 = arith.constant 2 : i32
      %eq3A_1793 = arith.cmpi eq, %squeeze3A_1763, %eq3A_1792 : i32
      %select_n3A_1794 = arith.select %eq3A_1793, %get3A_1778, %get3A_1784 : vector<16xf32>
      %select_n3A_1795 = arith.select %eq3A_1791, %get3A_1772, %select_n3A_1794 : vector<16xf32>
      %select_n3A_1796 = arith.select %eq3A_1789, %get3A_1766, %select_n3A_1795 : vector<16xf32>
      %eq3A_1797 = arith.constant 0 : i32
      %eq3A_1798 = arith.cmpi eq, %squeeze3A_1763, %eq3A_1797 : i32
      %eq3A_1799 = arith.constant 1 : i32
      %eq3A_1800 = arith.cmpi eq, %squeeze3A_1763, %eq3A_1799 : i32
      %eq3A_1801 = arith.constant 2 : i32
      %eq3A_1802 = arith.cmpi eq, %squeeze3A_1763, %eq3A_1801 : i32
      %select_n3A_1803 = arith.select %eq3A_1802, %get3A_1781, %get3A_1787 : vector<16xf32>
      %select_n3A_1804 = arith.select %eq3A_1800, %get3A_1775, %select_n3A_1803 : vector<16xf32>
      %select_n3A_1805 = arith.select %eq3A_1798, %get3A_1769, %select_n3A_1804 : vector<16xf32>
      %slice3A_1806 = vector.extract_strided_slice %get3A_187 {offsets = [13], sizes = [1], strides = [1]} : vector<16xi32> to vector<1xi32>
      %squeeze3A_1807 = vector.extract %slice3A_1806[0] : i32 from vector<1xi32>
      %get3A_1808 = arith.index_cast %add3A_1761 : i32 to index
      %get3A_1809 = arith.constant 0 : index
      %get3A_1810 = tpu.vector_load %arg17[%get3A_1808, %get3A_1809] {strides = array<i32>} : memref<256x128xf32, #tpu.memory_space<vmem>>, vector<16xf32>,
      %get3A_1811 = arith.index_cast %add3A_1761 : i32 to index
      %get3A_1812 = arith.constant 16 : index
      %get3A_1813 = tpu.vector_load %arg17[%get3A_1811, %get3A_1812] {strides = array<i32>} : memref<256x128xf32, #tpu.memory_space<vmem>>, vector<16xf32>,
      %get3A_1814 = arith.index_cast %add3A_1761 : i32 to index
      %get3A_1815 = arith.constant 32 : index
      %get3A_1816 = tpu.vector_load %arg17[%get3A_1814, %get3A_1815] {strides = array<i32>} : memref<256x128xf32, #tpu.memory_space<vmem>>, vector<16xf32>,
      %get3A_1817 = arith.index_cast %add3A_1761 : i32 to index
      %get3A_1818 = arith.constant 48 : index
      %get3A_1819 = tpu.vector_load %arg17[%get3A_1817, %get3A_1818] {strides = array<i32>} : memref<256x128xf32, #tpu.memory_space<vmem>>, vector<16xf32>,
      %get3A_1820 = arith.index_cast %add3A_1761 : i32 to index
      %get3A_1821 = arith.constant 64 : index
      %get3A_1822 = tpu.vector_load %arg17[%get3A_1820, %get3A_1821] {strides = array<i32>} : memref<256x128xf32, #tpu.memory_space<vmem>>, vector<16xf32>,
      %get3A_1823 = arith.index_cast %add3A_1761 : i32 to index
      %get3A_1824 = arith.constant 80 : index
      %get3A_1825 = tpu.vector_load %arg17[%get3A_1823, %get3A_1824] {strides = array<i32>} : memref<256x128xf32, #tpu.memory_space<vmem>>, vector<16xf32>,
      %get3A_1826 = arith.index_cast %add3A_1761 : i32 to index
      %get3A_1827 = arith.constant 96 : index
      %get3A_1828 = tpu.vector_load %arg17[%get3A_1826, %get3A_1827] {strides = array<i32>} : memref<256x128xf32, #tpu.memory_space<vmem>>, vector<16xf32>,
      %get3A_1829 = arith.index_cast %add3A_1761 : i32 to index
      %get3A_1830 = arith.constant 112 : index
      %get3A_1831 = tpu.vector_load %arg17[%get3A_1829, %get3A_1830] {strides = array<i32>} : memref<256x128xf32, #tpu.memory_space<vmem>>, vector<16xf32>,
      %eq3A_1832 = arith.constant 0 : i32
      %eq3A_1833 = arith.cmpi eq, %squeeze3A_1807, %eq3A_1832 : i32
      %eq3A_1834 = arith.constant 1 : i32
      %eq3A_1835 = arith.cmpi eq, %squeeze3A_1807, %eq3A_1834 : i32
      %eq3A_1836 = arith.constant 2 : i32
      %eq3A_1837 = arith.cmpi eq, %squeeze3A_1807, %eq3A_1836 : i32
      %select_n3A_1838 = arith.select %eq3A_1837, %get3A_1822, %get3A_1828 : vector<16xf32>
      %select_n3A_1839 = arith.select %eq3A_1835, %get3A_1816, %select_n3A_1838 : vector<16xf32>
      %select_n3A_1840 = arith.select %eq3A_1833, %get3A_1810, %select_n3A_1839 : vector<16xf32>
      %eq3A_1841 = arith.constant 0 : i32
      %eq3A_1842 = arith.cmpi eq, %squeeze3A_1807, %eq3A_1841 : i32
      %eq3A_1843 = arith.constant 1 : i32
      %eq3A_1844 = arith.cmpi eq, %squeeze3A_1807, %eq3A_1843 : i32
      %eq3A_1845 = arith.constant 2 : i32
      %eq3A_1846 = arith.cmpi eq, %squeeze3A_1807, %eq3A_1845 : i32
      %select_n3A_1847 = arith.select %eq3A_1846, %get3A_1825, %get3A_1831 : vector<16xf32>
      %select_n3A_1848 = arith.select %eq3A_1844, %get3A_1819, %select_n3A_1847 : vector<16xf32>
      %select_n3A_1849 = arith.select %eq3A_1842, %get3A_1813, %select_n3A_1848 : vector<16xf32>
      %sub3A_1850 = arith.subf %select_n3A_1796, %select_n3A_1840 : vector<16xf32>
      %sub3A_1851 = arith.subf %select_n3A_1805, %select_n3A_1849 : vector<16xf32>
      %mul3A_1852 = arith.mulf %sub3A_1850, %sub3A_1850 : vector<16xf32>
      %mul3A_1853 = arith.mulf %sub3A_1851, %sub3A_1851 : vector<16xf32>
      %add3A_1854 = arith.addf %mul3A_1852, %mul3A_1853 : vector<16xf32>
      %reduce_sum3A_1855 = arith.constant true
      %reduce_sum3A_1856 = vector.broadcast %reduce_sum3A_1855 : i1 to vector<16xi1>
      %reduce_sum3A_1857 = tpu.scan <sum>, %add3A_1854 masked %reduce_sum3A_1856 : vector<16xf32>, vector<16xi1> -> vector<16xf32>
      %reduce_sum3A_1858 = vector.extract %reduce_sum3A_1857[15] : f32 from vector<16xf32>
      %mul3A_1859 = arith.mulf %select_n3A_1796, %select_n3A_1796 : vector<16xf32>
      %mul3A_1860 = arith.mulf %select_n3A_1840, %select_n3A_1840 : vector<16xf32>
      %add3A_1861 = arith.addf %mul3A_1859, %mul3A_1860 : vector<16xf32>
      %mul3A_1862 = arith.mulf %add3A_1861, %get3A_177 : vector<16xf32>
      %mul3A_1863 = arith.mulf %select_n3A_1805, %select_n3A_1805 : vector<16xf32>
      %mul3A_1864 = arith.mulf %select_n3A_1849, %select_n3A_1849 : vector<16xf32>
      %add3A_1865 = arith.addf %mul3A_1863, %mul3A_1864 : vector<16xf32>
      %mul3A_1866 = arith.mulf %add3A_1865, %get3A_179 : vector<16xf32>
      %add3A_1867 = arith.addf %mul3A_1862, %mul3A_1866 : vector<16xf32>
      %reduce_sum3A_1868 = arith.constant true
      %reduce_sum3A_1869 = vector.broadcast %reduce_sum3A_1868 : i1 to vector<16xi1>
      %reduce_sum3A_1870 = tpu.scan <sum>, %add3A_1867 masked %reduce_sum3A_1869 : vector<16xf32>, vector<16xi1> -> vector<16xf32>
      %reduce_sum3A_1871 = vector.extract %reduce_sum3A_1870[15] : f32 from vector<16xf32>
      %eq3A_1872 = arith.constant 13 : i32
      %eq3A_1873 = vector.broadcast %eq3A_1872 : i32 to vector<16xi32>
      %eq3A_1874 = arith.cmpi eq, %iota3A, %eq3A_1873 : vector<16xi32>
      %broadcast_in_dim3A_1875 = vector.broadcast %reduce_sum3A_1858 : f32 to vector<16xf32>
      %select_n3A_1876 = arith.select %eq3A_1874, %broadcast_in_dim3A_1875, %select_n3A_1755 : vector<16xi1>, vector<16xf32>
      %broadcast_in_dim3A_1877 = vector.broadcast %reduce_sum3A_1871 : f32 to vector<16xf32>
      %select_n3A_1878 = arith.select %eq3A_1874, %broadcast_in_dim3A_1877, %select_n3A_1757 : vector<16xi1>, vector<16xf32>
      %mul3A_1879 = arith.constant 16 : i32
      %mul3A_1880 = arith.muli %scan3A_175, %mul3A_1879 : i32
      %add3A_1881 = arith.constant 14 : i32
      %add3A_1882 = arith.addi %mul3A_1880, %add3A_1881 : i32
      %slice3A_1883 = vector.extract_strided_slice %get3A_185 {offsets = [14], sizes = [1], strides = [1]} : vector<16xi32> to vector<1xi32>
      %squeeze3A_1884 = vector.extract %slice3A_1883[0] : i32 from vector<1xi32>
      %get3A_1885 = arith.index_cast %add3A_1882 : i32 to index
      %get3A_1886 = arith.constant 0 : index
      %get3A_1887 = tpu.vector_load %arg16[%get3A_1885, %get3A_1886] {strides = array<i32>} : memref<256x128xf32, #tpu.memory_space<vmem>>, vector<16xf32>,
      %get3A_1888 = arith.index_cast %add3A_1882 : i32 to index
      %get3A_1889 = arith.constant 16 : index
      %get3A_1890 = tpu.vector_load %arg16[%get3A_1888, %get3A_1889] {strides = array<i32>} : memref<256x128xf32, #tpu.memory_space<vmem>>, vector<16xf32>,
      %get3A_1891 = arith.index_cast %add3A_1882 : i32 to index
      %get3A_1892 = arith.constant 32 : index
      %get3A_1893 = tpu.vector_load %arg16[%get3A_1891, %get3A_1892] {strides = array<i32>} : memref<256x128xf32, #tpu.memory_space<vmem>>, vector<16xf32>,
      %get3A_1894 = arith.index_cast %add3A_1882 : i32 to index
      %get3A_1895 = arith.constant 48 : index
      %get3A_1896 = tpu.vector_load %arg16[%get3A_1894, %get3A_1895] {strides = array<i32>} : memref<256x128xf32, #tpu.memory_space<vmem>>, vector<16xf32>,
      %get3A_1897 = arith.index_cast %add3A_1882 : i32 to index
      %get3A_1898 = arith.constant 64 : index
      %get3A_1899 = tpu.vector_load %arg16[%get3A_1897, %get3A_1898] {strides = array<i32>} : memref<256x128xf32, #tpu.memory_space<vmem>>, vector<16xf32>,
      %get3A_1900 = arith.index_cast %add3A_1882 : i32 to index
      %get3A_1901 = arith.constant 80 : index
      %get3A_1902 = tpu.vector_load %arg16[%get3A_1900, %get3A_1901] {strides = array<i32>} : memref<256x128xf32, #tpu.memory_space<vmem>>, vector<16xf32>,
      %get3A_1903 = arith.index_cast %add3A_1882 : i32 to index
      %get3A_1904 = arith.constant 96 : index
      %get3A_1905 = tpu.vector_load %arg16[%get3A_1903, %get3A_1904] {strides = array<i32>} : memref<256x128xf32, #tpu.memory_space<vmem>>, vector<16xf32>,
      %get3A_1906 = arith.index_cast %add3A_1882 : i32 to index
      %get3A_1907 = arith.constant 112 : index
      %get3A_1908 = tpu.vector_load %arg16[%get3A_1906, %get3A_1907] {strides = array<i32>} : memref<256x128xf32, #tpu.memory_space<vmem>>, vector<16xf32>,
      %eq3A_1909 = arith.constant 0 : i32
      %eq3A_1910 = arith.cmpi eq, %squeeze3A_1884, %eq3A_1909 : i32
      %eq3A_1911 = arith.constant 1 : i32
      %eq3A_1912 = arith.cmpi eq, %squeeze3A_1884, %eq3A_1911 : i32
      %eq3A_1913 = arith.constant 2 : i32
      %eq3A_1914 = arith.cmpi eq, %squeeze3A_1884, %eq3A_1913 : i32
      %select_n3A_1915 = arith.select %eq3A_1914, %get3A_1899, %get3A_1905 : vector<16xf32>
      %select_n3A_1916 = arith.select %eq3A_1912, %get3A_1893, %select_n3A_1915 : vector<16xf32>
      %select_n3A_1917 = arith.select %eq3A_1910, %get3A_1887, %select_n3A_1916 : vector<16xf32>
      %eq3A_1918 = arith.constant 0 : i32
      %eq3A_1919 = arith.cmpi eq, %squeeze3A_1884, %eq3A_1918 : i32
      %eq3A_1920 = arith.constant 1 : i32
      %eq3A_1921 = arith.cmpi eq, %squeeze3A_1884, %eq3A_1920 : i32
      %eq3A_1922 = arith.constant 2 : i32
      %eq3A_1923 = arith.cmpi eq, %squeeze3A_1884, %eq3A_1922 : i32
      %select_n3A_1924 = arith.select %eq3A_1923, %get3A_1902, %get3A_1908 : vector<16xf32>
      %select_n3A_1925 = arith.select %eq3A_1921, %get3A_1896, %select_n3A_1924 : vector<16xf32>
      %select_n3A_1926 = arith.select %eq3A_1919, %get3A_1890, %select_n3A_1925 : vector<16xf32>
      %slice3A_1927 = vector.extract_strided_slice %get3A_187 {offsets = [14], sizes = [1], strides = [1]} : vector<16xi32> to vector<1xi32>
      %squeeze3A_1928 = vector.extract %slice3A_1927[0] : i32 from vector<1xi32>
      %get3A_1929 = arith.index_cast %add3A_1882 : i32 to index
      %get3A_1930 = arith.constant 0 : index
      %get3A_1931 = tpu.vector_load %arg17[%get3A_1929, %get3A_1930] {strides = array<i32>} : memref<256x128xf32, #tpu.memory_space<vmem>>, vector<16xf32>,
      %get3A_1932 = arith.index_cast %add3A_1882 : i32 to index
      %get3A_1933 = arith.constant 16 : index
      %get3A_1934 = tpu.vector_load %arg17[%get3A_1932, %get3A_1933] {strides = array<i32>} : memref<256x128xf32, #tpu.memory_space<vmem>>, vector<16xf32>,
      %get3A_1935 = arith.index_cast %add3A_1882 : i32 to index
      %get3A_1936 = arith.constant 32 : index
      %get3A_1937 = tpu.vector_load %arg17[%get3A_1935, %get3A_1936] {strides = array<i32>} : memref<256x128xf32, #tpu.memory_space<vmem>>, vector<16xf32>,
      %get3A_1938 = arith.index_cast %add3A_1882 : i32 to index
      %get3A_1939 = arith.constant 48 : index
      %get3A_1940 = tpu.vector_load %arg17[%get3A_1938, %get3A_1939] {strides = array<i32>} : memref<256x128xf32, #tpu.memory_space<vmem>>, vector<16xf32>,
      %get3A_1941 = arith.index_cast %add3A_1882 : i32 to index
      %get3A_1942 = arith.constant 64 : index
      %get3A_1943 = tpu.vector_load %arg17[%get3A_1941, %get3A_1942] {strides = array<i32>} : memref<256x128xf32, #tpu.memory_space<vmem>>, vector<16xf32>,
      %get3A_1944 = arith.index_cast %add3A_1882 : i32 to index
      %get3A_1945 = arith.constant 80 : index
      %get3A_1946 = tpu.vector_load %arg17[%get3A_1944, %get3A_1945] {strides = array<i32>} : memref<256x128xf32, #tpu.memory_space<vmem>>, vector<16xf32>,
      %get3A_1947 = arith.index_cast %add3A_1882 : i32 to index
      %get3A_1948 = arith.constant 96 : index
      %get3A_1949 = tpu.vector_load %arg17[%get3A_1947, %get3A_1948] {strides = array<i32>} : memref<256x128xf32, #tpu.memory_space<vmem>>, vector<16xf32>,
      %get3A_1950 = arith.index_cast %add3A_1882 : i32 to index
      %get3A_1951 = arith.constant 112 : index
      %get3A_1952 = tpu.vector_load %arg17[%get3A_1950, %get3A_1951] {strides = array<i32>} : memref<256x128xf32, #tpu.memory_space<vmem>>, vector<16xf32>,
      %eq3A_1953 = arith.constant 0 : i32
      %eq3A_1954 = arith.cmpi eq, %squeeze3A_1928, %eq3A_1953 : i32
      %eq3A_1955 = arith.constant 1 : i32
      %eq3A_1956 = arith.cmpi eq, %squeeze3A_1928, %eq3A_1955 : i32
      %eq3A_1957 = arith.constant 2 : i32
      %eq3A_1958 = arith.cmpi eq, %squeeze3A_1928, %eq3A_1957 : i32
      %select_n3A_1959 = arith.select %eq3A_1958, %get3A_1943, %get3A_1949 : vector<16xf32>
      %select_n3A_1960 = arith.select %eq3A_1956, %get3A_1937, %select_n3A_1959 : vector<16xf32>
      %select_n3A_1961 = arith.select %eq3A_1954, %get3A_1931, %select_n3A_1960 : vector<16xf32>
      %eq3A_1962 = arith.constant 0 : i32
      %eq3A_1963 = arith.cmpi eq, %squeeze3A_1928, %eq3A_1962 : i32
      %eq3A_1964 = arith.constant 1 : i32
      %eq3A_1965 = arith.cmpi eq, %squeeze3A_1928, %eq3A_1964 : i32
      %eq3A_1966 = arith.constant 2 : i32
      %eq3A_1967 = arith.cmpi eq, %squeeze3A_1928, %eq3A_1966 : i32
      %select_n3A_1968 = arith.select %eq3A_1967, %get3A_1946, %get3A_1952 : vector<16xf32>
      %select_n3A_1969 = arith.select %eq3A_1965, %get3A_1940, %select_n3A_1968 : vector<16xf32>
      %select_n3A_1970 = arith.select %eq3A_1963, %get3A_1934, %select_n3A_1969 : vector<16xf32>
      %sub3A_1971 = arith.subf %select_n3A_1917, %select_n3A_1961 : vector<16xf32>
      %sub3A_1972 = arith.subf %select_n3A_1926, %select_n3A_1970 : vector<16xf32>
      %mul3A_1973 = arith.mulf %sub3A_1971, %sub3A_1971 : vector<16xf32>
      %mul3A_1974 = arith.mulf %sub3A_1972, %sub3A_1972 : vector<16xf32>
      %add3A_1975 = arith.addf %mul3A_1973, %mul3A_1974 : vector<16xf32>
      %reduce_sum3A_1976 = arith.constant true
      %reduce_sum3A_1977 = vector.broadcast %reduce_sum3A_1976 : i1 to vector<16xi1>
      %reduce_sum3A_1978 = tpu.scan <sum>, %add3A_1975 masked %reduce_sum3A_1977 : vector<16xf32>, vector<16xi1> -> vector<16xf32>
      %reduce_sum3A_1979 = vector.extract %reduce_sum3A_1978[15] : f32 from vector<16xf32>
      %mul3A_1980 = arith.mulf %select_n3A_1917, %select_n3A_1917 : vector<16xf32>
      %mul3A_1981 = arith.mulf %select_n3A_1961, %select_n3A_1961 : vector<16xf32>
      %add3A_1982 = arith.addf %mul3A_1980, %mul3A_1981 : vector<16xf32>
      %mul3A_1983 = arith.mulf %add3A_1982, %get3A_177 : vector<16xf32>
      %mul3A_1984 = arith.mulf %select_n3A_1926, %select_n3A_1926 : vector<16xf32>
      %mul3A_1985 = arith.mulf %select_n3A_1970, %select_n3A_1970 : vector<16xf32>
      %add3A_1986 = arith.addf %mul3A_1984, %mul3A_1985 : vector<16xf32>
      %mul3A_1987 = arith.mulf %add3A_1986, %get3A_179 : vector<16xf32>
      %add3A_1988 = arith.addf %mul3A_1983, %mul3A_1987 : vector<16xf32>
      %reduce_sum3A_1989 = arith.constant true
      %reduce_sum3A_1990 = vector.broadcast %reduce_sum3A_1989 : i1 to vector<16xi1>
      %reduce_sum3A_1991 = tpu.scan <sum>, %add3A_1988 masked %reduce_sum3A_1990 : vector<16xf32>, vector<16xi1> -> vector<16xf32>
      %reduce_sum3A_1992 = vector.extract %reduce_sum3A_1991[15] : f32 from vector<16xf32>
      %eq3A_1993 = arith.constant 14 : i32
      %eq3A_1994 = vector.broadcast %eq3A_1993 : i32 to vector<16xi32>
      %eq3A_1995 = arith.cmpi eq, %iota3A, %eq3A_1994 : vector<16xi32>
      %broadcast_in_dim3A_1996 = vector.broadcast %reduce_sum3A_1979 : f32 to vector<16xf32>
      %select_n3A_1997 = arith.select %eq3A_1995, %broadcast_in_dim3A_1996, %select_n3A_1876 : vector<16xi1>, vector<16xf32>
      %broadcast_in_dim3A_1998 = vector.broadcast %reduce_sum3A_1992 : f32 to vector<16xf32>
      %select_n3A_1999 = arith.select %eq3A_1995, %broadcast_in_dim3A_1998, %select_n3A_1878 : vector<16xi1>, vector<16xf32>
      %mul3A_2000 = arith.constant 16 : i32
      %mul3A_2001 = arith.muli %scan3A_175, %mul3A_2000 : i32
      %add3A_2002 = arith.constant 15 : i32
      %add3A_2003 = arith.addi %mul3A_2001, %add3A_2002 : i32
      %slice3A_2004 = vector.extract_strided_slice %get3A_185 {offsets = [15], sizes = [1], strides = [1]} : vector<16xi32> to vector<1xi32>
      %squeeze3A_2005 = vector.extract %slice3A_2004[0] : i32 from vector<1xi32>
      %get3A_2006 = arith.index_cast %add3A_2003 : i32 to index
      %get3A_2007 = arith.constant 0 : index
      %get3A_2008 = tpu.vector_load %arg16[%get3A_2006, %get3A_2007] {strides = array<i32>} : memref<256x128xf32, #tpu.memory_space<vmem>>, vector<16xf32>,
      %get3A_2009 = arith.index_cast %add3A_2003 : i32 to index
      %get3A_2010 = arith.constant 16 : index
      %get3A_2011 = tpu.vector_load %arg16[%get3A_2009, %get3A_2010] {strides = array<i32>} : memref<256x128xf32, #tpu.memory_space<vmem>>, vector<16xf32>,
      %get3A_2012 = arith.index_cast %add3A_2003 : i32 to index
      %get3A_2013 = arith.constant 32 : index
      %get3A_2014 = tpu.vector_load %arg16[%get3A_2012, %get3A_2013] {strides = array<i32>} : memref<256x128xf32, #tpu.memory_space<vmem>>, vector<16xf32>,
      %get3A_2015 = arith.index_cast %add3A_2003 : i32 to index
      %get3A_2016 = arith.constant 48 : index
      %get3A_2017 = tpu.vector_load %arg16[%get3A_2015, %get3A_2016] {strides = array<i32>} : memref<256x128xf32, #tpu.memory_space<vmem>>, vector<16xf32>,
      %get3A_2018 = arith.index_cast %add3A_2003 : i32 to index
      %get3A_2019 = arith.constant 64 : index
      %get3A_2020 = tpu.vector_load %arg16[%get3A_2018, %get3A_2019] {strides = array<i32>} : memref<256x128xf32, #tpu.memory_space<vmem>>, vector<16xf32>,
      %get3A_2021 = arith.index_cast %add3A_2003 : i32 to index
      %get3A_2022 = arith.constant 80 : index
      %get3A_2023 = tpu.vector_load %arg16[%get3A_2021, %get3A_2022] {strides = array<i32>} : memref<256x128xf32, #tpu.memory_space<vmem>>, vector<16xf32>,
      %get3A_2024 = arith.index_cast %add3A_2003 : i32 to index
      %get3A_2025 = arith.constant 96 : index
      %get3A_2026 = tpu.vector_load %arg16[%get3A_2024, %get3A_2025] {strides = array<i32>} : memref<256x128xf32, #tpu.memory_space<vmem>>, vector<16xf32>,
      %get3A_2027 = arith.index_cast %add3A_2003 : i32 to index
      %get3A_2028 = arith.constant 112 : index
      %get3A_2029 = tpu.vector_load %arg16[%get3A_2027, %get3A_2028] {strides = array<i32>} : memref<256x128xf32, #tpu.memory_space<vmem>>, vector<16xf32>,
      %eq3A_2030 = arith.constant 0 : i32
      %eq3A_2031 = arith.cmpi eq, %squeeze3A_2005, %eq3A_2030 : i32
      %eq3A_2032 = arith.constant 1 : i32
      %eq3A_2033 = arith.cmpi eq, %squeeze3A_2005, %eq3A_2032 : i32
      %eq3A_2034 = arith.constant 2 : i32
      %eq3A_2035 = arith.cmpi eq, %squeeze3A_2005, %eq3A_2034 : i32
      %select_n3A_2036 = arith.select %eq3A_2035, %get3A_2020, %get3A_2026 : vector<16xf32>
      %select_n3A_2037 = arith.select %eq3A_2033, %get3A_2014, %select_n3A_2036 : vector<16xf32>
      %select_n3A_2038 = arith.select %eq3A_2031, %get3A_2008, %select_n3A_2037 : vector<16xf32>
      %eq3A_2039 = arith.constant 0 : i32
      %eq3A_2040 = arith.cmpi eq, %squeeze3A_2005, %eq3A_2039 : i32
      %eq3A_2041 = arith.constant 1 : i32
      %eq3A_2042 = arith.cmpi eq, %squeeze3A_2005, %eq3A_2041 : i32
      %eq3A_2043 = arith.constant 2 : i32
      %eq3A_2044 = arith.cmpi eq, %squeeze3A_2005, %eq3A_2043 : i32
      %select_n3A_2045 = arith.select %eq3A_2044, %get3A_2023, %get3A_2029 : vector<16xf32>
      %select_n3A_2046 = arith.select %eq3A_2042, %get3A_2017, %select_n3A_2045 : vector<16xf32>
      %select_n3A_2047 = arith.select %eq3A_2040, %get3A_2011, %select_n3A_2046 : vector<16xf32>
      %slice3A_2048 = vector.extract_strided_slice %get3A_187 {offsets = [15], sizes = [1], strides = [1]} : vector<16xi32> to vector<1xi32>
      %squeeze3A_2049 = vector.extract %slice3A_2048[0] : i32 from vector<1xi32>
      %get3A_2050 = arith.index_cast %add3A_2003 : i32 to index
      %get3A_2051 = arith.constant 0 : index
      %get3A_2052 = tpu.vector_load %arg17[%get3A_2050, %get3A_2051] {strides = array<i32>} : memref<256x128xf32, #tpu.memory_space<vmem>>, vector<16xf32>,
      %get3A_2053 = arith.index_cast %add3A_2003 : i32 to index
      %get3A_2054 = arith.constant 16 : index
      %get3A_2055 = tpu.vector_load %arg17[%get3A_2053, %get3A_2054] {strides = array<i32>} : memref<256x128xf32, #tpu.memory_space<vmem>>, vector<16xf32>,
      %get3A_2056 = arith.index_cast %add3A_2003 : i32 to index
      %get3A_2057 = arith.constant 32 : index
      %get3A_2058 = tpu.vector_load %arg17[%get3A_2056, %get3A_2057] {strides = array<i32>} : memref<256x128xf32, #tpu.memory_space<vmem>>, vector<16xf32>,
      %get3A_2059 = arith.index_cast %add3A_2003 : i32 to index
      %get3A_2060 = arith.constant 48 : index
      %get3A_2061 = tpu.vector_load %arg17[%get3A_2059, %get3A_2060] {strides = array<i32>} : memref<256x128xf32, #tpu.memory_space<vmem>>, vector<16xf32>,
      %get3A_2062 = arith.index_cast %add3A_2003 : i32 to index
      %get3A_2063 = arith.constant 64 : index
      %get3A_2064 = tpu.vector_load %arg17[%get3A_2062, %get3A_2063] {strides = array<i32>} : memref<256x128xf32, #tpu.memory_space<vmem>>, vector<16xf32>,
      %get3A_2065 = arith.index_cast %add3A_2003 : i32 to index
      %get3A_2066 = arith.constant 80 : index
      %get3A_2067 = tpu.vector_load %arg17[%get3A_2065, %get3A_2066] {strides = array<i32>} : memref<256x128xf32, #tpu.memory_space<vmem>>, vector<16xf32>,
      %get3A_2068 = arith.index_cast %add3A_2003 : i32 to index
      %get3A_2069 = arith.constant 96 : index
      %get3A_2070 = tpu.vector_load %arg17[%get3A_2068, %get3A_2069] {strides = array<i32>} : memref<256x128xf32, #tpu.memory_space<vmem>>, vector<16xf32>,
      %get3A_2071 = arith.index_cast %add3A_2003 : i32 to index
      %get3A_2072 = arith.constant 112 : index
      %get3A_2073 = tpu.vector_load %arg17[%get3A_2071, %get3A_2072] {strides = array<i32>} : memref<256x128xf32, #tpu.memory_space<vmem>>, vector<16xf32>,
      %eq3A_2074 = arith.constant 0 : i32
      %eq3A_2075 = arith.cmpi eq, %squeeze3A_2049, %eq3A_2074 : i32
      %eq3A_2076 = arith.constant 1 : i32
      %eq3A_2077 = arith.cmpi eq, %squeeze3A_2049, %eq3A_2076 : i32
      %eq3A_2078 = arith.constant 2 : i32
      %eq3A_2079 = arith.cmpi eq, %squeeze3A_2049, %eq3A_2078 : i32
      %select_n3A_2080 = arith.select %eq3A_2079, %get3A_2064, %get3A_2070 : vector<16xf32>
      %select_n3A_2081 = arith.select %eq3A_2077, %get3A_2058, %select_n3A_2080 : vector<16xf32>
      %select_n3A_2082 = arith.select %eq3A_2075, %get3A_2052, %select_n3A_2081 : vector<16xf32>
      %eq3A_2083 = arith.constant 0 : i32
      %eq3A_2084 = arith.cmpi eq, %squeeze3A_2049, %eq3A_2083 : i32
      %eq3A_2085 = arith.constant 1 : i32
      %eq3A_2086 = arith.cmpi eq, %squeeze3A_2049, %eq3A_2085 : i32
      %eq3A_2087 = arith.constant 2 : i32
      %eq3A_2088 = arith.cmpi eq, %squeeze3A_2049, %eq3A_2087 : i32
      %select_n3A_2089 = arith.select %eq3A_2088, %get3A_2067, %get3A_2073 : vector<16xf32>
      %select_n3A_2090 = arith.select %eq3A_2086, %get3A_2061, %select_n3A_2089 : vector<16xf32>
      %select_n3A_2091 = arith.select %eq3A_2084, %get3A_2055, %select_n3A_2090 : vector<16xf32>
      %sub3A_2092 = arith.subf %select_n3A_2038, %select_n3A_2082 : vector<16xf32>
      %sub3A_2093 = arith.subf %select_n3A_2047, %select_n3A_2091 : vector<16xf32>
      %mul3A_2094 = arith.mulf %sub3A_2092, %sub3A_2092 : vector<16xf32>
      %mul3A_2095 = arith.mulf %sub3A_2093, %sub3A_2093 : vector<16xf32>
      %add3A_2096 = arith.addf %mul3A_2094, %mul3A_2095 : vector<16xf32>
      %reduce_sum3A_2097 = arith.constant true
      %reduce_sum3A_2098 = vector.broadcast %reduce_sum3A_2097 : i1 to vector<16xi1>
      %reduce_sum3A_2099 = tpu.scan <sum>, %add3A_2096 masked %reduce_sum3A_2098 : vector<16xf32>, vector<16xi1> -> vector<16xf32>
      %reduce_sum3A_2100 = vector.extract %reduce_sum3A_2099[15] : f32 from vector<16xf32>
      %mul3A_2101 = arith.mulf %select_n3A_2038, %select_n3A_2038 : vector<16xf32>
      %mul3A_2102 = arith.mulf %select_n3A_2082, %select_n3A_2082 : vector<16xf32>
      %add3A_2103 = arith.addf %mul3A_2101, %mul3A_2102 : vector<16xf32>
      %mul3A_2104 = arith.mulf %add3A_2103, %get3A_177 : vector<16xf32>
      %mul3A_2105 = arith.mulf %select_n3A_2047, %select_n3A_2047 : vector<16xf32>
      %mul3A_2106 = arith.mulf %select_n3A_2091, %select_n3A_2091 : vector<16xf32>
      %add3A_2107 = arith.addf %mul3A_2105, %mul3A_2106 : vector<16xf32>
      %mul3A_2108 = arith.mulf %add3A_2107, %get3A_179 : vector<16xf32>
      %add3A_2109 = arith.addf %mul3A_2104, %mul3A_2108 : vector<16xf32>
      %reduce_sum3A_2110 = arith.constant true
      %reduce_sum3A_2111 = vector.broadcast %reduce_sum3A_2110 : i1 to vector<16xi1>
      %reduce_sum3A_2112 = tpu.scan <sum>, %add3A_2109 masked %reduce_sum3A_2111 : vector<16xf32>, vector<16xi1> -> vector<16xf32>
      %reduce_sum3A_2113 = vector.extract %reduce_sum3A_2112[15] : f32 from vector<16xf32>
      %eq3A_2114 = arith.constant 15 : i32
      %eq3A_2115 = vector.broadcast %eq3A_2114 : i32 to vector<16xi32>
      %eq3A_2116 = arith.cmpi eq, %iota3A, %eq3A_2115 : vector<16xi32>
      %broadcast_in_dim3A_2117 = vector.broadcast %reduce_sum3A_2100 : f32 to vector<16xf32>
      %select_n3A_2118 = arith.select %eq3A_2116, %broadcast_in_dim3A_2117, %select_n3A_1997 : vector<16xi1>, vector<16xf32>
      %broadcast_in_dim3A_2119 = vector.broadcast %reduce_sum3A_2113 : f32 to vector<16xf32>
      %select_n3A_2120 = arith.select %eq3A_2116, %broadcast_in_dim3A_2119, %select_n3A_1999 : vector<16xi1>, vector<16xf32>
      %get3A_2121 = arith.index_cast %add3A_183 : i32 to index
      %get3A_2122 = tpu.vector_load %arg15[%get3A_2121] {strides = array<i32>} : memref<512xi32, #tpu.memory_space<vmem>>, vector<16xi32>,
      %max3A = arith.constant 1.000000e-30 : f32
      %max3A_2123 = vector.broadcast %max3A : f32 to vector<16xf32>
      %max3A_2124 = arith.maximumf %select_n3A_2118, %max3A_2123 : vector<16xf32>
      %bitcast_convert_type3A = tpu.bitcast %max3A_2124 : vector<16xf32> -> vector<16xi32>
      %shift_right_logical3A = arith.constant 1 : i32
      %shift_right_logical3A_2125 = vector.broadcast %shift_right_logical3A : i32 to vector<16xi32>
      %shift_right_logical3A_2126 = arith.shrui %bitcast_convert_type3A, %shift_right_logical3A_2125 : vector<16xi32>
      %sub3A_2127 = arith.constant 1597463007 : i32
      %sub3A_2128 = vector.broadcast %sub3A_2127 : i32 to vector<16xi32>
      %sub3A_2129 = arith.subi %sub3A_2128, %shift_right_logical3A_2126 : vector<16xi32>
      %bitcast_convert_type3A_2130 = tpu.bitcast %sub3A_2129 : vector<16xi32> -> vector<16xf32>
      %mul3A_2131 = arith.constant 5.000000e-01 : f32
      %mul3A_2132 = vector.broadcast %mul3A_2131 : f32 to vector<16xf32>
      %mul3A_2133 = arith.mulf %mul3A_2132, %max3A_2124 : vector<16xf32>
      %mul3A_2134 = arith.mulf %mul3A_2133, %bitcast_convert_type3A_2130 : vector<16xf32>
      %mul3A_2135 = arith.mulf %mul3A_2134, %bitcast_convert_type3A_2130 : vector<16xf32>
      %sub3A_2136 = arith.constant 1.500000e+00 : f32
      %sub3A_2137 = vector.broadcast %sub3A_2136 : f32 to vector<16xf32>
      %sub3A_2138 = arith.subf %sub3A_2137, %mul3A_2135 : vector<16xf32>
      %mul3A_2139 = arith.mulf %bitcast_convert_type3A_2130, %sub3A_2138 : vector<16xf32>
      %mul3A_2140 = arith.constant 5.000000e-01 : f32
      %mul3A_2141 = vector.broadcast %mul3A_2140 : f32 to vector<16xf32>
      %mul3A_2142 = arith.mulf %mul3A_2141, %max3A_2124 : vector<16xf32>
      %mul3A_2143 = arith.mulf %mul3A_2142, %mul3A_2139 : vector<16xf32>
      %mul3A_2144 = arith.mulf %mul3A_2143, %mul3A_2139 : vector<16xf32>
      %sub3A_2145 = arith.constant 1.500000e+00 : f32
      %sub3A_2146 = vector.broadcast %sub3A_2145 : f32 to vector<16xf32>
      %sub3A_2147 = arith.subf %sub3A_2146, %mul3A_2144 : vector<16xf32>
      %mul3A_2148 = arith.mulf %mul3A_2139, %sub3A_2147 : vector<16xf32>
      %mul3A_2149 = arith.mulf %max3A_2124, %mul3A_2148 : vector<16xf32>
      %eq3A_2150 = arith.constant 1 : i32
      %eq3A_2151 = vector.broadcast %eq3A_2150 : i32 to vector<16xi32>
      %eq3A_2152 = arith.cmpi eq, %get3A_2122, %eq3A_2151 : vector<16xi32>
      %sub3A_2153 = arith.subf %mul3A_2149, %get3A_3 : vector<16xf32>
      %sub3A_2154 = arith.subf %get3A_3, %mul3A_2149 : vector<16xf32>
      %select_n3A_2155 = arith.select %eq3A_2152, %sub3A_2153, %sub3A_2154 : vector<16xi1>, vector<16xf32>
      %max3A_2156 = arith.constant 0.000000e+00 : f32
      %max3A_2157 = vector.broadcast %max3A_2156 : f32 to vector<16xf32>
      %max3A_2158 = arith.maximumf %select_n3A_2155, %max3A_2157 : vector<16xf32>
      %abs3A = math.absf %select_n3A_2155 : vector<16xf32>
      %neg3A = arith.constant 0.000000e+00 : f32
      %neg3A_2159 = vector.broadcast %neg3A : f32 to vector<16xf32>
      %neg3A_2160 = arith.subf %neg3A_2159, %abs3A : vector<16xf32>
      %exp3A = math.exp %neg3A_2160 : vector<16xf32>
      %add3A_2161 = arith.constant 2.000000e+00 : f32
      %add3A_2162 = vector.broadcast %add3A_2161 : f32 to vector<16xf32>
      %add3A_2163 = arith.addf %add3A_2162, %exp3A : vector<16xf32>
      %div3A = arith.divf %exp3A, %add3A_2163 : vector<16xf32>
      %mul3A_2164 = arith.mulf %div3A, %div3A : vector<16xf32>
      %mul3A_2165 = arith.constant 2.000000e+00 : f32
      %mul3A_2166 = vector.broadcast %mul3A_2165 : f32 to vector<16xf32>
      %mul3A_2167 = arith.mulf %mul3A_2166, %div3A : vector<16xf32>
      %mul3A_2168 = arith.constant 0.111111112 : f32
      %mul3A_2169 = vector.broadcast %mul3A_2168 : f32 to vector<16xf32>
      %mul3A_2170 = arith.mulf %mul3A_2164, %mul3A_2169 : vector<16xf32>
      %add3A_2171 = arith.constant 0.142857149 : f32
      %add3A_2172 = vector.broadcast %add3A_2171 : f32 to vector<16xf32>
      %add3A_2173 = arith.addf %add3A_2172, %mul3A_2170 : vector<16xf32>
      %mul3A_2174 = arith.mulf %mul3A_2164, %add3A_2173 : vector<16xf32>
      %add3A_2175 = arith.constant 2.000000e-01 : f32
      %add3A_2176 = vector.broadcast %add3A_2175 : f32 to vector<16xf32>
      %add3A_2177 = arith.addf %add3A_2176, %mul3A_2174 : vector<16xf32>
      %mul3A_2178 = arith.mulf %mul3A_2164, %add3A_2177 : vector<16xf32>
      %add3A_2179 = arith.constant 0.333333343 : f32
      %add3A_2180 = vector.broadcast %add3A_2179 : f32 to vector<16xf32>
      %add3A_2181 = arith.addf %add3A_2180, %mul3A_2178 : vector<16xf32>
      %mul3A_2182 = arith.mulf %mul3A_2164, %add3A_2181 : vector<16xf32>
      %add3A_2183 = arith.constant 1.000000e+00 : f32
      %add3A_2184 = vector.broadcast %add3A_2183 : f32 to vector<16xf32>
      %add3A_2185 = arith.addf %add3A_2184, %mul3A_2182 : vector<16xf32>
      %mul3A_2186 = arith.mulf %mul3A_2167, %add3A_2185 : vector<16xf32>
      %add3A_2187 = arith.addf %max3A_2158, %mul3A_2186 : vector<16xf32>
      %add3A_2188 = arith.addf %add3A_2187, %get3A_5 : vector<16xf32>
      %mul3A_2189 = arith.constant 5.0000051E-7 : f32
      %mul3A_2190 = vector.broadcast %mul3A_2189 : f32 to vector<16xf32>
      %mul3A_2191 = arith.mulf %mul3A_2190, %select_n3A_2120 : vector<16xf32>
      %add3A_2192 = arith.addf %add3A_2188, %mul3A_2191 : vector<16xf32>
      %swap3A = arith.index_cast %add3A_183 : i32 to index
      %swap3A_2193 = tpu.vector_load %arg20[%swap3A] {strides = array<i32>} : memref<512xf32, #tpu.memory_space<vmem>>, vector<16xf32>,
      tpu.vector_store %arg20[%swap3A], %add3A_2192 {strides = array<i32>} : memref<512xf32, #tpu.memory_space<vmem>>, vector<16xf32>,
    }
    %scan3A_88 = arith.constant 16 : i32
    %dma_start3A_89 = arith.constant 2 : i32
    %dma_start3A_90 = arith.constant 0 : i32
    %dma_start3A_91 = arith.constant 0 : i32
    %dma_start3A_92 = tpu.memref_slice %arg16[%dma_start3A_90, %dma_start3A_91] : memref<256x128xf32, #tpu.memory_space<vmem>> -> memref<128x128xf32, #tpu.memory_space<vmem>>
    %dma_start3A_93 = arith.constant 0 : i32
    %dma_start3A_94 = tpu.memref_slice %arg11[%dma_start3A_89, %dma_start3A_93] : memref<4x128xi32, #tpu.memory_space<vmem>> -> memref<1x128xi32, #tpu.memory_space<vmem>>
    %dma_start3A_95 = tpu.memref_squeeze %dma_start3A_94 : memref<1x128xi32, #tpu.memory_space<vmem>> -> memref<128xi32, #tpu.memory_space<vmem>>
    %dma_start3A_96 = arith.constant 0 : i32
    %dma_start3A_97 = arith.constant 0 : i32
    %dma_start3A_98 = tpu.memref_slice %arg2[%dma_start3A_96, %dma_start3A_97] : memref<250000x128xf32, #tpu.memory_space<hbm>> -> memref<250000x128xf32, #tpu.memory_space<hbm>>
    tpu.enqueue_indirect_dma source(%dma_start3A_98 : memref<250000x128xf32, #tpu.memory_space<hbm>>) target(%dma_start3A_92 : memref<128x128xf32, #tpu.memory_space<vmem>>) offsets(%dma_start3A_95 : memref<128xi32, #tpu.memory_space<vmem>>) semaphore(%arg21 : memref<!tpu.dma_semaphore, #tpu.memory_space<semaphore_mem>>)
    %dma_start3A_99 = arith.constant 2 : i32
    %dma_start3A_100 = arith.constant 0 : i32
    %dma_start3A_101 = arith.constant 0 : i32
    %dma_start3A_102 = tpu.memref_slice %arg17[%dma_start3A_100, %dma_start3A_101] : memref<256x128xf32, #tpu.memory_space<vmem>> -> memref<128x128xf32, #tpu.memory_space<vmem>>
    %dma_start3A_103 = arith.constant 0 : i32
    %dma_start3A_104 = tpu.memref_slice %arg12[%dma_start3A_99, %dma_start3A_103] : memref<4x128xi32, #tpu.memory_space<vmem>> -> memref<1x128xi32, #tpu.memory_space<vmem>>
    %dma_start3A_105 = tpu.memref_squeeze %dma_start3A_104 : memref<1x128xi32, #tpu.memory_space<vmem>> -> memref<128xi32, #tpu.memory_space<vmem>>
    %dma_start3A_106 = arith.constant 0 : i32
    %dma_start3A_107 = arith.constant 0 : i32
    %dma_start3A_108 = tpu.memref_slice %arg2[%dma_start3A_106, %dma_start3A_107] : memref<250000x128xf32, #tpu.memory_space<hbm>> -> memref<250000x128xf32, #tpu.memory_space<hbm>>
    tpu.enqueue_indirect_dma source(%dma_start3A_108 : memref<250000x128xf32, #tpu.memory_space<hbm>>) target(%dma_start3A_102 : memref<128x128xf32, #tpu.memory_space<vmem>>) offsets(%dma_start3A_105 : memref<128xi32, #tpu.memory_space<vmem>>) semaphore(%arg21 : memref<!tpu.dma_semaphore, #tpu.memory_space<semaphore_mem>>)
    %dma_start3A_109 = arith.constant 3 : i32
    %dma_start3A_110 = arith.constant 128 : i32
    %dma_start3A_111 = arith.constant 0 : i32
    %dma_start3A_112 = tpu.memref_slice %arg16[%dma_start3A_110, %dma_start3A_111] : memref<256x128xf32, #tpu.memory_space<vmem>> -> memref<128x128xf32, #tpu.memory_space<vmem>>
    %dma_start3A_113 = arith.constant 0 : i32
    %dma_start3A_114 = tpu.memref_slice %arg11[%dma_start3A_109, %dma_start3A_113] : memref<4x128xi32, #tpu.memory_space<vmem>> -> memref<1x128xi32, #tpu.memory_space<vmem>>
    %dma_start3A_115 = tpu.memref_squeeze %dma_start3A_114 : memref<1x128xi32, #tpu.memory_space<vmem>> -> memref<128xi32, #tpu.memory_space<vmem>>
    %dma_start3A_116 = arith.constant 0 : i32
    %dma_start3A_117 = arith.constant 0 : i32
    %dma_start3A_118 = tpu.memref_slice %arg2[%dma_start3A_116, %dma_start3A_117] : memref<250000x128xf32, #tpu.memory_space<hbm>> -> memref<250000x128xf32, #tpu.memory_space<hbm>>
    tpu.enqueue_indirect_dma source(%dma_start3A_118 : memref<250000x128xf32, #tpu.memory_space<hbm>>) target(%dma_start3A_112 : memref<128x128xf32, #tpu.memory_space<vmem>>) offsets(%dma_start3A_115 : memref<128xi32, #tpu.memory_space<vmem>>) semaphore(%arg21 : memref<!tpu.dma_semaphore, #tpu.memory_space<semaphore_mem>>)
    %dma_start3A_119 = arith.constant 3 : i32
    %dma_start3A_120 = arith.constant 128 : i32
    %dma_start3A_121 = arith.constant 0 : i32
    %dma_start3A_122 = tpu.memref_slice %arg17[%dma_start3A_120, %dma_start3A_121] : memref<256x128xf32, #tpu.memory_space<vmem>> -> memref<128x128xf32, #tpu.memory_space<vmem>>
    %dma_start3A_123 = arith.constant 0 : i32
    %dma_start3A_124 = tpu.memref_slice %arg12[%dma_start3A_119, %dma_start3A_123] : memref<4x128xi32, #tpu.memory_space<vmem>> -> memref<1x128xi32, #tpu.memory_space<vmem>>
    %dma_start3A_125 = tpu.memref_squeeze %dma_start3A_124 : memref<1x128xi32, #tpu.memory_space<vmem>> -> memref<128xi32, #tpu.memory_space<vmem>>
    %dma_start3A_126 = arith.constant 0 : i32
    %dma_start3A_127 = arith.constant 0 : i32
    %dma_start3A_128 = tpu.memref_slice %arg2[%dma_start3A_126, %dma_start3A_127] : memref<250000x128xf32, #tpu.memory_space<hbm>> -> memref<250000x128xf32, #tpu.memory_space<hbm>>
    tpu.enqueue_indirect_dma source(%dma_start3A_128 : memref<250000x128xf32, #tpu.memory_space<hbm>>) target(%dma_start3A_122 : memref<128x128xf32, #tpu.memory_space<vmem>>) offsets(%dma_start3A_125 : memref<128xi32, #tpu.memory_space<vmem>>) semaphore(%arg21 : memref<!tpu.dma_semaphore, #tpu.memory_space<semaphore_mem>>)
    %dma_wait3A_129 = arith.constant 2 : i32
    %dma_wait3A_130 = arith.constant 0 : i32
    %dma_wait3A_131 = arith.constant 0 : i32
    %dma_wait3A_132 = tpu.memref_slice %arg16[%dma_wait3A_130, %dma_wait3A_131] : memref<256x128xf32, #tpu.memory_space<vmem>> -> memref<128x128xf32, #tpu.memory_space<vmem>>
    %dma_wait3A_133 = arith.constant 0 : i32
    %dma_wait3A_134 = tpu.memref_slice %arg11[%dma_wait3A_129, %dma_wait3A_133] : memref<4x128xi32, #tpu.memory_space<vmem>> -> memref<1x128xi32, #tpu.memory_space<vmem>>
    %dma_wait3A_135 = tpu.memref_squeeze %dma_wait3A_134 : memref<1x128xi32, #tpu.memory_space<vmem>> -> memref<128xi32, #tpu.memory_space<vmem>>
    %dma_wait3A_136 = arith.constant 0 : i32
    %dma_wait3A_137 = arith.constant 0 : i32
    %dma_wait3A_138 = tpu.memref_slice %arg2[%dma_wait3A_136, %dma_wait3A_137] : memref<250000x128xf32, #tpu.memory_space<hbm>> -> memref<250000x128xf32, #tpu.memory_space<hbm>>
    tpu.wait_indirect_dma semaphore(%arg21 : memref<!tpu.dma_semaphore, #tpu.memory_space<semaphore_mem>>) src(%dma_wait3A_138 : memref<250000x128xf32, #tpu.memory_space<hbm>>) dst(%dma_wait3A_132 : memref<128x128xf32, #tpu.memory_space<vmem>>)
    %dma_wait3A_139 = arith.constant 2 : i32
    %dma_wait3A_140 = arith.constant 0 : i32
    %dma_wait3A_141 = arith.constant 0 : i32
    %dma_wait3A_142 = tpu.memref_slice %arg17[%dma_wait3A_140, %dma_wait3A_141] : memref<256x128xf32, #tpu.memory_space<vmem>> -> memref<128x128xf32, #tpu.memory_space<vmem>>
    %dma_wait3A_143 = arith.constant 0 : i32
    %dma_wait3A_144 = tpu.memref_slice %arg12[%dma_wait3A_139, %dma_wait3A_143] : memref<4x128xi32, #tpu.memory_space<vmem>> -> memref<1x128xi32, #tpu.memory_space<vmem>>
    %dma_wait3A_145 = tpu.memref_squeeze %dma_wait3A_144 : memref<1x128xi32, #tpu.memory_space<vmem>> -> memref<128xi32, #tpu.memory_space<vmem>>
    %dma_wait3A_146 = arith.constant 0 : i32
    %dma_wait3A_147 = arith.constant 0 : i32
    %dma_wait3A_148 = tpu.memref_slice %arg2[%dma_wait3A_146, %dma_wait3A_147] : memref<250000x128xf32, #tpu.memory_space<hbm>> -> memref<250000x128xf32, #tpu.memory_space<hbm>>
    tpu.wait_indirect_dma semaphore(%arg21 : memref<!tpu.dma_semaphore, #tpu.memory_space<semaphore_mem>>) src(%dma_wait3A_148 : memref<250000x128xf32, #tpu.memory_space<hbm>>) dst(%dma_wait3A_142 : memref<128x128xf32, #tpu.memory_space<vmem>>)
    %dma_wait3A_149 = arith.constant 3 : i32
    %dma_wait3A_150 = arith.constant 128 : i32
    %dma_wait3A_151 = arith.constant 0 : i32
    %dma_wait3A_152 = tpu.memref_slice %arg16[%dma_wait3A_150, %dma_wait3A_151] : memref<256x128xf32, #tpu.memory_space<vmem>> -> memref<128x128xf32, #tpu.memory_space<vmem>>
    %dma_wait3A_153 = arith.constant 0 : i32
    %dma_wait3A_154 = tpu.memref_slice %arg11[%dma_wait3A_149, %dma_wait3A_153] : memref<4x128xi32, #tpu.memory_space<vmem>> -> memref<1x128xi32, #tpu.memory_space<vmem>>
    %dma_wait3A_155 = tpu.memref_squeeze %dma_wait3A_154 : memref<1x128xi32, #tpu.memory_space<vmem>> -> memref<128xi32, #tpu.memory_space<vmem>>
    %dma_wait3A_156 = arith.constant 0 : i32
    %dma_wait3A_157 = arith.constant 0 : i32
    %dma_wait3A_158 = tpu.memref_slice %arg2[%dma_wait3A_156, %dma_wait3A_157] : memref<250000x128xf32, #tpu.memory_space<hbm>> -> memref<250000x128xf32, #tpu.memory_space<hbm>>
    tpu.wait_indirect_dma semaphore(%arg21 : memref<!tpu.dma_semaphore, #tpu.memory_space<semaphore_mem>>) src(%dma_wait3A_158 : memref<250000x128xf32, #tpu.memory_space<hbm>>) dst(%dma_wait3A_152 : memref<128x128xf32, #tpu.memory_space<vmem>>)
    %dma_wait3A_159 = arith.constant 3 : i32
    %dma_wait3A_160 = arith.constant 128 : i32
    %dma_wait3A_161 = arith.constant 0 : i32
    %dma_wait3A_162 = tpu.memref_slice %arg17[%dma_wait3A_160, %dma_wait3A_161] : memref<256x128xf32, #tpu.memory_space<vmem>> -> memref<128x128xf32, #tpu.memory_space<vmem>>
    %dma_wait3A_163 = arith.constant 0 : i32
    %dma_wait3A_164 = tpu.memref_slice %arg12[%dma_wait3A_159, %dma_wait3A_163] : memref<4x128xi32, #tpu.memory_space<vmem>> -> memref<1x128xi32, #tpu.memory_space<vmem>>
    %dma_wait3A_165 = tpu.memref_squeeze %dma_wait3A_164 : memref<1x128xi32, #tpu.memory_space<vmem>> -> memref<128xi32, #tpu.memory_space<vmem>>
    %dma_wait3A_166 = arith.constant 0 : i32
    %dma_wait3A_167 = arith.constant 0 : i32
    %dma_wait3A_168 = tpu.memref_slice %arg2[%dma_wait3A_166, %dma_wait3A_167] : memref<250000x128xf32, #tpu.memory_space<hbm>> -> memref<250000x128xf32, #tpu.memory_space<hbm>>
    tpu.wait_indirect_dma semaphore(%arg21 : memref<!tpu.dma_semaphore, #tpu.memory_space<semaphore_mem>>) src(%dma_wait3A_168 : memref<250000x128xf32, #tpu.memory_space<hbm>>) dst(%dma_wait3A_162 : memref<128x128xf32, #tpu.memory_space<vmem>>)
    %scan3A_169 = arith.constant 0 : i32
    %scan3A_170 = arith.constant 0 : i32
    %scan3A_171 = arith.constant 16 : i32
    %scan3A_172 = arith.addi %scan3A_170, %scan3A_171 : i32
    %scan3A_173 = arith.constant 1 : i32
    scf.for %scan3A_175 = %scan3A_170 to %scan3A_172 step %scan3A_173  : i32 {
      %get3A_176 = arith.constant 0 : index
      %get3A_177 = tpu.vector_load %arg18[%get3A_176] {strides = array<i32>} : memref<32xf32, #tpu.memory_space<vmem>>, vector<16xf32>,
      %get3A_178 = arith.constant 16 : index
      %get3A_179 = tpu.vector_load %arg18[%get3A_178] {strides = array<i32>} : memref<32xf32, #tpu.memory_space<vmem>>, vector<16xf32>,
      %mul3A_180 = arith.constant 16 : i32
      %mul3A_181 = arith.muli %scan3A_175, %mul3A_180 : i32
      %add3A_182 = arith.constant 256 : i32
      %add3A_183 = arith.addi %add3A_182, %mul3A_181 : i32
      %get3A_184 = arith.index_cast %add3A_183 : i32 to index
      %get3A_185 = tpu.vector_load %arg13[%get3A_184] {strides = array<i32>} : memref<512xi32, #tpu.memory_space<vmem>>, vector<16xi32>,
      %get3A_186 = arith.index_cast %add3A_183 : i32 to index
      %get3A_187 = tpu.vector_load %arg14[%get3A_186] {strides = array<i32>} : memref<512xi32, #tpu.memory_space<vmem>>, vector<16xi32>,
      %broadcast_in_dim3A = arith.constant 0.000000e+00 : f32
      %broadcast_in_dim3A_188 = vector.broadcast %broadcast_in_dim3A : f32 to vector<16xf32>
      %broadcast_in_dim3A_189 = arith.constant 0.000000e+00 : f32
      %broadcast_in_dim3A_190 = vector.broadcast %broadcast_in_dim3A_189 : f32 to vector<16xf32>
      %mul3A_191 = arith.constant 16 : i32
      %mul3A_192 = arith.muli %scan3A_175, %mul3A_191 : i32
      %add3A_193 = arith.constant 0 : i32
      %add3A_194 = arith.addi %mul3A_192, %add3A_193 : i32
      %slice3A = vector.extract_strided_slice %get3A_185 {offsets = [0], sizes = [1], strides = [1]} : vector<16xi32> to vector<1xi32>
      %squeeze3A = vector.extract %slice3A[0] : i32 from vector<1xi32>
      %get3A_195 = arith.index_cast %add3A_194 : i32 to index
      %get3A_196 = arith.constant 0 : index
      %get3A_197 = tpu.vector_load %arg16[%get3A_195, %get3A_196] {strides = array<i32>} : memref<256x128xf32, #tpu.memory_space<vmem>>, vector<16xf32>,
      %get3A_198 = arith.index_cast %add3A_194 : i32 to index
      %get3A_199 = arith.constant 16 : index
      %get3A_200 = tpu.vector_load %arg16[%get3A_198, %get3A_199] {strides = array<i32>} : memref<256x128xf32, #tpu.memory_space<vmem>>, vector<16xf32>,
      %get3A_201 = arith.index_cast %add3A_194 : i32 to index
      %get3A_202 = arith.constant 32 : index
      %get3A_203 = tpu.vector_load %arg16[%get3A_201, %get3A_202] {strides = array<i32>} : memref<256x128xf32, #tpu.memory_space<vmem>>, vector<16xf32>,
      %get3A_204 = arith.index_cast %add3A_194 : i32 to index
      %get3A_205 = arith.constant 48 : index
      %get3A_206 = tpu.vector_load %arg16[%get3A_204, %get3A_205] {strides = array<i32>} : memref<256x128xf32, #tpu.memory_space<vmem>>, vector<16xf32>,
      %get3A_207 = arith.index_cast %add3A_194 : i32 to index
      %get3A_208 = arith.constant 64 : index
      %get3A_209 = tpu.vector_load %arg16[%get3A_207, %get3A_208] {strides = array<i32>} : memref<256x128xf32, #tpu.memory_space<vmem>>, vector<16xf32>,
      %get3A_210 = arith.index_cast %add3A_194 : i32 to index
      %get3A_211 = arith.constant 80 : index
      %get3A_212 = tpu.vector_load %arg16[%get3A_210, %get3A_211] {strides = array<i32>} : memref<256x128xf32, #tpu.memory_space<vmem>>, vector<16xf32>,
      %get3A_213 = arith.index_cast %add3A_194 : i32 to index
      %get3A_214 = arith.constant 96 : index
      %get3A_215 = tpu.vector_load %arg16[%get3A_213, %get3A_214] {strides = array<i32>} : memref<256x128xf32, #tpu.memory_space<vmem>>, vector<16xf32>,
      %get3A_216 = arith.index_cast %add3A_194 : i32 to index
      %get3A_217 = arith.constant 112 : index
      %get3A_218 = tpu.vector_load %arg16[%get3A_216, %get3A_217] {strides = array<i32>} : memref<256x128xf32, #tpu.memory_space<vmem>>, vector<16xf32>,
      %eq3A = arith.constant 0 : i32
      %eq3A_219 = arith.cmpi eq, %squeeze3A, %eq3A : i32
      %eq3A_220 = arith.constant 1 : i32
      %eq3A_221 = arith.cmpi eq, %squeeze3A, %eq3A_220 : i32
      %eq3A_222 = arith.constant 2 : i32
      %eq3A_223 = arith.cmpi eq, %squeeze3A, %eq3A_222 : i32
      %select_n3A = arith.select %eq3A_223, %get3A_209, %get3A_215 : vector<16xf32>
      %select_n3A_224 = arith.select %eq3A_221, %get3A_203, %select_n3A : vector<16xf32>
      %select_n3A_225 = arith.select %eq3A_219, %get3A_197, %select_n3A_224 : vector<16xf32>
      %eq3A_226 = arith.constant 0 : i32
      %eq3A_227 = arith.cmpi eq, %squeeze3A, %eq3A_226 : i32
      %eq3A_228 = arith.constant 1 : i32
      %eq3A_229 = arith.cmpi eq, %squeeze3A, %eq3A_228 : i32
      %eq3A_230 = arith.constant 2 : i32
      %eq3A_231 = arith.cmpi eq, %squeeze3A, %eq3A_230 : i32
      %select_n3A_232 = arith.select %eq3A_231, %get3A_212, %get3A_218 : vector<16xf32>
      %select_n3A_233 = arith.select %eq3A_229, %get3A_206, %select_n3A_232 : vector<16xf32>
      %select_n3A_234 = arith.select %eq3A_227, %get3A_200, %select_n3A_233 : vector<16xf32>
      %slice3A_235 = vector.extract_strided_slice %get3A_187 {offsets = [0], sizes = [1], strides = [1]} : vector<16xi32> to vector<1xi32>
      %squeeze3A_236 = vector.extract %slice3A_235[0] : i32 from vector<1xi32>
      %get3A_237 = arith.index_cast %add3A_194 : i32 to index
      %get3A_238 = arith.constant 0 : index
      %get3A_239 = tpu.vector_load %arg17[%get3A_237, %get3A_238] {strides = array<i32>} : memref<256x128xf32, #tpu.memory_space<vmem>>, vector<16xf32>,
      %get3A_240 = arith.index_cast %add3A_194 : i32 to index
      %get3A_241 = arith.constant 16 : index
      %get3A_242 = tpu.vector_load %arg17[%get3A_240, %get3A_241] {strides = array<i32>} : memref<256x128xf32, #tpu.memory_space<vmem>>, vector<16xf32>,
      %get3A_243 = arith.index_cast %add3A_194 : i32 to index
      %get3A_244 = arith.constant 32 : index
      %get3A_245 = tpu.vector_load %arg17[%get3A_243, %get3A_244] {strides = array<i32>} : memref<256x128xf32, #tpu.memory_space<vmem>>, vector<16xf32>,
      %get3A_246 = arith.index_cast %add3A_194 : i32 to index
      %get3A_247 = arith.constant 48 : index
      %get3A_248 = tpu.vector_load %arg17[%get3A_246, %get3A_247] {strides = array<i32>} : memref<256x128xf32, #tpu.memory_space<vmem>>, vector<16xf32>,
      %get3A_249 = arith.index_cast %add3A_194 : i32 to index
      %get3A_250 = arith.constant 64 : index
      %get3A_251 = tpu.vector_load %arg17[%get3A_249, %get3A_250] {strides = array<i32>} : memref<256x128xf32, #tpu.memory_space<vmem>>, vector<16xf32>,
      %get3A_252 = arith.index_cast %add3A_194 : i32 to index
      %get3A_253 = arith.constant 80 : index
      %get3A_254 = tpu.vector_load %arg17[%get3A_252, %get3A_253] {strides = array<i32>} : memref<256x128xf32, #tpu.memory_space<vmem>>, vector<16xf32>,
      %get3A_255 = arith.index_cast %add3A_194 : i32 to index
      %get3A_256 = arith.constant 96 : index
      %get3A_257 = tpu.vector_load %arg17[%get3A_255, %get3A_256] {strides = array<i32>} : memref<256x128xf32, #tpu.memory_space<vmem>>, vector<16xf32>,
      %get3A_258 = arith.index_cast %add3A_194 : i32 to index
      %get3A_259 = arith.constant 112 : index
      %get3A_260 = tpu.vector_load %arg17[%get3A_258, %get3A_259] {strides = array<i32>} : memref<256x128xf32, #tpu.memory_space<vmem>>, vector<16xf32>,
      %eq3A_261 = arith.constant 0 : i32
      %eq3A_262 = arith.cmpi eq, %squeeze3A_236, %eq3A_261 : i32
      %eq3A_263 = arith.constant 1 : i32
      %eq3A_264 = arith.cmpi eq, %squeeze3A_236, %eq3A_263 : i32
      %eq3A_265 = arith.constant 2 : i32
      %eq3A_266 = arith.cmpi eq, %squeeze3A_236, %eq3A_265 : i32
      %select_n3A_267 = arith.select %eq3A_266, %get3A_251, %get3A_257 : vector<16xf32>
      %select_n3A_268 = arith.select %eq3A_264, %get3A_245, %select_n3A_267 : vector<16xf32>
      %select_n3A_269 = arith.select %eq3A_262, %get3A_239, %select_n3A_268 : vector<16xf32>
      %eq3A_270 = arith.constant 0 : i32
      %eq3A_271 = arith.cmpi eq, %squeeze3A_236, %eq3A_270 : i32
      %eq3A_272 = arith.constant 1 : i32
      %eq3A_273 = arith.cmpi eq, %squeeze3A_236, %eq3A_272 : i32
      %eq3A_274 = arith.constant 2 : i32
      %eq3A_275 = arith.cmpi eq, %squeeze3A_236, %eq3A_274 : i32
      %select_n3A_276 = arith.select %eq3A_275, %get3A_254, %get3A_260 : vector<16xf32>
      %select_n3A_277 = arith.select %eq3A_273, %get3A_248, %select_n3A_276 : vector<16xf32>
      %select_n3A_278 = arith.select %eq3A_271, %get3A_242, %select_n3A_277 : vector<16xf32>
      %sub3A = arith.subf %select_n3A_225, %select_n3A_269 : vector<16xf32>
      %sub3A_279 = arith.subf %select_n3A_234, %select_n3A_278 : vector<16xf32>
      %mul3A_280 = arith.mulf %sub3A, %sub3A : vector<16xf32>
      %mul3A_281 = arith.mulf %sub3A_279, %sub3A_279 : vector<16xf32>
      %add3A_282 = arith.addf %mul3A_280, %mul3A_281 : vector<16xf32>
      %reduce_sum3A = arith.constant true
      %reduce_sum3A_283 = vector.broadcast %reduce_sum3A : i1 to vector<16xi1>
      %reduce_sum3A_284 = tpu.scan <sum>, %add3A_282 masked %reduce_sum3A_283 : vector<16xf32>, vector<16xi1> -> vector<16xf32>
      %reduce_sum3A_285 = vector.extract %reduce_sum3A_284[15] : f32 from vector<16xf32>
      %mul3A_286 = arith.mulf %select_n3A_225, %select_n3A_225 : vector<16xf32>
      %mul3A_287 = arith.mulf %select_n3A_269, %select_n3A_269 : vector<16xf32>
      %add3A_288 = arith.addf %mul3A_286, %mul3A_287 : vector<16xf32>
      %mul3A_289 = arith.mulf %add3A_288, %get3A_177 : vector<16xf32>
      %mul3A_290 = arith.mulf %select_n3A_234, %select_n3A_234 : vector<16xf32>
      %mul3A_291 = arith.mulf %select_n3A_278, %select_n3A_278 : vector<16xf32>
      %add3A_292 = arith.addf %mul3A_290, %mul3A_291 : vector<16xf32>
      %mul3A_293 = arith.mulf %add3A_292, %get3A_179 : vector<16xf32>
      %add3A_294 = arith.addf %mul3A_289, %mul3A_293 : vector<16xf32>
      %reduce_sum3A_295 = arith.constant true
      %reduce_sum3A_296 = vector.broadcast %reduce_sum3A_295 : i1 to vector<16xi1>
      %reduce_sum3A_297 = tpu.scan <sum>, %add3A_294 masked %reduce_sum3A_296 : vector<16xf32>, vector<16xi1> -> vector<16xf32>
      %reduce_sum3A_298 = vector.extract %reduce_sum3A_297[15] : f32 from vector<16xf32>
      %eq3A_299 = arith.constant 0 : i32
      %eq3A_300 = vector.broadcast %eq3A_299 : i32 to vector<16xi32>
      %eq3A_301 = arith.cmpi eq, %iota3A, %eq3A_300 : vector<16xi32>
      %broadcast_in_dim3A_302 = vector.broadcast %reduce_sum3A_285 : f32 to vector<16xf32>
      %select_n3A_303 = arith.select %eq3A_301, %broadcast_in_dim3A_302, %broadcast_in_dim3A_188 : vector<16xi1>, vector<16xf32>
      %broadcast_in_dim3A_304 = vector.broadcast %reduce_sum3A_298 : f32 to vector<16xf32>
      %select_n3A_305 = arith.select %eq3A_301, %broadcast_in_dim3A_304, %broadcast_in_dim3A_190 : vector<16xi1>, vector<16xf32>
      %mul3A_306 = arith.constant 16 : i32
      %mul3A_307 = arith.muli %scan3A_175, %mul3A_306 : i32
      %add3A_308 = arith.constant 1 : i32
      %add3A_309 = arith.addi %mul3A_307, %add3A_308 : i32
      %slice3A_310 = vector.extract_strided_slice %get3A_185 {offsets = [1], sizes = [1], strides = [1]} : vector<16xi32> to vector<1xi32>
      %squeeze3A_311 = vector.extract %slice3A_310[0] : i32 from vector<1xi32>
      %get3A_312 = arith.index_cast %add3A_309 : i32 to index
      %get3A_313 = arith.constant 0 : index
      %get3A_314 = tpu.vector_load %arg16[%get3A_312, %get3A_313] {strides = array<i32>} : memref<256x128xf32, #tpu.memory_space<vmem>>, vector<16xf32>,
      %get3A_315 = arith.index_cast %add3A_309 : i32 to index
      %get3A_316 = arith.constant 16 : index
      %get3A_317 = tpu.vector_load %arg16[%get3A_315, %get3A_316] {strides = array<i32>} : memref<256x128xf32, #tpu.memory_space<vmem>>, vector<16xf32>,
      %get3A_318 = arith.index_cast %add3A_309 : i32 to index
      %get3A_319 = arith.constant 32 : index
      %get3A_320 = tpu.vector_load %arg16[%get3A_318, %get3A_319] {strides = array<i32>} : memref<256x128xf32, #tpu.memory_space<vmem>>, vector<16xf32>,
      %get3A_321 = arith.index_cast %add3A_309 : i32 to index
      %get3A_322 = arith.constant 48 : index
      %get3A_323 = tpu.vector_load %arg16[%get3A_321, %get3A_322] {strides = array<i32>} : memref<256x128xf32, #tpu.memory_space<vmem>>, vector<16xf32>,
      %get3A_324 = arith.index_cast %add3A_309 : i32 to index
      %get3A_325 = arith.constant 64 : index
      %get3A_326 = tpu.vector_load %arg16[%get3A_324, %get3A_325] {strides = array<i32>} : memref<256x128xf32, #tpu.memory_space<vmem>>, vector<16xf32>,
      %get3A_327 = arith.index_cast %add3A_309 : i32 to index
      %get3A_328 = arith.constant 80 : index
      %get3A_329 = tpu.vector_load %arg16[%get3A_327, %get3A_328] {strides = array<i32>} : memref<256x128xf32, #tpu.memory_space<vmem>>, vector<16xf32>,
      %get3A_330 = arith.index_cast %add3A_309 : i32 to index
      %get3A_331 = arith.constant 96 : index
      %get3A_332 = tpu.vector_load %arg16[%get3A_330, %get3A_331] {strides = array<i32>} : memref<256x128xf32, #tpu.memory_space<vmem>>, vector<16xf32>,
      %get3A_333 = arith.index_cast %add3A_309 : i32 to index
      %get3A_334 = arith.constant 112 : index
      %get3A_335 = tpu.vector_load %arg16[%get3A_333, %get3A_334] {strides = array<i32>} : memref<256x128xf32, #tpu.memory_space<vmem>>, vector<16xf32>,
      %eq3A_336 = arith.constant 0 : i32
      %eq3A_337 = arith.cmpi eq, %squeeze3A_311, %eq3A_336 : i32
      %eq3A_338 = arith.constant 1 : i32
      %eq3A_339 = arith.cmpi eq, %squeeze3A_311, %eq3A_338 : i32
      %eq3A_340 = arith.constant 2 : i32
      %eq3A_341 = arith.cmpi eq, %squeeze3A_311, %eq3A_340 : i32
      %select_n3A_342 = arith.select %eq3A_341, %get3A_326, %get3A_332 : vector<16xf32>
      %select_n3A_343 = arith.select %eq3A_339, %get3A_320, %select_n3A_342 : vector<16xf32>
      %select_n3A_344 = arith.select %eq3A_337, %get3A_314, %select_n3A_343 : vector<16xf32>
      %eq3A_345 = arith.constant 0 : i32
      %eq3A_346 = arith.cmpi eq, %squeeze3A_311, %eq3A_345 : i32
      %eq3A_347 = arith.constant 1 : i32
      %eq3A_348 = arith.cmpi eq, %squeeze3A_311, %eq3A_347 : i32
      %eq3A_349 = arith.constant 2 : i32
      %eq3A_350 = arith.cmpi eq, %squeeze3A_311, %eq3A_349 : i32
      %select_n3A_351 = arith.select %eq3A_350, %get3A_329, %get3A_335 : vector<16xf32>
      %select_n3A_352 = arith.select %eq3A_348, %get3A_323, %select_n3A_351 : vector<16xf32>
      %select_n3A_353 = arith.select %eq3A_346, %get3A_317, %select_n3A_352 : vector<16xf32>
      %slice3A_354 = vector.extract_strided_slice %get3A_187 {offsets = [1], sizes = [1], strides = [1]} : vector<16xi32> to vector<1xi32>
      %squeeze3A_355 = vector.extract %slice3A_354[0] : i32 from vector<1xi32>
      %get3A_356 = arith.index_cast %add3A_309 : i32 to index
      %get3A_357 = arith.constant 0 : index
      %get3A_358 = tpu.vector_load %arg17[%get3A_356, %get3A_357] {strides = array<i32>} : memref<256x128xf32, #tpu.memory_space<vmem>>, vector<16xf32>,
      %get3A_359 = arith.index_cast %add3A_309 : i32 to index
      %get3A_360 = arith.constant 16 : index
      %get3A_361 = tpu.vector_load %arg17[%get3A_359, %get3A_360] {strides = array<i32>} : memref<256x128xf32, #tpu.memory_space<vmem>>, vector<16xf32>,
      %get3A_362 = arith.index_cast %add3A_309 : i32 to index
      %get3A_363 = arith.constant 32 : index
      %get3A_364 = tpu.vector_load %arg17[%get3A_362, %get3A_363] {strides = array<i32>} : memref<256x128xf32, #tpu.memory_space<vmem>>, vector<16xf32>,
      %get3A_365 = arith.index_cast %add3A_309 : i32 to index
      %get3A_366 = arith.constant 48 : index
      %get3A_367 = tpu.vector_load %arg17[%get3A_365, %get3A_366] {strides = array<i32>} : memref<256x128xf32, #tpu.memory_space<vmem>>, vector<16xf32>,
      %get3A_368 = arith.index_cast %add3A_309 : i32 to index
      %get3A_369 = arith.constant 64 : index
      %get3A_370 = tpu.vector_load %arg17[%get3A_368, %get3A_369] {strides = array<i32>} : memref<256x128xf32, #tpu.memory_space<vmem>>, vector<16xf32>,
      %get3A_371 = arith.index_cast %add3A_309 : i32 to index
      %get3A_372 = arith.constant 80 : index
      %get3A_373 = tpu.vector_load %arg17[%get3A_371, %get3A_372] {strides = array<i32>} : memref<256x128xf32, #tpu.memory_space<vmem>>, vector<16xf32>,
      %get3A_374 = arith.index_cast %add3A_309 : i32 to index
      %get3A_375 = arith.constant 96 : index
      %get3A_376 = tpu.vector_load %arg17[%get3A_374, %get3A_375] {strides = array<i32>} : memref<256x128xf32, #tpu.memory_space<vmem>>, vector<16xf32>,
      %get3A_377 = arith.index_cast %add3A_309 : i32 to index
      %get3A_378 = arith.constant 112 : index
      %get3A_379 = tpu.vector_load %arg17[%get3A_377, %get3A_378] {strides = array<i32>} : memref<256x128xf32, #tpu.memory_space<vmem>>, vector<16xf32>,
      %eq3A_380 = arith.constant 0 : i32
      %eq3A_381 = arith.cmpi eq, %squeeze3A_355, %eq3A_380 : i32
      %eq3A_382 = arith.constant 1 : i32
      %eq3A_383 = arith.cmpi eq, %squeeze3A_355, %eq3A_382 : i32
      %eq3A_384 = arith.constant 2 : i32
      %eq3A_385 = arith.cmpi eq, %squeeze3A_355, %eq3A_384 : i32
      %select_n3A_386 = arith.select %eq3A_385, %get3A_370, %get3A_376 : vector<16xf32>
      %select_n3A_387 = arith.select %eq3A_383, %get3A_364, %select_n3A_386 : vector<16xf32>
      %select_n3A_388 = arith.select %eq3A_381, %get3A_358, %select_n3A_387 : vector<16xf32>
      %eq3A_389 = arith.constant 0 : i32
      %eq3A_390 = arith.cmpi eq, %squeeze3A_355, %eq3A_389 : i32
      %eq3A_391 = arith.constant 1 : i32
      %eq3A_392 = arith.cmpi eq, %squeeze3A_355, %eq3A_391 : i32
      %eq3A_393 = arith.constant 2 : i32
      %eq3A_394 = arith.cmpi eq, %squeeze3A_355, %eq3A_393 : i32
      %select_n3A_395 = arith.select %eq3A_394, %get3A_373, %get3A_379 : vector<16xf32>
      %select_n3A_396 = arith.select %eq3A_392, %get3A_367, %select_n3A_395 : vector<16xf32>
      %select_n3A_397 = arith.select %eq3A_390, %get3A_361, %select_n3A_396 : vector<16xf32>
      %sub3A_398 = arith.subf %select_n3A_344, %select_n3A_388 : vector<16xf32>
      %sub3A_399 = arith.subf %select_n3A_353, %select_n3A_397 : vector<16xf32>
      %mul3A_400 = arith.mulf %sub3A_398, %sub3A_398 : vector<16xf32>
      %mul3A_401 = arith.mulf %sub3A_399, %sub3A_399 : vector<16xf32>
      %add3A_402 = arith.addf %mul3A_400, %mul3A_401 : vector<16xf32>
      %reduce_sum3A_403 = arith.constant true
      %reduce_sum3A_404 = vector.broadcast %reduce_sum3A_403 : i1 to vector<16xi1>
      %reduce_sum3A_405 = tpu.scan <sum>, %add3A_402 masked %reduce_sum3A_404 : vector<16xf32>, vector<16xi1> -> vector<16xf32>
      %reduce_sum3A_406 = vector.extract %reduce_sum3A_405[15] : f32 from vector<16xf32>
      %mul3A_407 = arith.mulf %select_n3A_344, %select_n3A_344 : vector<16xf32>
      %mul3A_408 = arith.mulf %select_n3A_388, %select_n3A_388 : vector<16xf32>
      %add3A_409 = arith.addf %mul3A_407, %mul3A_408 : vector<16xf32>
      %mul3A_410 = arith.mulf %add3A_409, %get3A_177 : vector<16xf32>
      %mul3A_411 = arith.mulf %select_n3A_353, %select_n3A_353 : vector<16xf32>
      %mul3A_412 = arith.mulf %select_n3A_397, %select_n3A_397 : vector<16xf32>
      %add3A_413 = arith.addf %mul3A_411, %mul3A_412 : vector<16xf32>
      %mul3A_414 = arith.mulf %add3A_413, %get3A_179 : vector<16xf32>
      %add3A_415 = arith.addf %mul3A_410, %mul3A_414 : vector<16xf32>
      %reduce_sum3A_416 = arith.constant true
      %reduce_sum3A_417 = vector.broadcast %reduce_sum3A_416 : i1 to vector<16xi1>
      %reduce_sum3A_418 = tpu.scan <sum>, %add3A_415 masked %reduce_sum3A_417 : vector<16xf32>, vector<16xi1> -> vector<16xf32>
      %reduce_sum3A_419 = vector.extract %reduce_sum3A_418[15] : f32 from vector<16xf32>
      %eq3A_420 = arith.constant 1 : i32
      %eq3A_421 = vector.broadcast %eq3A_420 : i32 to vector<16xi32>
      %eq3A_422 = arith.cmpi eq, %iota3A, %eq3A_421 : vector<16xi32>
      %broadcast_in_dim3A_423 = vector.broadcast %reduce_sum3A_406 : f32 to vector<16xf32>
      %select_n3A_424 = arith.select %eq3A_422, %broadcast_in_dim3A_423, %select_n3A_303 : vector<16xi1>, vector<16xf32>
      %broadcast_in_dim3A_425 = vector.broadcast %reduce_sum3A_419 : f32 to vector<16xf32>
      %select_n3A_426 = arith.select %eq3A_422, %broadcast_in_dim3A_425, %select_n3A_305 : vector<16xi1>, vector<16xf32>
      %mul3A_427 = arith.constant 16 : i32
      %mul3A_428 = arith.muli %scan3A_175, %mul3A_427 : i32
      %add3A_429 = arith.constant 2 : i32
      %add3A_430 = arith.addi %mul3A_428, %add3A_429 : i32
      %slice3A_431 = vector.extract_strided_slice %get3A_185 {offsets = [2], sizes = [1], strides = [1]} : vector<16xi32> to vector<1xi32>
      %squeeze3A_432 = vector.extract %slice3A_431[0] : i32 from vector<1xi32>
      %get3A_433 = arith.index_cast %add3A_430 : i32 to index
      %get3A_434 = arith.constant 0 : index
      %get3A_435 = tpu.vector_load %arg16[%get3A_433, %get3A_434] {strides = array<i32>} : memref<256x128xf32, #tpu.memory_space<vmem>>, vector<16xf32>,
      %get3A_436 = arith.index_cast %add3A_430 : i32 to index
      %get3A_437 = arith.constant 16 : index
      %get3A_438 = tpu.vector_load %arg16[%get3A_436, %get3A_437] {strides = array<i32>} : memref<256x128xf32, #tpu.memory_space<vmem>>, vector<16xf32>,
      %get3A_439 = arith.index_cast %add3A_430 : i32 to index
      %get3A_440 = arith.constant 32 : index
      %get3A_441 = tpu.vector_load %arg16[%get3A_439, %get3A_440] {strides = array<i32>} : memref<256x128xf32, #tpu.memory_space<vmem>>, vector<16xf32>,
      %get3A_442 = arith.index_cast %add3A_430 : i32 to index
      %get3A_443 = arith.constant 48 : index
      %get3A_444 = tpu.vector_load %arg16[%get3A_442, %get3A_443] {strides = array<i32>} : memref<256x128xf32, #tpu.memory_space<vmem>>, vector<16xf32>,
      %get3A_445 = arith.index_cast %add3A_430 : i32 to index
      %get3A_446 = arith.constant 64 : index
      %get3A_447 = tpu.vector_load %arg16[%get3A_445, %get3A_446] {strides = array<i32>} : memref<256x128xf32, #tpu.memory_space<vmem>>, vector<16xf32>,
      %get3A_448 = arith.index_cast %add3A_430 : i32 to index
      %get3A_449 = arith.constant 80 : index
      %get3A_450 = tpu.vector_load %arg16[%get3A_448, %get3A_449] {strides = array<i32>} : memref<256x128xf32, #tpu.memory_space<vmem>>, vector<16xf32>,
      %get3A_451 = arith.index_cast %add3A_430 : i32 to index
      %get3A_452 = arith.constant 96 : index
      %get3A_453 = tpu.vector_load %arg16[%get3A_451, %get3A_452] {strides = array<i32>} : memref<256x128xf32, #tpu.memory_space<vmem>>, vector<16xf32>,
      %get3A_454 = arith.index_cast %add3A_430 : i32 to index
      %get3A_455 = arith.constant 112 : index
      %get3A_456 = tpu.vector_load %arg16[%get3A_454, %get3A_455] {strides = array<i32>} : memref<256x128xf32, #tpu.memory_space<vmem>>, vector<16xf32>,
      %eq3A_457 = arith.constant 0 : i32
      %eq3A_458 = arith.cmpi eq, %squeeze3A_432, %eq3A_457 : i32
      %eq3A_459 = arith.constant 1 : i32
      %eq3A_460 = arith.cmpi eq, %squeeze3A_432, %eq3A_459 : i32
      %eq3A_461 = arith.constant 2 : i32
      %eq3A_462 = arith.cmpi eq, %squeeze3A_432, %eq3A_461 : i32
      %select_n3A_463 = arith.select %eq3A_462, %get3A_447, %get3A_453 : vector<16xf32>
      %select_n3A_464 = arith.select %eq3A_460, %get3A_441, %select_n3A_463 : vector<16xf32>
      %select_n3A_465 = arith.select %eq3A_458, %get3A_435, %select_n3A_464 : vector<16xf32>
      %eq3A_466 = arith.constant 0 : i32
      %eq3A_467 = arith.cmpi eq, %squeeze3A_432, %eq3A_466 : i32
      %eq3A_468 = arith.constant 1 : i32
      %eq3A_469 = arith.cmpi eq, %squeeze3A_432, %eq3A_468 : i32
      %eq3A_470 = arith.constant 2 : i32
      %eq3A_471 = arith.cmpi eq, %squeeze3A_432, %eq3A_470 : i32
      %select_n3A_472 = arith.select %eq3A_471, %get3A_450, %get3A_456 : vector<16xf32>
      %select_n3A_473 = arith.select %eq3A_469, %get3A_444, %select_n3A_472 : vector<16xf32>
      %select_n3A_474 = arith.select %eq3A_467, %get3A_438, %select_n3A_473 : vector<16xf32>
      %slice3A_475 = vector.extract_strided_slice %get3A_187 {offsets = [2], sizes = [1], strides = [1]} : vector<16xi32> to vector<1xi32>
      %squeeze3A_476 = vector.extract %slice3A_475[0] : i32 from vector<1xi32>
      %get3A_477 = arith.index_cast %add3A_430 : i32 to index
      %get3A_478 = arith.constant 0 : index
      %get3A_479 = tpu.vector_load %arg17[%get3A_477, %get3A_478] {strides = array<i32>} : memref<256x128xf32, #tpu.memory_space<vmem>>, vector<16xf32>,
      %get3A_480 = arith.index_cast %add3A_430 : i32 to index
      %get3A_481 = arith.constant 16 : index
      %get3A_482 = tpu.vector_load %arg17[%get3A_480, %get3A_481] {strides = array<i32>} : memref<256x128xf32, #tpu.memory_space<vmem>>, vector<16xf32>,
      %get3A_483 = arith.index_cast %add3A_430 : i32 to index
      %get3A_484 = arith.constant 32 : index
      %get3A_485 = tpu.vector_load %arg17[%get3A_483, %get3A_484] {strides = array<i32>} : memref<256x128xf32, #tpu.memory_space<vmem>>, vector<16xf32>,
      %get3A_486 = arith.index_cast %add3A_430 : i32 to index
      %get3A_487 = arith.constant 48 : index
      %get3A_488 = tpu.vector_load %arg17[%get3A_486, %get3A_487] {strides = array<i32>} : memref<256x128xf32, #tpu.memory_space<vmem>>, vector<16xf32>,
      %get3A_489 = arith.index_cast %add3A_430 : i32 to index
      %get3A_490 = arith.constant 64 : index
      %get3A_491 = tpu.vector_load %arg17[%get3A_489, %get3A_490] {strides = array<i32>} : memref<256x128xf32, #tpu.memory_space<vmem>>, vector<16xf32>,
      %get3A_492 = arith.index_cast %add3A_430 : i32 to index
      %get3A_493 = arith.constant 80 : index
      %get3A_494 = tpu.vector_load %arg17[%get3A_492, %get3A_493] {strides = array<i32>} : memref<256x128xf32, #tpu.memory_space<vmem>>, vector<16xf32>,
      %get3A_495 = arith.index_cast %add3A_430 : i32 to index
      %get3A_496 = arith.constant 96 : index
      %get3A_497 = tpu.vector_load %arg17[%get3A_495, %get3A_496] {strides = array<i32>} : memref<256x128xf32, #tpu.memory_space<vmem>>, vector<16xf32>,
      %get3A_498 = arith.index_cast %add3A_430 : i32 to index
      %get3A_499 = arith.constant 112 : index
      %get3A_500 = tpu.vector_load %arg17[%get3A_498, %get3A_499] {strides = array<i32>} : memref<256x128xf32, #tpu.memory_space<vmem>>, vector<16xf32>,
      %eq3A_501 = arith.constant 0 : i32
      %eq3A_502 = arith.cmpi eq, %squeeze3A_476, %eq3A_501 : i32
      %eq3A_503 = arith.constant 1 : i32
      %eq3A_504 = arith.cmpi eq, %squeeze3A_476, %eq3A_503 : i32
      %eq3A_505 = arith.constant 2 : i32
      %eq3A_506 = arith.cmpi eq, %squeeze3A_476, %eq3A_505 : i32
      %select_n3A_507 = arith.select %eq3A_506, %get3A_491, %get3A_497 : vector<16xf32>
      %select_n3A_508 = arith.select %eq3A_504, %get3A_485, %select_n3A_507 : vector<16xf32>
      %select_n3A_509 = arith.select %eq3A_502, %get3A_479, %select_n3A_508 : vector<16xf32>
      %eq3A_510 = arith.constant 0 : i32
      %eq3A_511 = arith.cmpi eq, %squeeze3A_476, %eq3A_510 : i32
      %eq3A_512 = arith.constant 1 : i32
      %eq3A_513 = arith.cmpi eq, %squeeze3A_476, %eq3A_512 : i32
      %eq3A_514 = arith.constant 2 : i32
      %eq3A_515 = arith.cmpi eq, %squeeze3A_476, %eq3A_514 : i32
      %select_n3A_516 = arith.select %eq3A_515, %get3A_494, %get3A_500 : vector<16xf32>
      %select_n3A_517 = arith.select %eq3A_513, %get3A_488, %select_n3A_516 : vector<16xf32>
      %select_n3A_518 = arith.select %eq3A_511, %get3A_482, %select_n3A_517 : vector<16xf32>
      %sub3A_519 = arith.subf %select_n3A_465, %select_n3A_509 : vector<16xf32>
      %sub3A_520 = arith.subf %select_n3A_474, %select_n3A_518 : vector<16xf32>
      %mul3A_521 = arith.mulf %sub3A_519, %sub3A_519 : vector<16xf32>
      %mul3A_522 = arith.mulf %sub3A_520, %sub3A_520 : vector<16xf32>
      %add3A_523 = arith.addf %mul3A_521, %mul3A_522 : vector<16xf32>
      %reduce_sum3A_524 = arith.constant true
      %reduce_sum3A_525 = vector.broadcast %reduce_sum3A_524 : i1 to vector<16xi1>
      %reduce_sum3A_526 = tpu.scan <sum>, %add3A_523 masked %reduce_sum3A_525 : vector<16xf32>, vector<16xi1> -> vector<16xf32>
      %reduce_sum3A_527 = vector.extract %reduce_sum3A_526[15] : f32 from vector<16xf32>
      %mul3A_528 = arith.mulf %select_n3A_465, %select_n3A_465 : vector<16xf32>
      %mul3A_529 = arith.mulf %select_n3A_509, %select_n3A_509 : vector<16xf32>
      %add3A_530 = arith.addf %mul3A_528, %mul3A_529 : vector<16xf32>
      %mul3A_531 = arith.mulf %add3A_530, %get3A_177 : vector<16xf32>
      %mul3A_532 = arith.mulf %select_n3A_474, %select_n3A_474 : vector<16xf32>
      %mul3A_533 = arith.mulf %select_n3A_518, %select_n3A_518 : vector<16xf32>
      %add3A_534 = arith.addf %mul3A_532, %mul3A_533 : vector<16xf32>
      %mul3A_535 = arith.mulf %add3A_534, %get3A_179 : vector<16xf32>
      %add3A_536 = arith.addf %mul3A_531, %mul3A_535 : vector<16xf32>
      %reduce_sum3A_537 = arith.constant true
      %reduce_sum3A_538 = vector.broadcast %reduce_sum3A_537 : i1 to vector<16xi1>
      %reduce_sum3A_539 = tpu.scan <sum>, %add3A_536 masked %reduce_sum3A_538 : vector<16xf32>, vector<16xi1> -> vector<16xf32>
      %reduce_sum3A_540 = vector.extract %reduce_sum3A_539[15] : f32 from vector<16xf32>
      %eq3A_541 = arith.constant 2 : i32
      %eq3A_542 = vector.broadcast %eq3A_541 : i32 to vector<16xi32>
      %eq3A_543 = arith.cmpi eq, %iota3A, %eq3A_542 : vector<16xi32>
      %broadcast_in_dim3A_544 = vector.broadcast %reduce_sum3A_527 : f32 to vector<16xf32>
      %select_n3A_545 = arith.select %eq3A_543, %broadcast_in_dim3A_544, %select_n3A_424 : vector<16xi1>, vector<16xf32>
      %broadcast_in_dim3A_546 = vector.broadcast %reduce_sum3A_540 : f32 to vector<16xf32>
      %select_n3A_547 = arith.select %eq3A_543, %broadcast_in_dim3A_546, %select_n3A_426 : vector<16xi1>, vector<16xf32>
      %mul3A_548 = arith.constant 16 : i32
      %mul3A_549 = arith.muli %scan3A_175, %mul3A_548 : i32
      %add3A_550 = arith.constant 3 : i32
      %add3A_551 = arith.addi %mul3A_549, %add3A_550 : i32
      %slice3A_552 = vector.extract_strided_slice %get3A_185 {offsets = [3], sizes = [1], strides = [1]} : vector<16xi32> to vector<1xi32>
      %squeeze3A_553 = vector.extract %slice3A_552[0] : i32 from vector<1xi32>
      %get3A_554 = arith.index_cast %add3A_551 : i32 to index
      %get3A_555 = arith.constant 0 : index
      %get3A_556 = tpu.vector_load %arg16[%get3A_554, %get3A_555] {strides = array<i32>} : memref<256x128xf32, #tpu.memory_space<vmem>>, vector<16xf32>,
      %get3A_557 = arith.index_cast %add3A_551 : i32 to index
      %get3A_558 = arith.constant 16 : index
      %get3A_559 = tpu.vector_load %arg16[%get3A_557, %get3A_558] {strides = array<i32>} : memref<256x128xf32, #tpu.memory_space<vmem>>, vector<16xf32>,
      %get3A_560 = arith.index_cast %add3A_551 : i32 to index
      %get3A_561 = arith.constant 32 : index
      %get3A_562 = tpu.vector_load %arg16[%get3A_560, %get3A_561] {strides = array<i32>} : memref<256x128xf32, #tpu.memory_space<vmem>>, vector<16xf32>,
      %get3A_563 = arith.index_cast %add3A_551 : i32 to index
      %get3A_564 = arith.constant 48 : index
      %get3A_565 = tpu.vector_load %arg16[%get3A_563, %get3A_564] {strides = array<i32>} : memref<256x128xf32, #tpu.memory_space<vmem>>, vector<16xf32>,
      %get3A_566 = arith.index_cast %add3A_551 : i32 to index
      %get3A_567 = arith.constant 64 : index
      %get3A_568 = tpu.vector_load %arg16[%get3A_566, %get3A_567] {strides = array<i32>} : memref<256x128xf32, #tpu.memory_space<vmem>>, vector<16xf32>,
      %get3A_569 = arith.index_cast %add3A_551 : i32 to index
      %get3A_570 = arith.constant 80 : index
      %get3A_571 = tpu.vector_load %arg16[%get3A_569, %get3A_570] {strides = array<i32>} : memref<256x128xf32, #tpu.memory_space<vmem>>, vector<16xf32>,
      %get3A_572 = arith.index_cast %add3A_551 : i32 to index
      %get3A_573 = arith.constant 96 : index
      %get3A_574 = tpu.vector_load %arg16[%get3A_572, %get3A_573] {strides = array<i32>} : memref<256x128xf32, #tpu.memory_space<vmem>>, vector<16xf32>,
      %get3A_575 = arith.index_cast %add3A_551 : i32 to index
      %get3A_576 = arith.constant 112 : index
      %get3A_577 = tpu.vector_load %arg16[%get3A_575, %get3A_576] {strides = array<i32>} : memref<256x128xf32, #tpu.memory_space<vmem>>, vector<16xf32>,
      %eq3A_578 = arith.constant 0 : i32
      %eq3A_579 = arith.cmpi eq, %squeeze3A_553, %eq3A_578 : i32
      %eq3A_580 = arith.constant 1 : i32
      %eq3A_581 = arith.cmpi eq, %squeeze3A_553, %eq3A_580 : i32
      %eq3A_582 = arith.constant 2 : i32
      %eq3A_583 = arith.cmpi eq, %squeeze3A_553, %eq3A_582 : i32
      %select_n3A_584 = arith.select %eq3A_583, %get3A_568, %get3A_574 : vector<16xf32>
      %select_n3A_585 = arith.select %eq3A_581, %get3A_562, %select_n3A_584 : vector<16xf32>
      %select_n3A_586 = arith.select %eq3A_579, %get3A_556, %select_n3A_585 : vector<16xf32>
      %eq3A_587 = arith.constant 0 : i32
      %eq3A_588 = arith.cmpi eq, %squeeze3A_553, %eq3A_587 : i32
      %eq3A_589 = arith.constant 1 : i32
      %eq3A_590 = arith.cmpi eq, %squeeze3A_553, %eq3A_589 : i32
      %eq3A_591 = arith.constant 2 : i32
      %eq3A_592 = arith.cmpi eq, %squeeze3A_553, %eq3A_591 : i32
      %select_n3A_593 = arith.select %eq3A_592, %get3A_571, %get3A_577 : vector<16xf32>
      %select_n3A_594 = arith.select %eq3A_590, %get3A_565, %select_n3A_593 : vector<16xf32>
      %select_n3A_595 = arith.select %eq3A_588, %get3A_559, %select_n3A_594 : vector<16xf32>
      %slice3A_596 = vector.extract_strided_slice %get3A_187 {offsets = [3], sizes = [1], strides = [1]} : vector<16xi32> to vector<1xi32>
      %squeeze3A_597 = vector.extract %slice3A_596[0] : i32 from vector<1xi32>
      %get3A_598 = arith.index_cast %add3A_551 : i32 to index
      %get3A_599 = arith.constant 0 : index
      %get3A_600 = tpu.vector_load %arg17[%get3A_598, %get3A_599] {strides = array<i32>} : memref<256x128xf32, #tpu.memory_space<vmem>>, vector<16xf32>,
      %get3A_601 = arith.index_cast %add3A_551 : i32 to index
      %get3A_602 = arith.constant 16 : index
      %get3A_603 = tpu.vector_load %arg17[%get3A_601, %get3A_602] {strides = array<i32>} : memref<256x128xf32, #tpu.memory_space<vmem>>, vector<16xf32>,
      %get3A_604 = arith.index_cast %add3A_551 : i32 to index
      %get3A_605 = arith.constant 32 : index
      %get3A_606 = tpu.vector_load %arg17[%get3A_604, %get3A_605] {strides = array<i32>} : memref<256x128xf32, #tpu.memory_space<vmem>>, vector<16xf32>,
      %get3A_607 = arith.index_cast %add3A_551 : i32 to index
      %get3A_608 = arith.constant 48 : index
      %get3A_609 = tpu.vector_load %arg17[%get3A_607, %get3A_608] {strides = array<i32>} : memref<256x128xf32, #tpu.memory_space<vmem>>, vector<16xf32>,
      %get3A_610 = arith.index_cast %add3A_551 : i32 to index
      %get3A_611 = arith.constant 64 : index
      %get3A_612 = tpu.vector_load %arg17[%get3A_610, %get3A_611] {strides = array<i32>} : memref<256x128xf32, #tpu.memory_space<vmem>>, vector<16xf32>,
      %get3A_613 = arith.index_cast %add3A_551 : i32 to index
      %get3A_614 = arith.constant 80 : index
      %get3A_615 = tpu.vector_load %arg17[%get3A_613, %get3A_614] {strides = array<i32>} : memref<256x128xf32, #tpu.memory_space<vmem>>, vector<16xf32>,
      %get3A_616 = arith.index_cast %add3A_551 : i32 to index
      %get3A_617 = arith.constant 96 : index
      %get3A_618 = tpu.vector_load %arg17[%get3A_616, %get3A_617] {strides = array<i32>} : memref<256x128xf32, #tpu.memory_space<vmem>>, vector<16xf32>,
      %get3A_619 = arith.index_cast %add3A_551 : i32 to index
      %get3A_620 = arith.constant 112 : index
      %get3A_621 = tpu.vector_load %arg17[%get3A_619, %get3A_620] {strides = array<i32>} : memref<256x128xf32, #tpu.memory_space<vmem>>, vector<16xf32>,
      %eq3A_622 = arith.constant 0 : i32
      %eq3A_623 = arith.cmpi eq, %squeeze3A_597, %eq3A_622 : i32
      %eq3A_624 = arith.constant 1 : i32
      %eq3A_625 = arith.cmpi eq, %squeeze3A_597, %eq3A_624 : i32
      %eq3A_626 = arith.constant 2 : i32
      %eq3A_627 = arith.cmpi eq, %squeeze3A_597, %eq3A_626 : i32
      %select_n3A_628 = arith.select %eq3A_627, %get3A_612, %get3A_618 : vector<16xf32>
      %select_n3A_629 = arith.select %eq3A_625, %get3A_606, %select_n3A_628 : vector<16xf32>
      %select_n3A_630 = arith.select %eq3A_623, %get3A_600, %select_n3A_629 : vector<16xf32>
      %eq3A_631 = arith.constant 0 : i32
      %eq3A_632 = arith.cmpi eq, %squeeze3A_597, %eq3A_631 : i32
      %eq3A_633 = arith.constant 1 : i32
      %eq3A_634 = arith.cmpi eq, %squeeze3A_597, %eq3A_633 : i32
      %eq3A_635 = arith.constant 2 : i32
      %eq3A_636 = arith.cmpi eq, %squeeze3A_597, %eq3A_635 : i32
      %select_n3A_637 = arith.select %eq3A_636, %get3A_615, %get3A_621 : vector<16xf32>
      %select_n3A_638 = arith.select %eq3A_634, %get3A_609, %select_n3A_637 : vector<16xf32>
      %select_n3A_639 = arith.select %eq3A_632, %get3A_603, %select_n3A_638 : vector<16xf32>
      %sub3A_640 = arith.subf %select_n3A_586, %select_n3A_630 : vector<16xf32>
      %sub3A_641 = arith.subf %select_n3A_595, %select_n3A_639 : vector<16xf32>
      %mul3A_642 = arith.mulf %sub3A_640, %sub3A_640 : vector<16xf32>
      %mul3A_643 = arith.mulf %sub3A_641, %sub3A_641 : vector<16xf32>
      %add3A_644 = arith.addf %mul3A_642, %mul3A_643 : vector<16xf32>
      %reduce_sum3A_645 = arith.constant true
      %reduce_sum3A_646 = vector.broadcast %reduce_sum3A_645 : i1 to vector<16xi1>
      %reduce_sum3A_647 = tpu.scan <sum>, %add3A_644 masked %reduce_sum3A_646 : vector<16xf32>, vector<16xi1> -> vector<16xf32>
      %reduce_sum3A_648 = vector.extract %reduce_sum3A_647[15] : f32 from vector<16xf32>
      %mul3A_649 = arith.mulf %select_n3A_586, %select_n3A_586 : vector<16xf32>
      %mul3A_650 = arith.mulf %select_n3A_630, %select_n3A_630 : vector<16xf32>
      %add3A_651 = arith.addf %mul3A_649, %mul3A_650 : vector<16xf32>
      %mul3A_652 = arith.mulf %add3A_651, %get3A_177 : vector<16xf32>
      %mul3A_653 = arith.mulf %select_n3A_595, %select_n3A_595 : vector<16xf32>
      %mul3A_654 = arith.mulf %select_n3A_639, %select_n3A_639 : vector<16xf32>
      %add3A_655 = arith.addf %mul3A_653, %mul3A_654 : vector<16xf32>
      %mul3A_656 = arith.mulf %add3A_655, %get3A_179 : vector<16xf32>
      %add3A_657 = arith.addf %mul3A_652, %mul3A_656 : vector<16xf32>
      %reduce_sum3A_658 = arith.constant true
      %reduce_sum3A_659 = vector.broadcast %reduce_sum3A_658 : i1 to vector<16xi1>
      %reduce_sum3A_660 = tpu.scan <sum>, %add3A_657 masked %reduce_sum3A_659 : vector<16xf32>, vector<16xi1> -> vector<16xf32>
      %reduce_sum3A_661 = vector.extract %reduce_sum3A_660[15] : f32 from vector<16xf32>
      %eq3A_662 = arith.constant 3 : i32
      %eq3A_663 = vector.broadcast %eq3A_662 : i32 to vector<16xi32>
      %eq3A_664 = arith.cmpi eq, %iota3A, %eq3A_663 : vector<16xi32>
      %broadcast_in_dim3A_665 = vector.broadcast %reduce_sum3A_648 : f32 to vector<16xf32>
      %select_n3A_666 = arith.select %eq3A_664, %broadcast_in_dim3A_665, %select_n3A_545 : vector<16xi1>, vector<16xf32>
      %broadcast_in_dim3A_667 = vector.broadcast %reduce_sum3A_661 : f32 to vector<16xf32>
      %select_n3A_668 = arith.select %eq3A_664, %broadcast_in_dim3A_667, %select_n3A_547 : vector<16xi1>, vector<16xf32>
      %mul3A_669 = arith.constant 16 : i32
      %mul3A_670 = arith.muli %scan3A_175, %mul3A_669 : i32
      %add3A_671 = arith.constant 4 : i32
      %add3A_672 = arith.addi %mul3A_670, %add3A_671 : i32
      %slice3A_673 = vector.extract_strided_slice %get3A_185 {offsets = [4], sizes = [1], strides = [1]} : vector<16xi32> to vector<1xi32>
      %squeeze3A_674 = vector.extract %slice3A_673[0] : i32 from vector<1xi32>
      %get3A_675 = arith.index_cast %add3A_672 : i32 to index
      %get3A_676 = arith.constant 0 : index
      %get3A_677 = tpu.vector_load %arg16[%get3A_675, %get3A_676] {strides = array<i32>} : memref<256x128xf32, #tpu.memory_space<vmem>>, vector<16xf32>,
      %get3A_678 = arith.index_cast %add3A_672 : i32 to index
      %get3A_679 = arith.constant 16 : index
      %get3A_680 = tpu.vector_load %arg16[%get3A_678, %get3A_679] {strides = array<i32>} : memref<256x128xf32, #tpu.memory_space<vmem>>, vector<16xf32>,
      %get3A_681 = arith.index_cast %add3A_672 : i32 to index
      %get3A_682 = arith.constant 32 : index
      %get3A_683 = tpu.vector_load %arg16[%get3A_681, %get3A_682] {strides = array<i32>} : memref<256x128xf32, #tpu.memory_space<vmem>>, vector<16xf32>,
      %get3A_684 = arith.index_cast %add3A_672 : i32 to index
      %get3A_685 = arith.constant 48 : index
      %get3A_686 = tpu.vector_load %arg16[%get3A_684, %get3A_685] {strides = array<i32>} : memref<256x128xf32, #tpu.memory_space<vmem>>, vector<16xf32>,
      %get3A_687 = arith.index_cast %add3A_672 : i32 to index
      %get3A_688 = arith.constant 64 : index
      %get3A_689 = tpu.vector_load %arg16[%get3A_687, %get3A_688] {strides = array<i32>} : memref<256x128xf32, #tpu.memory_space<vmem>>, vector<16xf32>,
      %get3A_690 = arith.index_cast %add3A_672 : i32 to index
      %get3A_691 = arith.constant 80 : index
      %get3A_692 = tpu.vector_load %arg16[%get3A_690, %get3A_691] {strides = array<i32>} : memref<256x128xf32, #tpu.memory_space<vmem>>, vector<16xf32>,
      %get3A_693 = arith.index_cast %add3A_672 : i32 to index
      %get3A_694 = arith.constant 96 : index
      %get3A_695 = tpu.vector_load %arg16[%get3A_693, %get3A_694] {strides = array<i32>} : memref<256x128xf32, #tpu.memory_space<vmem>>, vector<16xf32>,
      %get3A_696 = arith.index_cast %add3A_672 : i32 to index
      %get3A_697 = arith.constant 112 : index
      %get3A_698 = tpu.vector_load %arg16[%get3A_696, %get3A_697] {strides = array<i32>} : memref<256x128xf32, #tpu.memory_space<vmem>>, vector<16xf32>,
      %eq3A_699 = arith.constant 0 : i32
      %eq3A_700 = arith.cmpi eq, %squeeze3A_674, %eq3A_699 : i32
      %eq3A_701 = arith.constant 1 : i32
      %eq3A_702 = arith.cmpi eq, %squeeze3A_674, %eq3A_701 : i32
      %eq3A_703 = arith.constant 2 : i32
      %eq3A_704 = arith.cmpi eq, %squeeze3A_674, %eq3A_703 : i32
      %select_n3A_705 = arith.select %eq3A_704, %get3A_689, %get3A_695 : vector<16xf32>
      %select_n3A_706 = arith.select %eq3A_702, %get3A_683, %select_n3A_705 : vector<16xf32>
      %select_n3A_707 = arith.select %eq3A_700, %get3A_677, %select_n3A_706 : vector<16xf32>
      %eq3A_708 = arith.constant 0 : i32
      %eq3A_709 = arith.cmpi eq, %squeeze3A_674, %eq3A_708 : i32
      %eq3A_710 = arith.constant 1 : i32
      %eq3A_711 = arith.cmpi eq, %squeeze3A_674, %eq3A_710 : i32
      %eq3A_712 = arith.constant 2 : i32
      %eq3A_713 = arith.cmpi eq, %squeeze3A_674, %eq3A_712 : i32
      %select_n3A_714 = arith.select %eq3A_713, %get3A_692, %get3A_698 : vector<16xf32>
      %select_n3A_715 = arith.select %eq3A_711, %get3A_686, %select_n3A_714 : vector<16xf32>
      %select_n3A_716 = arith.select %eq3A_709, %get3A_680, %select_n3A_715 : vector<16xf32>
      %slice3A_717 = vector.extract_strided_slice %get3A_187 {offsets = [4], sizes = [1], strides = [1]} : vector<16xi32> to vector<1xi32>
      %squeeze3A_718 = vector.extract %slice3A_717[0] : i32 from vector<1xi32>
      %get3A_719 = arith.index_cast %add3A_672 : i32 to index
      %get3A_720 = arith.constant 0 : index
      %get3A_721 = tpu.vector_load %arg17[%get3A_719, %get3A_720] {strides = array<i32>} : memref<256x128xf32, #tpu.memory_space<vmem>>, vector<16xf32>,
      %get3A_722 = arith.index_cast %add3A_672 : i32 to index
      %get3A_723 = arith.constant 16 : index
      %get3A_724 = tpu.vector_load %arg17[%get3A_722, %get3A_723] {strides = array<i32>} : memref<256x128xf32, #tpu.memory_space<vmem>>, vector<16xf32>,
      %get3A_725 = arith.index_cast %add3A_672 : i32 to index
      %get3A_726 = arith.constant 32 : index
      %get3A_727 = tpu.vector_load %arg17[%get3A_725, %get3A_726] {strides = array<i32>} : memref<256x128xf32, #tpu.memory_space<vmem>>, vector<16xf32>,
      %get3A_728 = arith.index_cast %add3A_672 : i32 to index
      %get3A_729 = arith.constant 48 : index
      %get3A_730 = tpu.vector_load %arg17[%get3A_728, %get3A_729] {strides = array<i32>} : memref<256x128xf32, #tpu.memory_space<vmem>>, vector<16xf32>,
      %get3A_731 = arith.index_cast %add3A_672 : i32 to index
      %get3A_732 = arith.constant 64 : index
      %get3A_733 = tpu.vector_load %arg17[%get3A_731, %get3A_732] {strides = array<i32>} : memref<256x128xf32, #tpu.memory_space<vmem>>, vector<16xf32>,
      %get3A_734 = arith.index_cast %add3A_672 : i32 to index
      %get3A_735 = arith.constant 80 : index
      %get3A_736 = tpu.vector_load %arg17[%get3A_734, %get3A_735] {strides = array<i32>} : memref<256x128xf32, #tpu.memory_space<vmem>>, vector<16xf32>,
      %get3A_737 = arith.index_cast %add3A_672 : i32 to index
      %get3A_738 = arith.constant 96 : index
      %get3A_739 = tpu.vector_load %arg17[%get3A_737, %get3A_738] {strides = array<i32>} : memref<256x128xf32, #tpu.memory_space<vmem>>, vector<16xf32>,
      %get3A_740 = arith.index_cast %add3A_672 : i32 to index
      %get3A_741 = arith.constant 112 : index
      %get3A_742 = tpu.vector_load %arg17[%get3A_740, %get3A_741] {strides = array<i32>} : memref<256x128xf32, #tpu.memory_space<vmem>>, vector<16xf32>,
      %eq3A_743 = arith.constant 0 : i32
      %eq3A_744 = arith.cmpi eq, %squeeze3A_718, %eq3A_743 : i32
      %eq3A_745 = arith.constant 1 : i32
      %eq3A_746 = arith.cmpi eq, %squeeze3A_718, %eq3A_745 : i32
      %eq3A_747 = arith.constant 2 : i32
      %eq3A_748 = arith.cmpi eq, %squeeze3A_718, %eq3A_747 : i32
      %select_n3A_749 = arith.select %eq3A_748, %get3A_733, %get3A_739 : vector<16xf32>
      %select_n3A_750 = arith.select %eq3A_746, %get3A_727, %select_n3A_749 : vector<16xf32>
      %select_n3A_751 = arith.select %eq3A_744, %get3A_721, %select_n3A_750 : vector<16xf32>
      %eq3A_752 = arith.constant 0 : i32
      %eq3A_753 = arith.cmpi eq, %squeeze3A_718, %eq3A_752 : i32
      %eq3A_754 = arith.constant 1 : i32
      %eq3A_755 = arith.cmpi eq, %squeeze3A_718, %eq3A_754 : i32
      %eq3A_756 = arith.constant 2 : i32
      %eq3A_757 = arith.cmpi eq, %squeeze3A_718, %eq3A_756 : i32
      %select_n3A_758 = arith.select %eq3A_757, %get3A_736, %get3A_742 : vector<16xf32>
      %select_n3A_759 = arith.select %eq3A_755, %get3A_730, %select_n3A_758 : vector<16xf32>
      %select_n3A_760 = arith.select %eq3A_753, %get3A_724, %select_n3A_759 : vector<16xf32>
      %sub3A_761 = arith.subf %select_n3A_707, %select_n3A_751 : vector<16xf32>
      %sub3A_762 = arith.subf %select_n3A_716, %select_n3A_760 : vector<16xf32>
      %mul3A_763 = arith.mulf %sub3A_761, %sub3A_761 : vector<16xf32>
      %mul3A_764 = arith.mulf %sub3A_762, %sub3A_762 : vector<16xf32>
      %add3A_765 = arith.addf %mul3A_763, %mul3A_764 : vector<16xf32>
      %reduce_sum3A_766 = arith.constant true
      %reduce_sum3A_767 = vector.broadcast %reduce_sum3A_766 : i1 to vector<16xi1>
      %reduce_sum3A_768 = tpu.scan <sum>, %add3A_765 masked %reduce_sum3A_767 : vector<16xf32>, vector<16xi1> -> vector<16xf32>
      %reduce_sum3A_769 = vector.extract %reduce_sum3A_768[15] : f32 from vector<16xf32>
      %mul3A_770 = arith.mulf %select_n3A_707, %select_n3A_707 : vector<16xf32>
      %mul3A_771 = arith.mulf %select_n3A_751, %select_n3A_751 : vector<16xf32>
      %add3A_772 = arith.addf %mul3A_770, %mul3A_771 : vector<16xf32>
      %mul3A_773 = arith.mulf %add3A_772, %get3A_177 : vector<16xf32>
      %mul3A_774 = arith.mulf %select_n3A_716, %select_n3A_716 : vector<16xf32>
      %mul3A_775 = arith.mulf %select_n3A_760, %select_n3A_760 : vector<16xf32>
      %add3A_776 = arith.addf %mul3A_774, %mul3A_775 : vector<16xf32>
      %mul3A_777 = arith.mulf %add3A_776, %get3A_179 : vector<16xf32>
      %add3A_778 = arith.addf %mul3A_773, %mul3A_777 : vector<16xf32>
      %reduce_sum3A_779 = arith.constant true
      %reduce_sum3A_780 = vector.broadcast %reduce_sum3A_779 : i1 to vector<16xi1>
      %reduce_sum3A_781 = tpu.scan <sum>, %add3A_778 masked %reduce_sum3A_780 : vector<16xf32>, vector<16xi1> -> vector<16xf32>
      %reduce_sum3A_782 = vector.extract %reduce_sum3A_781[15] : f32 from vector<16xf32>
      %eq3A_783 = arith.constant 4 : i32
      %eq3A_784 = vector.broadcast %eq3A_783 : i32 to vector<16xi32>
      %eq3A_785 = arith.cmpi eq, %iota3A, %eq3A_784 : vector<16xi32>
      %broadcast_in_dim3A_786 = vector.broadcast %reduce_sum3A_769 : f32 to vector<16xf32>
      %select_n3A_787 = arith.select %eq3A_785, %broadcast_in_dim3A_786, %select_n3A_666 : vector<16xi1>, vector<16xf32>
      %broadcast_in_dim3A_788 = vector.broadcast %reduce_sum3A_782 : f32 to vector<16xf32>
      %select_n3A_789 = arith.select %eq3A_785, %broadcast_in_dim3A_788, %select_n3A_668 : vector<16xi1>, vector<16xf32>
      %mul3A_790 = arith.constant 16 : i32
      %mul3A_791 = arith.muli %scan3A_175, %mul3A_790 : i32
      %add3A_792 = arith.constant 5 : i32
      %add3A_793 = arith.addi %mul3A_791, %add3A_792 : i32
      %slice3A_794 = vector.extract_strided_slice %get3A_185 {offsets = [5], sizes = [1], strides = [1]} : vector<16xi32> to vector<1xi32>
      %squeeze3A_795 = vector.extract %slice3A_794[0] : i32 from vector<1xi32>
      %get3A_796 = arith.index_cast %add3A_793 : i32 to index
      %get3A_797 = arith.constant 0 : index
      %get3A_798 = tpu.vector_load %arg16[%get3A_796, %get3A_797] {strides = array<i32>} : memref<256x128xf32, #tpu.memory_space<vmem>>, vector<16xf32>,
      %get3A_799 = arith.index_cast %add3A_793 : i32 to index
      %get3A_800 = arith.constant 16 : index
      %get3A_801 = tpu.vector_load %arg16[%get3A_799, %get3A_800] {strides = array<i32>} : memref<256x128xf32, #tpu.memory_space<vmem>>, vector<16xf32>,
      %get3A_802 = arith.index_cast %add3A_793 : i32 to index
      %get3A_803 = arith.constant 32 : index
      %get3A_804 = tpu.vector_load %arg16[%get3A_802, %get3A_803] {strides = array<i32>} : memref<256x128xf32, #tpu.memory_space<vmem>>, vector<16xf32>,
      %get3A_805 = arith.index_cast %add3A_793 : i32 to index
      %get3A_806 = arith.constant 48 : index
      %get3A_807 = tpu.vector_load %arg16[%get3A_805, %get3A_806] {strides = array<i32>} : memref<256x128xf32, #tpu.memory_space<vmem>>, vector<16xf32>,
      %get3A_808 = arith.index_cast %add3A_793 : i32 to index
      %get3A_809 = arith.constant 64 : index
      %get3A_810 = tpu.vector_load %arg16[%get3A_808, %get3A_809] {strides = array<i32>} : memref<256x128xf32, #tpu.memory_space<vmem>>, vector<16xf32>,
      %get3A_811 = arith.index_cast %add3A_793 : i32 to index
      %get3A_812 = arith.constant 80 : index
      %get3A_813 = tpu.vector_load %arg16[%get3A_811, %get3A_812] {strides = array<i32>} : memref<256x128xf32, #tpu.memory_space<vmem>>, vector<16xf32>,
      %get3A_814 = arith.index_cast %add3A_793 : i32 to index
      %get3A_815 = arith.constant 96 : index
      %get3A_816 = tpu.vector_load %arg16[%get3A_814, %get3A_815] {strides = array<i32>} : memref<256x128xf32, #tpu.memory_space<vmem>>, vector<16xf32>,
      %get3A_817 = arith.index_cast %add3A_793 : i32 to index
      %get3A_818 = arith.constant 112 : index
      %get3A_819 = tpu.vector_load %arg16[%get3A_817, %get3A_818] {strides = array<i32>} : memref<256x128xf32, #tpu.memory_space<vmem>>, vector<16xf32>,
      %eq3A_820 = arith.constant 0 : i32
      %eq3A_821 = arith.cmpi eq, %squeeze3A_795, %eq3A_820 : i32
      %eq3A_822 = arith.constant 1 : i32
      %eq3A_823 = arith.cmpi eq, %squeeze3A_795, %eq3A_822 : i32
      %eq3A_824 = arith.constant 2 : i32
      %eq3A_825 = arith.cmpi eq, %squeeze3A_795, %eq3A_824 : i32
      %select_n3A_826 = arith.select %eq3A_825, %get3A_810, %get3A_816 : vector<16xf32>
      %select_n3A_827 = arith.select %eq3A_823, %get3A_804, %select_n3A_826 : vector<16xf32>
      %select_n3A_828 = arith.select %eq3A_821, %get3A_798, %select_n3A_827 : vector<16xf32>
      %eq3A_829 = arith.constant 0 : i32
      %eq3A_830 = arith.cmpi eq, %squeeze3A_795, %eq3A_829 : i32
      %eq3A_831 = arith.constant 1 : i32
      %eq3A_832 = arith.cmpi eq, %squeeze3A_795, %eq3A_831 : i32
      %eq3A_833 = arith.constant 2 : i32
      %eq3A_834 = arith.cmpi eq, %squeeze3A_795, %eq3A_833 : i32
      %select_n3A_835 = arith.select %eq3A_834, %get3A_813, %get3A_819 : vector<16xf32>
      %select_n3A_836 = arith.select %eq3A_832, %get3A_807, %select_n3A_835 : vector<16xf32>
      %select_n3A_837 = arith.select %eq3A_830, %get3A_801, %select_n3A_836 : vector<16xf32>
      %slice3A_838 = vector.extract_strided_slice %get3A_187 {offsets = [5], sizes = [1], strides = [1]} : vector<16xi32> to vector<1xi32>
      %squeeze3A_839 = vector.extract %slice3A_838[0] : i32 from vector<1xi32>
      %get3A_840 = arith.index_cast %add3A_793 : i32 to index
      %get3A_841 = arith.constant 0 : index
      %get3A_842 = tpu.vector_load %arg17[%get3A_840, %get3A_841] {strides = array<i32>} : memref<256x128xf32, #tpu.memory_space<vmem>>, vector<16xf32>,
      %get3A_843 = arith.index_cast %add3A_793 : i32 to index
      %get3A_844 = arith.constant 16 : index
      %get3A_845 = tpu.vector_load %arg17[%get3A_843, %get3A_844] {strides = array<i32>} : memref<256x128xf32, #tpu.memory_space<vmem>>, vector<16xf32>,
      %get3A_846 = arith.index_cast %add3A_793 : i32 to index
      %get3A_847 = arith.constant 32 : index
      %get3A_848 = tpu.vector_load %arg17[%get3A_846, %get3A_847] {strides = array<i32>} : memref<256x128xf32, #tpu.memory_space<vmem>>, vector<16xf32>,
      %get3A_849 = arith.index_cast %add3A_793 : i32 to index
      %get3A_850 = arith.constant 48 : index
      %get3A_851 = tpu.vector_load %arg17[%get3A_849, %get3A_850] {strides = array<i32>} : memref<256x128xf32, #tpu.memory_space<vmem>>, vector<16xf32>,
      %get3A_852 = arith.index_cast %add3A_793 : i32 to index
      %get3A_853 = arith.constant 64 : index
      %get3A_854 = tpu.vector_load %arg17[%get3A_852, %get3A_853] {strides = array<i32>} : memref<256x128xf32, #tpu.memory_space<vmem>>, vector<16xf32>,
      %get3A_855 = arith.index_cast %add3A_793 : i32 to index
      %get3A_856 = arith.constant 80 : index
      %get3A_857 = tpu.vector_load %arg17[%get3A_855, %get3A_856] {strides = array<i32>} : memref<256x128xf32, #tpu.memory_space<vmem>>, vector<16xf32>,
      %get3A_858 = arith.index_cast %add3A_793 : i32 to index
      %get3A_859 = arith.constant 96 : index
      %get3A_860 = tpu.vector_load %arg17[%get3A_858, %get3A_859] {strides = array<i32>} : memref<256x128xf32, #tpu.memory_space<vmem>>, vector<16xf32>,
      %get3A_861 = arith.index_cast %add3A_793 : i32 to index
      %get3A_862 = arith.constant 112 : index
      %get3A_863 = tpu.vector_load %arg17[%get3A_861, %get3A_862] {strides = array<i32>} : memref<256x128xf32, #tpu.memory_space<vmem>>, vector<16xf32>,
      %eq3A_864 = arith.constant 0 : i32
      %eq3A_865 = arith.cmpi eq, %squeeze3A_839, %eq3A_864 : i32
      %eq3A_866 = arith.constant 1 : i32
      %eq3A_867 = arith.cmpi eq, %squeeze3A_839, %eq3A_866 : i32
      %eq3A_868 = arith.constant 2 : i32
      %eq3A_869 = arith.cmpi eq, %squeeze3A_839, %eq3A_868 : i32
      %select_n3A_870 = arith.select %eq3A_869, %get3A_854, %get3A_860 : vector<16xf32>
      %select_n3A_871 = arith.select %eq3A_867, %get3A_848, %select_n3A_870 : vector<16xf32>
      %select_n3A_872 = arith.select %eq3A_865, %get3A_842, %select_n3A_871 : vector<16xf32>
      %eq3A_873 = arith.constant 0 : i32
      %eq3A_874 = arith.cmpi eq, %squeeze3A_839, %eq3A_873 : i32
      %eq3A_875 = arith.constant 1 : i32
      %eq3A_876 = arith.cmpi eq, %squeeze3A_839, %eq3A_875 : i32
      %eq3A_877 = arith.constant 2 : i32
      %eq3A_878 = arith.cmpi eq, %squeeze3A_839, %eq3A_877 : i32
      %select_n3A_879 = arith.select %eq3A_878, %get3A_857, %get3A_863 : vector<16xf32>
      %select_n3A_880 = arith.select %eq3A_876, %get3A_851, %select_n3A_879 : vector<16xf32>
      %select_n3A_881 = arith.select %eq3A_874, %get3A_845, %select_n3A_880 : vector<16xf32>
      %sub3A_882 = arith.subf %select_n3A_828, %select_n3A_872 : vector<16xf32>
      %sub3A_883 = arith.subf %select_n3A_837, %select_n3A_881 : vector<16xf32>
      %mul3A_884 = arith.mulf %sub3A_882, %sub3A_882 : vector<16xf32>
      %mul3A_885 = arith.mulf %sub3A_883, %sub3A_883 : vector<16xf32>
      %add3A_886 = arith.addf %mul3A_884, %mul3A_885 : vector<16xf32>
      %reduce_sum3A_887 = arith.constant true
      %reduce_sum3A_888 = vector.broadcast %reduce_sum3A_887 : i1 to vector<16xi1>
      %reduce_sum3A_889 = tpu.scan <sum>, %add3A_886 masked %reduce_sum3A_888 : vector<16xf32>, vector<16xi1> -> vector<16xf32>
      %reduce_sum3A_890 = vector.extract %reduce_sum3A_889[15] : f32 from vector<16xf32>
      %mul3A_891 = arith.mulf %select_n3A_828, %select_n3A_828 : vector<16xf32>
      %mul3A_892 = arith.mulf %select_n3A_872, %select_n3A_872 : vector<16xf32>
      %add3A_893 = arith.addf %mul3A_891, %mul3A_892 : vector<16xf32>
      %mul3A_894 = arith.mulf %add3A_893, %get3A_177 : vector<16xf32>
      %mul3A_895 = arith.mulf %select_n3A_837, %select_n3A_837 : vector<16xf32>
      %mul3A_896 = arith.mulf %select_n3A_881, %select_n3A_881 : vector<16xf32>
      %add3A_897 = arith.addf %mul3A_895, %mul3A_896 : vector<16xf32>
      %mul3A_898 = arith.mulf %add3A_897, %get3A_179 : vector<16xf32>
      %add3A_899 = arith.addf %mul3A_894, %mul3A_898 : vector<16xf32>
      %reduce_sum3A_900 = arith.constant true
      %reduce_sum3A_901 = vector.broadcast %reduce_sum3A_900 : i1 to vector<16xi1>
      %reduce_sum3A_902 = tpu.scan <sum>, %add3A_899 masked %reduce_sum3A_901 : vector<16xf32>, vector<16xi1> -> vector<16xf32>
      %reduce_sum3A_903 = vector.extract %reduce_sum3A_902[15] : f32 from vector<16xf32>
      %eq3A_904 = arith.constant 5 : i32
      %eq3A_905 = vector.broadcast %eq3A_904 : i32 to vector<16xi32>
      %eq3A_906 = arith.cmpi eq, %iota3A, %eq3A_905 : vector<16xi32>
      %broadcast_in_dim3A_907 = vector.broadcast %reduce_sum3A_890 : f32 to vector<16xf32>
      %select_n3A_908 = arith.select %eq3A_906, %broadcast_in_dim3A_907, %select_n3A_787 : vector<16xi1>, vector<16xf32>
      %broadcast_in_dim3A_909 = vector.broadcast %reduce_sum3A_903 : f32 to vector<16xf32>
      %select_n3A_910 = arith.select %eq3A_906, %broadcast_in_dim3A_909, %select_n3A_789 : vector<16xi1>, vector<16xf32>
      %mul3A_911 = arith.constant 16 : i32
      %mul3A_912 = arith.muli %scan3A_175, %mul3A_911 : i32
      %add3A_913 = arith.constant 6 : i32
      %add3A_914 = arith.addi %mul3A_912, %add3A_913 : i32
      %slice3A_915 = vector.extract_strided_slice %get3A_185 {offsets = [6], sizes = [1], strides = [1]} : vector<16xi32> to vector<1xi32>
      %squeeze3A_916 = vector.extract %slice3A_915[0] : i32 from vector<1xi32>
      %get3A_917 = arith.index_cast %add3A_914 : i32 to index
      %get3A_918 = arith.constant 0 : index
      %get3A_919 = tpu.vector_load %arg16[%get3A_917, %get3A_918] {strides = array<i32>} : memref<256x128xf32, #tpu.memory_space<vmem>>, vector<16xf32>,
      %get3A_920 = arith.index_cast %add3A_914 : i32 to index
      %get3A_921 = arith.constant 16 : index
      %get3A_922 = tpu.vector_load %arg16[%get3A_920, %get3A_921] {strides = array<i32>} : memref<256x128xf32, #tpu.memory_space<vmem>>, vector<16xf32>,
      %get3A_923 = arith.index_cast %add3A_914 : i32 to index
      %get3A_924 = arith.constant 32 : index
      %get3A_925 = tpu.vector_load %arg16[%get3A_923, %get3A_924] {strides = array<i32>} : memref<256x128xf32, #tpu.memory_space<vmem>>, vector<16xf32>,
      %get3A_926 = arith.index_cast %add3A_914 : i32 to index
      %get3A_927 = arith.constant 48 : index
      %get3A_928 = tpu.vector_load %arg16[%get3A_926, %get3A_927] {strides = array<i32>} : memref<256x128xf32, #tpu.memory_space<vmem>>, vector<16xf32>,
      %get3A_929 = arith.index_cast %add3A_914 : i32 to index
      %get3A_930 = arith.constant 64 : index
      %get3A_931 = tpu.vector_load %arg16[%get3A_929, %get3A_930] {strides = array<i32>} : memref<256x128xf32, #tpu.memory_space<vmem>>, vector<16xf32>,
      %get3A_932 = arith.index_cast %add3A_914 : i32 to index
      %get3A_933 = arith.constant 80 : index
      %get3A_934 = tpu.vector_load %arg16[%get3A_932, %get3A_933] {strides = array<i32>} : memref<256x128xf32, #tpu.memory_space<vmem>>, vector<16xf32>,
      %get3A_935 = arith.index_cast %add3A_914 : i32 to index
      %get3A_936 = arith.constant 96 : index
      %get3A_937 = tpu.vector_load %arg16[%get3A_935, %get3A_936] {strides = array<i32>} : memref<256x128xf32, #tpu.memory_space<vmem>>, vector<16xf32>,
      %get3A_938 = arith.index_cast %add3A_914 : i32 to index
      %get3A_939 = arith.constant 112 : index
      %get3A_940 = tpu.vector_load %arg16[%get3A_938, %get3A_939] {strides = array<i32>} : memref<256x128xf32, #tpu.memory_space<vmem>>, vector<16xf32>,
      %eq3A_941 = arith.constant 0 : i32
      %eq3A_942 = arith.cmpi eq, %squeeze3A_916, %eq3A_941 : i32
      %eq3A_943 = arith.constant 1 : i32
      %eq3A_944 = arith.cmpi eq, %squeeze3A_916, %eq3A_943 : i32
      %eq3A_945 = arith.constant 2 : i32
      %eq3A_946 = arith.cmpi eq, %squeeze3A_916, %eq3A_945 : i32
      %select_n3A_947 = arith.select %eq3A_946, %get3A_931, %get3A_937 : vector<16xf32>
      %select_n3A_948 = arith.select %eq3A_944, %get3A_925, %select_n3A_947 : vector<16xf32>
      %select_n3A_949 = arith.select %eq3A_942, %get3A_919, %select_n3A_948 : vector<16xf32>
      %eq3A_950 = arith.constant 0 : i32
      %eq3A_951 = arith.cmpi eq, %squeeze3A_916, %eq3A_950 : i32
      %eq3A_952 = arith.constant 1 : i32
      %eq3A_953 = arith.cmpi eq, %squeeze3A_916, %eq3A_952 : i32
      %eq3A_954 = arith.constant 2 : i32
      %eq3A_955 = arith.cmpi eq, %squeeze3A_916, %eq3A_954 : i32
      %select_n3A_956 = arith.select %eq3A_955, %get3A_934, %get3A_940 : vector<16xf32>
      %select_n3A_957 = arith.select %eq3A_953, %get3A_928, %select_n3A_956 : vector<16xf32>
      %select_n3A_958 = arith.select %eq3A_951, %get3A_922, %select_n3A_957 : vector<16xf32>
      %slice3A_959 = vector.extract_strided_slice %get3A_187 {offsets = [6], sizes = [1], strides = [1]} : vector<16xi32> to vector<1xi32>
      %squeeze3A_960 = vector.extract %slice3A_959[0] : i32 from vector<1xi32>
      %get3A_961 = arith.index_cast %add3A_914 : i32 to index
      %get3A_962 = arith.constant 0 : index
      %get3A_963 = tpu.vector_load %arg17[%get3A_961, %get3A_962] {strides = array<i32>} : memref<256x128xf32, #tpu.memory_space<vmem>>, vector<16xf32>,
      %get3A_964 = arith.index_cast %add3A_914 : i32 to index
      %get3A_965 = arith.constant 16 : index
      %get3A_966 = tpu.vector_load %arg17[%get3A_964, %get3A_965] {strides = array<i32>} : memref<256x128xf32, #tpu.memory_space<vmem>>, vector<16xf32>,
      %get3A_967 = arith.index_cast %add3A_914 : i32 to index
      %get3A_968 = arith.constant 32 : index
      %get3A_969 = tpu.vector_load %arg17[%get3A_967, %get3A_968] {strides = array<i32>} : memref<256x128xf32, #tpu.memory_space<vmem>>, vector<16xf32>,
      %get3A_970 = arith.index_cast %add3A_914 : i32 to index
      %get3A_971 = arith.constant 48 : index
      %get3A_972 = tpu.vector_load %arg17[%get3A_970, %get3A_971] {strides = array<i32>} : memref<256x128xf32, #tpu.memory_space<vmem>>, vector<16xf32>,
      %get3A_973 = arith.index_cast %add3A_914 : i32 to index
      %get3A_974 = arith.constant 64 : index
      %get3A_975 = tpu.vector_load %arg17[%get3A_973, %get3A_974] {strides = array<i32>} : memref<256x128xf32, #tpu.memory_space<vmem>>, vector<16xf32>,
      %get3A_976 = arith.index_cast %add3A_914 : i32 to index
      %get3A_977 = arith.constant 80 : index
      %get3A_978 = tpu.vector_load %arg17[%get3A_976, %get3A_977] {strides = array<i32>} : memref<256x128xf32, #tpu.memory_space<vmem>>, vector<16xf32>,
      %get3A_979 = arith.index_cast %add3A_914 : i32 to index
      %get3A_980 = arith.constant 96 : index
      %get3A_981 = tpu.vector_load %arg17[%get3A_979, %get3A_980] {strides = array<i32>} : memref<256x128xf32, #tpu.memory_space<vmem>>, vector<16xf32>,
      %get3A_982 = arith.index_cast %add3A_914 : i32 to index
      %get3A_983 = arith.constant 112 : index
      %get3A_984 = tpu.vector_load %arg17[%get3A_982, %get3A_983] {strides = array<i32>} : memref<256x128xf32, #tpu.memory_space<vmem>>, vector<16xf32>,
      %eq3A_985 = arith.constant 0 : i32
      %eq3A_986 = arith.cmpi eq, %squeeze3A_960, %eq3A_985 : i32
      %eq3A_987 = arith.constant 1 : i32
      %eq3A_988 = arith.cmpi eq, %squeeze3A_960, %eq3A_987 : i32
      %eq3A_989 = arith.constant 2 : i32
      %eq3A_990 = arith.cmpi eq, %squeeze3A_960, %eq3A_989 : i32
      %select_n3A_991 = arith.select %eq3A_990, %get3A_975, %get3A_981 : vector<16xf32>
      %select_n3A_992 = arith.select %eq3A_988, %get3A_969, %select_n3A_991 : vector<16xf32>
      %select_n3A_993 = arith.select %eq3A_986, %get3A_963, %select_n3A_992 : vector<16xf32>
      %eq3A_994 = arith.constant 0 : i32
      %eq3A_995 = arith.cmpi eq, %squeeze3A_960, %eq3A_994 : i32
      %eq3A_996 = arith.constant 1 : i32
      %eq3A_997 = arith.cmpi eq, %squeeze3A_960, %eq3A_996 : i32
      %eq3A_998 = arith.constant 2 : i32
      %eq3A_999 = arith.cmpi eq, %squeeze3A_960, %eq3A_998 : i32
      %select_n3A_1000 = arith.select %eq3A_999, %get3A_978, %get3A_984 : vector<16xf32>
      %select_n3A_1001 = arith.select %eq3A_997, %get3A_972, %select_n3A_1000 : vector<16xf32>
      %select_n3A_1002 = arith.select %eq3A_995, %get3A_966, %select_n3A_1001 : vector<16xf32>
      %sub3A_1003 = arith.subf %select_n3A_949, %select_n3A_993 : vector<16xf32>
      %sub3A_1004 = arith.subf %select_n3A_958, %select_n3A_1002 : vector<16xf32>
      %mul3A_1005 = arith.mulf %sub3A_1003, %sub3A_1003 : vector<16xf32>
      %mul3A_1006 = arith.mulf %sub3A_1004, %sub3A_1004 : vector<16xf32>
      %add3A_1007 = arith.addf %mul3A_1005, %mul3A_1006 : vector<16xf32>
      %reduce_sum3A_1008 = arith.constant true
      %reduce_sum3A_1009 = vector.broadcast %reduce_sum3A_1008 : i1 to vector<16xi1>
      %reduce_sum3A_1010 = tpu.scan <sum>, %add3A_1007 masked %reduce_sum3A_1009 : vector<16xf32>, vector<16xi1> -> vector<16xf32>
      %reduce_sum3A_1011 = vector.extract %reduce_sum3A_1010[15] : f32 from vector<16xf32>
      %mul3A_1012 = arith.mulf %select_n3A_949, %select_n3A_949 : vector<16xf32>
      %mul3A_1013 = arith.mulf %select_n3A_993, %select_n3A_993 : vector<16xf32>
      %add3A_1014 = arith.addf %mul3A_1012, %mul3A_1013 : vector<16xf32>
      %mul3A_1015 = arith.mulf %add3A_1014, %get3A_177 : vector<16xf32>
      %mul3A_1016 = arith.mulf %select_n3A_958, %select_n3A_958 : vector<16xf32>
      %mul3A_1017 = arith.mulf %select_n3A_1002, %select_n3A_1002 : vector<16xf32>
      %add3A_1018 = arith.addf %mul3A_1016, %mul3A_1017 : vector<16xf32>
      %mul3A_1019 = arith.mulf %add3A_1018, %get3A_179 : vector<16xf32>
      %add3A_1020 = arith.addf %mul3A_1015, %mul3A_1019 : vector<16xf32>
      %reduce_sum3A_1021 = arith.constant true
      %reduce_sum3A_1022 = vector.broadcast %reduce_sum3A_1021 : i1 to vector<16xi1>
      %reduce_sum3A_1023 = tpu.scan <sum>, %add3A_1020 masked %reduce_sum3A_1022 : vector<16xf32>, vector<16xi1> -> vector<16xf32>
      %reduce_sum3A_1024 = vector.extract %reduce_sum3A_1023[15] : f32 from vector<16xf32>
      %eq3A_1025 = arith.constant 6 : i32
      %eq3A_1026 = vector.broadcast %eq3A_1025 : i32 to vector<16xi32>
      %eq3A_1027 = arith.cmpi eq, %iota3A, %eq3A_1026 : vector<16xi32>
      %broadcast_in_dim3A_1028 = vector.broadcast %reduce_sum3A_1011 : f32 to vector<16xf32>
      %select_n3A_1029 = arith.select %eq3A_1027, %broadcast_in_dim3A_1028, %select_n3A_908 : vector<16xi1>, vector<16xf32>
      %broadcast_in_dim3A_1030 = vector.broadcast %reduce_sum3A_1024 : f32 to vector<16xf32>
      %select_n3A_1031 = arith.select %eq3A_1027, %broadcast_in_dim3A_1030, %select_n3A_910 : vector<16xi1>, vector<16xf32>
      %mul3A_1032 = arith.constant 16 : i32
      %mul3A_1033 = arith.muli %scan3A_175, %mul3A_1032 : i32
      %add3A_1034 = arith.constant 7 : i32
      %add3A_1035 = arith.addi %mul3A_1033, %add3A_1034 : i32
      %slice3A_1036 = vector.extract_strided_slice %get3A_185 {offsets = [7], sizes = [1], strides = [1]} : vector<16xi32> to vector<1xi32>
      %squeeze3A_1037 = vector.extract %slice3A_1036[0] : i32 from vector<1xi32>
      %get3A_1038 = arith.index_cast %add3A_1035 : i32 to index
      %get3A_1039 = arith.constant 0 : index
      %get3A_1040 = tpu.vector_load %arg16[%get3A_1038, %get3A_1039] {strides = array<i32>} : memref<256x128xf32, #tpu.memory_space<vmem>>, vector<16xf32>,
      %get3A_1041 = arith.index_cast %add3A_1035 : i32 to index
      %get3A_1042 = arith.constant 16 : index
      %get3A_1043 = tpu.vector_load %arg16[%get3A_1041, %get3A_1042] {strides = array<i32>} : memref<256x128xf32, #tpu.memory_space<vmem>>, vector<16xf32>,
      %get3A_1044 = arith.index_cast %add3A_1035 : i32 to index
      %get3A_1045 = arith.constant 32 : index
      %get3A_1046 = tpu.vector_load %arg16[%get3A_1044, %get3A_1045] {strides = array<i32>} : memref<256x128xf32, #tpu.memory_space<vmem>>, vector<16xf32>,
      %get3A_1047 = arith.index_cast %add3A_1035 : i32 to index
      %get3A_1048 = arith.constant 48 : index
      %get3A_1049 = tpu.vector_load %arg16[%get3A_1047, %get3A_1048] {strides = array<i32>} : memref<256x128xf32, #tpu.memory_space<vmem>>, vector<16xf32>,
      %get3A_1050 = arith.index_cast %add3A_1035 : i32 to index
      %get3A_1051 = arith.constant 64 : index
      %get3A_1052 = tpu.vector_load %arg16[%get3A_1050, %get3A_1051] {strides = array<i32>} : memref<256x128xf32, #tpu.memory_space<vmem>>, vector<16xf32>,
      %get3A_1053 = arith.index_cast %add3A_1035 : i32 to index
      %get3A_1054 = arith.constant 80 : index
      %get3A_1055 = tpu.vector_load %arg16[%get3A_1053, %get3A_1054] {strides = array<i32>} : memref<256x128xf32, #tpu.memory_space<vmem>>, vector<16xf32>,
      %get3A_1056 = arith.index_cast %add3A_1035 : i32 to index
      %get3A_1057 = arith.constant 96 : index
      %get3A_1058 = tpu.vector_load %arg16[%get3A_1056, %get3A_1057] {strides = array<i32>} : memref<256x128xf32, #tpu.memory_space<vmem>>, vector<16xf32>,
      %get3A_1059 = arith.index_cast %add3A_1035 : i32 to index
      %get3A_1060 = arith.constant 112 : index
      %get3A_1061 = tpu.vector_load %arg16[%get3A_1059, %get3A_1060] {strides = array<i32>} : memref<256x128xf32, #tpu.memory_space<vmem>>, vector<16xf32>,
      %eq3A_1062 = arith.constant 0 : i32
      %eq3A_1063 = arith.cmpi eq, %squeeze3A_1037, %eq3A_1062 : i32
      %eq3A_1064 = arith.constant 1 : i32
      %eq3A_1065 = arith.cmpi eq, %squeeze3A_1037, %eq3A_1064 : i32
      %eq3A_1066 = arith.constant 2 : i32
      %eq3A_1067 = arith.cmpi eq, %squeeze3A_1037, %eq3A_1066 : i32
      %select_n3A_1068 = arith.select %eq3A_1067, %get3A_1052, %get3A_1058 : vector<16xf32>
      %select_n3A_1069 = arith.select %eq3A_1065, %get3A_1046, %select_n3A_1068 : vector<16xf32>
      %select_n3A_1070 = arith.select %eq3A_1063, %get3A_1040, %select_n3A_1069 : vector<16xf32>
      %eq3A_1071 = arith.constant 0 : i32
      %eq3A_1072 = arith.cmpi eq, %squeeze3A_1037, %eq3A_1071 : i32
      %eq3A_1073 = arith.constant 1 : i32
      %eq3A_1074 = arith.cmpi eq, %squeeze3A_1037, %eq3A_1073 : i32
      %eq3A_1075 = arith.constant 2 : i32
      %eq3A_1076 = arith.cmpi eq, %squeeze3A_1037, %eq3A_1075 : i32
      %select_n3A_1077 = arith.select %eq3A_1076, %get3A_1055, %get3A_1061 : vector<16xf32>
      %select_n3A_1078 = arith.select %eq3A_1074, %get3A_1049, %select_n3A_1077 : vector<16xf32>
      %select_n3A_1079 = arith.select %eq3A_1072, %get3A_1043, %select_n3A_1078 : vector<16xf32>
      %slice3A_1080 = vector.extract_strided_slice %get3A_187 {offsets = [7], sizes = [1], strides = [1]} : vector<16xi32> to vector<1xi32>
      %squeeze3A_1081 = vector.extract %slice3A_1080[0] : i32 from vector<1xi32>
      %get3A_1082 = arith.index_cast %add3A_1035 : i32 to index
      %get3A_1083 = arith.constant 0 : index
      %get3A_1084 = tpu.vector_load %arg17[%get3A_1082, %get3A_1083] {strides = array<i32>} : memref<256x128xf32, #tpu.memory_space<vmem>>, vector<16xf32>,
      %get3A_1085 = arith.index_cast %add3A_1035 : i32 to index
      %get3A_1086 = arith.constant 16 : index
      %get3A_1087 = tpu.vector_load %arg17[%get3A_1085, %get3A_1086] {strides = array<i32>} : memref<256x128xf32, #tpu.memory_space<vmem>>, vector<16xf32>,
      %get3A_1088 = arith.index_cast %add3A_1035 : i32 to index
      %get3A_1089 = arith.constant 32 : index
      %get3A_1090 = tpu.vector_load %arg17[%get3A_1088, %get3A_1089] {strides = array<i32>} : memref<256x128xf32, #tpu.memory_space<vmem>>, vector<16xf32>,
      %get3A_1091 = arith.index_cast %add3A_1035 : i32 to index
      %get3A_1092 = arith.constant 48 : index
      %get3A_1093 = tpu.vector_load %arg17[%get3A_1091, %get3A_1092] {strides = array<i32>} : memref<256x128xf32, #tpu.memory_space<vmem>>, vector<16xf32>,
      %get3A_1094 = arith.index_cast %add3A_1035 : i32 to index
      %get3A_1095 = arith.constant 64 : index
      %get3A_1096 = tpu.vector_load %arg17[%get3A_1094, %get3A_1095] {strides = array<i32>} : memref<256x128xf32, #tpu.memory_space<vmem>>, vector<16xf32>,
      %get3A_1097 = arith.index_cast %add3A_1035 : i32 to index
      %get3A_1098 = arith.constant 80 : index
      %get3A_1099 = tpu.vector_load %arg17[%get3A_1097, %get3A_1098] {strides = array<i32>} : memref<256x128xf32, #tpu.memory_space<vmem>>, vector<16xf32>,
      %get3A_1100 = arith.index_cast %add3A_1035 : i32 to index
      %get3A_1101 = arith.constant 96 : index
      %get3A_1102 = tpu.vector_load %arg17[%get3A_1100, %get3A_1101] {strides = array<i32>} : memref<256x128xf32, #tpu.memory_space<vmem>>, vector<16xf32>,
      %get3A_1103 = arith.index_cast %add3A_1035 : i32 to index
      %get3A_1104 = arith.constant 112 : index
      %get3A_1105 = tpu.vector_load %arg17[%get3A_1103, %get3A_1104] {strides = array<i32>} : memref<256x128xf32, #tpu.memory_space<vmem>>, vector<16xf32>,
      %eq3A_1106 = arith.constant 0 : i32
      %eq3A_1107 = arith.cmpi eq, %squeeze3A_1081, %eq3A_1106 : i32
      %eq3A_1108 = arith.constant 1 : i32
      %eq3A_1109 = arith.cmpi eq, %squeeze3A_1081, %eq3A_1108 : i32
      %eq3A_1110 = arith.constant 2 : i32
      %eq3A_1111 = arith.cmpi eq, %squeeze3A_1081, %eq3A_1110 : i32
      %select_n3A_1112 = arith.select %eq3A_1111, %get3A_1096, %get3A_1102 : vector<16xf32>
      %select_n3A_1113 = arith.select %eq3A_1109, %get3A_1090, %select_n3A_1112 : vector<16xf32>
      %select_n3A_1114 = arith.select %eq3A_1107, %get3A_1084, %select_n3A_1113 : vector<16xf32>
      %eq3A_1115 = arith.constant 0 : i32
      %eq3A_1116 = arith.cmpi eq, %squeeze3A_1081, %eq3A_1115 : i32
      %eq3A_1117 = arith.constant 1 : i32
      %eq3A_1118 = arith.cmpi eq, %squeeze3A_1081, %eq3A_1117 : i32
      %eq3A_1119 = arith.constant 2 : i32
      %eq3A_1120 = arith.cmpi eq, %squeeze3A_1081, %eq3A_1119 : i32
      %select_n3A_1121 = arith.select %eq3A_1120, %get3A_1099, %get3A_1105 : vector<16xf32>
      %select_n3A_1122 = arith.select %eq3A_1118, %get3A_1093, %select_n3A_1121 : vector<16xf32>
      %select_n3A_1123 = arith.select %eq3A_1116, %get3A_1087, %select_n3A_1122 : vector<16xf32>
      %sub3A_1124 = arith.subf %select_n3A_1070, %select_n3A_1114 : vector<16xf32>
      %sub3A_1125 = arith.subf %select_n3A_1079, %select_n3A_1123 : vector<16xf32>
      %mul3A_1126 = arith.mulf %sub3A_1124, %sub3A_1124 : vector<16xf32>
      %mul3A_1127 = arith.mulf %sub3A_1125, %sub3A_1125 : vector<16xf32>
      %add3A_1128 = arith.addf %mul3A_1126, %mul3A_1127 : vector<16xf32>
      %reduce_sum3A_1129 = arith.constant true
      %reduce_sum3A_1130 = vector.broadcast %reduce_sum3A_1129 : i1 to vector<16xi1>
      %reduce_sum3A_1131 = tpu.scan <sum>, %add3A_1128 masked %reduce_sum3A_1130 : vector<16xf32>, vector<16xi1> -> vector<16xf32>
      %reduce_sum3A_1132 = vector.extract %reduce_sum3A_1131[15] : f32 from vector<16xf32>
      %mul3A_1133 = arith.mulf %select_n3A_1070, %select_n3A_1070 : vector<16xf32>
      %mul3A_1134 = arith.mulf %select_n3A_1114, %select_n3A_1114 : vector<16xf32>
      %add3A_1135 = arith.addf %mul3A_1133, %mul3A_1134 : vector<16xf32>
      %mul3A_1136 = arith.mulf %add3A_1135, %get3A_177 : vector<16xf32>
      %mul3A_1137 = arith.mulf %select_n3A_1079, %select_n3A_1079 : vector<16xf32>
      %mul3A_1138 = arith.mulf %select_n3A_1123, %select_n3A_1123 : vector<16xf32>
      %add3A_1139 = arith.addf %mul3A_1137, %mul3A_1138 : vector<16xf32>
      %mul3A_1140 = arith.mulf %add3A_1139, %get3A_179 : vector<16xf32>
      %add3A_1141 = arith.addf %mul3A_1136, %mul3A_1140 : vector<16xf32>
      %reduce_sum3A_1142 = arith.constant true
      %reduce_sum3A_1143 = vector.broadcast %reduce_sum3A_1142 : i1 to vector<16xi1>
      %reduce_sum3A_1144 = tpu.scan <sum>, %add3A_1141 masked %reduce_sum3A_1143 : vector<16xf32>, vector<16xi1> -> vector<16xf32>
      %reduce_sum3A_1145 = vector.extract %reduce_sum3A_1144[15] : f32 from vector<16xf32>
      %eq3A_1146 = arith.constant 7 : i32
      %eq3A_1147 = vector.broadcast %eq3A_1146 : i32 to vector<16xi32>
      %eq3A_1148 = arith.cmpi eq, %iota3A, %eq3A_1147 : vector<16xi32>
      %broadcast_in_dim3A_1149 = vector.broadcast %reduce_sum3A_1132 : f32 to vector<16xf32>
      %select_n3A_1150 = arith.select %eq3A_1148, %broadcast_in_dim3A_1149, %select_n3A_1029 : vector<16xi1>, vector<16xf32>
      %broadcast_in_dim3A_1151 = vector.broadcast %reduce_sum3A_1145 : f32 to vector<16xf32>
      %select_n3A_1152 = arith.select %eq3A_1148, %broadcast_in_dim3A_1151, %select_n3A_1031 : vector<16xi1>, vector<16xf32>
      %mul3A_1153 = arith.constant 16 : i32
      %mul3A_1154 = arith.muli %scan3A_175, %mul3A_1153 : i32
      %add3A_1155 = arith.constant 8 : i32
      %add3A_1156 = arith.addi %mul3A_1154, %add3A_1155 : i32
      %slice3A_1157 = vector.extract_strided_slice %get3A_185 {offsets = [8], sizes = [1], strides = [1]} : vector<16xi32> to vector<1xi32>
      %squeeze3A_1158 = vector.extract %slice3A_1157[0] : i32 from vector<1xi32>
      %get3A_1159 = arith.index_cast %add3A_1156 : i32 to index
      %get3A_1160 = arith.constant 0 : index
      %get3A_1161 = tpu.vector_load %arg16[%get3A_1159, %get3A_1160] {strides = array<i32>} : memref<256x128xf32, #tpu.memory_space<vmem>>, vector<16xf32>,
      %get3A_1162 = arith.index_cast %add3A_1156 : i32 to index
      %get3A_1163 = arith.constant 16 : index
      %get3A_1164 = tpu.vector_load %arg16[%get3A_1162, %get3A_1163] {strides = array<i32>} : memref<256x128xf32, #tpu.memory_space<vmem>>, vector<16xf32>,
      %get3A_1165 = arith.index_cast %add3A_1156 : i32 to index
      %get3A_1166 = arith.constant 32 : index
      %get3A_1167 = tpu.vector_load %arg16[%get3A_1165, %get3A_1166] {strides = array<i32>} : memref<256x128xf32, #tpu.memory_space<vmem>>, vector<16xf32>,
      %get3A_1168 = arith.index_cast %add3A_1156 : i32 to index
      %get3A_1169 = arith.constant 48 : index
      %get3A_1170 = tpu.vector_load %arg16[%get3A_1168, %get3A_1169] {strides = array<i32>} : memref<256x128xf32, #tpu.memory_space<vmem>>, vector<16xf32>,
      %get3A_1171 = arith.index_cast %add3A_1156 : i32 to index
      %get3A_1172 = arith.constant 64 : index
      %get3A_1173 = tpu.vector_load %arg16[%get3A_1171, %get3A_1172] {strides = array<i32>} : memref<256x128xf32, #tpu.memory_space<vmem>>, vector<16xf32>,
      %get3A_1174 = arith.index_cast %add3A_1156 : i32 to index
      %get3A_1175 = arith.constant 80 : index
      %get3A_1176 = tpu.vector_load %arg16[%get3A_1174, %get3A_1175] {strides = array<i32>} : memref<256x128xf32, #tpu.memory_space<vmem>>, vector<16xf32>,
      %get3A_1177 = arith.index_cast %add3A_1156 : i32 to index
      %get3A_1178 = arith.constant 96 : index
      %get3A_1179 = tpu.vector_load %arg16[%get3A_1177, %get3A_1178] {strides = array<i32>} : memref<256x128xf32, #tpu.memory_space<vmem>>, vector<16xf32>,
      %get3A_1180 = arith.index_cast %add3A_1156 : i32 to index
      %get3A_1181 = arith.constant 112 : index
      %get3A_1182 = tpu.vector_load %arg16[%get3A_1180, %get3A_1181] {strides = array<i32>} : memref<256x128xf32, #tpu.memory_space<vmem>>, vector<16xf32>,
      %eq3A_1183 = arith.constant 0 : i32
      %eq3A_1184 = arith.cmpi eq, %squeeze3A_1158, %eq3A_1183 : i32
      %eq3A_1185 = arith.constant 1 : i32
      %eq3A_1186 = arith.cmpi eq, %squeeze3A_1158, %eq3A_1185 : i32
      %eq3A_1187 = arith.constant 2 : i32
      %eq3A_1188 = arith.cmpi eq, %squeeze3A_1158, %eq3A_1187 : i32
      %select_n3A_1189 = arith.select %eq3A_1188, %get3A_1173, %get3A_1179 : vector<16xf32>
      %select_n3A_1190 = arith.select %eq3A_1186, %get3A_1167, %select_n3A_1189 : vector<16xf32>
      %select_n3A_1191 = arith.select %eq3A_1184, %get3A_1161, %select_n3A_1190 : vector<16xf32>
      %eq3A_1192 = arith.constant 0 : i32
      %eq3A_1193 = arith.cmpi eq, %squeeze3A_1158, %eq3A_1192 : i32
      %eq3A_1194 = arith.constant 1 : i32
      %eq3A_1195 = arith.cmpi eq, %squeeze3A_1158, %eq3A_1194 : i32
      %eq3A_1196 = arith.constant 2 : i32
      %eq3A_1197 = arith.cmpi eq, %squeeze3A_1158, %eq3A_1196 : i32
      %select_n3A_1198 = arith.select %eq3A_1197, %get3A_1176, %get3A_1182 : vector<16xf32>
      %select_n3A_1199 = arith.select %eq3A_1195, %get3A_1170, %select_n3A_1198 : vector<16xf32>
      %select_n3A_1200 = arith.select %eq3A_1193, %get3A_1164, %select_n3A_1199 : vector<16xf32>
      %slice3A_1201 = vector.extract_strided_slice %get3A_187 {offsets = [8], sizes = [1], strides = [1]} : vector<16xi32> to vector<1xi32>
      %squeeze3A_1202 = vector.extract %slice3A_1201[0] : i32 from vector<1xi32>
      %get3A_1203 = arith.index_cast %add3A_1156 : i32 to index
      %get3A_1204 = arith.constant 0 : index
      %get3A_1205 = tpu.vector_load %arg17[%get3A_1203, %get3A_1204] {strides = array<i32>} : memref<256x128xf32, #tpu.memory_space<vmem>>, vector<16xf32>,
      %get3A_1206 = arith.index_cast %add3A_1156 : i32 to index
      %get3A_1207 = arith.constant 16 : index
      %get3A_1208 = tpu.vector_load %arg17[%get3A_1206, %get3A_1207] {strides = array<i32>} : memref<256x128xf32, #tpu.memory_space<vmem>>, vector<16xf32>,
      %get3A_1209 = arith.index_cast %add3A_1156 : i32 to index
      %get3A_1210 = arith.constant 32 : index
      %get3A_1211 = tpu.vector_load %arg17[%get3A_1209, %get3A_1210] {strides = array<i32>} : memref<256x128xf32, #tpu.memory_space<vmem>>, vector<16xf32>,
      %get3A_1212 = arith.index_cast %add3A_1156 : i32 to index
      %get3A_1213 = arith.constant 48 : index
      %get3A_1214 = tpu.vector_load %arg17[%get3A_1212, %get3A_1213] {strides = array<i32>} : memref<256x128xf32, #tpu.memory_space<vmem>>, vector<16xf32>,
      %get3A_1215 = arith.index_cast %add3A_1156 : i32 to index
      %get3A_1216 = arith.constant 64 : index
      %get3A_1217 = tpu.vector_load %arg17[%get3A_1215, %get3A_1216] {strides = array<i32>} : memref<256x128xf32, #tpu.memory_space<vmem>>, vector<16xf32>,
      %get3A_1218 = arith.index_cast %add3A_1156 : i32 to index
      %get3A_1219 = arith.constant 80 : index
      %get3A_1220 = tpu.vector_load %arg17[%get3A_1218, %get3A_1219] {strides = array<i32>} : memref<256x128xf32, #tpu.memory_space<vmem>>, vector<16xf32>,
      %get3A_1221 = arith.index_cast %add3A_1156 : i32 to index
      %get3A_1222 = arith.constant 96 : index
      %get3A_1223 = tpu.vector_load %arg17[%get3A_1221, %get3A_1222] {strides = array<i32>} : memref<256x128xf32, #tpu.memory_space<vmem>>, vector<16xf32>,
      %get3A_1224 = arith.index_cast %add3A_1156 : i32 to index
      %get3A_1225 = arith.constant 112 : index
      %get3A_1226 = tpu.vector_load %arg17[%get3A_1224, %get3A_1225] {strides = array<i32>} : memref<256x128xf32, #tpu.memory_space<vmem>>, vector<16xf32>,
      %eq3A_1227 = arith.constant 0 : i32
      %eq3A_1228 = arith.cmpi eq, %squeeze3A_1202, %eq3A_1227 : i32
      %eq3A_1229 = arith.constant 1 : i32
      %eq3A_1230 = arith.cmpi eq, %squeeze3A_1202, %eq3A_1229 : i32
      %eq3A_1231 = arith.constant 2 : i32
      %eq3A_1232 = arith.cmpi eq, %squeeze3A_1202, %eq3A_1231 : i32
      %select_n3A_1233 = arith.select %eq3A_1232, %get3A_1217, %get3A_1223 : vector<16xf32>
      %select_n3A_1234 = arith.select %eq3A_1230, %get3A_1211, %select_n3A_1233 : vector<16xf32>
      %select_n3A_1235 = arith.select %eq3A_1228, %get3A_1205, %select_n3A_1234 : vector<16xf32>
      %eq3A_1236 = arith.constant 0 : i32
      %eq3A_1237 = arith.cmpi eq, %squeeze3A_1202, %eq3A_1236 : i32
      %eq3A_1238 = arith.constant 1 : i32
      %eq3A_1239 = arith.cmpi eq, %squeeze3A_1202, %eq3A_1238 : i32
      %eq3A_1240 = arith.constant 2 : i32
      %eq3A_1241 = arith.cmpi eq, %squeeze3A_1202, %eq3A_1240 : i32
      %select_n3A_1242 = arith.select %eq3A_1241, %get3A_1220, %get3A_1226 : vector<16xf32>
      %select_n3A_1243 = arith.select %eq3A_1239, %get3A_1214, %select_n3A_1242 : vector<16xf32>
      %select_n3A_1244 = arith.select %eq3A_1237, %get3A_1208, %select_n3A_1243 : vector<16xf32>
      %sub3A_1245 = arith.subf %select_n3A_1191, %select_n3A_1235 : vector<16xf32>
      %sub3A_1246 = arith.subf %select_n3A_1200, %select_n3A_1244 : vector<16xf32>
      %mul3A_1247 = arith.mulf %sub3A_1245, %sub3A_1245 : vector<16xf32>
      %mul3A_1248 = arith.mulf %sub3A_1246, %sub3A_1246 : vector<16xf32>
      %add3A_1249 = arith.addf %mul3A_1247, %mul3A_1248 : vector<16xf32>
      %reduce_sum3A_1250 = arith.constant true
      %reduce_sum3A_1251 = vector.broadcast %reduce_sum3A_1250 : i1 to vector<16xi1>
      %reduce_sum3A_1252 = tpu.scan <sum>, %add3A_1249 masked %reduce_sum3A_1251 : vector<16xf32>, vector<16xi1> -> vector<16xf32>
      %reduce_sum3A_1253 = vector.extract %reduce_sum3A_1252[15] : f32 from vector<16xf32>
      %mul3A_1254 = arith.mulf %select_n3A_1191, %select_n3A_1191 : vector<16xf32>
      %mul3A_1255 = arith.mulf %select_n3A_1235, %select_n3A_1235 : vector<16xf32>
      %add3A_1256 = arith.addf %mul3A_1254, %mul3A_1255 : vector<16xf32>
      %mul3A_1257 = arith.mulf %add3A_1256, %get3A_177 : vector<16xf32>
      %mul3A_1258 = arith.mulf %select_n3A_1200, %select_n3A_1200 : vector<16xf32>
      %mul3A_1259 = arith.mulf %select_n3A_1244, %select_n3A_1244 : vector<16xf32>
      %add3A_1260 = arith.addf %mul3A_1258, %mul3A_1259 : vector<16xf32>
      %mul3A_1261 = arith.mulf %add3A_1260, %get3A_179 : vector<16xf32>
      %add3A_1262 = arith.addf %mul3A_1257, %mul3A_1261 : vector<16xf32>
      %reduce_sum3A_1263 = arith.constant true
      %reduce_sum3A_1264 = vector.broadcast %reduce_sum3A_1263 : i1 to vector<16xi1>
      %reduce_sum3A_1265 = tpu.scan <sum>, %add3A_1262 masked %reduce_sum3A_1264 : vector<16xf32>, vector<16xi1> -> vector<16xf32>
      %reduce_sum3A_1266 = vector.extract %reduce_sum3A_1265[15] : f32 from vector<16xf32>
      %eq3A_1267 = arith.constant 8 : i32
      %eq3A_1268 = vector.broadcast %eq3A_1267 : i32 to vector<16xi32>
      %eq3A_1269 = arith.cmpi eq, %iota3A, %eq3A_1268 : vector<16xi32>
      %broadcast_in_dim3A_1270 = vector.broadcast %reduce_sum3A_1253 : f32 to vector<16xf32>
      %select_n3A_1271 = arith.select %eq3A_1269, %broadcast_in_dim3A_1270, %select_n3A_1150 : vector<16xi1>, vector<16xf32>
      %broadcast_in_dim3A_1272 = vector.broadcast %reduce_sum3A_1266 : f32 to vector<16xf32>
      %select_n3A_1273 = arith.select %eq3A_1269, %broadcast_in_dim3A_1272, %select_n3A_1152 : vector<16xi1>, vector<16xf32>
      %mul3A_1274 = arith.constant 16 : i32
      %mul3A_1275 = arith.muli %scan3A_175, %mul3A_1274 : i32
      %add3A_1276 = arith.constant 9 : i32
      %add3A_1277 = arith.addi %mul3A_1275, %add3A_1276 : i32
      %slice3A_1278 = vector.extract_strided_slice %get3A_185 {offsets = [9], sizes = [1], strides = [1]} : vector<16xi32> to vector<1xi32>
      %squeeze3A_1279 = vector.extract %slice3A_1278[0] : i32 from vector<1xi32>
      %get3A_1280 = arith.index_cast %add3A_1277 : i32 to index
      %get3A_1281 = arith.constant 0 : index
      %get3A_1282 = tpu.vector_load %arg16[%get3A_1280, %get3A_1281] {strides = array<i32>} : memref<256x128xf32, #tpu.memory_space<vmem>>, vector<16xf32>,
      %get3A_1283 = arith.index_cast %add3A_1277 : i32 to index
      %get3A_1284 = arith.constant 16 : index
      %get3A_1285 = tpu.vector_load %arg16[%get3A_1283, %get3A_1284] {strides = array<i32>} : memref<256x128xf32, #tpu.memory_space<vmem>>, vector<16xf32>,
      %get3A_1286 = arith.index_cast %add3A_1277 : i32 to index
      %get3A_1287 = arith.constant 32 : index
      %get3A_1288 = tpu.vector_load %arg16[%get3A_1286, %get3A_1287] {strides = array<i32>} : memref<256x128xf32, #tpu.memory_space<vmem>>, vector<16xf32>,
      %get3A_1289 = arith.index_cast %add3A_1277 : i32 to index
      %get3A_1290 = arith.constant 48 : index
      %get3A_1291 = tpu.vector_load %arg16[%get3A_1289, %get3A_1290] {strides = array<i32>} : memref<256x128xf32, #tpu.memory_space<vmem>>, vector<16xf32>,
      %get3A_1292 = arith.index_cast %add3A_1277 : i32 to index
      %get3A_1293 = arith.constant 64 : index
      %get3A_1294 = tpu.vector_load %arg16[%get3A_1292, %get3A_1293] {strides = array<i32>} : memref<256x128xf32, #tpu.memory_space<vmem>>, vector<16xf32>,
      %get3A_1295 = arith.index_cast %add3A_1277 : i32 to index
      %get3A_1296 = arith.constant 80 : index
      %get3A_1297 = tpu.vector_load %arg16[%get3A_1295, %get3A_1296] {strides = array<i32>} : memref<256x128xf32, #tpu.memory_space<vmem>>, vector<16xf32>,
      %get3A_1298 = arith.index_cast %add3A_1277 : i32 to index
      %get3A_1299 = arith.constant 96 : index
      %get3A_1300 = tpu.vector_load %arg16[%get3A_1298, %get3A_1299] {strides = array<i32>} : memref<256x128xf32, #tpu.memory_space<vmem>>, vector<16xf32>,
      %get3A_1301 = arith.index_cast %add3A_1277 : i32 to index
      %get3A_1302 = arith.constant 112 : index
      %get3A_1303 = tpu.vector_load %arg16[%get3A_1301, %get3A_1302] {strides = array<i32>} : memref<256x128xf32, #tpu.memory_space<vmem>>, vector<16xf32>,
      %eq3A_1304 = arith.constant 0 : i32
      %eq3A_1305 = arith.cmpi eq, %squeeze3A_1279, %eq3A_1304 : i32
      %eq3A_1306 = arith.constant 1 : i32
      %eq3A_1307 = arith.cmpi eq, %squeeze3A_1279, %eq3A_1306 : i32
      %eq3A_1308 = arith.constant 2 : i32
      %eq3A_1309 = arith.cmpi eq, %squeeze3A_1279, %eq3A_1308 : i32
      %select_n3A_1310 = arith.select %eq3A_1309, %get3A_1294, %get3A_1300 : vector<16xf32>
      %select_n3A_1311 = arith.select %eq3A_1307, %get3A_1288, %select_n3A_1310 : vector<16xf32>
      %select_n3A_1312 = arith.select %eq3A_1305, %get3A_1282, %select_n3A_1311 : vector<16xf32>
      %eq3A_1313 = arith.constant 0 : i32
      %eq3A_1314 = arith.cmpi eq, %squeeze3A_1279, %eq3A_1313 : i32
      %eq3A_1315 = arith.constant 1 : i32
      %eq3A_1316 = arith.cmpi eq, %squeeze3A_1279, %eq3A_1315 : i32
      %eq3A_1317 = arith.constant 2 : i32
      %eq3A_1318 = arith.cmpi eq, %squeeze3A_1279, %eq3A_1317 : i32
      %select_n3A_1319 = arith.select %eq3A_1318, %get3A_1297, %get3A_1303 : vector<16xf32>
      %select_n3A_1320 = arith.select %eq3A_1316, %get3A_1291, %select_n3A_1319 : vector<16xf32>
      %select_n3A_1321 = arith.select %eq3A_1314, %get3A_1285, %select_n3A_1320 : vector<16xf32>
      %slice3A_1322 = vector.extract_strided_slice %get3A_187 {offsets = [9], sizes = [1], strides = [1]} : vector<16xi32> to vector<1xi32>
      %squeeze3A_1323 = vector.extract %slice3A_1322[0] : i32 from vector<1xi32>
      %get3A_1324 = arith.index_cast %add3A_1277 : i32 to index
      %get3A_1325 = arith.constant 0 : index
      %get3A_1326 = tpu.vector_load %arg17[%get3A_1324, %get3A_1325] {strides = array<i32>} : memref<256x128xf32, #tpu.memory_space<vmem>>, vector<16xf32>,
      %get3A_1327 = arith.index_cast %add3A_1277 : i32 to index
      %get3A_1328 = arith.constant 16 : index
      %get3A_1329 = tpu.vector_load %arg17[%get3A_1327, %get3A_1328] {strides = array<i32>} : memref<256x128xf32, #tpu.memory_space<vmem>>, vector<16xf32>,
      %get3A_1330 = arith.index_cast %add3A_1277 : i32 to index
      %get3A_1331 = arith.constant 32 : index
      %get3A_1332 = tpu.vector_load %arg17[%get3A_1330, %get3A_1331] {strides = array<i32>} : memref<256x128xf32, #tpu.memory_space<vmem>>, vector<16xf32>,
      %get3A_1333 = arith.index_cast %add3A_1277 : i32 to index
      %get3A_1334 = arith.constant 48 : index
      %get3A_1335 = tpu.vector_load %arg17[%get3A_1333, %get3A_1334] {strides = array<i32>} : memref<256x128xf32, #tpu.memory_space<vmem>>, vector<16xf32>,
      %get3A_1336 = arith.index_cast %add3A_1277 : i32 to index
      %get3A_1337 = arith.constant 64 : index
      %get3A_1338 = tpu.vector_load %arg17[%get3A_1336, %get3A_1337] {strides = array<i32>} : memref<256x128xf32, #tpu.memory_space<vmem>>, vector<16xf32>,
      %get3A_1339 = arith.index_cast %add3A_1277 : i32 to index
      %get3A_1340 = arith.constant 80 : index
      %get3A_1341 = tpu.vector_load %arg17[%get3A_1339, %get3A_1340] {strides = array<i32>} : memref<256x128xf32, #tpu.memory_space<vmem>>, vector<16xf32>,
      %get3A_1342 = arith.index_cast %add3A_1277 : i32 to index
      %get3A_1343 = arith.constant 96 : index
      %get3A_1344 = tpu.vector_load %arg17[%get3A_1342, %get3A_1343] {strides = array<i32>} : memref<256x128xf32, #tpu.memory_space<vmem>>, vector<16xf32>,
      %get3A_1345 = arith.index_cast %add3A_1277 : i32 to index
      %get3A_1346 = arith.constant 112 : index
      %get3A_1347 = tpu.vector_load %arg17[%get3A_1345, %get3A_1346] {strides = array<i32>} : memref<256x128xf32, #tpu.memory_space<vmem>>, vector<16xf32>,
      %eq3A_1348 = arith.constant 0 : i32
      %eq3A_1349 = arith.cmpi eq, %squeeze3A_1323, %eq3A_1348 : i32
      %eq3A_1350 = arith.constant 1 : i32
      %eq3A_1351 = arith.cmpi eq, %squeeze3A_1323, %eq3A_1350 : i32
      %eq3A_1352 = arith.constant 2 : i32
      %eq3A_1353 = arith.cmpi eq, %squeeze3A_1323, %eq3A_1352 : i32
      %select_n3A_1354 = arith.select %eq3A_1353, %get3A_1338, %get3A_1344 : vector<16xf32>
      %select_n3A_1355 = arith.select %eq3A_1351, %get3A_1332, %select_n3A_1354 : vector<16xf32>
      %select_n3A_1356 = arith.select %eq3A_1349, %get3A_1326, %select_n3A_1355 : vector<16xf32>
      %eq3A_1357 = arith.constant 0 : i32
      %eq3A_1358 = arith.cmpi eq, %squeeze3A_1323, %eq3A_1357 : i32
      %eq3A_1359 = arith.constant 1 : i32
      %eq3A_1360 = arith.cmpi eq, %squeeze3A_1323, %eq3A_1359 : i32
      %eq3A_1361 = arith.constant 2 : i32
      %eq3A_1362 = arith.cmpi eq, %squeeze3A_1323, %eq3A_1361 : i32
      %select_n3A_1363 = arith.select %eq3A_1362, %get3A_1341, %get3A_1347 : vector<16xf32>
      %select_n3A_1364 = arith.select %eq3A_1360, %get3A_1335, %select_n3A_1363 : vector<16xf32>
      %select_n3A_1365 = arith.select %eq3A_1358, %get3A_1329, %select_n3A_1364 : vector<16xf32>
      %sub3A_1366 = arith.subf %select_n3A_1312, %select_n3A_1356 : vector<16xf32>
      %sub3A_1367 = arith.subf %select_n3A_1321, %select_n3A_1365 : vector<16xf32>
      %mul3A_1368 = arith.mulf %sub3A_1366, %sub3A_1366 : vector<16xf32>
      %mul3A_1369 = arith.mulf %sub3A_1367, %sub3A_1367 : vector<16xf32>
      %add3A_1370 = arith.addf %mul3A_1368, %mul3A_1369 : vector<16xf32>
      %reduce_sum3A_1371 = arith.constant true
      %reduce_sum3A_1372 = vector.broadcast %reduce_sum3A_1371 : i1 to vector<16xi1>
      %reduce_sum3A_1373 = tpu.scan <sum>, %add3A_1370 masked %reduce_sum3A_1372 : vector<16xf32>, vector<16xi1> -> vector<16xf32>
      %reduce_sum3A_1374 = vector.extract %reduce_sum3A_1373[15] : f32 from vector<16xf32>
      %mul3A_1375 = arith.mulf %select_n3A_1312, %select_n3A_1312 : vector<16xf32>
      %mul3A_1376 = arith.mulf %select_n3A_1356, %select_n3A_1356 : vector<16xf32>
      %add3A_1377 = arith.addf %mul3A_1375, %mul3A_1376 : vector<16xf32>
      %mul3A_1378 = arith.mulf %add3A_1377, %get3A_177 : vector<16xf32>
      %mul3A_1379 = arith.mulf %select_n3A_1321, %select_n3A_1321 : vector<16xf32>
      %mul3A_1380 = arith.mulf %select_n3A_1365, %select_n3A_1365 : vector<16xf32>
      %add3A_1381 = arith.addf %mul3A_1379, %mul3A_1380 : vector<16xf32>
      %mul3A_1382 = arith.mulf %add3A_1381, %get3A_179 : vector<16xf32>
      %add3A_1383 = arith.addf %mul3A_1378, %mul3A_1382 : vector<16xf32>
      %reduce_sum3A_1384 = arith.constant true
      %reduce_sum3A_1385 = vector.broadcast %reduce_sum3A_1384 : i1 to vector<16xi1>
      %reduce_sum3A_1386 = tpu.scan <sum>, %add3A_1383 masked %reduce_sum3A_1385 : vector<16xf32>, vector<16xi1> -> vector<16xf32>
      %reduce_sum3A_1387 = vector.extract %reduce_sum3A_1386[15] : f32 from vector<16xf32>
      %eq3A_1388 = arith.constant 9 : i32
      %eq3A_1389 = vector.broadcast %eq3A_1388 : i32 to vector<16xi32>
      %eq3A_1390 = arith.cmpi eq, %iota3A, %eq3A_1389 : vector<16xi32>
      %broadcast_in_dim3A_1391 = vector.broadcast %reduce_sum3A_1374 : f32 to vector<16xf32>
      %select_n3A_1392 = arith.select %eq3A_1390, %broadcast_in_dim3A_1391, %select_n3A_1271 : vector<16xi1>, vector<16xf32>
      %broadcast_in_dim3A_1393 = vector.broadcast %reduce_sum3A_1387 : f32 to vector<16xf32>
      %select_n3A_1394 = arith.select %eq3A_1390, %broadcast_in_dim3A_1393, %select_n3A_1273 : vector<16xi1>, vector<16xf32>
      %mul3A_1395 = arith.constant 16 : i32
      %mul3A_1396 = arith.muli %scan3A_175, %mul3A_1395 : i32
      %add3A_1397 = arith.constant 10 : i32
      %add3A_1398 = arith.addi %mul3A_1396, %add3A_1397 : i32
      %slice3A_1399 = vector.extract_strided_slice %get3A_185 {offsets = [10], sizes = [1], strides = [1]} : vector<16xi32> to vector<1xi32>
      %squeeze3A_1400 = vector.extract %slice3A_1399[0] : i32 from vector<1xi32>
      %get3A_1401 = arith.index_cast %add3A_1398 : i32 to index
      %get3A_1402 = arith.constant 0 : index
      %get3A_1403 = tpu.vector_load %arg16[%get3A_1401, %get3A_1402] {strides = array<i32>} : memref<256x128xf32, #tpu.memory_space<vmem>>, vector<16xf32>,
      %get3A_1404 = arith.index_cast %add3A_1398 : i32 to index
      %get3A_1405 = arith.constant 16 : index
      %get3A_1406 = tpu.vector_load %arg16[%get3A_1404, %get3A_1405] {strides = array<i32>} : memref<256x128xf32, #tpu.memory_space<vmem>>, vector<16xf32>,
      %get3A_1407 = arith.index_cast %add3A_1398 : i32 to index
      %get3A_1408 = arith.constant 32 : index
      %get3A_1409 = tpu.vector_load %arg16[%get3A_1407, %get3A_1408] {strides = array<i32>} : memref<256x128xf32, #tpu.memory_space<vmem>>, vector<16xf32>,
      %get3A_1410 = arith.index_cast %add3A_1398 : i32 to index
      %get3A_1411 = arith.constant 48 : index
      %get3A_1412 = tpu.vector_load %arg16[%get3A_1410, %get3A_1411] {strides = array<i32>} : memref<256x128xf32, #tpu.memory_space<vmem>>, vector<16xf32>,
      %get3A_1413 = arith.index_cast %add3A_1398 : i32 to index
      %get3A_1414 = arith.constant 64 : index
      %get3A_1415 = tpu.vector_load %arg16[%get3A_1413, %get3A_1414] {strides = array<i32>} : memref<256x128xf32, #tpu.memory_space<vmem>>, vector<16xf32>,
      %get3A_1416 = arith.index_cast %add3A_1398 : i32 to index
      %get3A_1417 = arith.constant 80 : index
      %get3A_1418 = tpu.vector_load %arg16[%get3A_1416, %get3A_1417] {strides = array<i32>} : memref<256x128xf32, #tpu.memory_space<vmem>>, vector<16xf32>,
      %get3A_1419 = arith.index_cast %add3A_1398 : i32 to index
      %get3A_1420 = arith.constant 96 : index
      %get3A_1421 = tpu.vector_load %arg16[%get3A_1419, %get3A_1420] {strides = array<i32>} : memref<256x128xf32, #tpu.memory_space<vmem>>, vector<16xf32>,
      %get3A_1422 = arith.index_cast %add3A_1398 : i32 to index
      %get3A_1423 = arith.constant 112 : index
      %get3A_1424 = tpu.vector_load %arg16[%get3A_1422, %get3A_1423] {strides = array<i32>} : memref<256x128xf32, #tpu.memory_space<vmem>>, vector<16xf32>,
      %eq3A_1425 = arith.constant 0 : i32
      %eq3A_1426 = arith.cmpi eq, %squeeze3A_1400, %eq3A_1425 : i32
      %eq3A_1427 = arith.constant 1 : i32
      %eq3A_1428 = arith.cmpi eq, %squeeze3A_1400, %eq3A_1427 : i32
      %eq3A_1429 = arith.constant 2 : i32
      %eq3A_1430 = arith.cmpi eq, %squeeze3A_1400, %eq3A_1429 : i32
      %select_n3A_1431 = arith.select %eq3A_1430, %get3A_1415, %get3A_1421 : vector<16xf32>
      %select_n3A_1432 = arith.select %eq3A_1428, %get3A_1409, %select_n3A_1431 : vector<16xf32>
      %select_n3A_1433 = arith.select %eq3A_1426, %get3A_1403, %select_n3A_1432 : vector<16xf32>
      %eq3A_1434 = arith.constant 0 : i32
      %eq3A_1435 = arith.cmpi eq, %squeeze3A_1400, %eq3A_1434 : i32
      %eq3A_1436 = arith.constant 1 : i32
      %eq3A_1437 = arith.cmpi eq, %squeeze3A_1400, %eq3A_1436 : i32
      %eq3A_1438 = arith.constant 2 : i32
      %eq3A_1439 = arith.cmpi eq, %squeeze3A_1400, %eq3A_1438 : i32
      %select_n3A_1440 = arith.select %eq3A_1439, %get3A_1418, %get3A_1424 : vector<16xf32>
      %select_n3A_1441 = arith.select %eq3A_1437, %get3A_1412, %select_n3A_1440 : vector<16xf32>
      %select_n3A_1442 = arith.select %eq3A_1435, %get3A_1406, %select_n3A_1441 : vector<16xf32>
      %slice3A_1443 = vector.extract_strided_slice %get3A_187 {offsets = [10], sizes = [1], strides = [1]} : vector<16xi32> to vector<1xi32>
      %squeeze3A_1444 = vector.extract %slice3A_1443[0] : i32 from vector<1xi32>
      %get3A_1445 = arith.index_cast %add3A_1398 : i32 to index
      %get3A_1446 = arith.constant 0 : index
      %get3A_1447 = tpu.vector_load %arg17[%get3A_1445, %get3A_1446] {strides = array<i32>} : memref<256x128xf32, #tpu.memory_space<vmem>>, vector<16xf32>,
      %get3A_1448 = arith.index_cast %add3A_1398 : i32 to index
      %get3A_1449 = arith.constant 16 : index
      %get3A_1450 = tpu.vector_load %arg17[%get3A_1448, %get3A_1449] {strides = array<i32>} : memref<256x128xf32, #tpu.memory_space<vmem>>, vector<16xf32>,
      %get3A_1451 = arith.index_cast %add3A_1398 : i32 to index
      %get3A_1452 = arith.constant 32 : index
      %get3A_1453 = tpu.vector_load %arg17[%get3A_1451, %get3A_1452] {strides = array<i32>} : memref<256x128xf32, #tpu.memory_space<vmem>>, vector<16xf32>,
      %get3A_1454 = arith.index_cast %add3A_1398 : i32 to index
      %get3A_1455 = arith.constant 48 : index
      %get3A_1456 = tpu.vector_load %arg17[%get3A_1454, %get3A_1455] {strides = array<i32>} : memref<256x128xf32, #tpu.memory_space<vmem>>, vector<16xf32>,
      %get3A_1457 = arith.index_cast %add3A_1398 : i32 to index
      %get3A_1458 = arith.constant 64 : index
      %get3A_1459 = tpu.vector_load %arg17[%get3A_1457, %get3A_1458] {strides = array<i32>} : memref<256x128xf32, #tpu.memory_space<vmem>>, vector<16xf32>,
      %get3A_1460 = arith.index_cast %add3A_1398 : i32 to index
      %get3A_1461 = arith.constant 80 : index
      %get3A_1462 = tpu.vector_load %arg17[%get3A_1460, %get3A_1461] {strides = array<i32>} : memref<256x128xf32, #tpu.memory_space<vmem>>, vector<16xf32>,
      %get3A_1463 = arith.index_cast %add3A_1398 : i32 to index
      %get3A_1464 = arith.constant 96 : index
      %get3A_1465 = tpu.vector_load %arg17[%get3A_1463, %get3A_1464] {strides = array<i32>} : memref<256x128xf32, #tpu.memory_space<vmem>>, vector<16xf32>,
      %get3A_1466 = arith.index_cast %add3A_1398 : i32 to index
      %get3A_1467 = arith.constant 112 : index
      %get3A_1468 = tpu.vector_load %arg17[%get3A_1466, %get3A_1467] {strides = array<i32>} : memref<256x128xf32, #tpu.memory_space<vmem>>, vector<16xf32>,
      %eq3A_1469 = arith.constant 0 : i32
      %eq3A_1470 = arith.cmpi eq, %squeeze3A_1444, %eq3A_1469 : i32
      %eq3A_1471 = arith.constant 1 : i32
      %eq3A_1472 = arith.cmpi eq, %squeeze3A_1444, %eq3A_1471 : i32
      %eq3A_1473 = arith.constant 2 : i32
      %eq3A_1474 = arith.cmpi eq, %squeeze3A_1444, %eq3A_1473 : i32
      %select_n3A_1475 = arith.select %eq3A_1474, %get3A_1459, %get3A_1465 : vector<16xf32>
      %select_n3A_1476 = arith.select %eq3A_1472, %get3A_1453, %select_n3A_1475 : vector<16xf32>
      %select_n3A_1477 = arith.select %eq3A_1470, %get3A_1447, %select_n3A_1476 : vector<16xf32>
      %eq3A_1478 = arith.constant 0 : i32
      %eq3A_1479 = arith.cmpi eq, %squeeze3A_1444, %eq3A_1478 : i32
      %eq3A_1480 = arith.constant 1 : i32
      %eq3A_1481 = arith.cmpi eq, %squeeze3A_1444, %eq3A_1480 : i32
      %eq3A_1482 = arith.constant 2 : i32
      %eq3A_1483 = arith.cmpi eq, %squeeze3A_1444, %eq3A_1482 : i32
      %select_n3A_1484 = arith.select %eq3A_1483, %get3A_1462, %get3A_1468 : vector<16xf32>
      %select_n3A_1485 = arith.select %eq3A_1481, %get3A_1456, %select_n3A_1484 : vector<16xf32>
      %select_n3A_1486 = arith.select %eq3A_1479, %get3A_1450, %select_n3A_1485 : vector<16xf32>
      %sub3A_1487 = arith.subf %select_n3A_1433, %select_n3A_1477 : vector<16xf32>
      %sub3A_1488 = arith.subf %select_n3A_1442, %select_n3A_1486 : vector<16xf32>
      %mul3A_1489 = arith.mulf %sub3A_1487, %sub3A_1487 : vector<16xf32>
      %mul3A_1490 = arith.mulf %sub3A_1488, %sub3A_1488 : vector<16xf32>
      %add3A_1491 = arith.addf %mul3A_1489, %mul3A_1490 : vector<16xf32>
      %reduce_sum3A_1492 = arith.constant true
      %reduce_sum3A_1493 = vector.broadcast %reduce_sum3A_1492 : i1 to vector<16xi1>
      %reduce_sum3A_1494 = tpu.scan <sum>, %add3A_1491 masked %reduce_sum3A_1493 : vector<16xf32>, vector<16xi1> -> vector<16xf32>
      %reduce_sum3A_1495 = vector.extract %reduce_sum3A_1494[15] : f32 from vector<16xf32>
      %mul3A_1496 = arith.mulf %select_n3A_1433, %select_n3A_1433 : vector<16xf32>
      %mul3A_1497 = arith.mulf %select_n3A_1477, %select_n3A_1477 : vector<16xf32>
      %add3A_1498 = arith.addf %mul3A_1496, %mul3A_1497 : vector<16xf32>
      %mul3A_1499 = arith.mulf %add3A_1498, %get3A_177 : vector<16xf32>
      %mul3A_1500 = arith.mulf %select_n3A_1442, %select_n3A_1442 : vector<16xf32>
      %mul3A_1501 = arith.mulf %select_n3A_1486, %select_n3A_1486 : vector<16xf32>
      %add3A_1502 = arith.addf %mul3A_1500, %mul3A_1501 : vector<16xf32>
      %mul3A_1503 = arith.mulf %add3A_1502, %get3A_179 : vector<16xf32>
      %add3A_1504 = arith.addf %mul3A_1499, %mul3A_1503 : vector<16xf32>
      %reduce_sum3A_1505 = arith.constant true
      %reduce_sum3A_1506 = vector.broadcast %reduce_sum3A_1505 : i1 to vector<16xi1>
      %reduce_sum3A_1507 = tpu.scan <sum>, %add3A_1504 masked %reduce_sum3A_1506 : vector<16xf32>, vector<16xi1> -> vector<16xf32>
      %reduce_sum3A_1508 = vector.extract %reduce_sum3A_1507[15] : f32 from vector<16xf32>
      %eq3A_1509 = arith.constant 10 : i32
      %eq3A_1510 = vector.broadcast %eq3A_1509 : i32 to vector<16xi32>
      %eq3A_1511 = arith.cmpi eq, %iota3A, %eq3A_1510 : vector<16xi32>
      %broadcast_in_dim3A_1512 = vector.broadcast %reduce_sum3A_1495 : f32 to vector<16xf32>
      %select_n3A_1513 = arith.select %eq3A_1511, %broadcast_in_dim3A_1512, %select_n3A_1392 : vector<16xi1>, vector<16xf32>
      %broadcast_in_dim3A_1514 = vector.broadcast %reduce_sum3A_1508 : f32 to vector<16xf32>
      %select_n3A_1515 = arith.select %eq3A_1511, %broadcast_in_dim3A_1514, %select_n3A_1394 : vector<16xi1>, vector<16xf32>
      %mul3A_1516 = arith.constant 16 : i32
      %mul3A_1517 = arith.muli %scan3A_175, %mul3A_1516 : i32
      %add3A_1518 = arith.constant 11 : i32
      %add3A_1519 = arith.addi %mul3A_1517, %add3A_1518 : i32
      %slice3A_1520 = vector.extract_strided_slice %get3A_185 {offsets = [11], sizes = [1], strides = [1]} : vector<16xi32> to vector<1xi32>
      %squeeze3A_1521 = vector.extract %slice3A_1520[0] : i32 from vector<1xi32>
      %get3A_1522 = arith.index_cast %add3A_1519 : i32 to index
      %get3A_1523 = arith.constant 0 : index
      %get3A_1524 = tpu.vector_load %arg16[%get3A_1522, %get3A_1523] {strides = array<i32>} : memref<256x128xf32, #tpu.memory_space<vmem>>, vector<16xf32>,
      %get3A_1525 = arith.index_cast %add3A_1519 : i32 to index
      %get3A_1526 = arith.constant 16 : index
      %get3A_1527 = tpu.vector_load %arg16[%get3A_1525, %get3A_1526] {strides = array<i32>} : memref<256x128xf32, #tpu.memory_space<vmem>>, vector<16xf32>,
      %get3A_1528 = arith.index_cast %add3A_1519 : i32 to index
      %get3A_1529 = arith.constant 32 : index
      %get3A_1530 = tpu.vector_load %arg16[%get3A_1528, %get3A_1529] {strides = array<i32>} : memref<256x128xf32, #tpu.memory_space<vmem>>, vector<16xf32>,
      %get3A_1531 = arith.index_cast %add3A_1519 : i32 to index
      %get3A_1532 = arith.constant 48 : index
      %get3A_1533 = tpu.vector_load %arg16[%get3A_1531, %get3A_1532] {strides = array<i32>} : memref<256x128xf32, #tpu.memory_space<vmem>>, vector<16xf32>,
      %get3A_1534 = arith.index_cast %add3A_1519 : i32 to index
      %get3A_1535 = arith.constant 64 : index
      %get3A_1536 = tpu.vector_load %arg16[%get3A_1534, %get3A_1535] {strides = array<i32>} : memref<256x128xf32, #tpu.memory_space<vmem>>, vector<16xf32>,
      %get3A_1537 = arith.index_cast %add3A_1519 : i32 to index
      %get3A_1538 = arith.constant 80 : index
      %get3A_1539 = tpu.vector_load %arg16[%get3A_1537, %get3A_1538] {strides = array<i32>} : memref<256x128xf32, #tpu.memory_space<vmem>>, vector<16xf32>,
      %get3A_1540 = arith.index_cast %add3A_1519 : i32 to index
      %get3A_1541 = arith.constant 96 : index
      %get3A_1542 = tpu.vector_load %arg16[%get3A_1540, %get3A_1541] {strides = array<i32>} : memref<256x128xf32, #tpu.memory_space<vmem>>, vector<16xf32>,
      %get3A_1543 = arith.index_cast %add3A_1519 : i32 to index
      %get3A_1544 = arith.constant 112 : index
      %get3A_1545 = tpu.vector_load %arg16[%get3A_1543, %get3A_1544] {strides = array<i32>} : memref<256x128xf32, #tpu.memory_space<vmem>>, vector<16xf32>,
      %eq3A_1546 = arith.constant 0 : i32
      %eq3A_1547 = arith.cmpi eq, %squeeze3A_1521, %eq3A_1546 : i32
      %eq3A_1548 = arith.constant 1 : i32
      %eq3A_1549 = arith.cmpi eq, %squeeze3A_1521, %eq3A_1548 : i32
      %eq3A_1550 = arith.constant 2 : i32
      %eq3A_1551 = arith.cmpi eq, %squeeze3A_1521, %eq3A_1550 : i32
      %select_n3A_1552 = arith.select %eq3A_1551, %get3A_1536, %get3A_1542 : vector<16xf32>
      %select_n3A_1553 = arith.select %eq3A_1549, %get3A_1530, %select_n3A_1552 : vector<16xf32>
      %select_n3A_1554 = arith.select %eq3A_1547, %get3A_1524, %select_n3A_1553 : vector<16xf32>
      %eq3A_1555 = arith.constant 0 : i32
      %eq3A_1556 = arith.cmpi eq, %squeeze3A_1521, %eq3A_1555 : i32
      %eq3A_1557 = arith.constant 1 : i32
      %eq3A_1558 = arith.cmpi eq, %squeeze3A_1521, %eq3A_1557 : i32
      %eq3A_1559 = arith.constant 2 : i32
      %eq3A_1560 = arith.cmpi eq, %squeeze3A_1521, %eq3A_1559 : i32
      %select_n3A_1561 = arith.select %eq3A_1560, %get3A_1539, %get3A_1545 : vector<16xf32>
      %select_n3A_1562 = arith.select %eq3A_1558, %get3A_1533, %select_n3A_1561 : vector<16xf32>
      %select_n3A_1563 = arith.select %eq3A_1556, %get3A_1527, %select_n3A_1562 : vector<16xf32>
      %slice3A_1564 = vector.extract_strided_slice %get3A_187 {offsets = [11], sizes = [1], strides = [1]} : vector<16xi32> to vector<1xi32>
      %squeeze3A_1565 = vector.extract %slice3A_1564[0] : i32 from vector<1xi32>
      %get3A_1566 = arith.index_cast %add3A_1519 : i32 to index
      %get3A_1567 = arith.constant 0 : index
      %get3A_1568 = tpu.vector_load %arg17[%get3A_1566, %get3A_1567] {strides = array<i32>} : memref<256x128xf32, #tpu.memory_space<vmem>>, vector<16xf32>,
      %get3A_1569 = arith.index_cast %add3A_1519 : i32 to index
      %get3A_1570 = arith.constant 16 : index
      %get3A_1571 = tpu.vector_load %arg17[%get3A_1569, %get3A_1570] {strides = array<i32>} : memref<256x128xf32, #tpu.memory_space<vmem>>, vector<16xf32>,
      %get3A_1572 = arith.index_cast %add3A_1519 : i32 to index
      %get3A_1573 = arith.constant 32 : index
      %get3A_1574 = tpu.vector_load %arg17[%get3A_1572, %get3A_1573] {strides = array<i32>} : memref<256x128xf32, #tpu.memory_space<vmem>>, vector<16xf32>,
      %get3A_1575 = arith.index_cast %add3A_1519 : i32 to index
      %get3A_1576 = arith.constant 48 : index
      %get3A_1577 = tpu.vector_load %arg17[%get3A_1575, %get3A_1576] {strides = array<i32>} : memref<256x128xf32, #tpu.memory_space<vmem>>, vector<16xf32>,
      %get3A_1578 = arith.index_cast %add3A_1519 : i32 to index
      %get3A_1579 = arith.constant 64 : index
      %get3A_1580 = tpu.vector_load %arg17[%get3A_1578, %get3A_1579] {strides = array<i32>} : memref<256x128xf32, #tpu.memory_space<vmem>>, vector<16xf32>,
      %get3A_1581 = arith.index_cast %add3A_1519 : i32 to index
      %get3A_1582 = arith.constant 80 : index
      %get3A_1583 = tpu.vector_load %arg17[%get3A_1581, %get3A_1582] {strides = array<i32>} : memref<256x128xf32, #tpu.memory_space<vmem>>, vector<16xf32>,
      %get3A_1584 = arith.index_cast %add3A_1519 : i32 to index
      %get3A_1585 = arith.constant 96 : index
      %get3A_1586 = tpu.vector_load %arg17[%get3A_1584, %get3A_1585] {strides = array<i32>} : memref<256x128xf32, #tpu.memory_space<vmem>>, vector<16xf32>,
      %get3A_1587 = arith.index_cast %add3A_1519 : i32 to index
      %get3A_1588 = arith.constant 112 : index
      %get3A_1589 = tpu.vector_load %arg17[%get3A_1587, %get3A_1588] {strides = array<i32>} : memref<256x128xf32, #tpu.memory_space<vmem>>, vector<16xf32>,
      %eq3A_1590 = arith.constant 0 : i32
      %eq3A_1591 = arith.cmpi eq, %squeeze3A_1565, %eq3A_1590 : i32
      %eq3A_1592 = arith.constant 1 : i32
      %eq3A_1593 = arith.cmpi eq, %squeeze3A_1565, %eq3A_1592 : i32
      %eq3A_1594 = arith.constant 2 : i32
      %eq3A_1595 = arith.cmpi eq, %squeeze3A_1565, %eq3A_1594 : i32
      %select_n3A_1596 = arith.select %eq3A_1595, %get3A_1580, %get3A_1586 : vector<16xf32>
      %select_n3A_1597 = arith.select %eq3A_1593, %get3A_1574, %select_n3A_1596 : vector<16xf32>
      %select_n3A_1598 = arith.select %eq3A_1591, %get3A_1568, %select_n3A_1597 : vector<16xf32>
      %eq3A_1599 = arith.constant 0 : i32
      %eq3A_1600 = arith.cmpi eq, %squeeze3A_1565, %eq3A_1599 : i32
      %eq3A_1601 = arith.constant 1 : i32
      %eq3A_1602 = arith.cmpi eq, %squeeze3A_1565, %eq3A_1601 : i32
      %eq3A_1603 = arith.constant 2 : i32
      %eq3A_1604 = arith.cmpi eq, %squeeze3A_1565, %eq3A_1603 : i32
      %select_n3A_1605 = arith.select %eq3A_1604, %get3A_1583, %get3A_1589 : vector<16xf32>
      %select_n3A_1606 = arith.select %eq3A_1602, %get3A_1577, %select_n3A_1605 : vector<16xf32>
      %select_n3A_1607 = arith.select %eq3A_1600, %get3A_1571, %select_n3A_1606 : vector<16xf32>
      %sub3A_1608 = arith.subf %select_n3A_1554, %select_n3A_1598 : vector<16xf32>
      %sub3A_1609 = arith.subf %select_n3A_1563, %select_n3A_1607 : vector<16xf32>
      %mul3A_1610 = arith.mulf %sub3A_1608, %sub3A_1608 : vector<16xf32>
      %mul3A_1611 = arith.mulf %sub3A_1609, %sub3A_1609 : vector<16xf32>
      %add3A_1612 = arith.addf %mul3A_1610, %mul3A_1611 : vector<16xf32>
      %reduce_sum3A_1613 = arith.constant true
      %reduce_sum3A_1614 = vector.broadcast %reduce_sum3A_1613 : i1 to vector<16xi1>
      %reduce_sum3A_1615 = tpu.scan <sum>, %add3A_1612 masked %reduce_sum3A_1614 : vector<16xf32>, vector<16xi1> -> vector<16xf32>
      %reduce_sum3A_1616 = vector.extract %reduce_sum3A_1615[15] : f32 from vector<16xf32>
      %mul3A_1617 = arith.mulf %select_n3A_1554, %select_n3A_1554 : vector<16xf32>
      %mul3A_1618 = arith.mulf %select_n3A_1598, %select_n3A_1598 : vector<16xf32>
      %add3A_1619 = arith.addf %mul3A_1617, %mul3A_1618 : vector<16xf32>
      %mul3A_1620 = arith.mulf %add3A_1619, %get3A_177 : vector<16xf32>
      %mul3A_1621 = arith.mulf %select_n3A_1563, %select_n3A_1563 : vector<16xf32>
      %mul3A_1622 = arith.mulf %select_n3A_1607, %select_n3A_1607 : vector<16xf32>
      %add3A_1623 = arith.addf %mul3A_1621, %mul3A_1622 : vector<16xf32>
      %mul3A_1624 = arith.mulf %add3A_1623, %get3A_179 : vector<16xf32>
      %add3A_1625 = arith.addf %mul3A_1620, %mul3A_1624 : vector<16xf32>
      %reduce_sum3A_1626 = arith.constant true
      %reduce_sum3A_1627 = vector.broadcast %reduce_sum3A_1626 : i1 to vector<16xi1>
      %reduce_sum3A_1628 = tpu.scan <sum>, %add3A_1625 masked %reduce_sum3A_1627 : vector<16xf32>, vector<16xi1> -> vector<16xf32>
      %reduce_sum3A_1629 = vector.extract %reduce_sum3A_1628[15] : f32 from vector<16xf32>
      %eq3A_1630 = arith.constant 11 : i32
      %eq3A_1631 = vector.broadcast %eq3A_1630 : i32 to vector<16xi32>
      %eq3A_1632 = arith.cmpi eq, %iota3A, %eq3A_1631 : vector<16xi32>
      %broadcast_in_dim3A_1633 = vector.broadcast %reduce_sum3A_1616 : f32 to vector<16xf32>
      %select_n3A_1634 = arith.select %eq3A_1632, %broadcast_in_dim3A_1633, %select_n3A_1513 : vector<16xi1>, vector<16xf32>
      %broadcast_in_dim3A_1635 = vector.broadcast %reduce_sum3A_1629 : f32 to vector<16xf32>
      %select_n3A_1636 = arith.select %eq3A_1632, %broadcast_in_dim3A_1635, %select_n3A_1515 : vector<16xi1>, vector<16xf32>
      %mul3A_1637 = arith.constant 16 : i32
      %mul3A_1638 = arith.muli %scan3A_175, %mul3A_1637 : i32
      %add3A_1639 = arith.constant 12 : i32
      %add3A_1640 = arith.addi %mul3A_1638, %add3A_1639 : i32
      %slice3A_1641 = vector.extract_strided_slice %get3A_185 {offsets = [12], sizes = [1], strides = [1]} : vector<16xi32> to vector<1xi32>
      %squeeze3A_1642 = vector.extract %slice3A_1641[0] : i32 from vector<1xi32>
      %get3A_1643 = arith.index_cast %add3A_1640 : i32 to index
      %get3A_1644 = arith.constant 0 : index
      %get3A_1645 = tpu.vector_load %arg16[%get3A_1643, %get3A_1644] {strides = array<i32>} : memref<256x128xf32, #tpu.memory_space<vmem>>, vector<16xf32>,
      %get3A_1646 = arith.index_cast %add3A_1640 : i32 to index
      %get3A_1647 = arith.constant 16 : index
      %get3A_1648 = tpu.vector_load %arg16[%get3A_1646, %get3A_1647] {strides = array<i32>} : memref<256x128xf32, #tpu.memory_space<vmem>>, vector<16xf32>,
      %get3A_1649 = arith.index_cast %add3A_1640 : i32 to index
      %get3A_1650 = arith.constant 32 : index
      %get3A_1651 = tpu.vector_load %arg16[%get3A_1649, %get3A_1650] {strides = array<i32>} : memref<256x128xf32, #tpu.memory_space<vmem>>, vector<16xf32>,
      %get3A_1652 = arith.index_cast %add3A_1640 : i32 to index
      %get3A_1653 = arith.constant 48 : index
      %get3A_1654 = tpu.vector_load %arg16[%get3A_1652, %get3A_1653] {strides = array<i32>} : memref<256x128xf32, #tpu.memory_space<vmem>>, vector<16xf32>,
      %get3A_1655 = arith.index_cast %add3A_1640 : i32 to index
      %get3A_1656 = arith.constant 64 : index
      %get3A_1657 = tpu.vector_load %arg16[%get3A_1655, %get3A_1656] {strides = array<i32>} : memref<256x128xf32, #tpu.memory_space<vmem>>, vector<16xf32>,
      %get3A_1658 = arith.index_cast %add3A_1640 : i32 to index
      %get3A_1659 = arith.constant 80 : index
      %get3A_1660 = tpu.vector_load %arg16[%get3A_1658, %get3A_1659] {strides = array<i32>} : memref<256x128xf32, #tpu.memory_space<vmem>>, vector<16xf32>,
      %get3A_1661 = arith.index_cast %add3A_1640 : i32 to index
      %get3A_1662 = arith.constant 96 : index
      %get3A_1663 = tpu.vector_load %arg16[%get3A_1661, %get3A_1662] {strides = array<i32>} : memref<256x128xf32, #tpu.memory_space<vmem>>, vector<16xf32>,
      %get3A_1664 = arith.index_cast %add3A_1640 : i32 to index
      %get3A_1665 = arith.constant 112 : index
      %get3A_1666 = tpu.vector_load %arg16[%get3A_1664, %get3A_1665] {strides = array<i32>} : memref<256x128xf32, #tpu.memory_space<vmem>>, vector<16xf32>,
      %eq3A_1667 = arith.constant 0 : i32
      %eq3A_1668 = arith.cmpi eq, %squeeze3A_1642, %eq3A_1667 : i32
      %eq3A_1669 = arith.constant 1 : i32
      %eq3A_1670 = arith.cmpi eq, %squeeze3A_1642, %eq3A_1669 : i32
      %eq3A_1671 = arith.constant 2 : i32
      %eq3A_1672 = arith.cmpi eq, %squeeze3A_1642, %eq3A_1671 : i32
      %select_n3A_1673 = arith.select %eq3A_1672, %get3A_1657, %get3A_1663 : vector<16xf32>
      %select_n3A_1674 = arith.select %eq3A_1670, %get3A_1651, %select_n3A_1673 : vector<16xf32>
      %select_n3A_1675 = arith.select %eq3A_1668, %get3A_1645, %select_n3A_1674 : vector<16xf32>
      %eq3A_1676 = arith.constant 0 : i32
      %eq3A_1677 = arith.cmpi eq, %squeeze3A_1642, %eq3A_1676 : i32
      %eq3A_1678 = arith.constant 1 : i32
      %eq3A_1679 = arith.cmpi eq, %squeeze3A_1642, %eq3A_1678 : i32
      %eq3A_1680 = arith.constant 2 : i32
      %eq3A_1681 = arith.cmpi eq, %squeeze3A_1642, %eq3A_1680 : i32
      %select_n3A_1682 = arith.select %eq3A_1681, %get3A_1660, %get3A_1666 : vector<16xf32>
      %select_n3A_1683 = arith.select %eq3A_1679, %get3A_1654, %select_n3A_1682 : vector<16xf32>
      %select_n3A_1684 = arith.select %eq3A_1677, %get3A_1648, %select_n3A_1683 : vector<16xf32>
      %slice3A_1685 = vector.extract_strided_slice %get3A_187 {offsets = [12], sizes = [1], strides = [1]} : vector<16xi32> to vector<1xi32>
      %squeeze3A_1686 = vector.extract %slice3A_1685[0] : i32 from vector<1xi32>
      %get3A_1687 = arith.index_cast %add3A_1640 : i32 to index
      %get3A_1688 = arith.constant 0 : index
      %get3A_1689 = tpu.vector_load %arg17[%get3A_1687, %get3A_1688] {strides = array<i32>} : memref<256x128xf32, #tpu.memory_space<vmem>>, vector<16xf32>,
      %get3A_1690 = arith.index_cast %add3A_1640 : i32 to index
      %get3A_1691 = arith.constant 16 : index
      %get3A_1692 = tpu.vector_load %arg17[%get3A_1690, %get3A_1691] {strides = array<i32>} : memref<256x128xf32, #tpu.memory_space<vmem>>, vector<16xf32>,
      %get3A_1693 = arith.index_cast %add3A_1640 : i32 to index
      %get3A_1694 = arith.constant 32 : index
      %get3A_1695 = tpu.vector_load %arg17[%get3A_1693, %get3A_1694] {strides = array<i32>} : memref<256x128xf32, #tpu.memory_space<vmem>>, vector<16xf32>,
      %get3A_1696 = arith.index_cast %add3A_1640 : i32 to index
      %get3A_1697 = arith.constant 48 : index
      %get3A_1698 = tpu.vector_load %arg17[%get3A_1696, %get3A_1697] {strides = array<i32>} : memref<256x128xf32, #tpu.memory_space<vmem>>, vector<16xf32>,
      %get3A_1699 = arith.index_cast %add3A_1640 : i32 to index
      %get3A_1700 = arith.constant 64 : index
      %get3A_1701 = tpu.vector_load %arg17[%get3A_1699, %get3A_1700] {strides = array<i32>} : memref<256x128xf32, #tpu.memory_space<vmem>>, vector<16xf32>,
      %get3A_1702 = arith.index_cast %add3A_1640 : i32 to index
      %get3A_1703 = arith.constant 80 : index
      %get3A_1704 = tpu.vector_load %arg17[%get3A_1702, %get3A_1703] {strides = array<i32>} : memref<256x128xf32, #tpu.memory_space<vmem>>, vector<16xf32>,
      %get3A_1705 = arith.index_cast %add3A_1640 : i32 to index
      %get3A_1706 = arith.constant 96 : index
      %get3A_1707 = tpu.vector_load %arg17[%get3A_1705, %get3A_1706] {strides = array<i32>} : memref<256x128xf32, #tpu.memory_space<vmem>>, vector<16xf32>,
      %get3A_1708 = arith.index_cast %add3A_1640 : i32 to index
      %get3A_1709 = arith.constant 112 : index
      %get3A_1710 = tpu.vector_load %arg17[%get3A_1708, %get3A_1709] {strides = array<i32>} : memref<256x128xf32, #tpu.memory_space<vmem>>, vector<16xf32>,
      %eq3A_1711 = arith.constant 0 : i32
      %eq3A_1712 = arith.cmpi eq, %squeeze3A_1686, %eq3A_1711 : i32
      %eq3A_1713 = arith.constant 1 : i32
      %eq3A_1714 = arith.cmpi eq, %squeeze3A_1686, %eq3A_1713 : i32
      %eq3A_1715 = arith.constant 2 : i32
      %eq3A_1716 = arith.cmpi eq, %squeeze3A_1686, %eq3A_1715 : i32
      %select_n3A_1717 = arith.select %eq3A_1716, %get3A_1701, %get3A_1707 : vector<16xf32>
      %select_n3A_1718 = arith.select %eq3A_1714, %get3A_1695, %select_n3A_1717 : vector<16xf32>
      %select_n3A_1719 = arith.select %eq3A_1712, %get3A_1689, %select_n3A_1718 : vector<16xf32>
      %eq3A_1720 = arith.constant 0 : i32
      %eq3A_1721 = arith.cmpi eq, %squeeze3A_1686, %eq3A_1720 : i32
      %eq3A_1722 = arith.constant 1 : i32
      %eq3A_1723 = arith.cmpi eq, %squeeze3A_1686, %eq3A_1722 : i32
      %eq3A_1724 = arith.constant 2 : i32
      %eq3A_1725 = arith.cmpi eq, %squeeze3A_1686, %eq3A_1724 : i32
      %select_n3A_1726 = arith.select %eq3A_1725, %get3A_1704, %get3A_1710 : vector<16xf32>
      %select_n3A_1727 = arith.select %eq3A_1723, %get3A_1698, %select_n3A_1726 : vector<16xf32>
      %select_n3A_1728 = arith.select %eq3A_1721, %get3A_1692, %select_n3A_1727 : vector<16xf32>
      %sub3A_1729 = arith.subf %select_n3A_1675, %select_n3A_1719 : vector<16xf32>
      %sub3A_1730 = arith.subf %select_n3A_1684, %select_n3A_1728 : vector<16xf32>
      %mul3A_1731 = arith.mulf %sub3A_1729, %sub3A_1729 : vector<16xf32>
      %mul3A_1732 = arith.mulf %sub3A_1730, %sub3A_1730 : vector<16xf32>
      %add3A_1733 = arith.addf %mul3A_1731, %mul3A_1732 : vector<16xf32>
      %reduce_sum3A_1734 = arith.constant true
      %reduce_sum3A_1735 = vector.broadcast %reduce_sum3A_1734 : i1 to vector<16xi1>
      %reduce_sum3A_1736 = tpu.scan <sum>, %add3A_1733 masked %reduce_sum3A_1735 : vector<16xf32>, vector<16xi1> -> vector<16xf32>
      %reduce_sum3A_1737 = vector.extract %reduce_sum3A_1736[15] : f32 from vector<16xf32>
      %mul3A_1738 = arith.mulf %select_n3A_1675, %select_n3A_1675 : vector<16xf32>
      %mul3A_1739 = arith.mulf %select_n3A_1719, %select_n3A_1719 : vector<16xf32>
      %add3A_1740 = arith.addf %mul3A_1738, %mul3A_1739 : vector<16xf32>
      %mul3A_1741 = arith.mulf %add3A_1740, %get3A_177 : vector<16xf32>
      %mul3A_1742 = arith.mulf %select_n3A_1684, %select_n3A_1684 : vector<16xf32>
      %mul3A_1743 = arith.mulf %select_n3A_1728, %select_n3A_1728 : vector<16xf32>
      %add3A_1744 = arith.addf %mul3A_1742, %mul3A_1743 : vector<16xf32>
      %mul3A_1745 = arith.mulf %add3A_1744, %get3A_179 : vector<16xf32>
      %add3A_1746 = arith.addf %mul3A_1741, %mul3A_1745 : vector<16xf32>
      %reduce_sum3A_1747 = arith.constant true
      %reduce_sum3A_1748 = vector.broadcast %reduce_sum3A_1747 : i1 to vector<16xi1>
      %reduce_sum3A_1749 = tpu.scan <sum>, %add3A_1746 masked %reduce_sum3A_1748 : vector<16xf32>, vector<16xi1> -> vector<16xf32>
      %reduce_sum3A_1750 = vector.extract %reduce_sum3A_1749[15] : f32 from vector<16xf32>
      %eq3A_1751 = arith.constant 12 : i32
      %eq3A_1752 = vector.broadcast %eq3A_1751 : i32 to vector<16xi32>
      %eq3A_1753 = arith.cmpi eq, %iota3A, %eq3A_1752 : vector<16xi32>
      %broadcast_in_dim3A_1754 = vector.broadcast %reduce_sum3A_1737 : f32 to vector<16xf32>
      %select_n3A_1755 = arith.select %eq3A_1753, %broadcast_in_dim3A_1754, %select_n3A_1634 : vector<16xi1>, vector<16xf32>
      %broadcast_in_dim3A_1756 = vector.broadcast %reduce_sum3A_1750 : f32 to vector<16xf32>
      %select_n3A_1757 = arith.select %eq3A_1753, %broadcast_in_dim3A_1756, %select_n3A_1636 : vector<16xi1>, vector<16xf32>
      %mul3A_1758 = arith.constant 16 : i32
      %mul3A_1759 = arith.muli %scan3A_175, %mul3A_1758 : i32
      %add3A_1760 = arith.constant 13 : i32
      %add3A_1761 = arith.addi %mul3A_1759, %add3A_1760 : i32
      %slice3A_1762 = vector.extract_strided_slice %get3A_185 {offsets = [13], sizes = [1], strides = [1]} : vector<16xi32> to vector<1xi32>
      %squeeze3A_1763 = vector.extract %slice3A_1762[0] : i32 from vector<1xi32>
      %get3A_1764 = arith.index_cast %add3A_1761 : i32 to index
      %get3A_1765 = arith.constant 0 : index
      %get3A_1766 = tpu.vector_load %arg16[%get3A_1764, %get3A_1765] {strides = array<i32>} : memref<256x128xf32, #tpu.memory_space<vmem>>, vector<16xf32>,
      %get3A_1767 = arith.index_cast %add3A_1761 : i32 to index
      %get3A_1768 = arith.constant 16 : index
      %get3A_1769 = tpu.vector_load %arg16[%get3A_1767, %get3A_1768] {strides = array<i32>} : memref<256x128xf32, #tpu.memory_space<vmem>>, vector<16xf32>,
      %get3A_1770 = arith.index_cast %add3A_1761 : i32 to index
      %get3A_1771 = arith.constant 32 : index
      %get3A_1772 = tpu.vector_load %arg16[%get3A_1770, %get3A_1771] {strides = array<i32>} : memref<256x128xf32, #tpu.memory_space<vmem>>, vector<16xf32>,
      %get3A_1773 = arith.index_cast %add3A_1761 : i32 to index
      %get3A_1774 = arith.constant 48 : index
      %get3A_1775 = tpu.vector_load %arg16[%get3A_1773, %get3A_1774] {strides = array<i32>} : memref<256x128xf32, #tpu.memory_space<vmem>>, vector<16xf32>,
      %get3A_1776 = arith.index_cast %add3A_1761 : i32 to index
      %get3A_1777 = arith.constant 64 : index
      %get3A_1778 = tpu.vector_load %arg16[%get3A_1776, %get3A_1777] {strides = array<i32>} : memref<256x128xf32, #tpu.memory_space<vmem>>, vector<16xf32>,
      %get3A_1779 = arith.index_cast %add3A_1761 : i32 to index
      %get3A_1780 = arith.constant 80 : index
      %get3A_1781 = tpu.vector_load %arg16[%get3A_1779, %get3A_1780] {strides = array<i32>} : memref<256x128xf32, #tpu.memory_space<vmem>>, vector<16xf32>,
      %get3A_1782 = arith.index_cast %add3A_1761 : i32 to index
      %get3A_1783 = arith.constant 96 : index
      %get3A_1784 = tpu.vector_load %arg16[%get3A_1782, %get3A_1783] {strides = array<i32>} : memref<256x128xf32, #tpu.memory_space<vmem>>, vector<16xf32>,
      %get3A_1785 = arith.index_cast %add3A_1761 : i32 to index
      %get3A_1786 = arith.constant 112 : index
      %get3A_1787 = tpu.vector_load %arg16[%get3A_1785, %get3A_1786] {strides = array<i32>} : memref<256x128xf32, #tpu.memory_space<vmem>>, vector<16xf32>,
      %eq3A_1788 = arith.constant 0 : i32
      %eq3A_1789 = arith.cmpi eq, %squeeze3A_1763, %eq3A_1788 : i32
      %eq3A_1790 = arith.constant 1 : i32
      %eq3A_1791 = arith.cmpi eq, %squeeze3A_1763, %eq3A_1790 : i32
      %eq3A_1792 = arith.constant 2 : i32
      %eq3A_1793 = arith.cmpi eq, %squeeze3A_1763, %eq3A_1792 : i32
      %select_n3A_1794 = arith.select %eq3A_1793, %get3A_1778, %get3A_1784 : vector<16xf32>
      %select_n3A_1795 = arith.select %eq3A_1791, %get3A_1772, %select_n3A_1794 : vector<16xf32>
      %select_n3A_1796 = arith.select %eq3A_1789, %get3A_1766, %select_n3A_1795 : vector<16xf32>
      %eq3A_1797 = arith.constant 0 : i32
      %eq3A_1798 = arith.cmpi eq, %squeeze3A_1763, %eq3A_1797 : i32
      %eq3A_1799 = arith.constant 1 : i32
      %eq3A_1800 = arith.cmpi eq, %squeeze3A_1763, %eq3A_1799 : i32
      %eq3A_1801 = arith.constant 2 : i32
      %eq3A_1802 = arith.cmpi eq, %squeeze3A_1763, %eq3A_1801 : i32
      %select_n3A_1803 = arith.select %eq3A_1802, %get3A_1781, %get3A_1787 : vector<16xf32>
      %select_n3A_1804 = arith.select %eq3A_1800, %get3A_1775, %select_n3A_1803 : vector<16xf32>
      %select_n3A_1805 = arith.select %eq3A_1798, %get3A_1769, %select_n3A_1804 : vector<16xf32>
      %slice3A_1806 = vector.extract_strided_slice %get3A_187 {offsets = [13], sizes = [1], strides = [1]} : vector<16xi32> to vector<1xi32>
      %squeeze3A_1807 = vector.extract %slice3A_1806[0] : i32 from vector<1xi32>
      %get3A_1808 = arith.index_cast %add3A_1761 : i32 to index
      %get3A_1809 = arith.constant 0 : index
      %get3A_1810 = tpu.vector_load %arg17[%get3A_1808, %get3A_1809] {strides = array<i32>} : memref<256x128xf32, #tpu.memory_space<vmem>>, vector<16xf32>,
      %get3A_1811 = arith.index_cast %add3A_1761 : i32 to index
      %get3A_1812 = arith.constant 16 : index
      %get3A_1813 = tpu.vector_load %arg17[%get3A_1811, %get3A_1812] {strides = array<i32>} : memref<256x128xf32, #tpu.memory_space<vmem>>, vector<16xf32>,
      %get3A_1814 = arith.index_cast %add3A_1761 : i32 to index
      %get3A_1815 = arith.constant 32 : index
      %get3A_1816 = tpu.vector_load %arg17[%get3A_1814, %get3A_1815] {strides = array<i32>} : memref<256x128xf32, #tpu.memory_space<vmem>>, vector<16xf32>,
      %get3A_1817 = arith.index_cast %add3A_1761 : i32 to index
      %get3A_1818 = arith.constant 48 : index
      %get3A_1819 = tpu.vector_load %arg17[%get3A_1817, %get3A_1818] {strides = array<i32>} : memref<256x128xf32, #tpu.memory_space<vmem>>, vector<16xf32>,
      %get3A_1820 = arith.index_cast %add3A_1761 : i32 to index
      %get3A_1821 = arith.constant 64 : index
      %get3A_1822 = tpu.vector_load %arg17[%get3A_1820, %get3A_1821] {strides = array<i32>} : memref<256x128xf32, #tpu.memory_space<vmem>>, vector<16xf32>,
      %get3A_1823 = arith.index_cast %add3A_1761 : i32 to index
      %get3A_1824 = arith.constant 80 : index
      %get3A_1825 = tpu.vector_load %arg17[%get3A_1823, %get3A_1824] {strides = array<i32>} : memref<256x128xf32, #tpu.memory_space<vmem>>, vector<16xf32>,
      %get3A_1826 = arith.index_cast %add3A_1761 : i32 to index
      %get3A_1827 = arith.constant 96 : index
      %get3A_1828 = tpu.vector_load %arg17[%get3A_1826, %get3A_1827] {strides = array<i32>} : memref<256x128xf32, #tpu.memory_space<vmem>>, vector<16xf32>,
      %get3A_1829 = arith.index_cast %add3A_1761 : i32 to index
      %get3A_1830 = arith.constant 112 : index
      %get3A_1831 = tpu.vector_load %arg17[%get3A_1829, %get3A_1830] {strides = array<i32>} : memref<256x128xf32, #tpu.memory_space<vmem>>, vector<16xf32>,
      %eq3A_1832 = arith.constant 0 : i32
      %eq3A_1833 = arith.cmpi eq, %squeeze3A_1807, %eq3A_1832 : i32
      %eq3A_1834 = arith.constant 1 : i32
      %eq3A_1835 = arith.cmpi eq, %squeeze3A_1807, %eq3A_1834 : i32
      %eq3A_1836 = arith.constant 2 : i32
      %eq3A_1837 = arith.cmpi eq, %squeeze3A_1807, %eq3A_1836 : i32
      %select_n3A_1838 = arith.select %eq3A_1837, %get3A_1822, %get3A_1828 : vector<16xf32>
      %select_n3A_1839 = arith.select %eq3A_1835, %get3A_1816, %select_n3A_1838 : vector<16xf32>
      %select_n3A_1840 = arith.select %eq3A_1833, %get3A_1810, %select_n3A_1839 : vector<16xf32>
      %eq3A_1841 = arith.constant 0 : i32
      %eq3A_1842 = arith.cmpi eq, %squeeze3A_1807, %eq3A_1841 : i32
      %eq3A_1843 = arith.constant 1 : i32
      %eq3A_1844 = arith.cmpi eq, %squeeze3A_1807, %eq3A_1843 : i32
      %eq3A_1845 = arith.constant 2 : i32
      %eq3A_1846 = arith.cmpi eq, %squeeze3A_1807, %eq3A_1845 : i32
      %select_n3A_1847 = arith.select %eq3A_1846, %get3A_1825, %get3A_1831 : vector<16xf32>
      %select_n3A_1848 = arith.select %eq3A_1844, %get3A_1819, %select_n3A_1847 : vector<16xf32>
      %select_n3A_1849 = arith.select %eq3A_1842, %get3A_1813, %select_n3A_1848 : vector<16xf32>
      %sub3A_1850 = arith.subf %select_n3A_1796, %select_n3A_1840 : vector<16xf32>
      %sub3A_1851 = arith.subf %select_n3A_1805, %select_n3A_1849 : vector<16xf32>
      %mul3A_1852 = arith.mulf %sub3A_1850, %sub3A_1850 : vector<16xf32>
      %mul3A_1853 = arith.mulf %sub3A_1851, %sub3A_1851 : vector<16xf32>
      %add3A_1854 = arith.addf %mul3A_1852, %mul3A_1853 : vector<16xf32>
      %reduce_sum3A_1855 = arith.constant true
      %reduce_sum3A_1856 = vector.broadcast %reduce_sum3A_1855 : i1 to vector<16xi1>
      %reduce_sum3A_1857 = tpu.scan <sum>, %add3A_1854 masked %reduce_sum3A_1856 : vector<16xf32>, vector<16xi1> -> vector<16xf32>
      %reduce_sum3A_1858 = vector.extract %reduce_sum3A_1857[15] : f32 from vector<16xf32>
      %mul3A_1859 = arith.mulf %select_n3A_1796, %select_n3A_1796 : vector<16xf32>
      %mul3A_1860 = arith.mulf %select_n3A_1840, %select_n3A_1840 : vector<16xf32>
      %add3A_1861 = arith.addf %mul3A_1859, %mul3A_1860 : vector<16xf32>
      %mul3A_1862 = arith.mulf %add3A_1861, %get3A_177 : vector<16xf32>
      %mul3A_1863 = arith.mulf %select_n3A_1805, %select_n3A_1805 : vector<16xf32>
      %mul3A_1864 = arith.mulf %select_n3A_1849, %select_n3A_1849 : vector<16xf32>
      %add3A_1865 = arith.addf %mul3A_1863, %mul3A_1864 : vector<16xf32>
      %mul3A_1866 = arith.mulf %add3A_1865, %get3A_179 : vector<16xf32>
      %add3A_1867 = arith.addf %mul3A_1862, %mul3A_1866 : vector<16xf32>
      %reduce_sum3A_1868 = arith.constant true
      %reduce_sum3A_1869 = vector.broadcast %reduce_sum3A_1868 : i1 to vector<16xi1>
      %reduce_sum3A_1870 = tpu.scan <sum>, %add3A_1867 masked %reduce_sum3A_1869 : vector<16xf32>, vector<16xi1> -> vector<16xf32>
      %reduce_sum3A_1871 = vector.extract %reduce_sum3A_1870[15] : f32 from vector<16xf32>
      %eq3A_1872 = arith.constant 13 : i32
      %eq3A_1873 = vector.broadcast %eq3A_1872 : i32 to vector<16xi32>
      %eq3A_1874 = arith.cmpi eq, %iota3A, %eq3A_1873 : vector<16xi32>
      %broadcast_in_dim3A_1875 = vector.broadcast %reduce_sum3A_1858 : f32 to vector<16xf32>
      %select_n3A_1876 = arith.select %eq3A_1874, %broadcast_in_dim3A_1875, %select_n3A_1755 : vector<16xi1>, vector<16xf32>
      %broadcast_in_dim3A_1877 = vector.broadcast %reduce_sum3A_1871 : f32 to vector<16xf32>
      %select_n3A_1878 = arith.select %eq3A_1874, %broadcast_in_dim3A_1877, %select_n3A_1757 : vector<16xi1>, vector<16xf32>
      %mul3A_1879 = arith.constant 16 : i32
      %mul3A_1880 = arith.muli %scan3A_175, %mul3A_1879 : i32
      %add3A_1881 = arith.constant 14 : i32
      %add3A_1882 = arith.addi %mul3A_1880, %add3A_1881 : i32
      %slice3A_1883 = vector.extract_strided_slice %get3A_185 {offsets = [14], sizes = [1], strides = [1]} : vector<16xi32> to vector<1xi32>
      %squeeze3A_1884 = vector.extract %slice3A_1883[0] : i32 from vector<1xi32>
      %get3A_1885 = arith.index_cast %add3A_1882 : i32 to index
      %get3A_1886 = arith.constant 0 : index
      %get3A_1887 = tpu.vector_load %arg16[%get3A_1885, %get3A_1886] {strides = array<i32>} : memref<256x128xf32, #tpu.memory_space<vmem>>, vector<16xf32>,
      %get3A_1888 = arith.index_cast %add3A_1882 : i32 to index
      %get3A_1889 = arith.constant 16 : index
      %get3A_1890 = tpu.vector_load %arg16[%get3A_1888, %get3A_1889] {strides = array<i32>} : memref<256x128xf32, #tpu.memory_space<vmem>>, vector<16xf32>,
      %get3A_1891 = arith.index_cast %add3A_1882 : i32 to index
      %get3A_1892 = arith.constant 32 : index
      %get3A_1893 = tpu.vector_load %arg16[%get3A_1891, %get3A_1892] {strides = array<i32>} : memref<256x128xf32, #tpu.memory_space<vmem>>, vector<16xf32>,
      %get3A_1894 = arith.index_cast %add3A_1882 : i32 to index
      %get3A_1895 = arith.constant 48 : index
      %get3A_1896 = tpu.vector_load %arg16[%get3A_1894, %get3A_1895] {strides = array<i32>} : memref<256x128xf32, #tpu.memory_space<vmem>>, vector<16xf32>,
      %get3A_1897 = arith.index_cast %add3A_1882 : i32 to index
      %get3A_1898 = arith.constant 64 : index
      %get3A_1899 = tpu.vector_load %arg16[%get3A_1897, %get3A_1898] {strides = array<i32>} : memref<256x128xf32, #tpu.memory_space<vmem>>, vector<16xf32>,
      %get3A_1900 = arith.index_cast %add3A_1882 : i32 to index
      %get3A_1901 = arith.constant 80 : index
      %get3A_1902 = tpu.vector_load %arg16[%get3A_1900, %get3A_1901] {strides = array<i32>} : memref<256x128xf32, #tpu.memory_space<vmem>>, vector<16xf32>,
      %get3A_1903 = arith.index_cast %add3A_1882 : i32 to index
      %get3A_1904 = arith.constant 96 : index
      %get3A_1905 = tpu.vector_load %arg16[%get3A_1903, %get3A_1904] {strides = array<i32>} : memref<256x128xf32, #tpu.memory_space<vmem>>, vector<16xf32>,
      %get3A_1906 = arith.index_cast %add3A_1882 : i32 to index
      %get3A_1907 = arith.constant 112 : index
      %get3A_1908 = tpu.vector_load %arg16[%get3A_1906, %get3A_1907] {strides = array<i32>} : memref<256x128xf32, #tpu.memory_space<vmem>>, vector<16xf32>,
      %eq3A_1909 = arith.constant 0 : i32
      %eq3A_1910 = arith.cmpi eq, %squeeze3A_1884, %eq3A_1909 : i32
      %eq3A_1911 = arith.constant 1 : i32
      %eq3A_1912 = arith.cmpi eq, %squeeze3A_1884, %eq3A_1911 : i32
      %eq3A_1913 = arith.constant 2 : i32
      %eq3A_1914 = arith.cmpi eq, %squeeze3A_1884, %eq3A_1913 : i32
      %select_n3A_1915 = arith.select %eq3A_1914, %get3A_1899, %get3A_1905 : vector<16xf32>
      %select_n3A_1916 = arith.select %eq3A_1912, %get3A_1893, %select_n3A_1915 : vector<16xf32>
      %select_n3A_1917 = arith.select %eq3A_1910, %get3A_1887, %select_n3A_1916 : vector<16xf32>
      %eq3A_1918 = arith.constant 0 : i32
      %eq3A_1919 = arith.cmpi eq, %squeeze3A_1884, %eq3A_1918 : i32
      %eq3A_1920 = arith.constant 1 : i32
      %eq3A_1921 = arith.cmpi eq, %squeeze3A_1884, %eq3A_1920 : i32
      %eq3A_1922 = arith.constant 2 : i32
      %eq3A_1923 = arith.cmpi eq, %squeeze3A_1884, %eq3A_1922 : i32
      %select_n3A_1924 = arith.select %eq3A_1923, %get3A_1902, %get3A_1908 : vector<16xf32>
      %select_n3A_1925 = arith.select %eq3A_1921, %get3A_1896, %select_n3A_1924 : vector<16xf32>
      %select_n3A_1926 = arith.select %eq3A_1919, %get3A_1890, %select_n3A_1925 : vector<16xf32>
      %slice3A_1927 = vector.extract_strided_slice %get3A_187 {offsets = [14], sizes = [1], strides = [1]} : vector<16xi32> to vector<1xi32>
      %squeeze3A_1928 = vector.extract %slice3A_1927[0] : i32 from vector<1xi32>
      %get3A_1929 = arith.index_cast %add3A_1882 : i32 to index
      %get3A_1930 = arith.constant 0 : index
      %get3A_1931 = tpu.vector_load %arg17[%get3A_1929, %get3A_1930] {strides = array<i32>} : memref<256x128xf32, #tpu.memory_space<vmem>>, vector<16xf32>,
      %get3A_1932 = arith.index_cast %add3A_1882 : i32 to index
      %get3A_1933 = arith.constant 16 : index
      %get3A_1934 = tpu.vector_load %arg17[%get3A_1932, %get3A_1933] {strides = array<i32>} : memref<256x128xf32, #tpu.memory_space<vmem>>, vector<16xf32>,
      %get3A_1935 = arith.index_cast %add3A_1882 : i32 to index
      %get3A_1936 = arith.constant 32 : index
      %get3A_1937 = tpu.vector_load %arg17[%get3A_1935, %get3A_1936] {strides = array<i32>} : memref<256x128xf32, #tpu.memory_space<vmem>>, vector<16xf32>,
      %get3A_1938 = arith.index_cast %add3A_1882 : i32 to index
      %get3A_1939 = arith.constant 48 : index
      %get3A_1940 = tpu.vector_load %arg17[%get3A_1938, %get3A_1939] {strides = array<i32>} : memref<256x128xf32, #tpu.memory_space<vmem>>, vector<16xf32>,
      %get3A_1941 = arith.index_cast %add3A_1882 : i32 to index
      %get3A_1942 = arith.constant 64 : index
      %get3A_1943 = tpu.vector_load %arg17[%get3A_1941, %get3A_1942] {strides = array<i32>} : memref<256x128xf32, #tpu.memory_space<vmem>>, vector<16xf32>,
      %get3A_1944 = arith.index_cast %add3A_1882 : i32 to index
      %get3A_1945 = arith.constant 80 : index
      %get3A_1946 = tpu.vector_load %arg17[%get3A_1944, %get3A_1945] {strides = array<i32>} : memref<256x128xf32, #tpu.memory_space<vmem>>, vector<16xf32>,
      %get3A_1947 = arith.index_cast %add3A_1882 : i32 to index
      %get3A_1948 = arith.constant 96 : index
      %get3A_1949 = tpu.vector_load %arg17[%get3A_1947, %get3A_1948] {strides = array<i32>} : memref<256x128xf32, #tpu.memory_space<vmem>>, vector<16xf32>,
      %get3A_1950 = arith.index_cast %add3A_1882 : i32 to index
      %get3A_1951 = arith.constant 112 : index
      %get3A_1952 = tpu.vector_load %arg17[%get3A_1950, %get3A_1951] {strides = array<i32>} : memref<256x128xf32, #tpu.memory_space<vmem>>, vector<16xf32>,
      %eq3A_1953 = arith.constant 0 : i32
      %eq3A_1954 = arith.cmpi eq, %squeeze3A_1928, %eq3A_1953 : i32
      %eq3A_1955 = arith.constant 1 : i32
      %eq3A_1956 = arith.cmpi eq, %squeeze3A_1928, %eq3A_1955 : i32
      %eq3A_1957 = arith.constant 2 : i32
      %eq3A_1958 = arith.cmpi eq, %squeeze3A_1928, %eq3A_1957 : i32
      %select_n3A_1959 = arith.select %eq3A_1958, %get3A_1943, %get3A_1949 : vector<16xf32>
      %select_n3A_1960 = arith.select %eq3A_1956, %get3A_1937, %select_n3A_1959 : vector<16xf32>
      %select_n3A_1961 = arith.select %eq3A_1954, %get3A_1931, %select_n3A_1960 : vector<16xf32>
      %eq3A_1962 = arith.constant 0 : i32
      %eq3A_1963 = arith.cmpi eq, %squeeze3A_1928, %eq3A_1962 : i32
      %eq3A_1964 = arith.constant 1 : i32
      %eq3A_1965 = arith.cmpi eq, %squeeze3A_1928, %eq3A_1964 : i32
      %eq3A_1966 = arith.constant 2 : i32
      %eq3A_1967 = arith.cmpi eq, %squeeze3A_1928, %eq3A_1966 : i32
      %select_n3A_1968 = arith.select %eq3A_1967, %get3A_1946, %get3A_1952 : vector<16xf32>
      %select_n3A_1969 = arith.select %eq3A_1965, %get3A_1940, %select_n3A_1968 : vector<16xf32>
      %select_n3A_1970 = arith.select %eq3A_1963, %get3A_1934, %select_n3A_1969 : vector<16xf32>
      %sub3A_1971 = arith.subf %select_n3A_1917, %select_n3A_1961 : vector<16xf32>
      %sub3A_1972 = arith.subf %select_n3A_1926, %select_n3A_1970 : vector<16xf32>
      %mul3A_1973 = arith.mulf %sub3A_1971, %sub3A_1971 : vector<16xf32>
      %mul3A_1974 = arith.mulf %sub3A_1972, %sub3A_1972 : vector<16xf32>
      %add3A_1975 = arith.addf %mul3A_1973, %mul3A_1974 : vector<16xf32>
      %reduce_sum3A_1976 = arith.constant true
      %reduce_sum3A_1977 = vector.broadcast %reduce_sum3A_1976 : i1 to vector<16xi1>
      %reduce_sum3A_1978 = tpu.scan <sum>, %add3A_1975 masked %reduce_sum3A_1977 : vector<16xf32>, vector<16xi1> -> vector<16xf32>
      %reduce_sum3A_1979 = vector.extract %reduce_sum3A_1978[15] : f32 from vector<16xf32>
      %mul3A_1980 = arith.mulf %select_n3A_1917, %select_n3A_1917 : vector<16xf32>
      %mul3A_1981 = arith.mulf %select_n3A_1961, %select_n3A_1961 : vector<16xf32>
      %add3A_1982 = arith.addf %mul3A_1980, %mul3A_1981 : vector<16xf32>
      %mul3A_1983 = arith.mulf %add3A_1982, %get3A_177 : vector<16xf32>
      %mul3A_1984 = arith.mulf %select_n3A_1926, %select_n3A_1926 : vector<16xf32>
      %mul3A_1985 = arith.mulf %select_n3A_1970, %select_n3A_1970 : vector<16xf32>
      %add3A_1986 = arith.addf %mul3A_1984, %mul3A_1985 : vector<16xf32>
      %mul3A_1987 = arith.mulf %add3A_1986, %get3A_179 : vector<16xf32>
      %add3A_1988 = arith.addf %mul3A_1983, %mul3A_1987 : vector<16xf32>
      %reduce_sum3A_1989 = arith.constant true
      %reduce_sum3A_1990 = vector.broadcast %reduce_sum3A_1989 : i1 to vector<16xi1>
      %reduce_sum3A_1991 = tpu.scan <sum>, %add3A_1988 masked %reduce_sum3A_1990 : vector<16xf32>, vector<16xi1> -> vector<16xf32>
      %reduce_sum3A_1992 = vector.extract %reduce_sum3A_1991[15] : f32 from vector<16xf32>
      %eq3A_1993 = arith.constant 14 : i32
      %eq3A_1994 = vector.broadcast %eq3A_1993 : i32 to vector<16xi32>
      %eq3A_1995 = arith.cmpi eq, %iota3A, %eq3A_1994 : vector<16xi32>
      %broadcast_in_dim3A_1996 = vector.broadcast %reduce_sum3A_1979 : f32 to vector<16xf32>
      %select_n3A_1997 = arith.select %eq3A_1995, %broadcast_in_dim3A_1996, %select_n3A_1876 : vector<16xi1>, vector<16xf32>
      %broadcast_in_dim3A_1998 = vector.broadcast %reduce_sum3A_1992 : f32 to vector<16xf32>
      %select_n3A_1999 = arith.select %eq3A_1995, %broadcast_in_dim3A_1998, %select_n3A_1878 : vector<16xi1>, vector<16xf32>
      %mul3A_2000 = arith.constant 16 : i32
      %mul3A_2001 = arith.muli %scan3A_175, %mul3A_2000 : i32
      %add3A_2002 = arith.constant 15 : i32
      %add3A_2003 = arith.addi %mul3A_2001, %add3A_2002 : i32
      %slice3A_2004 = vector.extract_strided_slice %get3A_185 {offsets = [15], sizes = [1], strides = [1]} : vector<16xi32> to vector<1xi32>
      %squeeze3A_2005 = vector.extract %slice3A_2004[0] : i32 from vector<1xi32>
      %get3A_2006 = arith.index_cast %add3A_2003 : i32 to index
      %get3A_2007 = arith.constant 0 : index
      %get3A_2008 = tpu.vector_load %arg16[%get3A_2006, %get3A_2007] {strides = array<i32>} : memref<256x128xf32, #tpu.memory_space<vmem>>, vector<16xf32>,
      %get3A_2009 = arith.index_cast %add3A_2003 : i32 to index
      %get3A_2010 = arith.constant 16 : index
      %get3A_2011 = tpu.vector_load %arg16[%get3A_2009, %get3A_2010] {strides = array<i32>} : memref<256x128xf32, #tpu.memory_space<vmem>>, vector<16xf32>,
      %get3A_2012 = arith.index_cast %add3A_2003 : i32 to index
      %get3A_2013 = arith.constant 32 : index
      %get3A_2014 = tpu.vector_load %arg16[%get3A_2012, %get3A_2013] {strides = array<i32>} : memref<256x128xf32, #tpu.memory_space<vmem>>, vector<16xf32>,
      %get3A_2015 = arith.index_cast %add3A_2003 : i32 to index
      %get3A_2016 = arith.constant 48 : index
      %get3A_2017 = tpu.vector_load %arg16[%get3A_2015, %get3A_2016] {strides = array<i32>} : memref<256x128xf32, #tpu.memory_space<vmem>>, vector<16xf32>,
      %get3A_2018 = arith.index_cast %add3A_2003 : i32 to index
      %get3A_2019 = arith.constant 64 : index
      %get3A_2020 = tpu.vector_load %arg16[%get3A_2018, %get3A_2019] {strides = array<i32>} : memref<256x128xf32, #tpu.memory_space<vmem>>, vector<16xf32>,
      %get3A_2021 = arith.index_cast %add3A_2003 : i32 to index
      %get3A_2022 = arith.constant 80 : index
      %get3A_2023 = tpu.vector_load %arg16[%get3A_2021, %get3A_2022] {strides = array<i32>} : memref<256x128xf32, #tpu.memory_space<vmem>>, vector<16xf32>,
      %get3A_2024 = arith.index_cast %add3A_2003 : i32 to index
      %get3A_2025 = arith.constant 96 : index
      %get3A_2026 = tpu.vector_load %arg16[%get3A_2024, %get3A_2025] {strides = array<i32>} : memref<256x128xf32, #tpu.memory_space<vmem>>, vector<16xf32>,
      %get3A_2027 = arith.index_cast %add3A_2003 : i32 to index
      %get3A_2028 = arith.constant 112 : index
      %get3A_2029 = tpu.vector_load %arg16[%get3A_2027, %get3A_2028] {strides = array<i32>} : memref<256x128xf32, #tpu.memory_space<vmem>>, vector<16xf32>,
      %eq3A_2030 = arith.constant 0 : i32
      %eq3A_2031 = arith.cmpi eq, %squeeze3A_2005, %eq3A_2030 : i32
      %eq3A_2032 = arith.constant 1 : i32
      %eq3A_2033 = arith.cmpi eq, %squeeze3A_2005, %eq3A_2032 : i32
      %eq3A_2034 = arith.constant 2 : i32
      %eq3A_2035 = arith.cmpi eq, %squeeze3A_2005, %eq3A_2034 : i32
      %select_n3A_2036 = arith.select %eq3A_2035, %get3A_2020, %get3A_2026 : vector<16xf32>
      %select_n3A_2037 = arith.select %eq3A_2033, %get3A_2014, %select_n3A_2036 : vector<16xf32>
      %select_n3A_2038 = arith.select %eq3A_2031, %get3A_2008, %select_n3A_2037 : vector<16xf32>
      %eq3A_2039 = arith.constant 0 : i32
      %eq3A_2040 = arith.cmpi eq, %squeeze3A_2005, %eq3A_2039 : i32
      %eq3A_2041 = arith.constant 1 : i32
      %eq3A_2042 = arith.cmpi eq, %squeeze3A_2005, %eq3A_2041 : i32
      %eq3A_2043 = arith.constant 2 : i32
      %eq3A_2044 = arith.cmpi eq, %squeeze3A_2005, %eq3A_2043 : i32
      %select_n3A_2045 = arith.select %eq3A_2044, %get3A_2023, %get3A_2029 : vector<16xf32>
      %select_n3A_2046 = arith.select %eq3A_2042, %get3A_2017, %select_n3A_2045 : vector<16xf32>
      %select_n3A_2047 = arith.select %eq3A_2040, %get3A_2011, %select_n3A_2046 : vector<16xf32>
      %slice3A_2048 = vector.extract_strided_slice %get3A_187 {offsets = [15], sizes = [1], strides = [1]} : vector<16xi32> to vector<1xi32>
      %squeeze3A_2049 = vector.extract %slice3A_2048[0] : i32 from vector<1xi32>
      %get3A_2050 = arith.index_cast %add3A_2003 : i32 to index
      %get3A_2051 = arith.constant 0 : index
      %get3A_2052 = tpu.vector_load %arg17[%get3A_2050, %get3A_2051] {strides = array<i32>} : memref<256x128xf32, #tpu.memory_space<vmem>>, vector<16xf32>,
      %get3A_2053 = arith.index_cast %add3A_2003 : i32 to index
      %get3A_2054 = arith.constant 16 : index
      %get3A_2055 = tpu.vector_load %arg17[%get3A_2053, %get3A_2054] {strides = array<i32>} : memref<256x128xf32, #tpu.memory_space<vmem>>, vector<16xf32>,
      %get3A_2056 = arith.index_cast %add3A_2003 : i32 to index
      %get3A_2057 = arith.constant 32 : index
      %get3A_2058 = tpu.vector_load %arg17[%get3A_2056, %get3A_2057] {strides = array<i32>} : memref<256x128xf32, #tpu.memory_space<vmem>>, vector<16xf32>,
      %get3A_2059 = arith.index_cast %add3A_2003 : i32 to index
      %get3A_2060 = arith.constant 48 : index
      %get3A_2061 = tpu.vector_load %arg17[%get3A_2059, %get3A_2060] {strides = array<i32>} : memref<256x128xf32, #tpu.memory_space<vmem>>, vector<16xf32>,
      %get3A_2062 = arith.index_cast %add3A_2003 : i32 to index
      %get3A_2063 = arith.constant 64 : index
      %get3A_2064 = tpu.vector_load %arg17[%get3A_2062, %get3A_2063] {strides = array<i32>} : memref<256x128xf32, #tpu.memory_space<vmem>>, vector<16xf32>,
      %get3A_2065 = arith.index_cast %add3A_2003 : i32 to index
      %get3A_2066 = arith.constant 80 : index
      %get3A_2067 = tpu.vector_load %arg17[%get3A_2065, %get3A_2066] {strides = array<i32>} : memref<256x128xf32, #tpu.memory_space<vmem>>, vector<16xf32>,
      %get3A_2068 = arith.index_cast %add3A_2003 : i32 to index
      %get3A_2069 = arith.constant 96 : index
      %get3A_2070 = tpu.vector_load %arg17[%get3A_2068, %get3A_2069] {strides = array<i32>} : memref<256x128xf32, #tpu.memory_space<vmem>>, vector<16xf32>,
      %get3A_2071 = arith.index_cast %add3A_2003 : i32 to index
      %get3A_2072 = arith.constant 112 : index
      %get3A_2073 = tpu.vector_load %arg17[%get3A_2071, %get3A_2072] {strides = array<i32>} : memref<256x128xf32, #tpu.memory_space<vmem>>, vector<16xf32>,
      %eq3A_2074 = arith.constant 0 : i32
      %eq3A_2075 = arith.cmpi eq, %squeeze3A_2049, %eq3A_2074 : i32
      %eq3A_2076 = arith.constant 1 : i32
      %eq3A_2077 = arith.cmpi eq, %squeeze3A_2049, %eq3A_2076 : i32
      %eq3A_2078 = arith.constant 2 : i32
      %eq3A_2079 = arith.cmpi eq, %squeeze3A_2049, %eq3A_2078 : i32
      %select_n3A_2080 = arith.select %eq3A_2079, %get3A_2064, %get3A_2070 : vector<16xf32>
      %select_n3A_2081 = arith.select %eq3A_2077, %get3A_2058, %select_n3A_2080 : vector<16xf32>
      %select_n3A_2082 = arith.select %eq3A_2075, %get3A_2052, %select_n3A_2081 : vector<16xf32>
      %eq3A_2083 = arith.constant 0 : i32
      %eq3A_2084 = arith.cmpi eq, %squeeze3A_2049, %eq3A_2083 : i32
      %eq3A_2085 = arith.constant 1 : i32
      %eq3A_2086 = arith.cmpi eq, %squeeze3A_2049, %eq3A_2085 : i32
      %eq3A_2087 = arith.constant 2 : i32
      %eq3A_2088 = arith.cmpi eq, %squeeze3A_2049, %eq3A_2087 : i32
      %select_n3A_2089 = arith.select %eq3A_2088, %get3A_2067, %get3A_2073 : vector<16xf32>
      %select_n3A_2090 = arith.select %eq3A_2086, %get3A_2061, %select_n3A_2089 : vector<16xf32>
      %select_n3A_2091 = arith.select %eq3A_2084, %get3A_2055, %select_n3A_2090 : vector<16xf32>
      %sub3A_2092 = arith.subf %select_n3A_2038, %select_n3A_2082 : vector<16xf32>
      %sub3A_2093 = arith.subf %select_n3A_2047, %select_n3A_2091 : vector<16xf32>
      %mul3A_2094 = arith.mulf %sub3A_2092, %sub3A_2092 : vector<16xf32>
      %mul3A_2095 = arith.mulf %sub3A_2093, %sub3A_2093 : vector<16xf32>
      %add3A_2096 = arith.addf %mul3A_2094, %mul3A_2095 : vector<16xf32>
      %reduce_sum3A_2097 = arith.constant true
      %reduce_sum3A_2098 = vector.broadcast %reduce_sum3A_2097 : i1 to vector<16xi1>
      %reduce_sum3A_2099 = tpu.scan <sum>, %add3A_2096 masked %reduce_sum3A_2098 : vector<16xf32>, vector<16xi1> -> vector<16xf32>
      %reduce_sum3A_2100 = vector.extract %reduce_sum3A_2099[15] : f32 from vector<16xf32>
      %mul3A_2101 = arith.mulf %select_n3A_2038, %select_n3A_2038 : vector<16xf32>
      %mul3A_2102 = arith.mulf %select_n3A_2082, %select_n3A_2082 : vector<16xf32>
      %add3A_2103 = arith.addf %mul3A_2101, %mul3A_2102 : vector<16xf32>
      %mul3A_2104 = arith.mulf %add3A_2103, %get3A_177 : vector<16xf32>
      %mul3A_2105 = arith.mulf %select_n3A_2047, %select_n3A_2047 : vector<16xf32>
      %mul3A_2106 = arith.mulf %select_n3A_2091, %select_n3A_2091 : vector<16xf32>
      %add3A_2107 = arith.addf %mul3A_2105, %mul3A_2106 : vector<16xf32>
      %mul3A_2108 = arith.mulf %add3A_2107, %get3A_179 : vector<16xf32>
      %add3A_2109 = arith.addf %mul3A_2104, %mul3A_2108 : vector<16xf32>
      %reduce_sum3A_2110 = arith.constant true
      %reduce_sum3A_2111 = vector.broadcast %reduce_sum3A_2110 : i1 to vector<16xi1>
      %reduce_sum3A_2112 = tpu.scan <sum>, %add3A_2109 masked %reduce_sum3A_2111 : vector<16xf32>, vector<16xi1> -> vector<16xf32>
      %reduce_sum3A_2113 = vector.extract %reduce_sum3A_2112[15] : f32 from vector<16xf32>
      %eq3A_2114 = arith.constant 15 : i32
      %eq3A_2115 = vector.broadcast %eq3A_2114 : i32 to vector<16xi32>
      %eq3A_2116 = arith.cmpi eq, %iota3A, %eq3A_2115 : vector<16xi32>
      %broadcast_in_dim3A_2117 = vector.broadcast %reduce_sum3A_2100 : f32 to vector<16xf32>
      %select_n3A_2118 = arith.select %eq3A_2116, %broadcast_in_dim3A_2117, %select_n3A_1997 : vector<16xi1>, vector<16xf32>
      %broadcast_in_dim3A_2119 = vector.broadcast %reduce_sum3A_2113 : f32 to vector<16xf32>
      %select_n3A_2120 = arith.select %eq3A_2116, %broadcast_in_dim3A_2119, %select_n3A_1999 : vector<16xi1>, vector<16xf32>
      %get3A_2121 = arith.index_cast %add3A_183 : i32 to index
      %get3A_2122 = tpu.vector_load %arg15[%get3A_2121] {strides = array<i32>} : memref<512xi32, #tpu.memory_space<vmem>>, vector<16xi32>,
      %max3A = arith.constant 1.000000e-30 : f32
      %max3A_2123 = vector.broadcast %max3A : f32 to vector<16xf32>
      %max3A_2124 = arith.maximumf %select_n3A_2118, %max3A_2123 : vector<16xf32>
      %bitcast_convert_type3A = tpu.bitcast %max3A_2124 : vector<16xf32> -> vector<16xi32>
      %shift_right_logical3A = arith.constant 1 : i32
      %shift_right_logical3A_2125 = vector.broadcast %shift_right_logical3A : i32 to vector<16xi32>
      %shift_right_logical3A_2126 = arith.shrui %bitcast_convert_type3A, %shift_right_logical3A_2125 : vector<16xi32>
      %sub3A_2127 = arith.constant 1597463007 : i32
      %sub3A_2128 = vector.broadcast %sub3A_2127 : i32 to vector<16xi32>
      %sub3A_2129 = arith.subi %sub3A_2128, %shift_right_logical3A_2126 : vector<16xi32>
      %bitcast_convert_type3A_2130 = tpu.bitcast %sub3A_2129 : vector<16xi32> -> vector<16xf32>
      %mul3A_2131 = arith.constant 5.000000e-01 : f32
      %mul3A_2132 = vector.broadcast %mul3A_2131 : f32 to vector<16xf32>
      %mul3A_2133 = arith.mulf %mul3A_2132, %max3A_2124 : vector<16xf32>
      %mul3A_2134 = arith.mulf %mul3A_2133, %bitcast_convert_type3A_2130 : vector<16xf32>
      %mul3A_2135 = arith.mulf %mul3A_2134, %bitcast_convert_type3A_2130 : vector<16xf32>
      %sub3A_2136 = arith.constant 1.500000e+00 : f32
      %sub3A_2137 = vector.broadcast %sub3A_2136 : f32 to vector<16xf32>
      %sub3A_2138 = arith.subf %sub3A_2137, %mul3A_2135 : vector<16xf32>
      %mul3A_2139 = arith.mulf %bitcast_convert_type3A_2130, %sub3A_2138 : vector<16xf32>
      %mul3A_2140 = arith.constant 5.000000e-01 : f32
      %mul3A_2141 = vector.broadcast %mul3A_2140 : f32 to vector<16xf32>
      %mul3A_2142 = arith.mulf %mul3A_2141, %max3A_2124 : vector<16xf32>
      %mul3A_2143 = arith.mulf %mul3A_2142, %mul3A_2139 : vector<16xf32>
      %mul3A_2144 = arith.mulf %mul3A_2143, %mul3A_2139 : vector<16xf32>
      %sub3A_2145 = arith.constant 1.500000e+00 : f32
      %sub3A_2146 = vector.broadcast %sub3A_2145 : f32 to vector<16xf32>
      %sub3A_2147 = arith.subf %sub3A_2146, %mul3A_2144 : vector<16xf32>
      %mul3A_2148 = arith.mulf %mul3A_2139, %sub3A_2147 : vector<16xf32>
      %mul3A_2149 = arith.mulf %max3A_2124, %mul3A_2148 : vector<16xf32>
      %eq3A_2150 = arith.constant 1 : i32
      %eq3A_2151 = vector.broadcast %eq3A_2150 : i32 to vector<16xi32>
      %eq3A_2152 = arith.cmpi eq, %get3A_2122, %eq3A_2151 : vector<16xi32>
      %sub3A_2153 = arith.subf %mul3A_2149, %get3A_3 : vector<16xf32>
      %sub3A_2154 = arith.subf %get3A_3, %mul3A_2149 : vector<16xf32>
      %select_n3A_2155 = arith.select %eq3A_2152, %sub3A_2153, %sub3A_2154 : vector<16xi1>, vector<16xf32>
      %max3A_2156 = arith.constant 0.000000e+00 : f32
      %max3A_2157 = vector.broadcast %max3A_2156 : f32 to vector<16xf32>
      %max3A_2158 = arith.maximumf %select_n3A_2155, %max3A_2157 : vector<16xf32>
      %abs3A = math.absf %select_n3A_2155 : vector<16xf32>
      %neg3A = arith.constant 0.000000e+00 : f32
      %neg3A_2159 = vector.broadcast %neg3A : f32 to vector<16xf32>
      %neg3A_2160 = arith.subf %neg3A_2159, %abs3A : vector<16xf32>
      %exp3A = math.exp %neg3A_2160 : vector<16xf32>
      %add3A_2161 = arith.constant 2.000000e+00 : f32
      %add3A_2162 = vector.broadcast %add3A_2161 : f32 to vector<16xf32>
      %add3A_2163 = arith.addf %add3A_2162, %exp3A : vector<16xf32>
      %div3A = arith.divf %exp3A, %add3A_2163 : vector<16xf32>
      %mul3A_2164 = arith.mulf %div3A, %div3A : vector<16xf32>
      %mul3A_2165 = arith.constant 2.000000e+00 : f32
      %mul3A_2166 = vector.broadcast %mul3A_2165 : f32 to vector<16xf32>
      %mul3A_2167 = arith.mulf %mul3A_2166, %div3A : vector<16xf32>
      %mul3A_2168 = arith.constant 0.111111112 : f32
      %mul3A_2169 = vector.broadcast %mul3A_2168 : f32 to vector<16xf32>
      %mul3A_2170 = arith.mulf %mul3A_2164, %mul3A_2169 : vector<16xf32>
      %add3A_2171 = arith.constant 0.142857149 : f32
      %add3A_2172 = vector.broadcast %add3A_2171 : f32 to vector<16xf32>
      %add3A_2173 = arith.addf %add3A_2172, %mul3A_2170 : vector<16xf32>
      %mul3A_2174 = arith.mulf %mul3A_2164, %add3A_2173 : vector<16xf32>
      %add3A_2175 = arith.constant 2.000000e-01 : f32
      %add3A_2176 = vector.broadcast %add3A_2175 : f32 to vector<16xf32>
      %add3A_2177 = arith.addf %add3A_2176, %mul3A_2174 : vector<16xf32>
      %mul3A_2178 = arith.mulf %mul3A_2164, %add3A_2177 : vector<16xf32>
      %add3A_2179 = arith.constant 0.333333343 : f32
      %add3A_2180 = vector.broadcast %add3A_2179 : f32 to vector<16xf32>
      %add3A_2181 = arith.addf %add3A_2180, %mul3A_2178 : vector<16xf32>
      %mul3A_2182 = arith.mulf %mul3A_2164, %add3A_2181 : vector<16xf32>
      %add3A_2183 = arith.constant 1.000000e+00 : f32
      %add3A_2184 = vector.broadcast %add3A_2183 : f32 to vector<16xf32>
      %add3A_2185 = arith.addf %add3A_2184, %mul3A_2182 : vector<16xf32>
      %mul3A_2186 = arith.mulf %mul3A_2167, %add3A_2185 : vector<16xf32>
      %add3A_2187 = arith.addf %max3A_2158, %mul3A_2186 : vector<16xf32>
      %add3A_2188 = arith.addf %add3A_2187, %get3A_5 : vector<16xf32>
      %mul3A_2189 = arith.constant 5.0000051E-7 : f32
      %mul3A_2190 = vector.broadcast %mul3A_2189 : f32 to vector<16xf32>
      %mul3A_2191 = arith.mulf %mul3A_2190, %select_n3A_2120 : vector<16xf32>
      %add3A_2192 = arith.addf %add3A_2188, %mul3A_2191 : vector<16xf32>
      %swap3A = arith.index_cast %add3A_183 : i32 to index
      %swap3A_2193 = tpu.vector_load %arg20[%swap3A] {strides = array<i32>} : memref<512xf32, #tpu.memory_space<vmem>>, vector<16xf32>,
      tpu.vector_store %arg20[%swap3A], %add3A_2192 {strides = array<i32>} : memref<512xf32, #tpu.memory_space<vmem>>, vector<16xf32>,
    }
    %scan3A_174 = arith.constant 16 : i32
    "tpu.region"() ({
      %run_scoped3A = tpu.sem_alloc : memref<!tpu.dma_semaphore, #tpu.memory_space<semaphore_mem>>
      %dma_start3A_175 = tpu.memref_slice %arg10[%mul3A_2] : memref<16384xf32, #tpu.memory_space<hbm>> -> memref<512xf32, #tpu.memory_space<hbm>>
      %dma_start3A_176 = tpu.memref_slice %arg10[%mul3A_2] : memref<16384xf32, #tpu.memory_space<hbm>> -> memref<512xf32, #tpu.memory_space<hbm>>
      tpu.enqueue_dma source(%arg20 : memref<512xf32, #tpu.memory_space<vmem>>) target(%dma_start3A_176 : memref<512xf32, #tpu.memory_space<hbm>>) target_semaphore(%run_scoped3A : memref<!tpu.dma_semaphore, #tpu.memory_space<semaphore_mem>>)
      %dma_wait3A_177 = tpu.memref_slice %arg10[%mul3A_2] : memref<16384xf32, #tpu.memory_space<hbm>> -> memref<512xf32, #tpu.memory_space<hbm>>
      %dma_wait3A_178 = tpu.memref_slice %arg10[%mul3A_2] : memref<16384xf32, #tpu.memory_space<hbm>> -> memref<512xf32, #tpu.memory_space<hbm>>
      tpu.wait_dma2 semaphore(%run_scoped3A : memref<!tpu.dma_semaphore, #tpu.memory_space<semaphore_mem>>) src(%arg20 : memref<512xf32, #tpu.memory_space<vmem>>) dst(%dma_wait3A_178 : memref<512xf32, #tpu.memory_space<hbm>>)
      tpu.yield
    }) : () -> ()
    return
  }
}

</mosaic_0001>

<sc_bundles>
// kernel: _launch.3.cloned.1.call-start
scs
__scs_entry_jumppad:
0x0: {  	(pc) =	sbr.rel $0x88, $3  }
0x1: {  	(tag) =	ssettag $0x0;
	lr =	simm.s32 $0x1  }
0x2: {  	[smem:$0x3F99] =	sst lr;
	_ =	strace $0xD0000000  }
0x3: {  	_ = 	snop  }
0x4: {  	_ = 	snop  }
0x5: {  	_ = 	snop  }
0x6: {  	_ = 	snop  }
0x7: {  	_ = 	snop  }
__scs_overlays_trampoline_lowered:
0x8: {  	[smem:$0x3FA8] =	sst s0  }
0x9: {  	[smem:$0x3FA9] =	sst s1  }
0xa: {  	[smem:$0x3FAA] =	sst s2  }
0xb: {  	[smem:$0x3FAB] =	sst s3  }
0xc: {  	[smem:$0x3FAC] =	sst s4  }
0xd: {  	[smem:$0x3FAD] =	sst s5  }
0xe: {  	[smem:$0x3FAE] =	sst s6  }
0xf: {  	[smem:$0x3FAF] =	sst s7  }
0x10: {  	[smem:$0x3FB0] =	sst s8  }
0x11: {  	[smem:$0x3FB1] =	sst s9;
	s0 =	simm.s32 @!p0 $0x0  }
0x12: {  	s1 =	sld [smem:$0x3F97];
	s0 =	simm.s32 @p0 $0x1  }
0x13: {  	[smem:$0x3FB2] =	sst s0;
	s0 =	simm.s32 @!p1 $0x0  }
0x14: {  	s2 =	sld [smem:$0x3F96];
	s0 =	simm.s32 @p1 $0x1  }
0x15: {  	[smem:$0x3FB3] =	sst s0;
	s0 =	simm.s32 @!p2 $0x0  }
0x16: {  	s3 =	sld [smem:$0x3FDB];
	s0 =	simm.s32 @p2 $0x1  }
0x17: {  	s4 =	simm.s32 $0x1BF5;
	[smem:$0x3FB5] =	sst s0  }
0x18: {  	s0 =	sld [smem:$0x3F98];
	_ =	swait.ge [sflag:s4], $0x0  }
0x19: {  	s7 =	sld [smem:$0x3F99]  }
0x1a: {  	s8 =	sadd.s32 $0xFFFFE003, lr  }
0x1b: {  	s9 =	sadd.s32 $0xFFFFFEF7, lr;
	s5 =	simm.s32 $0xFFFFFFFF;
	p2 =	slt.u32 s8, $0xFFFFF086  }
0x1c: {  	p1 =	slt.u32 s9, $0xF7A;
	s5 =	simm.s32 @!p2 $0x0  }
0x1d: {  	s5 =	simm.s32 @p1 $0x1;
	p0 =	seq.s32 s7, s2  }
0x1e: {  	s7 =	smul.u32 @!p0 $0xF7A, s2;
	p2 =	seq.s32 @!p0 s5, $0x0  }
0x1f: {  	s9 =	smul.u32 $0xF7A, s1;
	s8 =	simm.s32 @!p0 $0x1BF5;
	p2 =	por !p2, p0  }
0x20: {  	[sflag:s8] =	ssyncset.s32 @!p0 $0xFFFFF086;
	s6 =	sadd.s32 @!p0 s3, s7;
	s7 =	simm.s32 @!p0 $0x108  }
0x21: {  	s3 =	sadd.s32 s3, s9;
	s6 =	sadd.s32 @!p0 $0x88, s6;
	s7 =	simm.s32 @p2 $0x1082  }
0x22: {  	[simem:s7], [sflag:s8] =	dma.local @!p0 [hbm:s6], $0xF7A  }
0x23: {  	s9 =	sor.u32 $0xD0000000, s2;
	s6 =	simm.s32 $0x108;
	_ =	swait.ge @!p0 [sflag:s8], $0x0  }
0x24: {  	s3 =	sadd.s32 $0x88, s3;
	s6 =	simm.s32 @!p1 $0x1082;
	[sflag:s4] =	ssyncset.s32 $0xFFFFF086  }
0x25: {  	[simem:s6], [sflag:s4] =	dma.local [hbm:s3], $0xF7A  }
0x26: {  	[smem:$0x3F99] =	sst s1;
	(tag) =	ssettag s2;
	_ =	strace s9  }
0x27: {  	s1 =	sld [smem:$0x3FA9]  }
0x28: {  	s2 =	sld [smem:$0x3FAA]  }
0x29: {  	s4 =	sld [smem:$0x3FAC]  }
0x2a: {  	p0 =	seq.s32 s5, $0x0;
	s5 =	sld [smem:$0x3FAD]  }
0x2b: {  	s6 =	sld [smem:$0x3FAE]  }
0x2c: {  	s7 =	sld [smem:$0x3FAF]  }
0x2d: {  	s3 =	simm.s32 $0x108;
	s8 =	sld [smem:$0x3FB0]  }
0x2e: {  	s3 =	simm.s32 @!p0 $0x1082;
	s9 =	sld [smem:$0x3FB1]  }
0x2f: {  	lr =	sadd.s32 s0, s3;
	s0 =	sld [smem:$0x3FA8]  }
0x30: {  	s3 =	sld [smem:$0x3FAB]  }
0x31: {  	[smem:$0x3FB4] =	sst s10  }
0x32: {  	s10 =	sld [smem:$0x3FB2];
	_ =	sdelay $0x3  }
0x33: {  	p0 =	seq.s32 s10, $0x1;
	s10 =	sld [smem:$0x3FB4];
	_ =	sdelay $0x3  }
0x34: {  	[smem:$0x3FB4] =	sst s10  }
0x35: {  	s10 =	sld [smem:$0x3FB3];
	_ =	sdelay $0x3  }
0x36: {  	p1 =	seq.s32 s10, $0x1;
	s10 =	sld [smem:$0x3FB4];
	_ =	sdelay $0x3  }
0x37: {  	[smem:$0x3FB4] =	sst s10  }
0x38: {  	s10 =	sld [smem:$0x3FB5]  }
0x39: {  	_ = 	snop;
	(pc) =	sbr.ind lr, $3  }
0x3a: {  	_ = 	snop  }
0x3b: {  	_ = 	snop  }
0x3c: {  	p2 =	seq.s32 s10, $0x1;
	s10 =	sld [smem:$0x3FB4]  }
0x3d: {  	_ =	shalt  }
0x3e: {  	_ =	shalt  }
0x3f: {  	_ =	shalt  }
0x40: {  	_ =	shalt  }
0x41: {  	_ =	shalt  }
0x42: {  	_ =	shalt  }
0x43: {  	_ =	shalt  }
0x44: {  	_ =	shalt  }
0x45: {  	_ =	shalt  }
0x46: {  	_ =	shalt  }
0x47: {  	_ =	shalt  }
0x48: {  	_ =	shalt  }
0x49: {  	_ =	shalt  }
0x4a: {  	_ =	shalt  }
0x4b: {  	_ =	shalt  }
0x4c: {  	_ =	shalt  }
0x4d: {  	_ =	shalt  }
0x4e: {  	_ =	shalt  }
0x4f: {  	_ =	shalt  }
0x50: {  	_ =	shalt  }
0x51: {  	_ =	shalt  }
0x52: {  	_ =	shalt  }
0x53: {  	_ =	shalt  }
0x54: {  	_ =	shalt  }
0x55: {  	_ =	shalt  }
0x56: {  	_ =	shalt  }
0x57: {  	_ =	shalt  }
0x58: {  	_ =	shalt  }
0x59: {  	_ =	shalt  }
0x5a: {  	_ =	shalt  }
0x5b: {  	_ =	shalt  }
0x5c: {  	_ =	shalt  }
0x5d: {  	_ =	shalt  }
0x5e: {  	_ =	shalt  }
0x5f: {  	_ =	shalt  }
0x60: {  	_ =	shalt  }
0x61: {  	_ =	shalt  }
0x62: {  	_ =	shalt  }
0x63: {  	_ =	shalt  }
0x64: {  	_ =	shalt  }
0x65: {  	_ =	shalt  }
0x66: {  	_ =	shalt  }
0x67: {  	_ =	shalt  }
0x68: {  	_ =	shalt  }
0x69: {  	_ =	shalt  }
0x6a: {  	_ =	shalt  }
0x6b: {  	_ =	shalt  }
0x6c: {  	_ =	shalt  }
0x6d: {  	_ =	shalt  }
0x6e: {  	_ =	shalt  }
0x6f: {  	_ =	shalt  }
0x70: {  	_ =	shalt  }
0x71: {  	_ =	shalt  }
0x72: {  	_ =	shalt  }
0x73: {  	_ =	shalt  }
0x74: {  	_ =	shalt  }
0x75: {  	_ =	shalt  }
0x76: {  	_ =	shalt  }
0x77: {  	_ =	shalt  }
0x78: {  	_ =	shalt  }
0x79: {  	_ =	shalt  }
0x7a: {  	_ =	shalt  }
0x7b: {  	_ =	shalt  }
0x7c: {  	_ =	shalt  }
0x7d: {  	_ =	shalt  }
0x7e: {  	_ =	shalt  }
0x7f: {  	_ =	shalt  }
0x80: {  	_ =	shalt  }
0x81: {  	_ =	shalt  }
0x82: {  	_ =	shalt  }
0x83: {  	_ =	shalt  }
0x84: {  	_ =	shalt  }
0x85: {  	_ =	shalt  }
0x86: {  	_ =	shalt  }
0x87: {  	_ =	shalt  }
.Lfunc_end0:
.L_simem_size_0:
called_computation_lowered:
.L_overlay_start_0:
0x88: {  	s2 =	sld [smem:$0x3FD9]  }
0x89: {  	s3 =	sld [smem:$0x3FFE];
	_ =	sdelay $0x1  }
0x8a: {  	s1 =	srdreg.scid  }
0x8b: {  	s0 =	sand.u32 $0x1, s1  }
0x8c: {  	s18 =	sshll.u32 s0, $0xA;
	s2 =	sadd.s32 s3, s2  }
0x8d: {  	s2 =	sadd.s32 s2, s18  }
0x8e: {  	[smem:$0x3FC0] =	sst s2  }
0x8f: {  	_ = 	snop  }
0x90: {  	s2 =	sld [smem:$0x3FC9]  }
0x91: {  	s19 =	sld [smem:$0x3FC8]  }
0x92: {  	s4 =	sld [smem:$0x3FC7]  }
0x93: {  	s5 =	sld [smem:$0x3FC6]  }
0x94: {  	s6 =	sld [smem:$0x3FC5]  }
0x95: {  	s7 =	sld [smem:$0x3FC4]  }
0x96: {  	s8 =	sld [smem:$0x3FC3]  }
0x97: {  	s9 =	sld [smem:$0x3FC2]  }
0x98: {  	s10 =	sld [smem:$0x3FD0];
	(tm) =	ssettm $0x1  }
0x99: {  	s11 =	sld [smem:$0x3FFB];
	_ =	sdelay $0x3  }
0x9a: {  	_ =	strace s11  }
0x9b: {  	s11 =	sld [smem:$0x3FFC];
	_ =	sdelay $0x3  }
0x9c: {  	_ =	strace s11  }
0x9d: {  	s11 =	sld [smem:$0x3FFD];
	_ =	sdelay $0x3  }
0x9e: {  	_ =	strace s11  }
0x9f: {  	_ =	strace $0x8FFFFFFF  }
0xa0: {  	s20 =	sld [smem:$0x3FDB];
	_ =	sdelay $0x1  }
0xa1: {  	s12 =	simm.s32 $_scs_section_size  }
0xa2: {  	s13 =	simm.s32 $_size__tile_overlayer_lowered;
	s14 =	simm.s32 $_tile_overlayer_lowered  }
0xa3: {  	s23 =	simm.s32 $0x1BFF;
	s22 =	sshll.u32 s14, $0x1;
	s11 =	sadd.s32 s12, s20  }
0xa4: {  	s15 =	simm.s32 $0x0;
	s21 =	sshll.u32 s13, $0x1;
	s13 =	sadd.s32 s22, s11  }
0xa5: {  	[timem:s15], [sflag:s23] =	dma.local [hbm:s13], s21  }
0xa6: {  	_ =	swait.ge [sflag:s23], s21  }
0xa7: {  	s12 =	ssub.s32 $0x0, s21;
	[sflag:s23] =	ssyncset.done $0x0  }
0xa8: {  	[sflag:s23] =	ssyncadd.s32 s12;
	_ =	sdelay $0x1  }
0xa9: {  	s24 =	simm.s32 $0x1B8B  }
0xaa: {  	_ =	swait.ge [sflag:s24], $0x1  }
0xab: {  	[sflag:s24] =	ssyncset.done $0x0  }
0xac: {  	s25 =	simm.s32 $0x1B8E;
	[sflag:s24] =	ssyncadd.s32 $0xFFFFFFFF  }
0xad: {  	s26 =	simm.s32 $execute0_lowered;
	[smem:$0x3FD2] =	sst s25  }
0xae: {  	s12 =	sshll.u32 s26, $0x1;
	_ =	strace $0x80000046;
	[dreg:$0x1] =	wrdreg $0xFFFFFFFF  }
0xaf: {  	s28 =	simm.s32 $_size_execute0_lowered;
	s11 =	sadd.s32 s11, s12;
	[dreg:$0x0] =	wrdreg $0x0  }
0xb0: {  	s12 =	sshll.u32 s28, $0x1;
	[dreg:$0x2] =	wrdreg s11  }
0xb1: {  	[dreg:$0x3] =	wrdreg s12  }
0xb2: {  	[dreg:$0x4] =	wrdreg $0xC0  }
0xb3: {  	_ =	task [dreg:s15], $0x5FFFF  }
0xb4: {  	[dreg:$0x1] =	wrdreg $0xFFFFFFFF  }
0xb5: {  	[dreg:$0x0] =	wrdreg $0x60  }
0xb6: {  	[dreg:$0x2] =	wrdreg s2  }
0xb7: {  	[dreg:$0x3] =	wrdreg s19  }
0xb8: {  	[dreg:$0x4] =	wrdreg s4  }
0xb9: {  	[dreg:$0x5] =	wrdreg s5  }
0xba: {  	[dreg:$0x6] =	wrdreg s6  }
0xbb: {  	[dreg:$0x7] =	wrdreg s7  }
0xbc: {  	[dreg:$0x8] =	wrdreg s8  }
0xbd: {  	[dreg:$0x9] =	wrdreg s9  }
0xbe: {  	[dreg:$0xa] =	wrdreg s10  }
0xbf: {  	[dreg:$0xb] =	wrdreg $0x9  }
0xc0: {  	_ =	task.clear_ibuf [dreg:s15], $0xCFFFF;
	_ =	strace $0x90000046  }
0xc1: {  	s29 =	simm.s32 $0x9;
	_ =	strace $0x80000048  }
0xc2: {  	_ =	swait.ge [sflag:s29], $0x1  }
0xc3: {  	[sflag:s29] =	ssyncadd.s32 $0xFFFFFFFF  }
0xc4: {  	_ =	strace $0x90000048  }
0xc5: {  	_ =	sfence  }
0xc6: {  	s30 =	sld [smem:$0x0];
	_ =	sdelay $0x2  }
0xc7: {  	s31 =	sshll.u32 s1, $0xD;
	s1 =	sshrl.u32 s1, $0x2  }
0xc8: {  	s3 =	sand.u32 $0x4000, s31;
	s1 =	sadd.s32 s1, s30  }
0xc9: {  	s0 =	sor.u32 s3, s0;
	s1 =	sshll.u32 s1, $0x11  }
0xca: {  	s0 =	sor.u32 s1, s0  }
0xcb: {  	s0 =	sadd.s32 $0x8F2B, s0  }
0xcc: {  	[sflag:s0] =	ssyncadd.remote.s32 $0x1  }
0xcd: {  	_ =	sfence.sel $0xFFFF  }
0xce: {  	[dreg:$0x0] =	wrdreg $0xFFFFFFFF;
	(pc) =	sbr.abs _section_cstart, $3  }
0xcf: {  	[dreg:$0x1] =	wrdreg $0xFFFFFFFF  }
0xd0: {  	_ =	task.clear_ibuf [dreg:s15], $0x2FFFF;
	_ =	strace $0x9FFFFFFF  }
0xd1: {  	(tm) =	ssettm $0x7FFFFFFF  }
tec
execute0_lowered:
.L_overlay_start_1:
0x0: {  	(tag) =	ssettag $0x1  }
0x1: {  	s0 =	rddreg [dreg:$0x1]  }
0x2: {  	s1 =	rddreg [dreg:$0x2]  }
0x3: {  	s2 =	rddreg [dreg:$0x3]  }
0x4: {  	s3 =	rddreg [dreg:$0x4];
	s6 =	srdreg.scid  }
0x5: {  	s4 =	rddreg [dreg:$0x5];
	s9 =	stileid.u32;
	s6 =	sand.u32 $0x1, s6  }
0x6: {  	s9 =	sshll.u32 s9, $0x7;
	s7 =	ssub.s32 $0x2, s6;
	s6 =	sshll.u32 s6, $0x6  }
0x7: {  	s5 =	rddreg [dreg:$0x8];
	s10 =	simm.s32 $0x0;
	s6 =	sor.u32 s6, s9  }
0x8: {  	[smem:$0x7FF] =	sst s10;
	s0 =	sadd.s32 s0, s6  }
0x9: {  	_ =	strace $0x80000047;
	s25 =	sadd.s32 s1, s6;
	[dreg:$0xa] =	wrdreg s0  }
0xa: {  	s26 =	sadd.s32 s2, s6;
	[dreg:$0xb] =	wrdreg s25  }
0xb: {  	vm0 =	vmmov $0x1;
	vm1 =	vmmov $0x3;
	vm2 =	vmmov $0x7;
	s28 =	sadd.s32 s3, s6;
	[dreg:$0xc] =	wrdreg s26  }
0xc: {  	vm3 =	vmmov $0xf;
	vm4 =	vmmov $0x1f;
	vm5 =	vmmov $0x3f;
	s8 =	sshrl.u32 s7, $0x1;
	s29 =	sadd.s32 s4, s6;
	[dreg:$0xd] =	wrdreg s28  }
0xd: {  	vm6 =	vmmov $0x7f;
	vm7 =	vmmov $0xff;
	vm8 =	vmmov $0x1ff;
	s7 =	ssub.s32 s7, s8;
	s30 =	sadd.s32 s5, s6;
	[dreg:$0xe] =	wrdreg s29  }
0xe: {  	vm9 =	vmmov $0x3ff;
	vm10 =	vmmov $0x7ff;
	vm11 =	vmmov $0xfff;
	[dreg:$0xf] =	wrdreg s30;
	s31 =	smax.u32 s7, $0x1  }
0xf: {  	vm12 =	vmmov $0x1fff;
	vm13 =	vmmov $0x3fff;
	vm14 =	vmmov $0x7fff;
	s1 =	simm.s32 $0x2;
	s2 =	simm.s32 $0x0;
	[dreg:$0x10] =	wrdreg s31  }
.LBB2_1:
0x10: {  	[dreg:$0x11] =	wrdreg s2  }
0x11: {  	s0 =	rddreg [dreg:$0xa]  }
0x12: {  	[tilespmem:s10], [sflag:$0x2] =	stream.linear.gather [hbm4b:s0+s10], $0x200, $0x38;
	[tilespmem:$0x10D00] =	vst v63  }
0x13: {  	_ =	swait.ge [sflag:s1], $0x200  }
0x14: {  	[sflag:s1] =	ssyncset.done $0x0  }
0x15: {  	s13 =	simm.s32 $0x200;
	s12 =	rddreg [dreg:$0xb];
	[sflag:s1] =	ssyncadd.s32 $0xFFFFFE00  }
0x16: {  	[tilespmem:s13], [sflag:$0x2] =	stream.linear.gather [hbm4b:s12+s10], $0x200, $0x38;
	[tilespmem:$0x10D00] =	vst v63  }
0x17: {  	_ =	swait.ge [sflag:s1], $0x200  }
0x18: {  	[sflag:s1] =	ssyncset.done $0x0  }
0x19: {  	s3 =	simm.s32 $0x400;
	s14 =	rddreg [dreg:$0xc];
	[sflag:s1] =	ssyncadd.s32 $0xFFFFFE00  }
0x1a: {  	[tilespmem:s3], [sflag:$0x2] =	stream.linear.gather [hbm4b:s14+s10], $0x200, $0x38;
	[tilespmem:$0x10D00] =	vst v63  }
0x1b: {  	_ =	swait.ge [sflag:s1], $0x200  }
0x1c: {  	[sflag:s1] =	ssyncset.done $0x0  }
0x1d: {  	s16 =	simm.s32 $0x600;
	s15 =	rddreg [dreg:$0xd];
	[sflag:s1] =	ssyncadd.s32 $0xFFFFFE00  }
0x1e: {  	[tilespmem:s16], [sflag:$0x2] =	stream.linear.gather [hbm4b:s15+s10], $0x200, $0x38;
	[tilespmem:$0x10D00] =	vst v63  }
0x1f: {  	_ =	swait.ge [sflag:s1], $0x200  }
0x20: {  	[sflag:s1] =	ssyncset.done $0x0  }
0x21: {  	s18 =	simm.s32 $0x800;
	s17 =	rddreg [dreg:$0xe];
	[sflag:s1] =	ssyncadd.s32 $0xFFFFFE00  }
0x22: {  	[tilespmem:s18], [sflag:$0x2] =	stream.linear.gather [hbm4b:s17+s10], $0x200, $0x38;
	[tilespmem:$0x10D00] =	vst v63  }
0x23: {  	_ =	swait.ge [sflag:s1], $0x200  }
0x24: {  	[sflag:s1] =	ssyncset.done $0x0  }
0x25: {  	[sflag:s1] =	ssyncadd.s32 $0xFFFFFE00  }
0x26: {  	s20 =	simm.s32 $0x10A00;
	s19 =	rddreg [dreg:$0x6]  }
0x27: {  	[tilespmem:s20], [sflag:$0x2] =	stream.linear.gather [hbm4b:s19+s10], $0x80, $0x38;
	[tilespmem:$0x10D00] =	vst v63  }
0x28: {  	_ =	swait.ge [sflag:s1], $0x80  }
0x29: {  	[sflag:s1] =	ssyncset.done $0x0  }
0x2a: {  	[sflag:s1] =	ssyncadd.s32 $0xFFFFFF80  }
0x2b: {  	s22 =	simm.s32 $0x10A80;
	s21 =	rddreg [dreg:$0x7]  }
0x2c: {  	[tilespmem:s22], [sflag:$0x2] =	stream.linear.gather [hbm4b:s21+s10], $0x80, $0x38;
	[tilespmem:$0x10D00] =	vst v63  }
0x2d: {  	_ =	swait.ge [sflag:s1], $0x80  }
0x2e: {  	[sflag:s1] =	ssyncset.done $0x0  }
0x2f: {  	[sflag:s1] =	ssyncadd.s32 $0xFFFFFF80  }
0x30: {  	s24 =	simm.s32 $0x80;
	s25 =	simm.s32 $0xA00;
	v0 =	vld [tilespmem:$0x10A80];
	s23 =	rddreg [dreg:$0x0]  }
0x31: {  	v1 =	vld [tilespmem:$0x10A90];
	[tilespmem:s25], [sflag:$0x1] =	stream.indirect.gather [hbm4b:s23+s24], $0x80, s10, s24, $0xb8  }
0x32: {  	s26 =	simm.s32 $0x8A00  }
0x33: {  	[tilespmem:s26], [sflag:$0x1] =	stream.indirect.gather [hbm4b:s23+s24], $0x80, s13, s24, $0xb8;
	[tilespmem:$0x10D00] =	vst v63  }
0x34: {  	s28 =	simm.s32 $0x4A00  }
0x35: {  	[tilespmem:s28], [sflag:$0x1] =	stream.indirect.gather [hbm4b:s23+s24], $0x80, s24, s24, $0xb8;
	[tilespmem:$0x10D00] =	vst v63  }
0x36: {  	s29 =	simm.s32 $0x280;
	s30 =	simm.s32 $0xCA00;
	s31 =	simm.s32 $0x1  }
0x37: {  	[tilespmem:s30], [sflag:$0x1] =	stream.indirect.gather [hbm4b:s23+s24], $0x80, s29, s24, $0xb8;
	[tilespmem:$0x10D00] =	vst v63  }
0x38: {  	_ =	swait.ge [sflag:s31], $0x4000  }
0x39: {  	[sflag:s31] =	ssyncset.done $0x0  }
0x3a: {  	[sflag:s31] =	ssyncadd.s32 $0xFFFFC000  }
0x3b: {  	_ =	swait.ge [sflag:s31], $0x4000  }
0x3c: {  	[sflag:s31] =	ssyncset.done $0x0  }
0x3d: {  	[sflag:s31] =	ssyncadd.s32 $0xFFFFC000  }
0x3e: {  	_ =	swait.ge [sflag:s31], $0x4000  }
0x3f: {  	[sflag:s31] =	ssyncset.done $0x0  }
0x40: {  	[sflag:s31] =	ssyncadd.s32 $0xFFFFC000  }
0x41: {  	_ =	swait.ge [sflag:s31], $0x4000  }
0x42: {  	[sflag:s31] =	ssyncset.done $0x0  }
0x43: {  	s0 =	simm.s32 $0x0;
	[sflag:s31] =	ssyncadd.s32 $0xFFFFC000  }
.LBB2_2:
0x44: {  	s1 =	sshll.u32 s0, $0x4  }
0x45: {  	v3 =	vld [tilespmem:s1+$0x400];
	_ =	sdelay $0x1  }
0x46: {  	v2 =	vld [tilespmem:s1+$0x600];
	_ =	sdelay $0x2  }
0x47: {  	(v2sf) =	vpush v3, $0x0;
	_ =	sdelay $0x1  }
0x48: {  	(v2sf) =	vpush v2, $0x0;
	_ =	sdelay $0x1  }
0x49: {  	(v2sf) =	vpush v3, $0x1;
	_ =	sdelay $0x4  }
0x4a: {  	[dreg:$0x12] =	wrdreg s0  }
0x4b: {  	s15 =	sshll.u32 s0, $0xB;
	[dreg:$0x14] =	wrdreg s1  }
0x4c: {  	s1 =	sadd.s32 $0xA00, s15;
	s2 =	sadd.s32 $0xA20, s15;
	s3 =	sadd.s32 $0xA30, s15  }
0x4d: {  	s4 =	sadd.s32 $0xA40, s15;
	s5 =	sadd.s32 $0xA50, s15;
	s7 =	sadd.s32 $0xA60, s15  }
0x4e: {  	s6 =	sadd.s32 $0xA70, s15;
	s0 =	sadd.s32 $0xA10, s15;
	s9 =	sadd.s32 $0x8A60, s15  }
0x4f: {  	s8 =	sadd.s32 $0x8A70, s15;
	s31 =	sadd.s32 $0x8AE0, s15;
	s29 =	sadd.s32 $0x8B60, s15  }
0x50: {  	s26 =	sadd.s32 $0xC60, s15;
	s11 =	sadd.s32 $0x8C70, s15;
	s14 =	spop (v2sf)  }
0x51: {  	s10 =	sadd.s32 $0xD70, s15;
	p0 =	seq.s32 s14, $0x2;
	p1 =	seq.s32 s14, $0x1  }
0x52: {  	p2 =	seq.s32 s14, $0x0;
	s16 =	spop (v2sf);
	s7 =	smov.u32 @p0 s4  }
0x53: {  	s6 =	smov.u32 @p0 s5;
	s4 =	sadd.s32 $0x8A40, s15;
	s5 =	sadd.s32 $0x8A50, s15  }
0x54: {  	(v2sf) =	vpush v2, $0x1;
	p0 =	seq.s32 s16, $0x2;
	s17 =	spop (v2sf);
	s7 =	smov.u32 @p1 s2  }
0x55: {  	s6 =	smov.u32 @p1 s3;
	s2 =	sadd.s32 $0x8A20, s15;
	s3 =	sadd.s32 $0x8A30, s15  }
0x56: {  	(v2sf) =	vpush v3, $0x2;
	p1 =	seq.s32 s16, $0x1;
	s9 =	smov.u32 @p0 s4;
	s8 =	smov.u32 @p0 s5  }
0x57: {  	s4 =	sadd.s32 $0xAC0, s15;
	s5 =	sadd.s32 $0xAD0, s15;
	p0 =	seq.s32 s17, $0x2  }
0x58: {  	(v2sf) =	vpush v2, $0x2;
	s7 =	smov.u32 @p2 s1;
	s6 =	smov.u32 @p2 s0;
	s1 =	sadd.s32 $0x8A00, s15  }
0x59: {  	p2 =	seq.s32 s16, $0x0;
	s9 =	smov.u32 @p1 s2;
	s0 =	sadd.s32 $0x8A10, s15  }
0x5a: {  	s8 =	smov.u32 @p1 s3;
	s2 =	sadd.s32 $0xAA0, s15;
	s3 =	sadd.s32 $0xAB0, s15  }
0x5b: {  	p1 =	seq.s32 s17, $0x1;
	s9 =	smov.u32 @p2 s1;
	s8 =	smov.u32 @p2 s0  }
0x5c: {  	s1 =	sadd.s32 $0xA80, s15;
	p2 =	seq.s32 s17, $0x0;
	[dreg:$0x18] =	wrdreg s9  }
0x5d: {  	[dreg:$0x16] =	wrdreg s8;
	s9 =	sadd.s32 $0xAE0, s15;
	s8 =	sadd.s32 $0xAF0, s15  }
0x5e: {  	s0 =	sadd.s32 $0xA90, s15;
	s9 =	smov.u32 @p0 s4;
	s8 =	smov.u32 @p0 s5  }
0x5f: {  	s4 =	sadd.s32 $0x8AC0, s15;
	s5 =	sadd.s32 $0x8AD0, s15;
	s9 =	smov.u32 @p1 s2  }
0x60: {  	s8 =	smov.u32 @p1 s3;
	s2 =	sadd.s32 $0x8AA0, s15;
	s9 =	smov.u32 @p2 s1  }
0x61: {  	s3 =	sadd.s32 $0x8AB0, s15;
	s8 =	smov.u32 @p2 s0;
	[dreg:$0x1c] =	wrdreg s9  }
0x62: {  	s1 =	sadd.s32 $0x8A80, s15;
	s0 =	sadd.s32 $0x8A90, s15;
	[dreg:$0x1a] =	wrdreg s8  }
0x63: {  	s8 =	sadd.s32 $0x8AF0, s15;
	s9 =	sadd.s32 $0xB60, s15;
	s18 =	spop (v2sf)  }
0x64: {  	p0 =	seq.s32 s18, $0x2;
	p1 =	seq.s32 s18, $0x1;
	p2 =	seq.s32 s18, $0x0  }
0x65: {  	s19 =	spop (v2sf);
	s18 =	sadd.s32 $0x8CE0, s15;
	s31 =	smov.u32 @p0 s4  }
0x66: {  	s8 =	smov.u32 @p0 s5;
	s4 =	sadd.s32 $0xB40, s15;
	s5 =	sadd.s32 $0xB50, s15  }
0x67: {  	(v2sf) =	vpush v3, $0x3;
	p0 =	seq.s32 s19, $0x2;
	s20 =	spop (v2sf);
	s31 =	smov.u32 @p1 s2  }
0x68: {  	s8 =	smov.u32 @p1 s3;
	s2 =	sadd.s32 $0xB20, s15;
	s3 =	sadd.s32 $0xB30, s15  }
0x69: {  	(v2sf) =	vpush v2, $0x3;
	p1 =	seq.s32 s19, $0x1;
	s9 =	smov.u32 @p0 s4;
	s4 =	sadd.s32 $0x8B40, s15  }
0x6a: {  	s31 =	smov.u32 @p2 s1;
	s8 =	smov.u32 @p2 s0;
	s1 =	sadd.s32 $0xB00, s15  }
0x6b: {  	(v2sf) =	vpush v3, $0x4;
	p2 =	seq.s32 s19, $0x0;
	s9 =	smov.u32 @p1 s2;
	s0 =	sadd.s32 $0xB10, s15  }
0x6c: {  	s2 =	sadd.s32 $0x8B20, s15;
	s19 =	sadd.s32 $0x8CF0, s15;
	[dreg:$0x1e] =	wrdreg s8  }
0x6d: {  	s8 =	sadd.s32 $0xB70, s15;
	s9 =	smov.u32 @p2 s1;
	s1 =	sadd.s32 $0x8B00, s15  }
0x6e: {  	s8 =	smov.u32 @p0 s5;
	[smem:$0x7F7] =	sst s9;
	s5 =	sadd.s32 $0x8B50, s15  }
0x6f: {  	p0 =	seq.s32 s20, $0x2;
	s9 =	sadd.s32 $0xBE0, s15;
	s8 =	smov.u32 @p1 s3  }
0x70: {  	s3 =	sadd.s32 $0x8B30, s15;
	p1 =	seq.s32 s20, $0x1;
	s29 =	smov.u32 @p0 s4  }
0x71: {  	s4 =	sadd.s32 $0xBC0, s15;
	s8 =	smov.u32 @p2 s0;
	p2 =	seq.s32 s20, $0x0  }
0x72: {  	s29 =	smov.u32 @p1 s2;
	[dreg:$0x1f] =	wrdreg s8;
	s8 =	sadd.s32 $0x8B70, s15  }
0x73: {  	s0 =	sadd.s32 $0x8B10, s15;
	s2 =	sadd.s32 $0xBA0, s15;
	s8 =	smov.u32 @p0 s5  }
0x74: {  	s29 =	smov.u32 @p2 s1;
	s1 =	sadd.s32 $0xB80, s15;
	s8 =	smov.u32 @p1 s3  }
0x75: {  	s5 =	sadd.s32 $0xBD0, s15;
	s3 =	sadd.s32 $0xBB0, s15;
	s8 =	smov.u32 @p2 s0  }
0x76: {  	s0 =	sadd.s32 $0xB90, s15;
	[smem:$0x7F8] =	sst s8;
	s21 =	spop (v2sf)  }
0x77: {  	s8 =	sadd.s32 $0xBF0, s15;
	p0 =	seq.s32 s21, $0x2;
	p1 =	seq.s32 s21, $0x1  }
0x78: {  	p2 =	seq.s32 s21, $0x0;
	s22 =	spop (v2sf);
	s21 =	sadd.s32 $0xDF0, s15  }
0x79: {  	s9 =	smov.u32 @p0 s4;
	s8 =	smov.u32 @p0 s5;
	s4 =	sadd.s32 $0x8BC0, s15  }
0x7a: {  	s5 =	sadd.s32 $0x8BD0, s15;
	p0 =	seq.s32 s22, $0x2;
	s23 =	spop (v2sf)  }
0x7b: {  	(v2sf) =	vpush v2, $0x4;
	s9 =	smov.u32 @p1 s2;
	s8 =	smov.u32 @p1 s3;
	s2 =	sadd.s32 $0x8BA0, s15  }
0x7c: {  	s3 =	sadd.s32 $0x8BB0, s15;
	p1 =	seq.s32 s22, $0x1;
	s9 =	smov.u32 @p2 s1  }
0x7d: {  	(v2sf) =	vpush v3, $0x5;
	s8 =	smov.u32 @p2 s0;
	s1 =	sadd.s32 $0x8B80, s15;
	p2 =	seq.s32 s22, $0x0  }
0x7e: {  	(v2sf) =	vpush v2, $0x5;
	s0 =	sadd.s32 $0x8B90, s15;
	s24 =	smov.u32 s9;
	s9 =	sadd.s32 $0x8BE0, s15  }
0x7f: {  	[smem:$0x7F9] =	sst s8;
	s8 =	sadd.s32 $0x8BF0, s15;
	s9 =	smov.u32 @p0 s4  }
0x80: {  	s8 =	smov.u32 @p0 s5;
	s4 =	sadd.s32 $0xC40, s15;
	s5 =	sadd.s32 $0xC50, s15  }
0x81: {  	p0 =	seq.s32 s23, $0x2;
	s9 =	smov.u32 @p1 s2;
	s8 =	smov.u32 @p1 s3  }
0x82: {  	s2 =	sadd.s32 $0xC20, s15;
	s3 =	sadd.s32 $0xC30, s15;
	p1 =	seq.s32 s23, $0x1  }
0x83: {  	s26 =	smov.u32 @p0 s4;
	s4 =	sadd.s32 $0x8C50, s15;
	s9 =	smov.u32 @p2 s1  }
0x84: {  	s8 =	smov.u32 @p2 s0;
	s1 =	sadd.s32 $0xC00, s15;
	p2 =	seq.s32 s23, $0x0  }
0x85: {  	s26 =	smov.u32 @p1 s2;
	s0 =	sadd.s32 $0xC10, s15;
	s2 =	sadd.s32 $0x8C20, s15  }
0x86: {  	s23 =	sadd.s32 $0xCF0, s15;
	[smem:$0x7FA] =	sst s8;
	s8 =	sadd.s32 $0xC70, s15  }
0x87: {  	s28 =	smov.u32 s9;
	s26 =	smov.u32 @p2 s1;
	s8 =	smov.u32 @p0 s5  }
0x88: {  	s1 =	sadd.s32 $0x8C00, s15;
	s9 =	sadd.s32 $0xD60, s15;
	s8 =	smov.u32 @p1 s3  }
0x89: {  	s3 =	sadd.s32 $0x8C40, s15;
	s8 =	smov.u32 @p2 s0;
	s0 =	sadd.s32 $0x8C30, s15  }
0x8a: {  	[smem:$0x7FB] =	sst s8;
	s8 =	sadd.s32 $0x8C60, s15;
	s25 =	spop (v2sf)  }
0x8b: {  	(v2sf) =	vpush v3, $0x6;
	p0 =	seq.s32 s25, $0x0;
	p1 =	seq.s32 s25, $0x1;
	p2 =	seq.s32 s25, $0x2  }
0x8c: {  	s30 =	spop (v2sf);
	s8 =	smov.u32 @p2 s3;
	s11 =	smov.u32 @p2 s4  }
0x8d: {  	(v2sf) =	vpush v2, $0x6;
	s3 =	sadd.s32 $0x8C10, s15;
	p2 =	seq.s32 s30, $0x1;
	s4 =	spop (v2sf)  }
0x8e: {  	s8 =	smov.u32 @p1 s2;
	s11 =	smov.u32 @p1 s0;
	s2 =	sadd.s32 $0xCC0, s15  }
0x8f: {  	(v2sf) =	vpush v3, $0x7;
	p1 =	seq.s32 s30, $0x2;
	s0 =	sadd.s32 $0xCA0, s15;
	s8 =	smov.u32 @p0 s1  }
0x90: {  	s11 =	smov.u32 @p0 s3;
	s1 =	sadd.s32 $0xC80, s15;
	s3 =	sadd.s32 $0xCE0, s15  }
0x91: {  	p0 =	seq.s32 s30, $0x0;
	s30 =	sadd.s32 $0xDE0, s15;
	s3 =	smov.u32 @p1 s2  }
0x92: {  	s2 =	sadd.s32 $0xCD0, s15;
	s3 =	smov.u32 @p2 s0;
	s0 =	sadd.s32 $0xCB0, s15  }
0x93: {  	s23 =	smov.u32 @p1 s2;
	p1 =	seq.s32 s4, $0x2;
	s2 =	sadd.s32 $0x8CC0, s15  }
0x94: {  	s3 =	smov.u32 @p0 s1;
	s1 =	sadd.s32 $0xC90, s15;
	s23 =	smov.u32 @p2 s0  }
0x95: {  	s18 =	smov.u32 @p1 s2;
	s2 =	sadd.s32 $0x8CD0, s15;
	p2 =	seq.s32 s4, $0x0  }
0x96: {  	s0 =	sadd.s32 $0x8C80, s15;
	[smem:$0x7FC] =	sst s3;
	s23 =	smov.u32 @p0 s1  }
0x97: {  	p0 =	seq.s32 s4, $0x1;
	s1 =	sadd.s32 $0x8CA0, s15;
	s19 =	smov.u32 @p1 s2  }
0x98: {  	s4 =	sadd.s32 $0x8D70, s15;
	s18 =	smov.u32 @p0 s1;
	s1 =	sadd.s32 $0x8CB0, s15  }
0x99: {  	s3 =	sadd.s32 $0xE60, s15;
	s18 =	smov.u32 @p2 s0;
	s19 =	smov.u32 @p0 s1  }
0x9a: {  	s0 =	sadd.s32 $0x8C90, s15;
	s1 =	sadd.s32 $0xD40, s15;
	s5 =	spop (v2sf)  }
0x9b: {  	s19 =	smov.u32 @p2 s0;
	s0 =	sadd.s32 $0xD20, s15;
	p0 =	seq.s32 s5, $0x2  }
0x9c: {  	(v2sf) =	vpush v2, $0x7;
	p1 =	seq.s32 s5, $0x1;
	p2 =	seq.s32 s5, $0x0;
	s12 =	spop (v2sf)  }
0x9d: {  	s5 =	sadd.s32 $0x8D60, s15;
	s9 =	smov.u32 @p0 s1;
	s1 =	sadd.s32 $0xD50, s15  }
0x9e: {  	s13 =	spop (v2sf);
	s9 =	smov.u32 @p1 s0;
	s10 =	smov.u32 @p0 s1  }
0x9f: {  	(v2sf) =	vpush v3, $0x8;
	s0 =	sadd.s32 $0xD00, s15;
	s1 =	sadd.s32 $0xD30, s15;
	p0 =	seq.s32 s12, $0x2  }
0xa0: {  	s9 =	smov.u32 @p2 s0;
	s10 =	smov.u32 @p1 s1;
	s0 =	sadd.s32 $0xD10, s15  }
0xa1: {  	s1 =	sadd.s32 $0x8D40, s15;
	p1 =	seq.s32 s12, $0x1;
	s10 =	smov.u32 @p2 s0  }
0xa2: {  	s5 =	smov.u32 @p0 s1;
	s0 =	sadd.s32 $0x8D20, s15;
	s1 =	sadd.s32 $0x8D50, s15  }
0xa3: {  	p2 =	seq.s32 s12, $0x0;
	s12 =	sadd.s32 $0x8DE0, s15;
	s5 =	smov.u32 @p1 s0  }
0xa4: {  	s4 =	smov.u32 @p0 s1;
	s0 =	sadd.s32 $0x8D00, s15;
	s1 =	sadd.s32 $0x8D30, s15  }
0xa5: {  	p0 =	seq.s32 s13, $0x2;
	s5 =	smov.u32 @p2 s0;
	s4 =	smov.u32 @p1 s1  }
0xa6: {  	s0 =	sadd.s32 $0x8D10, s15;
	s1 =	sadd.s32 $0xDC0, s15;
	p1 =	seq.s32 s13, $0x1  }
0xa7: {  	s4 =	smov.u32 @p2 s0;
	s30 =	smov.u32 @p0 s1;
	s0 =	sadd.s32 $0xDA0, s15  }
0xa8: {  	s1 =	sadd.s32 $0xDD0, s15;
	p2 =	seq.s32 s13, $0x0;
	s30 =	smov.u32 @p1 s0  }
0xa9: {  	(v2sf) =	vpush v2, $0x8;
	s21 =	smov.u32 @p0 s1;
	s0 =	sadd.s32 $0xD80, s15;
	s1 =	sadd.s32 $0xDB0, s15  }
0xaa: {  	s13 =	sadd.s32 $0x8DF0, s15;
	s30 =	smov.u32 @p2 s0;
	s21 =	smov.u32 @p1 s1  }
0xab: {  	s0 =	sadd.s32 $0xD90, s15;
	s1 =	sadd.s32 $0x8DC0, s15;
	s14 =	spop (v2sf)  }
0xac: {  	s21 =	smov.u32 @p2 s0;
	s0 =	sadd.s32 $0x8DA0, s15;
	p0 =	seq.s32 s14, $0x2  }
0xad: {  	p1 =	seq.s32 s14, $0x1;
	p2 =	seq.s32 s14, $0x0;
	s12 =	smov.u32 @p0 s1  }
0xae: {  	s16 =	spop (v2sf);
	s1 =	sadd.s32 $0x8DD0, s15;
	s12 =	smov.u32 @p1 s0  }
0xaf: {  	s13 =	smov.u32 @p0 s1;
	s0 =	sadd.s32 $0x8D80, s15;
	s1 =	sadd.s32 $0x8DB0, s15  }
0xb0: {  	p0 =	seq.s32 s16, $0x2;
	s12 =	smov.u32 @p2 s0;
	s13 =	smov.u32 @p1 s1  }
0xb1: {  	s0 =	sadd.s32 $0x8D90, s15;
	s1 =	sadd.s32 $0xE40, s15;
	p1 =	seq.s32 s16, $0x1  }
0xb2: {  	s13 =	smov.u32 @p2 s0;
	s3 =	smov.u32 @p0 s1;
	s0 =	sadd.s32 $0xE20, s15  }
0xb3: {  	p2 =	seq.s32 s16, $0x0;
	s3 =	smov.u32 @p1 s0;
	s0 =	sadd.s32 $0xE00, s15  }
0xb4: {  	s3 =	smov.u32 @p2 s0  }
0xb5: {  	[smem:$0x7FD] =	sst s3  }
0xb6: {  	s20 =	sadd.s32 $0x8E60, s15;
	v6 =	vld [tilespmem:s7+$0x0]  }
0xb7: {  	s22 =	sadd.s32 $0x8E70, s15;
	s25 =	sadd.s32 $0xE70, s15;
	s2 =	sadd.s32 $0xE80, s15;
	(v2sf) =	vpush v3, $0x9;
	v7 =	vld [tilespmem:s6+$0x0]  }
0xb8: {  	s14 =	sadd.s32 $0x8EF0, s15;
	s17 =	spop (v2sf);
	s1 =	sadd.s32 $0xE50, s15;
	v12 =	vld [tilespmem:s31+$0x0]  }
0xb9: {  	s16 =	sadd.s32 $0xEE0, s15;
	s25 =	smov.u32 @p0 s1;
	s1 =	sadd.s32 $0xE30, s15;
	v17 =	vld [tilespmem:s29+$0x0]  }
0xba: {  	p0 =	seq.s32 s17, $0x2;
	s25 =	smov.u32 @p1 s1;
	s0 =	sadd.s32 $0xE10, s15;
	v20 =	vld [tilespmem:s24+$0x0]  }
0xbb: {  	(v2sf) =	vpush v2, $0x9;
	s1 =	sadd.s32 $0x8E40, s15;
	p1 =	seq.s32 s17, $0x1;
	s25 =	smov.u32 @p2 s0;
	v51 =	vld [tilespmem:s28+$0x0]  }
0xbc: {  	s20 =	smov.u32 @p0 s1;
	s0 =	sadd.s32 $0x8E20, s15;
	s1 =	sadd.s32 $0x8E50, s15;
	v23 =	vld [tilespmem:s26+$0x0]  }
0xbd: {  	p2 =	seq.s32 s17, $0x0;
	s17 =	sadd.s32 $0xEF0, s15;
	s7 =	rddreg [dreg:$0x18];
	v54 =	vld [tilespmem:s8+$0x0]  }
0xbe: {  	s20 =	smov.u32 @p1 s0;
	s22 =	smov.u32 @p0 s1;
	s6 =	rddreg [dreg:$0x16];
	v25 =	vld [tilespmem:s11+$0x0]  }
0xbf: {  	s0 =	sadd.s32 $0x8E00, s15;
	s1 =	sadd.s32 $0x8E30, s15;
	s24 =	sld [smem:$0x7F9];
	v35 =	vld [tilespmem:s9+$0x0]  }
0xc0: {  	(v2sf) =	vpush v3, $0xA;
	s31 =	sadd.s32 $0xF70, s15;
	s29 =	sadd.s32 $0x8F70, s15;
	s28 =	sld [smem:$0x7FA];
	v41 =	vld [tilespmem:s5+$0x0]  }
0xc1: {  	s26 =	sadd.s32 $0xFF0, s15;
	s8 =	sadd.s32 $0x8FE0, s15;
	s11 =	sld [smem:$0x7FC];
	v42 =	vld [tilespmem:s4+$0x0]  }
0xc2: {  	s9 =	sadd.s32 $0x1060, s15;
	s4 =	sadd.s32 $0x1070, s15;
	v8 =	vld [tilespmem:s7+$0x0];
	s7 =	rddreg [dreg:$0x1c]  }
0xc3: {  	s5 =	sadd.s32 $0x9060, s15;
	s20 =	smov.u32 @p2 s0;
	v9 =	vld [tilespmem:s6+$0x0];
	s6 =	rddreg [dreg:$0x1e]  }
0xc4: {  	s22 =	smov.u32 @p1 s1;
	s0 =	sadd.s32 $0x8E10, s15;
	v13 =	vld [tilespmem:s6+$0x0];
	s6 =	sld [smem:$0x7F7]  }
0xc5: {  	s1 =	sadd.s32 $0xEC0, s15;
	s22 =	smov.u32 @p2 s0;
	s0 =	sadd.s32 $0xEA0, s15;
	v10 =	vld [tilespmem:s7+$0x0]  }
0xc6: {  	s7 =	sadd.s32 $0xF60, s15;
	v21 =	vld [tilespmem:s28+$0x0];
	s28 =	sld [smem:$0x7FB];
	s3 =	spop (v2sf)  }
0xc7: {  	v16 =	vld [tilespmem:s6+$0x0];
	s6 =	rddreg [dreg:$0x1f];
	p0 =	seq.s32 s3, $0x2;
	p1 =	seq.s32 s3, $0x1  }
0xc8: {  	p3 =	seq.s32 s3, $0x0;
	s16 =	smov.u32 @p0 s1;
	s1 =	sadd.s32 $0xED0, s15  }
0xc9: {  	s3 =	sadd.s32 $0x8EE0, s15;
	s16 =	smov.u32 @p1 s0;
	s17 =	smov.u32 @p0 s1  }
0xca: {  	(v2sf) =	vpush v2, $0xA;
	s1 =	sadd.s32 $0xEB0, s15;
	s0 =	spop (v2sf);
	s16 =	smov.u32 @p3 s2  }
0xcb: {  	s17 =	smov.u32 @p1 s1;
	p2 =	seq.s32 s0, $0x2;
	s1 =	sadd.s32 $0xE90, s15  }
0xcc: {  	s2 =	sadd.s32 $0x8EC0, s15;
	p1 =	seq.s32 s0, $0x1;
	p0 =	seq.s32 s0, $0x0  }
0xcd: {  	s17 =	smov.u32 @p3 s1;
	s3 =	smov.u32 @p2 s2;
	s1 =	sadd.s32 $0x8EA0, s15  }
0xce: {  	(v2sf) =	vpush v3, $0xB;
	s0 =	sadd.s32 $0x8E80, s15;
	s2 =	sadd.s32 $0x8ED0, s15;
	s3 =	smov.u32 @p1 s1  }
0xcf: {  	v38 =	vld [tilespmem:s10+$0x0];
	s14 =	smov.u32 @p2 s2;
	s1 =	sadd.s32 $0x8EB0, s15;
	s2 =	spop (v2sf)  }
0xd0: {  	v48 =	vld [tilespmem:s24+$0x0];
	(v2sf) =	vpush v2, $0xB;
	s3 =	smov.u32 @p0 s0;
	s14 =	smov.u32 @p1 s1;
	s1 =	rddreg [dreg:$0x1a]  }
0xd1: {  	p2 =	seq.s32 s2, $0x2;
	s0 =	sadd.s32 $0x8E90, s15;
	v11 =	vld [tilespmem:s1+$0x0];
	s1 =	sadd.s32 $0xF40, s15  }
0xd2: {  	v4 =	vld [tilespmem:$0x10A00];
	v14 =	vmul.f32 v6, v6;
	v19 =	vmul.f32 v12, v12;
	p1 =	seq.s32 s2, $0x1;
	s7 =	smov.u32 @p2 s1;
	s1 =	sadd.s32 $0xF50, s15  }
0xd3: {  	v5 =	vld [tilespmem:$0x10A10];
	v58 =	vmul.f32 v20, v20;
	v18 =	vmul.f32 v10, v10;
	s14 =	smov.u32 @p0 s0;
	s31 =	smov.u32 @p2 s1;
	s1 =	sadd.s32 $0xF30, s15  }
0xd4: {  	v62 =	vld [tilespmem:s11+$0x0];
	v32 =	vsub.f32 v23, v54;
	v40 =	vmul.f32 v25, v25;
	v28 =	vsub.f32 v38, v42;
	p0 =	seq.s32 s2, $0x0;
	s31 =	smov.u32 @p1 s1;
	s1 =	sadd.s32 $0xF10, s15  }
0xd5: {  	s10 =	sadd.s32 $0x9070, s15;
	v15 =	vmul.f32 v8, v8;
	v6 =	vsub.f32 v6, v8;
	v45 =	vld [tilespmem:s6+$0x0];
	v18 =	vadd.f32 v19, v18;
	s31 =	smov.u32 @p0 s1;
	s1 =	sld [smem:$0x7F8]  }
0xd6: {  	s24 =	sadd.s32 $0xFE0, s15;
	s11 =	sadd.s32 $0x8FF0, s15;
	v24 =	vld [tilespmem:s28+$0x0];
	v60 =	vmul.f32 v48, v48;
	v19 =	vsub.f32 v48, v21;
	v52 =	vsub.f32 v16, v17;
	s0 =	sadd.s32 $0xF20, s15  }
0xd7: {  	s6 =	sadd.s32 $0x8F60, s15;
	v48 =	vld [tilespmem:s21+$0x0];
	s7 =	smov.u32 @p1 s0;
	s0 =	sadd.s32 $0xF00, s15;
	v47 =	vsub.f32 v11, v13;
	v11 =	vmul.f32 v11, v11;
	v13 =	vmul.f32 v13, v13  }
0xd8: {  	v44 =	vsub.f32 v7, v9;
	v7 =	vmul.f32 v7, v7;
	v9 =	vmul.f32 v9, v9;
	s21 =	sld [smem:$0x7FD];
	s7 =	smov.u32 @p0 s0;
	s0 =	sadd.s32 $0x8F40, s15;
	v46 =	vld [tilespmem:s1+$0x0]  }
0xd9: {  	v10 =	vsub.f32 v10, v12;
	s2 =	spop (v2sf);
	s1 =	sadd.s32 $0x8F50, s15;
	v11 =	vadd.f32 v13, v11;
	v13 =	vmul.f32 v52, v52;
	v52 =	vld [tilespmem:s13+$0x0];
	s13 =	sadd.s32 $0x10F0, s15  }
0xda: {  	v12 =	vsub.f32 v20, v51;
	v36 =	vmul.f32 v32, v32;
	v14 =	vadd.f32 v15, v14;
	p2 =	seq.s32 s2, $0x2;
	p1 =	seq.s32 s2, $0x1;
	p0 =	seq.s32 s2, $0x0  }
0xdb: {  	v6 =	vmul.f32 v6, v6;
	v8 =	vmul.f32 v44, v44;
	v26 =	vsub.f32 v24, v25;
	s6 =	smov.u32 @p2 s0;
	s0 =	sadd.s32 $0x8F20, s15;
	s29 =	smov.u32 @p2 s1  }
0xdc: {  	v49 =	vmul.f32 v10, v10;
	v18 =	vmul.f32 v18, v4;
	(v2sf) =	vpush v3, $0xC;
	s1 =	sadd.s32 $0x8F30, s15;
	s6 =	smov.u32 @p1 s0;
	s0 =	sadd.s32 $0x8F00, s15  }
0xdd: {  	v63 =	vld [tilespmem:s23+$0x0];
	v7 =	vadd.f32 v9, v7;
	v37 =	vmul.f32 v26, v26;
	v11 =	vmul.f32 v11, v5;
	s2 =	spop (v2sf);
	s29 =	smov.u32 @p1 s1;
	s1 =	sadd.s32 $0xFC0, s15  }
0xde: {  	v27 =	vld [tilespmem:s19+$0x0];
	v30 =	vmul.f32 v12, v12;
	v16 =	vmul.f32 v16, v16;
	(v2sf) =	vpush v2, $0xC;
	s6 =	smov.u32 @p0 s0;
	p1 =	seq.s32 s2, $0x2;
	s0 =	sadd.s32 $0x8F10, s15  }
0xdf: {  	v17 =	vmul.f32 v17, v17;
	p2 =	seq.s32 s2, $0x1;
	s28 =	spop (v2sf);
	v9 =	vadd.f32 v11, v18;
	v11 =	vadd.f32 v37, v36;
	v37 =	vld [tilespmem:s3+$0x0];
	s3 =	sadd.s32 $0x90E0, s15  }
0xe0: {  	v6 =	vadd.f32 v8, v6;
	v15 =	vmul.f32 v45, v45;
	(v2sf) =	vpush v3, $0xD;
	s29 =	smov.u32 @p0 s0;
	s24 =	smov.u32 @p1 s1;
	s0 =	sadd.s32 $0xFA0, s15  }
0xe1: {  	v31 =	vld [tilespmem:s18+$0x0];
	v19 =	vmul.f32 v19, v19;
	v39 =	vmul.f32 v24, v24;
	v16 =	vadd.f32 v17, v16;
	s1 =	sadd.s32 $0xFD0, s15;
	p0 =	seq.s32 s2, $0x0;
	s2 =	sadd.s32 $0x90F0, s15  }
0xe2: {  	v50 =	vmul.f32 v47, v47;
	(v2sf) =	vpush v2, $0xD;
	v55 =	vmul.f32 v46, v46;
	s24 =	smov.u32 @p2 s0;
	s26 =	smov.u32 @p1 s1;
	s0 =	sadd.s32 $0xF80, s15  }
0xe3: {  	v22 =	vsub.f32 v45, v46;
	v45 =	vmul.f32 v63, v63;
	v46 =	vmul.f32 v27, v27;
	s1 =	sadd.s32 $0xFB0, s15;
	p1 =	seq.s32 s28, $0x0;
	s24 =	smov.u32 @p0 s0  }
0xe4: {  	v17 =	vmul.f32 v54, v54;
	v54 =	vmul.f32 v28, v28;
	v10 =	vadd.f32 v50, v49;
	s26 =	smov.u32 @p2 s1;
	p2 =	seq.s32 s28, $0x2;
	s0 =	sadd.s32 $0xF90, s15  }
0xe5: {  	v53 =	vmul.f32 v22, v22;
	v57 =	vadd.f32 v55, v15;
	s1 =	sadd.s32 $0x8FC0, s15;
	v20 =	vadd.f32 v46, v45;
	v45 =	vld [tilespmem:s6+$0x0];
	s6 =	sadd.s32 $0x1140, s15;
	s26 =	smov.u32 @p0 s0  }
0xe6: {  	v56 =	vmul.f32 v16, v4;
	v18 =	vsub.f32 v62, v31;
	v15 =	vsub.f32 v63, v27;
	s8 =	smov.u32 @p2 s1;
	p0 =	seq.s32 s28, $0x1;
	s0 =	sadd.s32 $0x8FA0, s15  }
0xe7: {  	v49 =	vsub.f32 v35, v41;
	s1 =	sadd.s32 $0x8FD0, s15;
	v8 =	vadd.f32 v53, v13;
	v13 =	vmul.f32 v57, v5;
	s8 =	smov.u32 @p0 s0;
	s0 =	sadd.s32 $0x8F80, s15  }
0xe8: {  	v18 =	vmul.f32 v18, v18;
	s11 =	smov.u32 @p2 s1;
	s1 =	sadd.s32 $0x8FB0, s15;
	v15 =	vmul.f32 v15, v15;
	s8 =	smov.u32 @p1 s0  }
0xe9: {  	v53 =	vmul.f32 v49, v49;
	s11 =	smov.u32 @p0 s1;
	s0 =	sadd.s32 $0x8F90, s15;
	s1 =	sadd.s32 $0x1040, s15;
	v12 =	vadd.f32 v13, v56;
	v13 =	vadd.f32 v19, v30;
	v30 =	vld [tilespmem:s12+$0x0]  }
0xea: {  	v59 =	vmul.f32 v51, v51;
	s11 =	smov.u32 @p1 s0;
	s0 =	sadd.s32 $0x1020, s15;
	v19 =	vadd.f32 v40, v39;
	s12 =	sadd.s32 $0x10E0, s15;
	v40 =	vld [tilespmem:s7+$0x0]  }
0xeb: {  	v29 =	vmul.f32 v35, v35;
	v18 =	vadd.f32 v15, v18;
	v15 =	vadd.f32 v54, v53;
	s7 =	sadd.s32 $0x1100, s15;
	v53 =	vld [tilespmem:s8+$0x0];
	s8 =	sadd.s32 $0x9140, s15;
	s28 =	spop (v2sf)  }
0xec: {  	v14 =	vmul.f32 v14, v4;
	v7 =	vmul.f32 v7, v5;
	p0 =	seq.s32 s28, $0x2;
	p2 =	seq.s32 s28, $0x1;
	p1 =	seq.s32 s28, $0x0  }
0xed: {  	v61 =	vmul.f32 v21, v21;
	v43 =	vmul.f32 v62, v62;
	v62 =	vld [tilespmem:s22+$0x0];
	s18 =	spop (v2sf);
	s9 =	smov.u32 @p0 s1;
	s1 =	sadd.s32 $0x1050, s15  }
0xee: {  	v24 =	vmul.f32 v41, v41;
	v7 =	vadd.f32 v7, v14;
	v14 =	vadd.f32 v59, v58;
	v57 =	vld [tilespmem:s25+$0x0];
	s9 =	smov.u32 @p2 s0;
	s0 =	sadd.s32 $0x1000, s15;
	s4 =	smov.u32 @p0 s1  }
0xef: {  	v23 =	vmul.f32 v23, v23;
	v44 =	vmul.f32 v31, v31;
	v16 =	vadd.f32 v61, v60;
	s1 =	sadd.s32 $0x1030, s15;
	p0 =	seq.s32 s18, $0x0;
	s19 =	spop (v2sf)  }
0xf0: {  	v25 =	vmul.f32 v42, v42;
	v24 =	vadd.f32 v24, v29;
	v33 =	vmul.f32 v14, v4;
	v47 =	vld [tilespmem:s30+$0x0];
	s9 =	smov.u32 @p1 s0;
	s0 =	sadd.s32 $0x1010, s15;
	s4 =	smov.u32 @p2 s1  }
0xf1: {  	v21 =	vadd.f32 v44, v43;
	v60 =	vmul.f32 v48, v48;
	v34 =	vmul.f32 v16, v5;
	v41 =	vld [tilespmem:s31+$0x0];
	s1 =	sadd.s32 $0x9040, s15;
	p2 =	seq.s32 s18, $0x2;
	s23 =	spop (v2sf)  }
0xf2: {  	v17 =	vadd.f32 v17, v23;
	v31 =	vld [tilespmem:s20+$0x0];
	v61 =	vmul.f32 v52, v52;
	v55 =	vmul.f32 v24, v4;
	s4 =	smov.u32 @p1 s0;
	p1 =	seq.s32 s18, $0x1;
	s5 =	smov.u32 @p2 s1  }
0xf3: {  	v32 =	vmul.f32 v57, v57;
	v24 =	vsub.f32 v57, v62;
	(v2sf) =	vpush v3, $0xE;
	s0 =	sadd.s32 $0x9020, s15;
	s1 =	sadd.s32 $0x9050, s15;
	v57 =	vld [tilespmem:s9+$0x0];
	s9 =	sadd.s32 $0x11C0, s15  }
0xf4: {  	v17 =	vmul.f32 v17, v4;
	v14 =	vadd.f32 v34, v33;
	v63 =	vld [tilespmem:s16+$0x0];
	v34 =	vadd.f32 v61, v60;
	s5 =	smov.u32 @p1 s0;
	s0 =	sadd.s32 $0x9000, s15;
	s10 =	smov.u32 @p2 s1  }
0xf5: {  	v50 =	vmul.f32 v21, v4;
	v22 =	vmul.f32 v38, v38;
	(v2sf) =	vpush v2, $0xE;
	s1 =	sadd.s32 $0x9030, s15;
	p2 =	seq.s32 s19, $0x2;
	v60 =	vld [tilespmem:s4+$0x0];
	s4 =	sadd.s32 $0x9170, s15  }
0xf6: {  	v58 =	vmul.f32 v47, v47;
	v27 =	vmul.f32 v34, v5;
	v34 =	vld [tilespmem:s29+$0x0];
	s5 =	smov.u32 @p0 s0;
	s0 =	sadd.s32 $0x9010, s15;
	s10 =	smov.u32 @p1 s1  }
0xf7: {  	v26 =	vmul.f32 v41, v41;
	v51 =	vmul.f32 v20, v5;
	v22 =	vadd.f32 v25, v22;
	v49 =	vld [tilespmem:s24+$0x0];
	s1 =	sadd.s32 $0x10C0, s15;
	p1 =	seq.s32 s19, $0x1;
	s10 =	smov.u32 @p0 s0  }
0xf8: {  	v20 =	vsub.f32 v48, v52;
	v33 =	vmul.f32 v62, v62;
	v56 =	vld [tilespmem:s21+$0x0];
	(v2sf) =	vpush v3, $0xF;
	p0 =	seq.s32 s19, $0x0;
	s12 =	smov.u32 @p2 s1;
	s0 =	sadd.s32 $0x10A0, s15  }
0xf9: {  	v28 =	vmul.f32 v37, v37;
	v19 =	vmul.f32 v19, v5;
	s1 =	sadd.s32 $0x10D0, s15;
	v61 =	vld [tilespmem:s5+$0x0];
	s5 =	sadd.s32 $0x11E0, s15;
	s12 =	smov.u32 @p1 s0  }
0xfa: {  	v22 =	vmul.f32 v22, v5;
	v20 =	vmul.f32 v20, v20;
	v44 =	vsub.f32 v63, v37;
	s0 =	sadd.s32 $0x1080, s15;
	s13 =	smov.u32 @p2 s1;
	s1 =	sadd.s32 $0x10B0, s15  }
0xfb: {  	v39 =	vmul.f32 v31, v31;
	v54 =	vsub.f32 v41, v34;
	v16 =	vadd.f32 v19, v17;
	p2 =	seq.s32 s23, $0x2;
	s12 =	smov.u32 @p0 s0;
	s13 =	smov.u32 @p1 s1  }
0xfc: {  	v36 =	vld [tilespmem:s17+$0x0];
	v17 =	vadd.f32 v51, v50;
	v19 =	vadd.f32 v22, v55;
	v55 =	vmul.f32 v34, v34;
	s0 =	sadd.s32 $0x1090, s15;
	s1 =	sadd.s32 $0x90C0, s15;
	p1 =	seq.s32 s23, $0x1  }
0xfd: {  	v34 =	vmul.f32 v49, v49;
	v59 =	vmul.f32 v30, v30;
	v23 =	vsub.f32 v47, v30;
	v3 =	vld [tilespmem:s14+$0x0];
	s13 =	smov.u32 @p0 s0;
	s0 =	sadd.s32 $0x90A0, s15;
	s3 =	smov.u32 @p2 s1  }
0xfe: {  	v38 =	vmul.f32 v56, v56;
	v31 =	vsub.f32 v56, v31;
	v43 =	vadd.f32 v33, v32;
	p0 =	seq.s32 s23, $0x0;
	s1 =	sadd.s32 $0x90D0, s15;
	s3 =	smov.u32 @p1 s0  }
0xff: {  	(xrf2) =	vadd.scan.msk.f32 $0xffff, v6;
	v30 =	vmul.f32 v63, v63;
	v24 =	vmul.f32 v24, v24;
	v52 =	vsub.f32 v40, v45;
	s0 =	sadd.s32 $0x9080, s15;
	s2 =	smov.u32 @p2 s1;
	s1 =	sadd.s32 $0x90B0, s15  }
0x100: {  	(xrf2) =	vadd.scan.msk.f32 $0xffff, v7;
	v32 =	vmul.f32 v45, v45;
	v7 =	vmul.f32 v54, v54;
	v62 =	vsub.f32 v49, v53;
	s3 =	smov.u32 @p0 s0;
	s2 =	smov.u32 @p1 s1;
	s0 =	sadd.s32 $0x9090, s15  }
0x101: {  	v25 =	vadd.f32 v59, v58;
	v35 =	vmul.f32 v23, v23;
	v22 =	vadd.f32 v39, v38;
	v63 =	vld [tilespmem:s10+$0x0];
	s10 =	sadd.s32 $0x11D0, s15;
	s1 =	sadd.s32 $0x1120, s15;
	s2 =	smov.u32 @p0 s0  }
0x102: {  	v23 =	vmul.f32 v36, v36;
	v46 =	vsub.f32 v36, v3;
	v3 =	vmul.f32 v3, v3;
	s0 =	sadd.s32 $0x1160, s15;
	v41 =	vld [tilespmem:s3+$0x0];
	s3 =	sadd.s32 $0x11F0, s15;
	s25 =	spop (v2sf)  }
0x103: {  	v25 =	vmul.f32 v25, v4;
	(v2sf) =	vpush v2, $0xF;
	v2 =	vmul.f32 v44, v44;
	v44 =	vld [tilespmem:s2+$0x0];
	s2 =	sadd.s32 $0x11B0, s15;
	p0 =	seq.s32 s25, $0x0;
	p2 =	seq.s32 s25, $0x2  }
0x104: {  	v50 =	vld [tilespmem:s26+$0x0];
	v42 =	vmul.f32 v31, v31;
	v28 =	vadd.f32 v28, v30;
	v3 =	vadd.f32 v3, v23;
	p1 =	seq.s32 s25, $0x1;
	s26 =	spop (v2sf);
	s0 =	smov.u32 @p2 s6  }
0x105: {  	(xrf2) =	vadd.scan.msk.f32 $0xffff, v10;
	v21 =	vadd.f32 v27, v25;
	v25 =	vmul.f32 v40, v40;
	v48 =	vmul.f32 v46, v46;
	s6 =	sadd.s32 $0x1150, s15;
	s0 =	smov.u32 @p1 s1;
	s1 =	sadd.s32 $0x1170, s15  }
0x106: {  	(xrf2) =	vadd.scan.msk.f32 $0xffff, v9;
	v56 =	vld [tilespmem:s11+$0x0];
	v59 =	vadd.f32 v55, v26;
	v51 =	vmul.f32 v28, v4;
	v3 =	vmul.f32 v3, v5;
	s1 =	smov.u32 @p2 s6;
	s6 =	sadd.s32 $0x1130, s15;
	s0 =	smov.u32 @p0 s7  }
0x107: {  	(xrf2) =	vadd.scan.msk.f32 $0xffff, v8;
	v58 =	vadd.f32 v32, v25;
	v23 =	vadd.f32 v48, v2;
	v2 =	vmul.f32 v52, v52;
	p2 =	seq.s32 s26, $0x2;
	s7 =	sadd.s32 $0x9120, s15;
	s28 =	spop (v2sf)  }
0x108: {  	(xrf2) =	vadd.scan.msk.f32 $0xffff, v12;
	v29 =	vmul.f32 v43, v5;
	v20 =	vadd.f32 v20, v35;
	v12 =	vadd.f32 v3, v51;
	s1 =	smov.u32 @p1 s6;
	s6 =	sadd.s32 $0x1110, s15;
	p1 =	seq.s32 s26, $0x1  }
0x109: {  	(xrf2) =	vadd.scan.msk.f32 $0xffff, v13;
	v3 =	vmul.f32 v59, v5;
	v28 =	vadd.f32 v7, v2;
	v2 =	vmul.f32 v58, v4;
	s1 =	smov.u32 @p0 s6;
	s6 =	sadd.s32 $0x9160, s15;
	p0 =	seq.s32 s26, $0x0  }
0x10a: {  	(xrf2) =	vadd.scan.msk.f32 $0xffff, v14;
	v47 =	vmul.f32 v22, v4;
	v22 =	vadd.f32 v24, v42;
	v35 =	vmul.f32 v53, v53;
	s6 =	smov.u32 @p2 s8;
	s8 =	sadd.s32 $0x9150, s15;
	v54 =	vld [tilespmem:s1+$0x0];
	s1 =	sadd.s32 $0x91A0, s15  }
0x10b: {  	(xrf2) =	vadd.scan.msk.f32 $0xffff, v11;
	v36 =	vld [tilespmem:s12+$0x0];
	v11 =	vadd.f32 v3, v2;
	v2 =	vmul.f32 v50, v50;
	v3 =	vmul.f32 v56, v56;
	s6 =	smov.u32 @p1 s7;
	s4 =	smov.u32 @p2 s8;
	s7 =	sadd.s32 $0x9130, s15  }
0x10c: {  	v6 =	vmul.f32 v62, v62;
	v38, _, _ =	vpop (xrf2);
	v9 =	vadd.f32 v35, v34;
	v32 =	vsub.f32 v50, v56;
	s8 =	sadd.s32 $0x9100, s15;
	p2 =	seq.s32 s28, $0x2;
	s4 =	smov.u32 @p1 s7  }
0x10d: {  	(xrf2) =	vadd.scan.msk.f32 $0xffff, v16;
	v13 =	vbroadcast v38, $0xF;
	v37 =	vld [tilespmem:s13+$0x0];
	v39 =	vadd.f32 v3, v2;
	v3 =	vmul.f32 v57, v57;
	s7 =	sadd.s32 $0x9110, s15;
	s6 =	smov.u32 @p0 s8;
	s8 =	sadd.s32 $0x11A0, s15  }
0x10e: {  	(xrf2) =	vadd.scan.msk.f32 $0xffff, v18;
	v9 =	vmul.f32 v9, v4;
	v8 =	vmul.f32 v32, v32;
	v43 =	vsub.f32 v60, v63;
	p1 =	seq.s32 s28, $0x1;
	s5 =	smov.u32 @p2 s9;
	s3 =	smov.u32 @p2 s10  }
0x10f: {  	v10 =	vadd.f32 v29, v47;
	v47 =	vmul.f32 v60, v60;
	v40 =	vmul.f32 v61, v61;
	s9 =	sadd.s32 $0x91E0, s15;
	s4 =	smov.u32 @p0 s7;
	s7 =	sadd.s32 $0x1180, s15;
	v2, _, _ =	vpop (xrf2);
	(xrf2) =	vadd.scan.msk.f32 $0xffff, v17  }
0x110: {  	v42 =	vsub.f32 v57, v61;
	v53 =	vmul.f32 v43, v43;
	v14 =	vmul.f32 v36, v36;
	p0 =	seq.s32 s28, $0x0;
	s5 =	smov.u32 @p1 s8;
	s8 =	sadd.s32 $0x1190, s15;
	v45, _, _ =	vpop (xrf2);
	(xrf2) =	vadd.scan.msk.f32 $0xffff, v15  }
0x111: {  	v48 =	vadd.f32 v8, v6;
	v7 =	vmul.f32 v63, v63;
	v46 =	vadd.f32 v40, v3;
	s3 =	smov.u32 @p1 s2;
	s2 =	sadd.s32 $0x9180, s15;
	v56 =	vld [tilespmem:s6+$0x0];
	s6 =	sadd.s32 $0x91D0, s15;
	v3, _, _ =	vpop (xrf2);
	(xrf2) =	vadd.scan.msk.f32 $0xffff, v19  }
0x112: {  	v24 =	vmul.f32 v37, v37;
	v55 =	vsub.f32 v36, v41;
	v27 =	vmul.f32 v41, v41;
	s5 =	smov.u32 @p0 s7;
	s3 =	smov.u32 @p0 s8;
	v52, _, _ =	vpop (xrf2);
	(xrf2) =	vadd.scan.msk.f32 $0xffff, v20;
	s29 =	spop (v2sf)  }
0x113: {  	v51 =	vld [tilespmem:s0+$0x0];
	v29 =	vmul.f32 v44, v44;
	v18 =	vadd.f32 v7, v47;
	v49 =	vmul.f32 v39, v5;
	s7 =	sadd.s32 $0x91B0, s15;
	s8 =	sadd.s32 $0x91C0, s15;
	v6, _, _ =	vpop (xrf2);
	(xrf2) =	vadd.scan.msk.f32 $0xffff, v21;
	p2 =	seq.s32 s29, $0x2  }
0x114: {  	v59 =	vsub.f32 v37, v44;
	v50 =	vmul.f32 v42, v42;
	v14 =	vadd.f32 v27, v14;
	v57 =	vld [tilespmem:s4+$0x0];
	s4 =	sadd.s32 $0x91F0, s15;
	v58, _, _ =	vpop (xrf2);
	(xrf2) =	vadd.scan.msk.f32 $0xffff, v22;
	p1 =	seq.s32 s29, $0x1;
	s9 =	smov.u32 @p2 s8  }
0x115: {  	v62 =	vadd.f32 v29, v24;
	v18 =	vmul.f32 v18, v5;
	v60 =	vadd.f32 v49, v9;
	v9 =	vld [tilespmem:s5+$0x0];
	v7, _, _ =	vpop (xrf2);
	(xrf2) =	vadd.scan.msk.f32 $0xffff, v10;
	p0 =	seq.s32 s29, $0x0;
	s4 =	smov.u32 @p2 s6;
	s9 =	smov.u32 @p1 s1  }
0x116: {  	s0 =	sadd.s32 $0x9190, s15;
	v24 =	vld [tilespmem:s3+$0x0];
	v21 =	vmul.f32 v55, v55;
	v22 =	vmul.f32 v59, v59;
	v61, _, _ =	vpop (xrf2);
	(xrf2) =	vadd.scan.msk.f32 $0xffff, v23;
	s4 =	smov.u32 @p1 s7;
	s9 =	smov.u32 @p0 s2  }
0x117: {  	v63 =	vadd.f32 v53, v50;
	v14 =	vmul.f32 v14, v4;
	v37 =	vmul.f32 v62, v5;
	v8, _, _ =	vpop (xrf2);
	(xrf2) =	vadd.scan.msk.f32 $0xffff, v12;
	s4 =	smov.u32 @p0 s0;
	v16 =	vld [tilespmem:s9+$0x0]  }
0x118: {  	v17 =	vmul.f32 v51, v51;
	v15 =	vmul.f32 v46, v4;
	v36 =	vadd.f32 v22, v21;
	v35, _, _ =	vpop (xrf2);
	(xrf2) =	vadd.scan.msk.f32 $0xffff, v28;
	v22 =	vld [tilespmem:s4+$0x0]  }
0x119: {  	v14 =	vadd.f32 v37, v14;
	v26 =	vmul.f32 v54, v54;
	v39 =	vmul.f32 v56, v56;
	v23, _, _ =	vpop (xrf2);
	(xrf2) =	vadd.scan.msk.f32 $0xffff, v11  }
0x11a: {  	v38 =	vsub.f32 v51, v56;
	v41 =	vsub.f32 v54, v57;
	v42 =	vmul.f32 v57, v57;
	v40, _, _ =	vpop (xrf2);
	(xrf2) =	vadd.scan.msk.f32 $0xffff, v48  }
0x11b: {  	v43 =	vbroadcast v45, $0xF;
	v15 =	vadd.f32 v18, v15;
	v17 =	vadd.f32 v39, v17;
	v31, _, _ =	vpop (xrf2);
	(xrf2) =	vadd.scan.msk.f32 $0xffff, v60  }
0x11c: {  	v45 =	vmul.f32 v41, v41;
	v46 =	vadd.f32 v42, v26;
	v11 =	vmul.f32 v38, v38;
	v44, _, _ =	vpop (xrf2);
	(xrf2) =	vadd.scan.msk.f32 $0xffff, v63  }
0x11d: {  	v25 =	vbroadcast v52, $0xF;
	v26, _, _ =	vpop (xrf2);
	(xrf2) =	vadd.scan.msk.f32 $0xffff, v15;
	v47 =	vsub.f32 v9, v16;
	v48 =	vsub.f32 v24, v22  }
0x11e: {  	v50 =	vmul.f32 v17, v4;
	v51 =	vmul.f32 v46, v5;
	v11 =	vadd.f32 v45, v11;
	v49, _, _ =	vpop (xrf2);
	(xrf2) =	vadd.scan.msk.f32 $0xffff, v36  }
0x11f: {  	v19, _, _ =	vpop (xrf2);
	(xrf2) =	vadd.scan.msk.f32 $0xffff, v14;
	v52 =	vmul.f32 v47, v47;
	v53 =	vmul.f32 v48, v48  }
0x120: {  	v10 =	vsel vm0, v13, v43;
	v55 =	vbroadcast v58, $0xF;
	v12 =	vadd.f32 v51, v50;
	v54, _, _ =	vpop (xrf2);
	(xrf2) =	vadd.scan.msk.f32 $0xffff, v11  }
0x121: {  	v10 =	vsel vm1, v10, v25;
	v56 =	vbroadcast v61, $0xF;
	v17, _, _ =	vpop (xrf2);
	v14 =	vadd.f32 v53, v52  }
0x122: {  	v10 =	vsel vm2, v10, v55;
	v58 =	vbroadcast v35, $0xF;
	(xrf2) =	vadd.scan.msk.f32 $0xffff, v12;
	v57, _, _ =	vpop (xrf2)  }
0x123: {  	v10 =	vsel vm3, v10, v56;
	v59 =	vbroadcast v40, $0xF;
	v60, _, _ =	vpop (xrf2);
	(xrf2) =	vadd.scan.msk.f32 $0xffff, v14  }
0x124: {  	v10 =	vsel vm4, v10, v58;
	v62 =	vbroadcast v44, $0xF;
	v61, _, _ =	vpop (xrf2)  }
0x125: {  	v10 =	vsel vm5, v10, v59;
	v25 =	vbroadcast v49, $0xF;
	v63, _, _ =	vpop (xrf2)  }
0x126: {  	v10 =	vsel vm6, v10, v62;
	v28 =	vbroadcast v54, $0xF;
	v27, _, _ =	vpop (xrf2)  }
0x127: {  	v10 =	vsel vm7, v10, v25;
	v11 =	vbroadcast v57, $0xF;
	v29, _, _ =	vpop (xrf2)  }
0x128: {  	v10 =	vsel vm8, v10, v28;
	v32 =	vbroadcast v61, $0xF;
	v30, _, _ =	vpop (xrf2)  }
0x129: {  	v10 =	vsel vm9, v10, v11;
	v34 =	vbroadcast v27, $0xF;
	v33, _, _ =	vpop (xrf2)  }
0x12a: {  	v10 =	vsel vm10, v10, v32;
	v36 =	vbroadcast v30, $0xF;
	v35, _, _ =	vpop (xrf2)  }
0x12b: {  	v10 =	vsel vm11, v10, v34;
	v37 =	vbroadcast v35, $0xF  }
0x12c: {  	v38, _, _ =	vpop (xrf2);
	v10 =	vsel vm12, v10, v36  }
0x12d: {  	v10 =	vsel vm13, v10, v37;
	v39, _, _ =	vpop (xrf2)  }
0x12e: {  	v10 =	vsel vm14, v10, v39  }
0x12f: {  	v10 =	vmax.f32 v10, $1.000000000e-30  }
0x130: {  	v40 =	vshrl.u32 v10, $0x1;
	v41 =	vmul.f32 $5.000000000e-01, v10  }
0x131: {  	v11 =	vsub.s32 $0x5F3759DF, v40  }
0x132: {  	v42 =	vmul.f32 v11, v41;
	_ =	sdelay $0x1  }
0x133: {  	v21 =	vmul.f32 v11, v42;
	_ =	sdelay $0x1  }
0x134: {  	v21 =	vsub.f32 $1.500000000e+00, v21;
	_ =	sdelay $0x1  }
0x135: {  	v11 =	vmul.f32 v11, v21;
	_ =	sdelay $0x1  }
0x136: {  	v12 =	vmul.f32 v11, v41;
	_ =	sdelay $0x1  }
0x137: {  	v12 =	vmul.f32 v12, v11;
	_ =	sdelay $0x1  }
0x138: {  	v12 =	vsub.f32 $1.500000000e+00, v12  }
0x139: {  	s31 =	rddreg [dreg:$0x14]  }
0x13a: {  	v43 =	vld [tilespmem:s31+$0x800];
	v11 =	vmul.f32 v12, v11;
	_ =	sdelay $0x1  }
0x13b: {  	v10 =	vmul.f32 v11, v10;
	_ =	sdelay $0x1  }
0x13c: {  	v11 =	vsub.f32 v10, v0;
	v10 =	vsub.f32 v0, v10  }
0x13d: {  	vm15 =	veq.s32 v43, $0x1  }
0x13e: {  	v10 =	vsel vm15, v11, v10  }
0x13f: {  	v11 =	vand.u32 $0x7FFFFFFF, v10  }
0x140: {  	v11 =	vsub.f32 $0.0e+00, v11;
	_ =	sdelay $0x1  }
0x141: {  	v11 =	vmul.f32 $1.442695020e+00, v11;
	_ =	sdelay $0x1  }
0x142: {  	(erf) = vpow2.f32 v11;
	_ =	sdelay $0x8  }
0x143: {  	v11 =	vpop (erf)  }
0x144: {  	v44 =	vadd.f32 $2.000000000e+00, v11;
	_ =	sdelay $0x1  }
0x145: {  	(erf) = vrcp.f32 v44;
	_ =	sdelay $0x8  }
0x146: {  	v12 =	vpop (erf)  }
0x147: {  	v11 =	vmul.f32 v12, v11;
	_ =	sdelay $0x1  }
0x148: {  	v45 =	vmul.f32 v24, v24;
	v12 =	vmul.f32 v11, v11  }
0x149: {  	v9 =	vmul.f32 v9, v9;
	v16 =	vmul.f32 v16, v16  }
0x14a: {  	v22 =	vmul.f32 v22, v22;
	v46 =	vmul.f32 $1.111111120e-01, v12  }
0x14b: {  	v2 =	vbroadcast v2, $0xF;
	v3 =	vbroadcast v3, $0xF;
	v9 =	vadd.f32 v16, v9  }
0x14c: {  	v6 =	vbroadcast v6, $0xF;
	v47 =	vadd.f32 v22, v45;
	v48 =	vadd.f32 $1.428571490e-01, v46  }
0x14d: {  	v2 =	vsel vm0, v2, v3;
	v49 =	vbroadcast v7, $0xF;
	v3 =	vmul.f32 v9, v4  }
0x14e: {  	v2 =	vsel vm1, v2, v6;
	v5 =	vmul.f32 v47, v5;
	v50 =	vmul.f32 v48, v12  }
0x14f: {  	v51 =	vbroadcast v8, $0xF;
	v2 =	vsel vm2, v2, v49  }
0x150: {  	v52 =	vbroadcast v23, $0xF;
	v3 =	vadd.f32 v5, v3;
	v6 =	vadd.f32 $2.000000030e-01, v50  }
0x151: {  	v2 =	vsel vm3, v2, v51;
	v53 =	vbroadcast v31, $0xF  }
0x152: {  	v2 =	vsel vm4, v2, v52;
	(xrf2) =	vadd.scan.msk.f32 $0xffff, v3;
	v3 =	vbroadcast v26, $0xF;
	v54 =	vmul.f32 v6, v12  }
0x153: {  	v55 =	vbroadcast v19, $0xF;
	v2 =	vsel vm5, v2, v53  }
0x154: {  	v2 =	vsel vm6, v2, v3;
	v3 =	vbroadcast v17, $0xF;
	v5 =	vadd.f32 $3.333333430e-01, v54  }
0x155: {  	v2 =	vsel vm7, v2, v55  }
0x156: {  	v56 =	vbroadcast v60, $0xF;
	v2 =	vsel vm8, v2, v3;
	v3 =	vmul.f32 v5, v12  }
0x157: {  	v57 =	vbroadcast v63, $0xF;
	v58 =	vbroadcast v29, $0xF  }
0x158: {  	v2 =	vsel vm9, v2, v56;
	v59 =	vadd.f32 v11, v11;
	v3 =	vadd.f32 $1.000000000e+00, v3  }
0x159: {  	v60 =	vbroadcast v33, $0xF;
	v2 =	vsel vm10, v2, v57  }
0x15a: {  	v61 =	vbroadcast v38, $0xF;
	v2 =	vsel vm11, v2, v58;
	v3 =	vmul.f32 v3, v59  }
0x15b: {  	v2 =	vsel vm12, v2, v60;
	v62 =	vmax.f32 v10, $0.0e+00  }
0x15c: {  	s30 =	rddreg [dreg:$0x12];
	v2 =	vsel vm13, v2, v61;
	v63, _, _ =	vpop (xrf2);
	v3 =	vadd.f32 v3, v62  }
0x15d: {  	p0 =	sne.s32 s30, $0xF;
	v2 =	vsel vm14, v2, v63  }
.Ltmp0:
0x15e: {  	v2 =	vmul.f32 $5.000005100e-07, v2;
	v3 =	vadd.f32 v3, v1;
	(pc) =	sbr.rel @p0 .LBB2_2-.Ltmp0, $3  }
0x15f: {  	_ = 	snop  }
0x160: {  	v2 =	vadd.f32 v3, v2;
	_ =	sdelay $0x1  }
0x161: {  	s0 =	sadd.s32 $0x1, s30;
	[tilespmem:s31+$0x10B00] =	vst v2  }
0x162: {  	s0 =	rddreg [dreg:$0x0]  }
0x163: {  	s1 =	simm.s32 $0x80;
	s2 =	simm.s32 $0xA00;
	s3 =	simm.s32 $0x100  }
0x164: {  	[tilespmem:s2], [sflag:$0x1] =	stream.indirect.gather [hbm4b:s0+s1], $0x80, s3, s1, $0xb8;
	[tilespmem:$0x10D00] =	vst v63  }
0x165: {  	s24 =	simm.s32 $0x8A00;
	s25 =	simm.s32 $0x300  }
0x166: {  	[tilespmem:s24], [sflag:$0x1] =	stream.indirect.gather [hbm4b:s0+s1], $0x80, s25, s1, $0xb8;
	[tilespmem:$0x10D00] =	vst v63  }
0x167: {  	s26 =	simm.s32 $0x4A00;
	s28 =	simm.s32 $0x180  }
0x168: {  	[tilespmem:s26], [sflag:$0x1] =	stream.indirect.gather [hbm4b:s0+s1], $0x80, s28, s1, $0xb8;
	[tilespmem:$0x10D00] =	vst v63  }
0x169: {  	s29 =	simm.s32 $0xCA00;
	s30 =	simm.s32 $0x380;
	s31 =	simm.s32 $0x1  }
0x16a: {  	[tilespmem:s29], [sflag:$0x1] =	stream.indirect.gather [hbm4b:s0+s1], $0x80, s30, s1, $0xb8;
	[tilespmem:$0x10D00] =	vst v63  }
0x16b: {  	_ =	swait.ge [sflag:s31], $0x4000  }
0x16c: {  	[sflag:s31] =	ssyncset.done $0x0  }
0x16d: {  	[sflag:s31] =	ssyncadd.s32 $0xFFFFC000  }
0x16e: {  	_ =	swait.ge [sflag:s31], $0x4000  }
0x16f: {  	[sflag:s31] =	ssyncset.done $0x0  }
0x170: {  	[sflag:s31] =	ssyncadd.s32 $0xFFFFC000  }
0x171: {  	_ =	swait.ge [sflag:s31], $0x4000  }
0x172: {  	[sflag:s31] =	ssyncset.done $0x0  }
0x173: {  	[sflag:s31] =	ssyncadd.s32 $0xFFFFC000  }
0x174: {  	_ =	swait.ge [sflag:s31], $0x4000  }
0x175: {  	[sflag:s31] =	ssyncset.done $0x0  }
0x176: {  	s0 =	simm.s32 $0x0;
	[sflag:s31] =	ssyncadd.s32 $0xFFFFC000  }
.LBB2_4:
0x177: {  	s1 =	sshll.u32 s0, $0x4  }
0x178: {  	v3 =	vld [tilespmem:s1+$0x500];
	_ =	sdelay $0x1  }
0x179: {  	v2 =	vld [tilespmem:s1+$0x700];
	_ =	sdelay $0x2  }
0x17a: {  	(v2sf) =	vpush v3, $0x0;
	_ =	sdelay $0x1  }
0x17b: {  	(v2sf) =	vpush v2, $0x0;
	_ =	sdelay $0x1  }
0x17c: {  	(v2sf) =	vpush v3, $0x1;
	_ =	sdelay $0x4  }
0x17d: {  	[dreg:$0x13] =	wrdreg s0  }
0x17e: {  	s15 =	sshll.u32 s0, $0xB;
	[dreg:$0x15] =	wrdreg s1  }
0x17f: {  	s1 =	sadd.s32 $0xA00, s15;
	s2 =	sadd.s32 $0xA20, s15;
	s3 =	sadd.s32 $0xA30, s15  }
0x180: {  	s4 =	sadd.s32 $0xA40, s15;
	s5 =	sadd.s32 $0xA50, s15;
	s7 =	sadd.s32 $0xA60, s15  }
0x181: {  	s6 =	sadd.s32 $0xA70, s15;
	s0 =	sadd.s32 $0xA10, s15;
	s9 =	sadd.s32 $0x8A60, s15  }
0x182: {  	s8 =	sadd.s32 $0x8A70, s15;
	s31 =	sadd.s32 $0x8AE0, s15;
	s29 =	sadd.s32 $0x8B60, s15  }
0x183: {  	s26 =	sadd.s32 $0xC60, s15;
	s11 =	sadd.s32 $0x8C70, s15;
	s14 =	spop (v2sf)  }
0x184: {  	s10 =	sadd.s32 $0xD70, s15;
	p0 =	seq.s32 s14, $0x2;
	p1 =	seq.s32 s14, $0x1  }
0x185: {  	p2 =	seq.s32 s14, $0x0;
	s16 =	spop (v2sf);
	s7 =	smov.u32 @p0 s4  }
0x186: {  	s6 =	smov.u32 @p0 s5;
	s4 =	sadd.s32 $0x8A40, s15;
	s5 =	sadd.s32 $0x8A50, s15  }
0x187: {  	(v2sf) =	vpush v2, $0x1;
	p0 =	seq.s32 s16, $0x2;
	s17 =	spop (v2sf);
	s7 =	smov.u32 @p1 s2  }
0x188: {  	s6 =	smov.u32 @p1 s3;
	s2 =	sadd.s32 $0x8A20, s15;
	s3 =	sadd.s32 $0x8A30, s15  }
0x189: {  	(v2sf) =	vpush v3, $0x2;
	p1 =	seq.s32 s16, $0x1;
	s9 =	smov.u32 @p0 s4;
	s8 =	smov.u32 @p0 s5  }
0x18a: {  	s4 =	sadd.s32 $0xAC0, s15;
	s5 =	sadd.s32 $0xAD0, s15;
	p0 =	seq.s32 s17, $0x2  }
0x18b: {  	(v2sf) =	vpush v2, $0x2;
	s7 =	smov.u32 @p2 s1;
	s6 =	smov.u32 @p2 s0;
	s1 =	sadd.s32 $0x8A00, s15  }
0x18c: {  	p2 =	seq.s32 s16, $0x0;
	s9 =	smov.u32 @p1 s2;
	s0 =	sadd.s32 $0x8A10, s15  }
0x18d: {  	s8 =	smov.u32 @p1 s3;
	s2 =	sadd.s32 $0xAA0, s15;
	s3 =	sadd.s32 $0xAB0, s15  }
0x18e: {  	p1 =	seq.s32 s17, $0x1;
	s9 =	smov.u32 @p2 s1;
	s8 =	smov.u32 @p2 s0  }
0x18f: {  	s1 =	sadd.s32 $0xA80, s15;
	p2 =	seq.s32 s17, $0x0;
	[dreg:$0x19] =	wrdreg s9  }
0x190: {  	[dreg:$0x17] =	wrdreg s8;
	s9 =	sadd.s32 $0xAE0, s15;
	s8 =	sadd.s32 $0xAF0, s15  }
0x191: {  	s0 =	sadd.s32 $0xA90, s15;
	s9 =	smov.u32 @p0 s4;
	s8 =	smov.u32 @p0 s5  }
0x192: {  	s4 =	sadd.s32 $0x8AC0, s15;
	s5 =	sadd.s32 $0x8AD0, s15;
	s9 =	smov.u32 @p1 s2  }
0x193: {  	s8 =	smov.u32 @p1 s3;
	s2 =	sadd.s32 $0x8AA0, s15;
	s9 =	smov.u32 @p2 s1  }
0x194: {  	s3 =	sadd.s32 $0x8AB0, s15;
	s8 =	smov.u32 @p2 s0;
	[dreg:$0x1d] =	wrdreg s9  }
0x195: {  	s1 =	sadd.s32 $0x8A80, s15;
	s0 =	sadd.s32 $0x8A90, s15;
	[dreg:$0x1b] =	wrdreg s8  }
0x196: {  	s8 =	sadd.s32 $0x8AF0, s15;
	s9 =	sadd.s32 $0xB60, s15;
	s18 =	spop (v2sf)  }
0x197: {  	p0 =	seq.s32 s18, $0x2;
	p1 =	seq.s32 s18, $0x1;
	p2 =	seq.s32 s18, $0x0  }
0x198: {  	s19 =	spop (v2sf);
	s18 =	sadd.s32 $0x8CF0, s15;
	s31 =	smov.u32 @p0 s4  }
0x199: {  	s8 =	smov.u32 @p0 s5;
	s4 =	sadd.s32 $0xB40, s15;
	s5 =	sadd.s32 $0xB50, s15  }
0x19a: {  	(v2sf) =	vpush v3, $0x3;
	p0 =	seq.s32 s19, $0x2;
	s20 =	spop (v2sf);
	s31 =	smov.u32 @p1 s2  }
0x19b: {  	s8 =	smov.u32 @p1 s3;
	s2 =	sadd.s32 $0xB20, s15;
	s3 =	sadd.s32 $0xB30, s15  }
0x19c: {  	(v2sf) =	vpush v2, $0x3;
	p1 =	seq.s32 s19, $0x1;
	s9 =	smov.u32 @p0 s4;
	s4 =	sadd.s32 $0x8B40, s15  }
0x19d: {  	s31 =	smov.u32 @p2 s1;
	s8 =	smov.u32 @p2 s0;
	s1 =	sadd.s32 $0xB00, s15  }
0x19e: {  	(v2sf) =	vpush v3, $0x4;
	p2 =	seq.s32 s19, $0x0;
	s9 =	smov.u32 @p1 s2;
	s0 =	sadd.s32 $0xB10, s15  }
0x19f: {  	s2 =	sadd.s32 $0x8B20, s15;
	s19 =	sadd.s32 $0x8CE0, s15;
	[smem:$0x7EE] =	sst s8  }
0x1a0: {  	s8 =	sadd.s32 $0xB70, s15;
	s9 =	smov.u32 @p2 s1;
	s1 =	sadd.s32 $0x8B00, s15  }
0x1a1: {  	s8 =	smov.u32 @p0 s5;
	[smem:$0x7EF] =	sst s9;
	s5 =	sadd.s32 $0x8B50, s15  }
0x1a2: {  	p0 =	seq.s32 s20, $0x2;
	s9 =	sadd.s32 $0xBE0, s15;
	s8 =	smov.u32 @p1 s3  }
0x1a3: {  	s3 =	sadd.s32 $0x8B30, s15;
	p1 =	seq.s32 s20, $0x1;
	s29 =	smov.u32 @p0 s4  }
0x1a4: {  	s4 =	sadd.s32 $0xBC0, s15;
	s8 =	smov.u32 @p2 s0;
	p2 =	seq.s32 s20, $0x0  }
0x1a5: {  	s29 =	smov.u32 @p1 s2;
	[smem:$0x7F0] =	sst s8;
	s8 =	sadd.s32 $0x8B70, s15  }
0x1a6: {  	s0 =	sadd.s32 $0x8B10, s15;
	s2 =	sadd.s32 $0xBA0, s15;
	s8 =	smov.u32 @p0 s5  }
0x1a7: {  	s29 =	smov.u32 @p2 s1;
	s1 =	sadd.s32 $0xB80, s15;
	s8 =	smov.u32 @p1 s3  }
0x1a8: {  	s5 =	sadd.s32 $0xBD0, s15;
	s3 =	sadd.s32 $0xBB0, s15;
	s8 =	smov.u32 @p2 s0  }
0x1a9: {  	s0 =	sadd.s32 $0xB90, s15;
	[smem:$0x7F1] =	sst s8;
	s21 =	spop (v2sf)  }
0x1aa: {  	s8 =	sadd.s32 $0xBF0, s15;
	p0 =	seq.s32 s21, $0x2;
	p1 =	seq.s32 s21, $0x1  }
0x1ab: {  	p2 =	seq.s32 s21, $0x0;
	s22 =	spop (v2sf);
	s21 =	sadd.s32 $0xDF0, s15  }
0x1ac: {  	s9 =	smov.u32 @p0 s4;
	s8 =	smov.u32 @p0 s5;
	s4 =	sadd.s32 $0x8BC0, s15  }
0x1ad: {  	s5 =	sadd.s32 $0x8BD0, s15;
	p0 =	seq.s32 s22, $0x2;
	s23 =	spop (v2sf)  }
0x1ae: {  	(v2sf) =	vpush v2, $0x4;
	s9 =	smov.u32 @p1 s2;
	s8 =	smov.u32 @p1 s3;
	s2 =	sadd.s32 $0x8BA0, s15  }
0x1af: {  	s3 =	sadd.s32 $0x8BB0, s15;
	p1 =	seq.s32 s22, $0x1;
	s9 =	smov.u32 @p2 s1  }
0x1b0: {  	(v2sf) =	vpush v3, $0x5;
	s8 =	smov.u32 @p2 s0;
	s1 =	sadd.s32 $0x8B80, s15;
	p2 =	seq.s32 s22, $0x0  }
0x1b1: {  	(v2sf) =	vpush v2, $0x5;
	s0 =	sadd.s32 $0x8B90, s15;
	s24 =	smov.u32 s9;
	s9 =	sadd.s32 $0x8BE0, s15  }
0x1b2: {  	[smem:$0x7F2] =	sst s8;
	s8 =	sadd.s32 $0x8BF0, s15;
	s9 =	smov.u32 @p0 s4  }
0x1b3: {  	s8 =	smov.u32 @p0 s5;
	s4 =	sadd.s32 $0xC40, s15;
	s5 =	sadd.s32 $0xC50, s15  }
0x1b4: {  	p0 =	seq.s32 s23, $0x2;
	s9 =	smov.u32 @p1 s2;
	s8 =	smov.u32 @p1 s3  }
0x1b5: {  	s2 =	sadd.s32 $0xC20, s15;
	s3 =	sadd.s32 $0xC30, s15;
	p1 =	seq.s32 s23, $0x1  }
0x1b6: {  	s26 =	smov.u32 @p0 s4;
	s4 =	sadd.s32 $0x8C50, s15;
	s9 =	smov.u32 @p2 s1  }
0x1b7: {  	s8 =	smov.u32 @p2 s0;
	s1 =	sadd.s32 $0xC00, s15;
	p2 =	seq.s32 s23, $0x0  }
0x1b8: {  	s26 =	smov.u32 @p1 s2;
	s0 =	sadd.s32 $0xC10, s15;
	s2 =	sadd.s32 $0x8C20, s15  }
0x1b9: {  	s23 =	sadd.s32 $0xCF0, s15;
	[smem:$0x7F3] =	sst s8;
	s8 =	sadd.s32 $0xC70, s15  }
0x1ba: {  	s28 =	smov.u32 s9;
	s26 =	smov.u32 @p2 s1;
	s8 =	smov.u32 @p0 s5  }
0x1bb: {  	s1 =	sadd.s32 $0x8C00, s15;
	s9 =	sadd.s32 $0xD60, s15;
	s8 =	smov.u32 @p1 s3  }
0x1bc: {  	s3 =	sadd.s32 $0x8C40, s15;
	s8 =	smov.u32 @p2 s0;
	s0 =	sadd.s32 $0x8C30, s15  }
0x1bd: {  	[smem:$0x7F4] =	sst s8;
	s8 =	sadd.s32 $0x8C60, s15;
	s25 =	spop (v2sf)  }
0x1be: {  	(v2sf) =	vpush v3, $0x6;
	p0 =	seq.s32 s25, $0x0;
	p1 =	seq.s32 s25, $0x1;
	p2 =	seq.s32 s25, $0x2  }
0x1bf: {  	s30 =	spop (v2sf);
	s8 =	smov.u32 @p2 s3;
	s11 =	smov.u32 @p2 s4  }
0x1c0: {  	(v2sf) =	vpush v2, $0x6;
	s3 =	sadd.s32 $0x8C10, s15;
	p2 =	seq.s32 s30, $0x1;
	s4 =	spop (v2sf)  }
0x1c1: {  	s8 =	smov.u32 @p1 s2;
	s11 =	smov.u32 @p1 s0;
	s2 =	sadd.s32 $0xCC0, s15  }
0x1c2: {  	(v2sf) =	vpush v3, $0x7;
	p1 =	seq.s32 s30, $0x2;
	s0 =	sadd.s32 $0xCA0, s15;
	s8 =	smov.u32 @p0 s1  }
0x1c3: {  	s11 =	smov.u32 @p0 s3;
	s1 =	sadd.s32 $0xC80, s15;
	s3 =	sadd.s32 $0xCE0, s15  }
0x1c4: {  	p0 =	seq.s32 s30, $0x0;
	s30 =	sadd.s32 $0xDE0, s15;
	s3 =	smov.u32 @p1 s2  }
0x1c5: {  	s2 =	sadd.s32 $0xCD0, s15;
	s3 =	smov.u32 @p2 s0;
	s0 =	sadd.s32 $0xCB0, s15  }
0x1c6: {  	s23 =	smov.u32 @p1 s2;
	p1 =	seq.s32 s4, $0x2;
	s2 =	sadd.s32 $0x8CC0, s15  }
0x1c7: {  	s3 =	smov.u32 @p0 s1;
	s1 =	sadd.s32 $0xC90, s15;
	s23 =	smov.u32 @p2 s0  }
0x1c8: {  	s19 =	smov.u32 @p1 s2;
	s2 =	sadd.s32 $0x8CD0, s15;
	p2 =	seq.s32 s4, $0x0  }
0x1c9: {  	s0 =	sadd.s32 $0x8C80, s15;
	[smem:$0x7F5] =	sst s3;
	s23 =	smov.u32 @p0 s1  }
0x1ca: {  	p0 =	seq.s32 s4, $0x1;
	s1 =	sadd.s32 $0x8CA0, s15;
	s18 =	smov.u32 @p1 s2  }
0x1cb: {  	s4 =	sadd.s32 $0x8D70, s15;
	s19 =	smov.u32 @p0 s1;
	s1 =	sadd.s32 $0x8CB0, s15  }
0x1cc: {  	s3 =	sadd.s32 $0xE60, s15;
	s19 =	smov.u32 @p2 s0;
	s18 =	smov.u32 @p0 s1  }
0x1cd: {  	s0 =	sadd.s32 $0x8C90, s15;
	s1 =	sadd.s32 $0xD40, s15;
	s5 =	spop (v2sf)  }
0x1ce: {  	s18 =	smov.u32 @p2 s0;
	s0 =	sadd.s32 $0xD20, s15;
	p0 =	seq.s32 s5, $0x2  }
0x1cf: {  	(v2sf) =	vpush v2, $0x7;
	p1 =	seq.s32 s5, $0x1;
	p2 =	seq.s32 s5, $0x0;
	s12 =	spop (v2sf)  }
0x1d0: {  	s5 =	sadd.s32 $0x8D60, s15;
	s9 =	smov.u32 @p0 s1;
	s1 =	sadd.s32 $0xD50, s15  }
0x1d1: {  	s13 =	spop (v2sf);
	s9 =	smov.u32 @p1 s0;
	s10 =	smov.u32 @p0 s1  }
0x1d2: {  	(v2sf) =	vpush v3, $0x8;
	s0 =	sadd.s32 $0xD00, s15;
	s1 =	sadd.s32 $0xD30, s15;
	p0 =	seq.s32 s12, $0x2  }
0x1d3: {  	s9 =	smov.u32 @p2 s0;
	s10 =	smov.u32 @p1 s1;
	s0 =	sadd.s32 $0xD10, s15  }
0x1d4: {  	s1 =	sadd.s32 $0x8D40, s15;
	p1 =	seq.s32 s12, $0x1;
	s10 =	smov.u32 @p2 s0  }
0x1d5: {  	s5 =	smov.u32 @p0 s1;
	s0 =	sadd.s32 $0x8D20, s15;
	s1 =	sadd.s32 $0x8D50, s15  }
0x1d6: {  	p2 =	seq.s32 s12, $0x0;
	s12 =	sadd.s32 $0x8DE0, s15;
	s5 =	smov.u32 @p1 s0  }
0x1d7: {  	s4 =	smov.u32 @p0 s1;
	s0 =	sadd.s32 $0x8D00, s15;
	s1 =	sadd.s32 $0x8D30, s15  }
0x1d8: {  	p0 =	seq.s32 s13, $0x2;
	s5 =	smov.u32 @p2 s0;
	s4 =	smov.u32 @p1 s1  }
0x1d9: {  	s0 =	sadd.s32 $0x8D10, s15;
	s1 =	sadd.s32 $0xDC0, s15;
	p1 =	seq.s32 s13, $0x1  }
0x1da: {  	s4 =	smov.u32 @p2 s0;
	s30 =	smov.u32 @p0 s1;
	s0 =	sadd.s32 $0xDA0, s15  }
0x1db: {  	s1 =	sadd.s32 $0xDD0, s15;
	p2 =	seq.s32 s13, $0x0;
	s30 =	smov.u32 @p1 s0  }
0x1dc: {  	(v2sf) =	vpush v2, $0x8;
	s21 =	smov.u32 @p0 s1;
	s0 =	sadd.s32 $0xD80, s15;
	s1 =	sadd.s32 $0xDB0, s15  }
0x1dd: {  	s13 =	sadd.s32 $0x8DF0, s15;
	s30 =	smov.u32 @p2 s0;
	s21 =	smov.u32 @p1 s1  }
0x1de: {  	s0 =	sadd.s32 $0xD90, s15;
	s1 =	sadd.s32 $0x8DC0, s15;
	s14 =	spop (v2sf)  }
0x1df: {  	s21 =	smov.u32 @p2 s0;
	s0 =	sadd.s32 $0x8DA0, s15;
	p0 =	seq.s32 s14, $0x2  }
0x1e0: {  	p1 =	seq.s32 s14, $0x1;
	p2 =	seq.s32 s14, $0x0;
	s12 =	smov.u32 @p0 s1  }
0x1e1: {  	s16 =	spop (v2sf);
	s1 =	sadd.s32 $0x8DD0, s15;
	s12 =	smov.u32 @p1 s0  }
0x1e2: {  	s13 =	smov.u32 @p0 s1;
	s0 =	sadd.s32 $0x8D80, s15;
	s1 =	sadd.s32 $0x8DB0, s15  }
0x1e3: {  	p0 =	seq.s32 s16, $0x2;
	s12 =	smov.u32 @p2 s0;
	s13 =	smov.u32 @p1 s1  }
0x1e4: {  	s0 =	sadd.s32 $0x8D90, s15;
	s1 =	sadd.s32 $0xE40, s15;
	p1 =	seq.s32 s16, $0x1  }
0x1e5: {  	s13 =	smov.u32 @p2 s0;
	s3 =	smov.u32 @p0 s1;
	s0 =	sadd.s32 $0xE20, s15  }
0x1e6: {  	p2 =	seq.s32 s16, $0x0;
	s3 =	smov.u32 @p1 s0;
	s0 =	sadd.s32 $0xE00, s15  }
0x1e7: {  	s3 =	smov.u32 @p2 s0  }
0x1e8: {  	[smem:$0x7F6] =	sst s3  }
0x1e9: {  	s20 =	sadd.s32 $0x8E60, s15;
	v6 =	vld [tilespmem:s7+$0x0]  }
0x1ea: {  	s22 =	sadd.s32 $0x8E70, s15;
	s25 =	sadd.s32 $0xE70, s15;
	s2 =	sadd.s32 $0xE80, s15;
	(v2sf) =	vpush v3, $0x9;
	v7 =	vld [tilespmem:s6+$0x0]  }
0x1eb: {  	s14 =	sadd.s32 $0x8EF0, s15;
	s17 =	spop (v2sf);
	s1 =	sadd.s32 $0xE50, s15;
	v12 =	vld [tilespmem:s31+$0x0]  }
0x1ec: {  	s16 =	sadd.s32 $0xEE0, s15;
	s25 =	smov.u32 @p0 s1;
	s1 =	sadd.s32 $0xE30, s15;
	v17 =	vld [tilespmem:s29+$0x0]  }
0x1ed: {  	p0 =	seq.s32 s17, $0x2;
	s25 =	smov.u32 @p1 s1;
	s0 =	sadd.s32 $0xE10, s15;
	v20 =	vld [tilespmem:s24+$0x0]  }
0x1ee: {  	(v2sf) =	vpush v2, $0x9;
	s1 =	sadd.s32 $0x8E40, s15;
	p1 =	seq.s32 s17, $0x1;
	s25 =	smov.u32 @p2 s0;
	v51 =	vld [tilespmem:s28+$0x0]  }
0x1ef: {  	s20 =	smov.u32 @p0 s1;
	s0 =	sadd.s32 $0x8E20, s15;
	s1 =	sadd.s32 $0x8E50, s15;
	v23 =	vld [tilespmem:s26+$0x0]  }
0x1f0: {  	p2 =	seq.s32 s17, $0x0;
	s17 =	sadd.s32 $0xEF0, s15;
	s7 =	rddreg [dreg:$0x19];
	v54 =	vld [tilespmem:s8+$0x0]  }
0x1f1: {  	s20 =	smov.u32 @p1 s0;
	s22 =	smov.u32 @p0 s1;
	s6 =	rddreg [dreg:$0x17];
	v25 =	vld [tilespmem:s11+$0x0]  }
0x1f2: {  	s0 =	sadd.s32 $0x8E00, s15;
	s1 =	sadd.s32 $0x8E30, s15;
	s24 =	sld [smem:$0x7F2];
	v35 =	vld [tilespmem:s9+$0x0]  }
0x1f3: {  	(v2sf) =	vpush v3, $0xA;
	s31 =	sadd.s32 $0xF70, s15;
	s29 =	sadd.s32 $0x8F70, s15;
	s28 =	sld [smem:$0x7F3];
	v41 =	vld [tilespmem:s5+$0x0]  }
0x1f4: {  	s26 =	sadd.s32 $0xFF0, s15;
	s8 =	sadd.s32 $0x8FE0, s15;
	s11 =	sld [smem:$0x7F5];
	v42 =	vld [tilespmem:s4+$0x0]  }
0x1f5: {  	s9 =	sadd.s32 $0x1060, s15;
	s4 =	sadd.s32 $0x1070, s15;
	v8 =	vld [tilespmem:s7+$0x0];
	s7 =	rddreg [dreg:$0x1d]  }
0x1f6: {  	s5 =	sadd.s32 $0x9060, s15;
	s20 =	smov.u32 @p2 s0;
	v9 =	vld [tilespmem:s6+$0x0];
	s6 =	sld [smem:$0x7EE]  }
0x1f7: {  	s22 =	smov.u32 @p1 s1;
	s0 =	sadd.s32 $0x8E10, s15;
	s1 =	sadd.s32 $0xEC0, s15;
	v10 =	vld [tilespmem:s7+$0x0]  }
0x1f8: {  	s22 =	smov.u32 @p2 s0;
	s0 =	sadd.s32 $0xEA0, s15;
	v21 =	vld [tilespmem:s28+$0x0];
	s28 =	sld [smem:$0x7F4]  }
0x1f9: {  	s7 =	sadd.s32 $0xF60, s15;
	v13 =	vld [tilespmem:s6+$0x0];
	s6 =	sld [smem:$0x7EF];
	s3 =	spop (v2sf)  }
0x1fa: {  	p0 =	seq.s32 s3, $0x2;
	p1 =	seq.s32 s3, $0x1;
	p3 =	seq.s32 s3, $0x0  }
0x1fb: {  	s3 =	sadd.s32 $0x8EE0, s15;
	s16 =	smov.u32 @p0 s1;
	s1 =	sadd.s32 $0xED0, s15  }
0x1fc: {  	v16 =	vld [tilespmem:s6+$0x0];
	s6 =	sld [smem:$0x7F0];
	s16 =	smov.u32 @p1 s0;
	s17 =	smov.u32 @p0 s1  }
0x1fd: {  	(v2sf) =	vpush v2, $0xA;
	s1 =	sadd.s32 $0xEB0, s15;
	s0 =	spop (v2sf);
	s16 =	smov.u32 @p3 s2  }
0x1fe: {  	s17 =	smov.u32 @p1 s1;
	p2 =	seq.s32 s0, $0x2;
	s1 =	sadd.s32 $0xE90, s15  }
0x1ff: {  	s2 =	sadd.s32 $0x8EC0, s15;
	p1 =	seq.s32 s0, $0x1;
	p0 =	seq.s32 s0, $0x0  }
0x200: {  	s17 =	smov.u32 @p3 s1;
	s3 =	smov.u32 @p2 s2;
	s1 =	sadd.s32 $0x8EA0, s15  }
0x201: {  	(v2sf) =	vpush v3, $0xB;
	s0 =	sadd.s32 $0x8E80, s15;
	s2 =	sadd.s32 $0x8ED0, s15;
	s3 =	smov.u32 @p1 s1  }
0x202: {  	v38 =	vld [tilespmem:s10+$0x0];
	s14 =	smov.u32 @p2 s2;
	s1 =	sadd.s32 $0x8EB0, s15;
	s2 =	spop (v2sf)  }
0x203: {  	v48 =	vld [tilespmem:s24+$0x0];
	(v2sf) =	vpush v2, $0xB;
	s3 =	smov.u32 @p0 s0;
	s14 =	smov.u32 @p1 s1;
	s1 =	rddreg [dreg:$0x1b]  }
0x204: {  	p2 =	seq.s32 s2, $0x2;
	s0 =	sadd.s32 $0x8E90, s15;
	v11 =	vld [tilespmem:s1+$0x0];
	s1 =	sadd.s32 $0xF40, s15  }
0x205: {  	v4 =	vld [tilespmem:$0x10A00];
	v14 =	vmul.f32 v6, v6;
	v19 =	vmul.f32 v12, v12;
	p1 =	seq.s32 s2, $0x1;
	s7 =	smov.u32 @p2 s1;
	s1 =	sadd.s32 $0xF50, s15  }
0x206: {  	v5 =	vld [tilespmem:$0x10A10];
	v58 =	vmul.f32 v20, v20;
	v18 =	vmul.f32 v10, v10;
	s14 =	smov.u32 @p0 s0;
	s31 =	smov.u32 @p2 s1;
	s1 =	sadd.s32 $0xF30, s15  }
0x207: {  	v62 =	vld [tilespmem:s11+$0x0];
	v32 =	vsub.f32 v23, v54;
	v40 =	vmul.f32 v25, v25;
	v28 =	vsub.f32 v38, v42;
	p0 =	seq.s32 s2, $0x0;
	s31 =	smov.u32 @p1 s1;
	s1 =	sadd.s32 $0xF10, s15  }
0x208: {  	s10 =	sadd.s32 $0x9070, s15;
	v15 =	vmul.f32 v8, v8;
	v6 =	vsub.f32 v6, v8;
	v24 =	vld [tilespmem:s28+$0x0];
	v18 =	vadd.f32 v19, v18;
	s31 =	smov.u32 @p0 s1;
	s1 =	sld [smem:$0x7F1]  }
0x209: {  	s24 =	sadd.s32 $0xFE0, s15;
	s11 =	sadd.s32 $0x8FF0, s15;
	v60 =	vmul.f32 v48, v48;
	v19 =	vsub.f32 v48, v21;
	v48 =	vld [tilespmem:s21+$0x0];
	v52 =	vsub.f32 v16, v17;
	s0 =	sadd.s32 $0xF20, s15  }
0x20a: {  	s21 =	sld [smem:$0x7F6];
	v45 =	vld [tilespmem:s6+$0x0];
	s7 =	smov.u32 @p1 s0;
	s0 =	sadd.s32 $0xF00, s15;
	v47 =	vsub.f32 v11, v13;
	v11 =	vmul.f32 v11, v11;
	v13 =	vmul.f32 v13, v13  }
0x20b: {  	v44 =	vsub.f32 v7, v9;
	v7 =	vmul.f32 v7, v7;
	v9 =	vmul.f32 v9, v9;
	s6 =	sadd.s32 $0x8F60, s15;
	s7 =	smov.u32 @p0 s0;
	s0 =	sadd.s32 $0x8F40, s15;
	v46 =	vld [tilespmem:s1+$0x0]  }
0x20c: {  	v10 =	vsub.f32 v10, v12;
	s2 =	spop (v2sf);
	s1 =	sadd.s32 $0x8F50, s15;
	v11 =	vadd.f32 v13, v11;
	v13 =	vmul.f32 v52, v52;
	v52 =	vld [tilespmem:s13+$0x0];
	s13 =	sadd.s32 $0x10F0, s15  }
0x20d: {  	v12 =	vsub.f32 v20, v51;
	v36 =	vmul.f32 v32, v32;
	v14 =	vadd.f32 v15, v14;
	p2 =	seq.s32 s2, $0x2;
	p1 =	seq.s32 s2, $0x1;
	p0 =	seq.s32 s2, $0x0  }
0x20e: {  	v6 =	vmul.f32 v6, v6;
	v8 =	vmul.f32 v44, v44;
	v26 =	vsub.f32 v24, v25;
	s6 =	smov.u32 @p2 s0;
	s0 =	sadd.s32 $0x8F20, s15;
	s29 =	smov.u32 @p2 s1  }
0x20f: {  	v49 =	vmul.f32 v10, v10;
	v18 =	vmul.f32 v18, v4;
	(v2sf) =	vpush v3, $0xC;
	s1 =	sadd.s32 $0x8F30, s15;
	s6 =	smov.u32 @p1 s0;
	s0 =	sadd.s32 $0x8F00, s15  }
0x210: {  	v63 =	vld [tilespmem:s23+$0x0];
	v7 =	vadd.f32 v9, v7;
	v37 =	vmul.f32 v26, v26;
	v11 =	vmul.f32 v11, v5;
	s2 =	spop (v2sf);
	s29 =	smov.u32 @p1 s1;
	s1 =	sadd.s32 $0xFC0, s15  }
0x211: {  	v27 =	vld [tilespmem:s18+$0x0];
	v30 =	vmul.f32 v12, v12;
	v16 =	vmul.f32 v16, v16;
	(v2sf) =	vpush v2, $0xC;
	s6 =	smov.u32 @p0 s0;
	p1 =	seq.s32 s2, $0x2;
	s0 =	sadd.s32 $0x8F10, s15  }
0x212: {  	v17 =	vmul.f32 v17, v17;
	p2 =	seq.s32 s2, $0x1;
	s28 =	spop (v2sf);
	v9 =	vadd.f32 v11, v18;
	v11 =	vadd.f32 v37, v36;
	v37 =	vld [tilespmem:s3+$0x0];
	s3 =	sadd.s32 $0x90E0, s15  }
0x213: {  	v6 =	vadd.f32 v8, v6;
	v19 =	vmul.f32 v19, v19;
	(v2sf) =	vpush v3, $0xD;
	s29 =	smov.u32 @p0 s0;
	s24 =	smov.u32 @p1 s1;
	s0 =	sadd.s32 $0xFA0, s15  }
0x214: {  	v31 =	vld [tilespmem:s19+$0x0];
	v39 =	vmul.f32 v24, v24;
	v16 =	vadd.f32 v17, v16;
	v15 =	vmul.f32 v45, v45;
	s1 =	sadd.s32 $0xFD0, s15;
	p0 =	seq.s32 s2, $0x0;
	s2 =	sadd.s32 $0x90F0, s15  }
0x215: {  	v50 =	vmul.f32 v47, v47;
	(v2sf) =	vpush v2, $0xD;
	v55 =	vmul.f32 v46, v46;
	s24 =	smov.u32 @p2 s0;
	s26 =	smov.u32 @p1 s1;
	s0 =	sadd.s32 $0xF80, s15  }
0x216: {  	v22 =	vsub.f32 v45, v46;
	v45 =	vmul.f32 v63, v63;
	v46 =	vmul.f32 v27, v27;
	s1 =	sadd.s32 $0xFB0, s15;
	p1 =	seq.s32 s28, $0x0;
	s24 =	smov.u32 @p0 s0  }
0x217: {  	v17 =	vmul.f32 v54, v54;
	v54 =	vmul.f32 v28, v28;
	v10 =	vadd.f32 v50, v49;
	s26 =	smov.u32 @p2 s1;
	p2 =	seq.s32 s28, $0x2;
	s0 =	sadd.s32 $0xF90, s15  }
0x218: {  	v53 =	vmul.f32 v22, v22;
	v57 =	vadd.f32 v55, v15;
	s1 =	sadd.s32 $0x8FC0, s15;
	v20 =	vadd.f32 v46, v45;
	v45 =	vld [tilespmem:s6+$0x0];
	s6 =	sadd.s32 $0x1140, s15;
	s26 =	smov.u32 @p0 s0  }
0x219: {  	v56 =	vmul.f32 v16, v4;
	v18 =	vsub.f32 v62, v31;
	v15 =	vsub.f32 v63, v27;
	s8 =	smov.u32 @p2 s1;
	p0 =	seq.s32 s28, $0x1;
	s0 =	sadd.s32 $0x8FA0, s15  }
0x21a: {  	v49 =	vsub.f32 v35, v41;
	s1 =	sadd.s32 $0x8FD0, s15;
	v8 =	vadd.f32 v53, v13;
	v13 =	vmul.f32 v57, v5;
	s8 =	smov.u32 @p0 s0;
	s0 =	sadd.s32 $0x8F80, s15  }
0x21b: {  	v18 =	vmul.f32 v18, v18;
	s11 =	smov.u32 @p2 s1;
	s1 =	sadd.s32 $0x8FB0, s15;
	v15 =	vmul.f32 v15, v15;
	s8 =	smov.u32 @p1 s0  }
0x21c: {  	v53 =	vmul.f32 v49, v49;
	s11 =	smov.u32 @p0 s1;
	s0 =	sadd.s32 $0x8F90, s15;
	s1 =	sadd.s32 $0x1040, s15;
	v12 =	vadd.f32 v13, v56;
	v13 =	vadd.f32 v19, v30;
	v30 =	vld [tilespmem:s12+$0x0]  }
0x21d: {  	v59 =	vmul.f32 v51, v51;
	s11 =	smov.u32 @p1 s0;
	s0 =	sadd.s32 $0x1020, s15;
	v19 =	vadd.f32 v40, v39;
	s12 =	sadd.s32 $0x10E0, s15;
	v40 =	vld [tilespmem:s7+$0x0]  }
0x21e: {  	v29 =	vmul.f32 v35, v35;
	v18 =	vadd.f32 v15, v18;
	v15 =	vadd.f32 v54, v53;
	s7 =	sadd.s32 $0x1100, s15;
	v53 =	vld [tilespmem:s8+$0x0];
	s8 =	sadd.s32 $0x9140, s15;
	s28 =	spop (v2sf)  }
0x21f: {  	v14 =	vmul.f32 v14, v4;
	v7 =	vmul.f32 v7, v5;
	p0 =	seq.s32 s28, $0x2;
	p2 =	seq.s32 s28, $0x1;
	p1 =	seq.s32 s28, $0x0  }
0x220: {  	v61 =	vmul.f32 v21, v21;
	v43 =	vmul.f32 v62, v62;
	v62 =	vld [tilespmem:s22+$0x0];
	s18 =	spop (v2sf);
	s9 =	smov.u32 @p0 s1;
	s1 =	sadd.s32 $0x1050, s15  }
0x221: {  	v24 =	vmul.f32 v41, v41;
	v7 =	vadd.f32 v7, v14;
	v14 =	vadd.f32 v59, v58;
	v57 =	vld [tilespmem:s25+$0x0];
	s9 =	smov.u32 @p2 s0;
	s0 =	sadd.s32 $0x1000, s15;
	s4 =	smov.u32 @p0 s1  }
0x222: {  	v23 =	vmul.f32 v23, v23;
	v44 =	vmul.f32 v31, v31;
	v16 =	vadd.f32 v61, v60;
	s1 =	sadd.s32 $0x1030, s15;
	p0 =	seq.s32 s18, $0x0;
	s19 =	spop (v2sf)  }
0x223: {  	v25 =	vmul.f32 v42, v42;
	v24 =	vadd.f32 v24, v29;
	v33 =	vmul.f32 v14, v4;
	v47 =	vld [tilespmem:s30+$0x0];
	s9 =	smov.u32 @p1 s0;
	s0 =	sadd.s32 $0x1010, s15;
	s4 =	smov.u32 @p2 s1  }
0x224: {  	v21 =	vadd.f32 v44, v43;
	v60 =	vmul.f32 v48, v48;
	v34 =	vmul.f32 v16, v5;
	v41 =	vld [tilespmem:s31+$0x0];
	s1 =	sadd.s32 $0x9040, s15;
	p2 =	seq.s32 s18, $0x2;
	s23 =	spop (v2sf)  }
0x225: {  	v17 =	vadd.f32 v17, v23;
	v31 =	vld [tilespmem:s20+$0x0];
	v61 =	vmul.f32 v52, v52;
	v55 =	vmul.f32 v24, v4;
	s4 =	smov.u32 @p1 s0;
	p1 =	seq.s32 s18, $0x1;
	s5 =	smov.u32 @p2 s1  }
0x226: {  	v32 =	vmul.f32 v57, v57;
	v24 =	vsub.f32 v57, v62;
	(v2sf) =	vpush v3, $0xE;
	s0 =	sadd.s32 $0x9020, s15;
	s1 =	sadd.s32 $0x9050, s15;
	v57 =	vld [tilespmem:s9+$0x0];
	s9 =	sadd.s32 $0x11C0, s15  }
0x227: {  	v17 =	vmul.f32 v17, v4;
	v14 =	vadd.f32 v34, v33;
	v63 =	vld [tilespmem:s16+$0x0];
	v34 =	vadd.f32 v61, v60;
	s5 =	smov.u32 @p1 s0;
	s0 =	sadd.s32 $0x9000, s15;
	s10 =	smov.u32 @p2 s1  }
0x228: {  	v50 =	vmul.f32 v21, v4;
	v22 =	vmul.f32 v38, v38;
	(v2sf) =	vpush v2, $0xE;
	s1 =	sadd.s32 $0x9030, s15;
	p2 =	seq.s32 s19, $0x2;
	v60 =	vld [tilespmem:s4+$0x0];
	s4 =	sadd.s32 $0x9170, s15  }
0x229: {  	v58 =	vmul.f32 v47, v47;
	v27 =	vmul.f32 v34, v5;
	v34 =	vld [tilespmem:s29+$0x0];
	s5 =	smov.u32 @p0 s0;
	s0 =	sadd.s32 $0x9010, s15;
	s10 =	smov.u32 @p1 s1  }
0x22a: {  	v26 =	vmul.f32 v41, v41;
	v51 =	vmul.f32 v20, v5;
	v22 =	vadd.f32 v25, v22;
	v49 =	vld [tilespmem:s24+$0x0];
	s1 =	sadd.s32 $0x10C0, s15;
	p1 =	seq.s32 s19, $0x1;
	s10 =	smov.u32 @p0 s0  }
0x22b: {  	v20 =	vsub.f32 v48, v52;
	v33 =	vmul.f32 v62, v62;
	v56 =	vld [tilespmem:s21+$0x0];
	(v2sf) =	vpush v3, $0xF;
	p0 =	seq.s32 s19, $0x0;
	s12 =	smov.u32 @p2 s1;
	s0 =	sadd.s32 $0x10A0, s15  }
0x22c: {  	v28 =	vmul.f32 v37, v37;
	v19 =	vmul.f32 v19, v5;
	s1 =	sadd.s32 $0x10D0, s15;
	v61 =	vld [tilespmem:s5+$0x0];
	s5 =	sadd.s32 $0x11E0, s15;
	s12 =	smov.u32 @p1 s0  }
0x22d: {  	v22 =	vmul.f32 v22, v5;
	v20 =	vmul.f32 v20, v20;
	v44 =	vsub.f32 v63, v37;
	s0 =	sadd.s32 $0x1080, s15;
	s13 =	smov.u32 @p2 s1;
	s1 =	sadd.s32 $0x10B0, s15  }
0x22e: {  	v39 =	vmul.f32 v31, v31;
	v54 =	vsub.f32 v41, v34;
	v16 =	vadd.f32 v19, v17;
	p2 =	seq.s32 s23, $0x2;
	s12 =	smov.u32 @p0 s0;
	s13 =	smov.u32 @p1 s1  }
0x22f: {  	v36 =	vld [tilespmem:s17+$0x0];
	v17 =	vadd.f32 v51, v50;
	v19 =	vadd.f32 v22, v55;
	v55 =	vmul.f32 v34, v34;
	s0 =	sadd.s32 $0x1090, s15;
	s1 =	sadd.s32 $0x90C0, s15;
	p1 =	seq.s32 s23, $0x1  }
0x230: {  	v34 =	vmul.f32 v49, v49;
	v59 =	vmul.f32 v30, v30;
	v23 =	vsub.f32 v47, v30;
	v3 =	vld [tilespmem:s14+$0x0];
	s13 =	smov.u32 @p0 s0;
	s0 =	sadd.s32 $0x90A0, s15;
	s3 =	smov.u32 @p2 s1  }
0x231: {  	v38 =	vmul.f32 v56, v56;
	v31 =	vsub.f32 v56, v31;
	v43 =	vadd.f32 v33, v32;
	p0 =	seq.s32 s23, $0x0;
	s1 =	sadd.s32 $0x90D0, s15;
	s3 =	smov.u32 @p1 s0  }
0x232: {  	(xrf2) =	vadd.scan.msk.f32 $0xffff, v6;
	v30 =	vmul.f32 v63, v63;
	v24 =	vmul.f32 v24, v24;
	v52 =	vsub.f32 v40, v45;
	s0 =	sadd.s32 $0x9080, s15;
	s2 =	smov.u32 @p2 s1;
	s1 =	sadd.s32 $0x90B0, s15  }
0x233: {  	(xrf2) =	vadd.scan.msk.f32 $0xffff, v7;
	v32 =	vmul.f32 v45, v45;
	v7 =	vmul.f32 v54, v54;
	v62 =	vsub.f32 v49, v53;
	s3 =	smov.u32 @p0 s0;
	s2 =	smov.u32 @p1 s1;
	s0 =	sadd.s32 $0x9090, s15  }
0x234: {  	v25 =	vadd.f32 v59, v58;
	v35 =	vmul.f32 v23, v23;
	v22 =	vadd.f32 v39, v38;
	v63 =	vld [tilespmem:s10+$0x0];
	s10 =	sadd.s32 $0x11D0, s15;
	s1 =	sadd.s32 $0x1120, s15;
	s2 =	smov.u32 @p0 s0  }
0x235: {  	v23 =	vmul.f32 v36, v36;
	v46 =	vsub.f32 v36, v3;
	v3 =	vmul.f32 v3, v3;
	s0 =	sadd.s32 $0x1160, s15;
	v41 =	vld [tilespmem:s3+$0x0];
	s3 =	sadd.s32 $0x11F0, s15;
	s25 =	spop (v2sf)  }
0x236: {  	v25 =	vmul.f32 v25, v4;
	(v2sf) =	vpush v2, $0xF;
	v2 =	vmul.f32 v44, v44;
	v44 =	vld [tilespmem:s2+$0x0];
	s2 =	sadd.s32 $0x11B0, s15;
	p0 =	seq.s32 s25, $0x0;
	p2 =	seq.s32 s25, $0x2  }
0x237: {  	v50 =	vld [tilespmem:s26+$0x0];
	v42 =	vmul.f32 v31, v31;
	v28 =	vadd.f32 v28, v30;
	v3 =	vadd.f32 v3, v23;
	p1 =	seq.s32 s25, $0x1;
	s26 =	spop (v2sf);
	s0 =	smov.u32 @p2 s6  }
0x238: {  	(xrf2) =	vadd.scan.msk.f32 $0xffff, v10;
	v21 =	vadd.f32 v27, v25;
	v25 =	vmul.f32 v40, v40;
	v48 =	vmul.f32 v46, v46;
	s6 =	sadd.s32 $0x1150, s15;
	s0 =	smov.u32 @p1 s1;
	s1 =	sadd.s32 $0x1170, s15  }
0x239: {  	(xrf2) =	vadd.scan.msk.f32 $0xffff, v9;
	v56 =	vld [tilespmem:s11+$0x0];
	v59 =	vadd.f32 v55, v26;
	v51 =	vmul.f32 v28, v4;
	v3 =	vmul.f32 v3, v5;
	s1 =	smov.u32 @p2 s6;
	s6 =	sadd.s32 $0x1130, s15;
	s0 =	smov.u32 @p0 s7  }
0x23a: {  	(xrf2) =	vadd.scan.msk.f32 $0xffff, v8;
	v58 =	vadd.f32 v32, v25;
	v23 =	vadd.f32 v48, v2;
	v2 =	vmul.f32 v52, v52;
	p2 =	seq.s32 s26, $0x2;
	s7 =	sadd.s32 $0x9120, s15;
	s28 =	spop (v2sf)  }
0x23b: {  	(xrf2) =	vadd.scan.msk.f32 $0xffff, v12;
	v29 =	vmul.f32 v43, v5;
	v20 =	vadd.f32 v20, v35;
	v12 =	vadd.f32 v3, v51;
	s1 =	smov.u32 @p1 s6;
	s6 =	sadd.s32 $0x1110, s15;
	p1 =	seq.s32 s26, $0x1  }
0x23c: {  	(xrf2) =	vadd.scan.msk.f32 $0xffff, v13;
	v3 =	vmul.f32 v59, v5;
	v28 =	vadd.f32 v7, v2;
	v2 =	vmul.f32 v58, v4;
	s1 =	smov.u32 @p0 s6;
	s6 =	sadd.s32 $0x9160, s15;
	p0 =	seq.s32 s26, $0x0  }
0x23d: {  	(xrf2) =	vadd.scan.msk.f32 $0xffff, v14;
	v47 =	vmul.f32 v22, v4;
	v22 =	vadd.f32 v24, v42;
	v35 =	vmul.f32 v53, v53;
	s6 =	smov.u32 @p2 s8;
	s8 =	sadd.s32 $0x9150, s15;
	v54 =	vld [tilespmem:s1+$0x0];
	s1 =	sadd.s32 $0x91A0, s15  }
0x23e: {  	(xrf2) =	vadd.scan.msk.f32 $0xffff, v11;
	v36 =	vld [tilespmem:s12+$0x0];
	v11 =	vadd.f32 v3, v2;
	v2 =	vmul.f32 v50, v50;
	v3 =	vmul.f32 v56, v56;
	s6 =	smov.u32 @p1 s7;
	s4 =	smov.u32 @p2 s8;
	s7 =	sadd.s32 $0x9130, s15  }
0x23f: {  	v6 =	vmul.f32 v62, v62;
	v38, _, _ =	vpop (xrf2);
	v9 =	vadd.f32 v35, v34;
	v32 =	vsub.f32 v50, v56;
	s8 =	sadd.s32 $0x9100, s15;
	p2 =	seq.s32 s28, $0x2;
	s4 =	smov.u32 @p1 s7  }
0x240: {  	(xrf2) =	vadd.scan.msk.f32 $0xffff, v16;
	v13 =	vbroadcast v38, $0xF;
	v37 =	vld [tilespmem:s13+$0x0];
	v39 =	vadd.f32 v3, v2;
	v3 =	vmul.f32 v57, v57;
	s7 =	sadd.s32 $0x9110, s15;
	s6 =	smov.u32 @p0 s8;
	s8 =	sadd.s32 $0x11A0, s15  }
0x241: {  	(xrf2) =	vadd.scan.msk.f32 $0xffff, v18;
	v9 =	vmul.f32 v9, v4;
	v8 =	vmul.f32 v32, v32;
	v43 =	vsub.f32 v60, v63;
	p1 =	seq.s32 s28, $0x1;
	s5 =	smov.u32 @p2 s9;
	s3 =	smov.u32 @p2 s10  }
0x242: {  	v10 =	vadd.f32 v29, v47;
	v47 =	vmul.f32 v60, v60;
	v40 =	vmul.f32 v61, v61;
	s9 =	sadd.s32 $0x91E0, s15;
	s4 =	smov.u32 @p0 s7;
	s7 =	sadd.s32 $0x1180, s15;
	v2, _, _ =	vpop (xrf2);
	(xrf2) =	vadd.scan.msk.f32 $0xffff, v17  }
0x243: {  	v42 =	vsub.f32 v57, v61;
	v53 =	vmul.f32 v43, v43;
	v14 =	vmul.f32 v36, v36;
	p0 =	seq.s32 s28, $0x0;
	s5 =	smov.u32 @p1 s8;
	s8 =	sadd.s32 $0x1190, s15;
	v45, _, _ =	vpop (xrf2);
	(xrf2) =	vadd.scan.msk.f32 $0xffff, v15  }
0x244: {  	v48 =	vadd.f32 v8, v6;
	v7 =	vmul.f32 v63, v63;
	v46 =	vadd.f32 v40, v3;
	s3 =	smov.u32 @p1 s2;
	s2 =	sadd.s32 $0x9180, s15;
	v56 =	vld [tilespmem:s6+$0x0];
	s6 =	sadd.s32 $0x91D0, s15;
	v3, _, _ =	vpop (xrf2);
	(xrf2) =	vadd.scan.msk.f32 $0xffff, v19  }
0x245: {  	v24 =	vmul.f32 v37, v37;
	v55 =	vsub.f32 v36, v41;
	v27 =	vmul.f32 v41, v41;
	s5 =	smov.u32 @p0 s7;
	s3 =	smov.u32 @p0 s8;
	v52, _, _ =	vpop (xrf2);
	(xrf2) =	vadd.scan.msk.f32 $0xffff, v20;
	s29 =	spop (v2sf)  }
0x246: {  	v51 =	vld [tilespmem:s0+$0x0];
	v29 =	vmul.f32 v44, v44;
	v18 =	vadd.f32 v7, v47;
	v49 =	vmul.f32 v39, v5;
	s7 =	sadd.s32 $0x91B0, s15;
	s8 =	sadd.s32 $0x91C0, s15;
	v6, _, _ =	vpop (xrf2);
	(xrf2) =	vadd.scan.msk.f32 $0xffff, v21;
	p2 =	seq.s32 s29, $0x2  }
0x247: {  	v59 =	vsub.f32 v37, v44;
	v50 =	vmul.f32 v42, v42;
	v14 =	vadd.f32 v27, v14;
	v57 =	vld [tilespmem:s4+$0x0];
	s4 =	sadd.s32 $0x91F0, s15;
	v58, _, _ =	vpop (xrf2);
	(xrf2) =	vadd.scan.msk.f32 $0xffff, v22;
	p1 =	seq.s32 s29, $0x1;
	s9 =	smov.u32 @p2 s8  }
0x248: {  	v62 =	vadd.f32 v29, v24;
	v18 =	vmul.f32 v18, v5;
	v60 =	vadd.f32 v49, v9;
	v9 =	vld [tilespmem:s5+$0x0];
	v7, _, _ =	vpop (xrf2);
	(xrf2) =	vadd.scan.msk.f32 $0xffff, v10;
	p0 =	seq.s32 s29, $0x0;
	s4 =	smov.u32 @p2 s6;
	s9 =	smov.u32 @p1 s1  }
0x249: {  	s0 =	sadd.s32 $0x9190, s15;
	v24 =	vld [tilespmem:s3+$0x0];
	v21 =	vmul.f32 v55, v55;
	v22 =	vmul.f32 v59, v59;
	v61, _, _ =	vpop (xrf2);
	(xrf2) =	vadd.scan.msk.f32 $0xffff, v23;
	s4 =	smov.u32 @p1 s7;
	s9 =	smov.u32 @p0 s2  }
0x24a: {  	v63 =	vadd.f32 v53, v50;
	v14 =	vmul.f32 v14, v4;
	v37 =	vmul.f32 v62, v5;
	v8, _, _ =	vpop (xrf2);
	(xrf2) =	vadd.scan.msk.f32 $0xffff, v12;
	s4 =	smov.u32 @p0 s0;
	v16 =	vld [tilespmem:s9+$0x0]  }
0x24b: {  	v17 =	vmul.f32 v51, v51;
	v15 =	vmul.f32 v46, v4;
	v36 =	vadd.f32 v22, v21;
	v35, _, _ =	vpop (xrf2);
	(xrf2) =	vadd.scan.msk.f32 $0xffff, v28;
	v22 =	vld [tilespmem:s4+$0x0]  }
0x24c: {  	v14 =	vadd.f32 v37, v14;
	v26 =	vmul.f32 v54, v54;
	v39 =	vmul.f32 v56, v56;
	v23, _, _ =	vpop (xrf2);
	(xrf2) =	vadd.scan.msk.f32 $0xffff, v11  }
0x24d: {  	v38 =	vsub.f32 v51, v56;
	v41 =	vsub.f32 v54, v57;
	v42 =	vmul.f32 v57, v57;
	v40, _, _ =	vpop (xrf2);
	(xrf2) =	vadd.scan.msk.f32 $0xffff, v48  }
0x24e: {  	v43 =	vbroadcast v45, $0xF;
	v15 =	vadd.f32 v18, v15;
	v17 =	vadd.f32 v39, v17;
	v31, _, _ =	vpop (xrf2);
	(xrf2) =	vadd.scan.msk.f32 $0xffff, v60  }
0x24f: {  	v45 =	vmul.f32 v41, v41;
	v46 =	vadd.f32 v42, v26;
	v11 =	vmul.f32 v38, v38;
	v44, _, _ =	vpop (xrf2);
	(xrf2) =	vadd.scan.msk.f32 $0xffff, v63  }
0x250: {  	v25 =	vbroadcast v52, $0xF;
	v26, _, _ =	vpop (xrf2);
	(xrf2) =	vadd.scan.msk.f32 $0xffff, v15;
	v47 =	vsub.f32 v9, v16;
	v48 =	vsub.f32 v24, v22  }
0x251: {  	v50 =	vmul.f32 v17, v4;
	v51 =	vmul.f32 v46, v5;
	v11 =	vadd.f32 v45, v11;
	v49, _, _ =	vpop (xrf2);
	(xrf2) =	vadd.scan.msk.f32 $0xffff, v36  }
0x252: {  	v19, _, _ =	vpop (xrf2);
	(xrf2) =	vadd.scan.msk.f32 $0xffff, v14;
	v52 =	vmul.f32 v47, v47;
	v53 =	vmul.f32 v48, v48  }
0x253: {  	v10 =	vsel vm0, v13, v43;
	v55 =	vbroadcast v58, $0xF;
	v12 =	vadd.f32 v51, v50;
	v54, _, _ =	vpop (xrf2);
	(xrf2) =	vadd.scan.msk.f32 $0xffff, v11  }
0x254: {  	v10 =	vsel vm1, v10, v25;
	v56 =	vbroadcast v61, $0xF;
	v17, _, _ =	vpop (xrf2);
	v14 =	vadd.f32 v53, v52  }
0x255: {  	v10 =	vsel vm2, v10, v55;
	v58 =	vbroadcast v35, $0xF;
	(xrf2) =	vadd.scan.msk.f32 $0xffff, v12;
	v57, _, _ =	vpop (xrf2)  }
0x256: {  	v10 =	vsel vm3, v10, v56;
	v59 =	vbroadcast v40, $0xF;
	v60, _, _ =	vpop (xrf2);
	(xrf2) =	vadd.scan.msk.f32 $0xffff, v14  }
0x257: {  	v10 =	vsel vm4, v10, v58;
	v62 =	vbroadcast v44, $0xF;
	v61, _, _ =	vpop (xrf2)  }
0x258: {  	v10 =	vsel vm5, v10, v59;
	v25 =	vbroadcast v49, $0xF;
	v63, _, _ =	vpop (xrf2)  }
0x259: {  	v10 =	vsel vm6, v10, v62;
	v28 =	vbroadcast v54, $0xF;
	v27, _, _ =	vpop (xrf2)  }
0x25a: {  	v10 =	vsel vm7, v10, v25;
	v11 =	vbroadcast v57, $0xF;
	v29, _, _ =	vpop (xrf2)  }
0x25b: {  	v10 =	vsel vm8, v10, v28;
	v32 =	vbroadcast v61, $0xF;
	v30, _, _ =	vpop (xrf2)  }
0x25c: {  	v10 =	vsel vm9, v10, v11;
	v34 =	vbroadcast v27, $0xF;
	v33, _, _ =	vpop (xrf2)  }
0x25d: {  	v10 =	vsel vm10, v10, v32;
	v36 =	vbroadcast v30, $0xF;
	v35, _, _ =	vpop (xrf2)  }
0x25e: {  	v10 =	vsel vm11, v10, v34;
	v37 =	vbroadcast v35, $0xF  }
0x25f: {  	v38, _, _ =	vpop (xrf2);
	v10 =	vsel vm12, v10, v36  }
0x260: {  	v10 =	vsel vm13, v10, v37;
	v39, _, _ =	vpop (xrf2)  }
0x261: {  	v10 =	vsel vm14, v10, v39  }
0x262: {  	v10 =	vmax.f32 v10, $1.000000000e-30  }
0x263: {  	v40 =	vshrl.u32 v10, $0x1;
	v41 =	vmul.f32 $5.000000000e-01, v10  }
0x264: {  	v11 =	vsub.s32 $0x5F3759DF, v40  }
0x265: {  	v42 =	vmul.f32 v11, v41;
	_ =	sdelay $0x1  }
0x266: {  	v21 =	vmul.f32 v11, v42;
	_ =	sdelay $0x1  }
0x267: {  	v21 =	vsub.f32 $1.500000000e+00, v21;
	_ =	sdelay $0x1  }
0x268: {  	v11 =	vmul.f32 v11, v21;
	_ =	sdelay $0x1  }
0x269: {  	v12 =	vmul.f32 v11, v41;
	_ =	sdelay $0x1  }
0x26a: {  	v12 =	vmul.f32 v12, v11;
	_ =	sdelay $0x1  }
0x26b: {  	v12 =	vsub.f32 $1.500000000e+00, v12  }
0x26c: {  	s31 =	rddreg [dreg:$0x15]  }
0x26d: {  	v43 =	vld [tilespmem:s31+$0x900];
	v11 =	vmul.f32 v12, v11;
	_ =	sdelay $0x1  }
0x26e: {  	v10 =	vmul.f32 v11, v10;
	_ =	sdelay $0x1  }
0x26f: {  	v11 =	vsub.f32 v10, v0;
	v10 =	vsub.f32 v0, v10  }
0x270: {  	vm15 =	veq.s32 v43, $0x1  }
0x271: {  	v10 =	vsel vm15, v11, v10  }
0x272: {  	v11 =	vand.u32 $0x7FFFFFFF, v10  }
0x273: {  	v11 =	vsub.f32 $0.0e+00, v11;
	_ =	sdelay $0x1  }
0x274: {  	v11 =	vmul.f32 $1.442695020e+00, v11;
	_ =	sdelay $0x1  }
0x275: {  	(erf) = vpow2.f32 v11;
	_ =	sdelay $0x8  }
0x276: {  	v11 =	vpop (erf)  }
0x277: {  	v44 =	vadd.f32 $2.000000000e+00, v11;
	_ =	sdelay $0x1  }
0x278: {  	(erf) = vrcp.f32 v44;
	_ =	sdelay $0x8  }
0x279: {  	v12 =	vpop (erf)  }
0x27a: {  	v11 =	vmul.f32 v12, v11;
	_ =	sdelay $0x1  }
0x27b: {  	v45 =	vmul.f32 v24, v24;
	v12 =	vmul.f32 v11, v11  }
0x27c: {  	v9 =	vmul.f32 v9, v9;
	v16 =	vmul.f32 v16, v16  }
0x27d: {  	v22 =	vmul.f32 v22, v22;
	v46 =	vmul.f32 $1.111111120e-01, v12  }
0x27e: {  	v2 =	vbroadcast v2, $0xF;
	v3 =	vbroadcast v3, $0xF;
	v9 =	vadd.f32 v16, v9  }
0x27f: {  	v6 =	vbroadcast v6, $0xF;
	v47 =	vadd.f32 v22, v45;
	v48 =	vadd.f32 $1.428571490e-01, v46  }
0x280: {  	v2 =	vsel vm0, v2, v3;
	v49 =	vbroadcast v7, $0xF;
	v3 =	vmul.f32 v9, v4  }
0x281: {  	v2 =	vsel vm1, v2, v6;
	v5 =	vmul.f32 v47, v5;
	v50 =	vmul.f32 v48, v12  }
0x282: {  	v51 =	vbroadcast v8, $0xF;
	v2 =	vsel vm2, v2, v49  }
0x283: {  	v52 =	vbroadcast v23, $0xF;
	v3 =	vadd.f32 v5, v3;
	v6 =	vadd.f32 $2.000000030e-01, v50  }
0x284: {  	v2 =	vsel vm3, v2, v51;
	v53 =	vbroadcast v31, $0xF  }
0x285: {  	v2 =	vsel vm4, v2, v52;
	(xrf2) =	vadd.scan.msk.f32 $0xffff, v3;
	v3 =	vbroadcast v26, $0xF;
	v54 =	vmul.f32 v6, v12  }
0x286: {  	v55 =	vbroadcast v19, $0xF;
	v2 =	vsel vm5, v2, v53  }
0x287: {  	v2 =	vsel vm6, v2, v3;
	v3 =	vbroadcast v17, $0xF;
	v5 =	vadd.f32 $3.333333430e-01, v54  }
0x288: {  	v2 =	vsel vm7, v2, v55  }
0x289: {  	v56 =	vbroadcast v60, $0xF;
	v2 =	vsel vm8, v2, v3;
	v3 =	vmul.f32 v5, v12  }
0x28a: {  	v57 =	vbroadcast v63, $0xF;
	v58 =	vbroadcast v29, $0xF  }
0x28b: {  	v2 =	vsel vm9, v2, v56;
	v59 =	vadd.f32 v11, v11;
	v3 =	vadd.f32 $1.000000000e+00, v3  }
0x28c: {  	v60 =	vbroadcast v33, $0xF;
	v2 =	vsel vm10, v2, v57  }
0x28d: {  	v61 =	vbroadcast v38, $0xF;
	v2 =	vsel vm11, v2, v58;
	v3 =	vmul.f32 v3, v59  }
0x28e: {  	v2 =	vsel vm12, v2, v60;
	v62 =	vmax.f32 v10, $0.0e+00  }
0x28f: {  	s30 =	rddreg [dreg:$0x13];
	v2 =	vsel vm13, v2, v61;
	v63, _, _ =	vpop (xrf2);
	v3 =	vadd.f32 v3, v62  }
0x290: {  	p0 =	sne.s32 s30, $0xF;
	v2 =	vsel vm14, v2, v63  }
.Ltmp1:
0x291: {  	v2 =	vmul.f32 $5.000005100e-07, v2;
	v3 =	vadd.f32 v3, v1;
	(pc) =	sbr.rel @p0 .LBB2_4-.Ltmp1, $3  }
0x292: {  	_ = 	snop  }
0x293: {  	v2 =	vadd.f32 v3, v2;
	_ =	sdelay $0x1  }
0x294: {  	s0 =	sadd.s32 $0x1, s30;
	[tilespmem:s31+$0x10C00] =	vst v2  }
0x295: {  	s10 =	simm.s32 $0x0;
	s0 =	rddreg [dreg:$0xf];
	s1 =	simm.s32 $0x10B00  }
0x296: {  	[hbm4b:s0+s10] =	stream.linear.scatter [tilespmem:s1], [sflag:$0x2], $0x200, $0x38;
	[tilespmem:$0x10D00] =	vst v63  }
0x297: {  	s1 =	simm.s32 $0x2  }
0x298: {  	_ =	swait.ge [sflag:s1], $0x200  }
0x299: {  	s2 =	rddreg [dreg:$0x11]  }
0x29a: {  	s31 =	rddreg [dreg:$0x10];
	s2 =	sadd.s32 $0x1, s2  }
0x29b: {  	p0 =	sne.s32 s2, s31  }
.Ltmp2:
0x29c: {  	_ = 	snop;
	(pc) =	sbr.rel @p0 .LBB2_1-.Ltmp2, $3  }
0x29d: {  	_ =	sdelay $0x1  }
0x29e: {  	[sflag:s1] =	ssyncset.done $0x0  }
0x29f: {  	[sflag:s1] =	ssyncadd.s32 $0xFFFFFE00  }
0x2a0: {  	_ =	sfence.sel $0x180000  }
0x2a1: {  	[bflag:$0x0] =	sbarrier.arrive $0xFFFF  }
0x2a2: {  	_ =	strace $0x90000047  }
0x2a3: {  	s0 =	stileid.u32;
	[bflag:$0x2] =	sbarrier.arrive $0xFFFF  }
0x2a4: {  	p0 =	sne.s32 s0, $0x0;
	s0 =	rddreg [dreg:$0x9]  }
0x2a5: {  	s0 =	sadd.s32 @!p0 $0x100000, s0  }
0x2a6: {  	[sflag:s0] =	ssyncadd.tile.s32 @!p0 $0x1;
	_ =	shalt  }
.Lfunc_end2:
_tile_overlayer_lowered:
.L_overlay_start_2:
0x2a7: {  	(tag) =	ssettag $0x2  }
0x2a8: {  	s0 =	rddreg [dreg:$0x0];
	s2 =	stileid.u32  }
0x2a9: {  	s1 =	rddreg [dreg:$0x1];
	p0 =	sne.s32 s2, $0x0  }
0x2aa: {  	s3 =	rddreg [dreg:$0x2];
	[bflag:$0x3] =	sbarrier.arrive $0xFFFF;
	s2 =	simm.s32 @!p0 $0x1C02  }
0x2ab: {  	[timem:s3], [sflag:s2] =	dma.local @!p0 [hbm:s0], s1  }
0x2ac: {  	s0 =	simm.s32 @!p0 $0x2  }
0x2ad: {  	_ =	swait.ge @!p0 [sflag:s0], s1  }
0x2ae: {  	s1 =	ssub.s32 @!p0 $0x0, s1;
	[sflag:s0] =	ssyncset.done @!p0 $0x0  }
0x2af: {  	[sflag:s0] =	ssyncadd.s32 @!p0 s1  }
0x2b0: {  	[bflag:$0x3] =	sbarrier.arrive $0xFFFF  }
0x2b1: {  	_ =	shalt  }

</sc_bundles>
